<compile_context>
chip_gen: v7x
topology: tpu7x:2x2x1
jax: 0.10.2.dev20260603
libtpu: 0.0.44.dev20260713+nightly
codegen_flags: <defaults>
</compile_context>

<pallas_src>
import functools

import numpy as np
import jax
import jax.numpy as jnp
from jax import lax
from jax.experimental import pallas as pl
from jax.experimental.pallas import tpu as pltpu
from jax.experimental.pallas import tpu_sc as plsc

_GRID_RES = 0.08
_B = 4
_G = 64
_G3 = _G * _G * _G
_N = 100000
_NPAD = 100352
_PT = _NPAD // 16
_TOT = _B * _G3
_HTOT = 2 * _G3
_SENT = _HTOT
_OCCW = _HTOT + 16
_PACKW = _HTOT // 32
_NC, _NS = 2, 16

_mesh = plsc.VectorSubcoreMesh(
    core_axis_name="c", subcore_axis_name="s", num_cores=_NC, num_subcores=_NS
)


def _mm_body(x_ref, o_ref):
    x = x_ref[...]
    mn = jnp.min(x, axis=1)
    mx = jnp.max(x, axis=1)
    mn = jnp.broadcast_to(jnp.min(mn, axis=1, keepdims=True), (12, 128))
    mx = jnp.broadcast_to(jnp.max(mx, axis=1, keepdims=True), (12, 128))
    o_ref[0] = mn
    o_ref[1] = mx


def _minmax(cg):
    x = cg.reshape(12, 2048, 128)
    return pl.pallas_call(
        _mm_body,
        out_shape=jax.ShapeDtypeStruct((2, 12, 128), jnp.float32),
    )(x)


def _sc_body(cg_hbm, sp_hbm, par_hbm, out_hbm,
             ptx, pty, ptz, idxbuf, onesbuf, parbuf,
             stage, wordbuf, packed, qx, qy, qz, obuf,
             occ_sh, packed_sh):
    c = lax.axis_index("c")
    s = lax.axis_index("s")

    pltpu.sync_copy(par_hbm, parbuf)

    zeros16 = jnp.zeros((16,), jnp.float32)
    ones16 = jnp.ones((16,), jnp.float32)

    def _zf(i, _):
        stage[pl.ds(i * 16, 16)] = zeros16
        return 0
    lax.fori_loop(0, 256, _zf, 0)

    def _of(i, _):
        onesbuf[pl.ds(i * 16, 16)] = ones16
        return 0
    lax.fori_loop(0, 8, _of, 0)

    def _zc(i, _):
        pltpu.sync_copy(stage, occ_sh.at[pl.ds(s * 32768 + i * 4096, 4096)])
        return 0
    lax.fori_loop(0, 8, _zc, 0)
    plsc.subcore_barrier()

    for bl in range(2):
        b = c * 2 + bl
        pb = b * 192
        mvx = parbuf[pl.ds(pb + 0, 16)]
        mvy = parbuf[pl.ds(pb + 16, 16)]
        mvz = parbuf[pl.ds(pb + 32, 16)]
        svx = parbuf[pl.ds(pb + 48, 16)]
        svy = parbuf[pl.ds(pb + 64, 16)]
        svz = parbuf[pl.ds(pb + 80, 16)]
        off = s * _PT
        pltpu.sync_copy(sp_hbm.at[pl.ds((0 * _B + b) * _NPAD + off, _PT)], ptx)
        pltpu.sync_copy(sp_hbm.at[pl.ds((1 * _B + b) * _NPAD + off, _PT)], pty)
        pltpu.sync_copy(sp_hbm.at[pl.ds((2 * _B + b) * _NPAD + off, _PT)], ptz)
        bbase = bl * _G3

        def _sc_chunk(j, _, mvx=mvx, mvy=mvy, mvz=mvz,
                      svx=svx, svy=svy, svz=svz, bbase=bbase):
            for k in range(8):
                o = j * 128 + k * 16
                x = ptx[pl.ds(o, 16)] - mvx
                y = pty[pl.ds(o, 16)] - mvy
                z = ptz[pl.ds(o, 16)] - mvz
                valid = ((x >= 0.0) & (x < svx) & (y >= 0.0) & (y < svy)
                         & (z >= 0.0) & (z < svz))
                xi = x.astype(jnp.int32)
                yi = y.astype(jnp.int32)
                zi = z.astype(jnp.int32)
                idx = bbase + (xi << 12) + (yi << 6) + zi
                idxbuf[pl.ds(k * 16, 16)] = jnp.where(valid, idx, _SENT)
            pltpu.sync_copy(onesbuf, occ_sh.at[idxbuf], add=True)
            return 0
        lax.fori_loop(0, _PT // 128, _sc_chunk, 0)
    plsc.subcore_barrier()

    iota32 = lax.iota(jnp.int32, 16) * 32

    def _pk_chunk(i, _):
        pltpu.sync_copy(occ_sh.at[pl.ds(s * 32768 + i * 4096, 4096)], stage)
        for g in range(8):
            w = jnp.zeros((16,), jnp.int32)
            for j in range(32):
                vals = plsc.load_gather(stage, [iota32 + (g * 512 + j)])
                bitj = int(np.int32(np.uint32(1) << j))
                w = w | jnp.where(vals > 0.0, bitj, 0)
            wordbuf[pl.ds(g * 16, 16)] = w
        pltpu.sync_copy(wordbuf, packed_sh.at[pl.ds(s * 1024 + i * 128, 128)])
        return 0
    lax.fori_loop(0, 8, _pk_chunk, 0)
    plsc.subcore_barrier()
    pltpu.sync_copy(packed_sh, packed)

    bl = s // 8
    b = c * 2 + bl
    sub = s % 8
    pb = b * 192
    sgx = parbuf[pl.ds(pb + 48, 16)]
    sgy = parbuf[pl.ds(pb + 64, 16)]
    sgz = parbuf[pl.ds(pb + 80, 16)]
    bx = parbuf[pl.ds(pb + 96, 16)]
    by = parbuf[pl.ds(pb + 112, 16)]
    bz = parbuf[pl.ds(pb + 128, 16)]
    cx = parbuf[pl.ds(pb + 144, 16)]
    cy = parbuf[pl.ds(pb + 160, 16)]
    cz = parbuf[pl.ds(pb + 176, 16)]
    smx = sgx.astype(jnp.int32) - 1
    smy = sgy.astype(jnp.int32) - 1
    smz = sgz.astype(jnp.int32) - 1
    bbase = b * _G3
    lbase = bl * _G3
    qoff = sub * 32768
    zero16i = jnp.zeros((16,), jnp.int32)

    def _g_chunk(i, _):
        qb = qoff + i * 2048
        pltpu.sync_copy(cg_hbm.at[pl.ds((b * 3 + 0) * _G3 + qb, 2048)], qx)
        pltpu.sync_copy(cg_hbm.at[pl.ds((b * 3 + 1) * _G3 + qb, 2048)], qy)
        pltpu.sync_copy(cg_hbm.at[pl.ds((b * 3 + 2) * _G3 + qb, 2048)], qz)

        def _g_vec(k, _):
            o = k * 16
            vx = (qx[pl.ds(o, 16)] - bx) * cx
            vy = (qy[pl.ds(o, 16)] - by) * cy
            vz = (qz[pl.ds(o, 16)] - bz) * cz
            ivx = vx.astype(jnp.int32)
            ivy = vy.astype(jnp.int32)
            ivz = vz.astype(jnp.int32)
            ivx = jnp.where(ivx.astype(jnp.float32) > vx, ivx - 1, ivx)
            ivy = jnp.where(ivy.astype(jnp.float32) > vy, ivy - 1, ivy)
            ivz = jnp.where(ivz.astype(jnp.float32) > vz, ivz - 1, ivz)
            fx = vx - ivx.astype(jnp.float32)
            fy = vy - ivy.astype(jnp.float32)
            fz = vz - ivz.astype(jnp.float32)
            ix0 = jnp.minimum(jnp.maximum(ivx, zero16i), smx)
            ix1 = jnp.minimum(jnp.maximum(ivx + 1, zero16i), smx)
            iy0 = jnp.minimum(jnp.maximum(ivy, zero16i), smy)
            iy1 = jnp.minimum(jnp.maximum(ivy + 1, zero16i), smy)
            iz0 = jnp.minimum(jnp.maximum(ivz, zero16i), smz)
            iz1 = jnp.minimum(jnp.maximum(ivz + 1, zero16i), smz)
            a00 = lbase + (ix0 << 12) + (iy0 << 6)
            a01 = lbase + (ix0 << 12) + (iy1 << 6)
            a10 = lbase + (ix1 << 12) + (iy0 << 6)
            a11 = lbase + (ix1 << 12) + (iy1 << 6)
            wx0 = 1.0 - fx
            wy0 = 1.0 - fy
            wz0 = 1.0 - fz
            acc = jnp.zeros((16,), jnp.float32)
            for aij, wxy in ((a00, wx0 * wy0), (a01, wx0 * fy),
                             (a10, fx * wy0), (a11, fx * fy)):
                for izc, wz in ((iz0, wz0), (iz1, fz)):
                    f = aij + izc
                    wvec = plsc.load_gather(packed, [f >> 5])
                    bit = (wvec >> (f & 31)) & 1
                    acc = acc + (wxy * wz) * bit.astype(jnp.float32)
            obuf[pl.ds(o, 16)] = jnp.where(acc > 0.5, 1, 0)
            return 0
        lax.fori_loop(0, 128, _g_vec, 0)
        pltpu.sync_copy(obuf, out_hbm.at[pl.ds(bbase + qb, 2048)])
        return 0
    lax.fori_loop(0, 16, _g_chunk, 0)


_sc_call = functools.partial(
    pl.kernel,
    out_type=jax.ShapeDtypeStruct((_TOT,), jnp.int32),
    mesh=_mesh,
    compiler_params=pltpu.CompilerParams(needs_layout_passes=False),
    scratch_types=[
        pltpu.VMEM((_PT,), jnp.float32),
        pltpu.VMEM((_PT,), jnp.float32),
        pltpu.VMEM((_PT,), jnp.float32),
        pltpu.VMEM((128,), jnp.int32),
        pltpu.VMEM((128,), jnp.float32),
        pltpu.VMEM((768,), jnp.float32),
        pltpu.VMEM((4096,), jnp.float32),
        pltpu.VMEM((128,), jnp.int32),
        pltpu.VMEM((_PACKW,), jnp.int32),
        pltpu.VMEM((2048,), jnp.float32),
        pltpu.VMEM((2048,), jnp.float32),
        pltpu.VMEM((2048,), jnp.float32),
        pltpu.VMEM((2048,), jnp.int32),
        pltpu.VMEM_SHARED((_OCCW,), jnp.float32),
        pltpu.VMEM_SHARED((_PACKW,), jnp.int32),
    ],
)(_sc_body)


def kernel(coordinate_grids, transforms, transforms_inv, sparse_encoding, X_data):
    mm = _minmax(coordinate_grids)
    mn = mm[0, :, 0].reshape(_B, 3)
    mx = mm[1, :, 0].reshape(_B, 3)

    def _matvec_f32(M, h):
        return (((M[:, :, 0] * h[:, 0:1] + M[:, :, 1] * h[:, 1:2])
                 + M[:, :, 2] * h[:, 2:3]) + M[:, :, 3] * h[:, 3:4])

    def _bf(x):
        return x.astype(jnp.bfloat16).astype(jnp.float32)

    max_size_grid = (mx + _GRID_RES - mn).max(axis=0)
    min_homo = jnp.concatenate([mn, jnp.ones((_B, 1), jnp.float32)], axis=1)
    min_voxel_idx = jnp.floor(
        jnp.einsum('bij,bj->bi', transforms_inv, min_homo))[:, :3]
    min_voxel_idx = jnp.where(min_voxel_idx < 0, 0.0, min_voxel_idx)
    svg = jnp.ceil(
        jnp.einsum('bij,j->bi', transforms_inv[:, :3, :3], max_size_grid
                   ).max(axis=0))
    min_idx_homo = jnp.concatenate(
        [min_voxel_idx, jnp.ones((_B, 1), jnp.float32)], axis=1)
    base = _matvec_f32(transforms[:, :3, :], min_idx_homo)
    extent = jnp.einsum('bij,j->bi', transforms[:, :3, :3], svg)
    cell = extent / svg
    inv_cell = 1.0 / cell

    svg_b = jnp.broadcast_to(svg[None, :], (_B, 3))
    pvals = jnp.concatenate([min_voxel_idx, svg_b, base, inv_cell], axis=1)
    params = jnp.broadcast_to(pvals[:, :, None], (_B, 12, 16)).reshape(-1)

    cg_flat = coordinate_grids.reshape(-1)
    sp = jnp.transpose(sparse_encoding, (2, 0, 1))
    sp = jnp.pad(sp, ((0, 0), (0, 0), (0, _NPAD - _N)),
                 constant_values=-1.0).reshape(-1)

    y = _sc_call(cg_flat, sp, params)
    Y = y.reshape(_B, _G, _G, _G) != 0
    return X_data, Y, coordinate_grids

# --- scband reference (transcript-rebuilt; emitter-appended) ---
"""Pipeline reference for scband-sample-occ-grid-33071248179361 (READ-ONLY COPY).

The authoritative reference and input builder live on the scoring server;
editing this copy changes nothing except your own understanding.
"""

import jax, jax.numpy as jnp
import numpy as np

GRID_RES_SAMPLE = 0.08
SCENE_RES = 0.08
B, G, N, V = 4, 64, 100000, 64


def interpolate_grid_batch(occ, extent, base_pos, coord_grids, size):
    Bn = occ.shape[0]
    cell = extent / size  # [B,3] per-axis voxel size
    sizei = size.astype(jnp.int32)
    coords = jnp.transpose(coord_grids, (0, 2, 3, 4, 1))  # B,X,Y,Z,3
    v = (coords - base_pos[:, None, None, None, :]) / cell[:, None, None, None, :]
    v0f = jnp.floor(v)
    frac = v - v0f
    v0 = v0f.astype(jnp.int32)
    bidx = jnp.arange(Bn).reshape(Bn, 1, 1, 1)
    out = jnp.zeros(v.shape[:-1], dtype=occ.dtype)
    for dx in (0, 1):
        for dy in (0, 1):
            for dz in (0, 1):
                ix = jnp.clip(v0[..., 0] + dx, 0, sizei[0] - 1)
                iy = jnp.clip(v0[..., 1] + dy, 0, sizei[1] - 1)
                iz = jnp.clip(v0[..., 2] + dz, 0, sizei[2] - 1)
                wx = frac[..., 0] if dx else 1.0 - frac[..., 0]
                wy = frac[..., 1] if dy else 1.0 - frac[..., 1]
                wz = frac[..., 2] if dz else 1.0 - frac[..., 2]
                out = out + wx * wy * wz * occ[bidx, ix, iy, iz]
    return out


def setup_inputs(seed: int = 0):
    key = jax.random.key(seed)
    k1, k2, k3, k4 = jax.random.split(key, 4)
    coordinate_grids = jax.random.uniform(k1, (B, 3, G, G, G), minval=0.0, maxval=5.0, dtype=jnp.float32)
    trans = jax.random.uniform(k2, (B, 3), minval=-0.1, maxval=0.1, dtype=jnp.float32)
    T = jnp.zeros((B, 4, 4), dtype=jnp.float32)
    T = T.at[:, jnp.arange(3), jnp.arange(3)].set(SCENE_RES)
    T = T.at[:, 3, 3].set(1.0)
    T = T.at[:, :3, 3].set(trans)
    Tinv = jnp.linalg.inv(T)
    sparse_encoding = jax.random.randint(k3, (B, N, 3), 0, V).astype(jnp.float32)
    X_data = jax.random.normal(k4, (B, 1, G, G, G), dtype=jnp.float32)
    return {"coordinate_grids": coordinate_grids, "transforms": T, "transforms_inv": Tinv, "sparse_encoding": sparse_encoding, "X_data": X_data}


def reference(coordinate_grids, transforms, transforms_inv, sparse_encoding, X_data):
    Bn, C = coordinate_grids.shape[0], coordinate_grids.shape[1]
    flat = jnp.transpose(coordinate_grids.reshape(Bn, C, -1), (0, 2, 1))  # B,(XYZ),3
    min_loc = flat.min(axis=1)
    max_loc = flat.max(axis=1)
    max_size_grid = (max_loc + GRID_RES_SAMPLE - min_loc).max(axis=0)
    min_homo = jnp.concatenate([min_loc, jnp.ones((Bn, 1), dtype=jnp.float32)], axis=1)
    min_voxel_idx = jnp.floor(jnp.einsum('bij,bj->bi', transforms_inv, min_homo))[:, :3]
    min_voxel_idx = jnp.where(min_voxel_idx < 0, 0.0, min_voxel_idx)
    svg = jnp.ceil(jnp.einsum('bij,j->bi', transforms_inv[:, :3, :3], max_size_grid).max(axis=0))
    SMAX = int(np.ceil((5.0 + GRID_RES_SAMPLE) / SCENE_RES))  # static upper bound on svg from the fixed coordinate support
    svg_i = svg.astype(jnp.int32)
    se = sparse_encoding - min_voxel_idx[:, None, :]
    valid = jnp.all((se >= 0) & (se < svg[None, None, :]), axis=-1)
    sx = jnp.clip(se[..., 0].astype(jnp.int32), 0, svg_i[0] - 1)
    sy = jnp.clip(se[..., 1].astype(jnp.int32), 0, svg_i[1] - 1)
    sz = jnp.clip(se[..., 2].astype(jnp.int32), 0, svg_i[2] - 1)
    bcol = jnp.broadcast_to(jnp.arange(Bn)[:, None], sx.shape)
    occ = jnp.zeros((Bn, SMAX, SMAX, SMAX), dtype=jnp.float32)
    # scatter-overwrite: occ[i, vx, vy, vz] = 1 for in-range sparse voxels
    occ = occ.at[bcol, sx, sy, sz].max(valid.astype(jnp.float32))
    min_idx_homo = jnp.concatenate([min_voxel_idx, jnp.ones((Bn, 1), dtype=jnp.float32)], axis=1)
    position_base_voxel = jnp.einsum('bij,bj->bi', transforms, min_idx_homo)[:, :3]
    occ_extent = jnp.einsum('bij,j->bi', transforms[:, :3, :3], svg)
    occ_grids = interpolate_grid_batch(occ, occ_extent, position_base_voxel, coordinate_grids, svg)
    X_out = jax.lax.stop_gradient(X_data)
    Y_out = jax.lax.stop_gradient(occ_grids > 0.5)
    return X_out, Y_out, coordinate_grids

if __name__ == "__main__":
    import jax
    _d = setup_inputs()
    print(jax.jit(kernel)(*tuple(_d.values())))

</pallas_src>

<mosaic_0001>
#map = affine_map<(d0, d1) -> (0)>
module attributes {stable_mosaic.version = 14 : i64} {
  func.func @_sc_body(%arg0: i32, %arg1: i32, %arg2: memref<3145728xf32, #tpu.memory_space<hbm>>, %arg3: memref<1204224xf32, #tpu.memory_space<hbm>>, %arg4: memref<768xf32, #tpu.memory_space<hbm>>, %arg5: memref<1048576xi32, #tpu.memory_space<hbm>>, %arg6: memref<6272xf32, #tpu.memory_space<vmem>>, %arg7: memref<6272xf32, #tpu.memory_space<vmem>>, %arg8: memref<6272xf32, #tpu.memory_space<vmem>>, %arg9: memref<128xi32, #tpu.memory_space<vmem>>, %arg10: memref<128xf32, #tpu.memory_space<vmem>>, %arg11: memref<768xf32, #tpu.memory_space<vmem>>, %arg12: memref<4096xf32, #tpu.memory_space<vmem>>, %arg13: memref<128xi32, #tpu.memory_space<vmem>>, %arg14: memref<16384xi32, #tpu.memory_space<vmem>>, %arg15: memref<2048xf32, #tpu.memory_space<vmem>>, %arg16: memref<2048xf32, #tpu.memory_space<vmem>>, %arg17: memref<2048xf32, #tpu.memory_space<vmem>>, %arg18: memref<2048xi32, #tpu.memory_space<vmem>>, %arg19: memref<524304xf32, #tpu.memory_space<vmem_shared>>, %arg20: memref<16384xi32, #tpu.memory_space<vmem_shared>>) attributes {dimension_semantics = [#tpu.dimension_semantics<core_parallel>, #tpu.dimension_semantics<subcore_parallel>], iteration_bounds = array<i64: 2, 16>, scalar_prefetch = 0 : i64, scratch_operands = 15 : i64, tpu.core_type = #tpu.core_type<sc_vector_subcore>, window_params = [{transform_indices = #map}, {transform_indices = #map}, {transform_indices = #map}, {transform_indices = #map}]} {
    "tpu.region"() ({
      %run_scoped3A = tpu.sem_alloc : memref<!tpu.dma_semaphore, #tpu.memory_space<semaphore_mem>>
      tpu.enqueue_dma source(%arg4 : memref<768xf32, #tpu.memory_space<hbm>>) target(%arg11 : memref<768xf32, #tpu.memory_space<vmem>>) target_semaphore(%run_scoped3A : memref<!tpu.dma_semaphore, #tpu.memory_space<semaphore_mem>>)
      tpu.wait_dma2 semaphore(%run_scoped3A : memref<!tpu.dma_semaphore, #tpu.memory_space<semaphore_mem>>) src(%arg4 : memref<768xf32, #tpu.memory_space<hbm>>) dst(%arg11 : memref<768xf32, #tpu.memory_space<vmem>>)
      tpu.yield
    }) : () -> ()
    %broadcast_in_dim3A = arith.constant 0.000000e+00 : f32
    %broadcast_in_dim3A_0 = vector.broadcast %broadcast_in_dim3A : f32 to vector<16xf32>
    %broadcast_in_dim3A_1 = arith.constant 1.000000e+00 : f32
    %broadcast_in_dim3A_2 = vector.broadcast %broadcast_in_dim3A_1 : f32 to vector<16xf32>
    %scan3A = arith.constant 0 : i32
    %scan3A_3 = arith.constant 0 : i32
    %scan3A_4 = arith.constant 256 : i32
    %scan3A_5 = arith.addi %scan3A_3, %scan3A_4 : i32
    %scan3A_6 = arith.constant 1 : i32
    %scan3A_7 = scf.for %scan3A_237 = %scan3A_3 to %scan3A_5 step %scan3A_6 iter_args(%scan3A_238 = %scan3A) -> (i32)  : i32 {
      %mul3A_239 = arith.constant 16 : i32
      %mul3A_240 = arith.muli %scan3A_237, %mul3A_239 : i32
      %swap3A = arith.index_cast %mul3A_240 : i32 to index
      %swap3A_241 = tpu.vector_load %arg12[%swap3A] {strides = array<i32>} : memref<4096xf32, #tpu.memory_space<vmem>>, vector<16xf32>,
      tpu.vector_store %arg12[%swap3A], %broadcast_in_dim3A_0 {strides = array<i32>} : memref<4096xf32, #tpu.memory_space<vmem>>, vector<16xf32>,
      %scan3A_242 = arith.constant 0 : i32
      scf.yield %scan3A_242 : i32
    }
    %scan3A_8 = arith.constant 256 : i32
    %scan3A_9 = arith.constant 0 : i32
    %scan3A_10 = arith.constant 0 : i32
    %scan3A_11 = arith.constant 8 : i32
    %scan3A_12 = arith.addi %scan3A_10, %scan3A_11 : i32
    %scan3A_13 = arith.constant 1 : i32
    %scan3A_14 = scf.for %scan3A_237 = %scan3A_10 to %scan3A_12 step %scan3A_13 iter_args(%scan3A_238 = %scan3A_9) -> (i32)  : i32 {
      %mul3A_239 = arith.constant 16 : i32
      %mul3A_240 = arith.muli %scan3A_237, %mul3A_239 : i32
      %swap3A = arith.index_cast %mul3A_240 : i32 to index
      %swap3A_241 = tpu.vector_load %arg10[%swap3A] {strides = array<i32>} : memref<128xf32, #tpu.memory_space<vmem>>, vector<16xf32>,
      tpu.vector_store %arg10[%swap3A], %broadcast_in_dim3A_2 {strides = array<i32>} : memref<128xf32, #tpu.memory_space<vmem>>, vector<16xf32>,
      %scan3A_242 = arith.constant 0 : i32
      scf.yield %scan3A_242 : i32
    }
    %scan3A_15 = arith.constant 8 : i32
    %scan3A_16 = arith.constant 0 : i32
    %scan3A_17 = arith.constant 0 : i32
    %scan3A_18 = arith.constant 8 : i32
    %scan3A_19 = arith.addi %scan3A_17, %scan3A_18 : i32
    %scan3A_20 = arith.constant 1 : i32
    %scan3A_21 = scf.for %scan3A_237 = %scan3A_17 to %scan3A_19 step %scan3A_20 iter_args(%scan3A_238 = %scan3A_16) -> (i32)  : i32 {
      %mul3A_239 = arith.constant 32768 : i32
      %mul3A_240 = arith.muli %arg1, %mul3A_239 : i32
      %mul3A_241 = arith.constant 4096 : i32
      %mul3A_242 = arith.muli %scan3A_237, %mul3A_241 : i32
      %add3A_243 = arith.addi %mul3A_240, %mul3A_242 : i32
      "tpu.region"() ({
        %run_scoped3A = tpu.sem_alloc : memref<!tpu.dma_semaphore, #tpu.memory_space<semaphore_mem>>
        %dma_start3A = tpu.memref_slice %arg19[%add3A_243] : memref<524304xf32, #tpu.memory_space<vmem_shared>> -> memref<4096xf32, #tpu.memory_space<vmem_shared>>
        %dma_start3A_245 = tpu.memref_slice %arg19[%add3A_243] : memref<524304xf32, #tpu.memory_space<vmem_shared>> -> memref<4096xf32, #tpu.memory_space<vmem_shared>>
        tpu.enqueue_dma source(%arg12 : memref<4096xf32, #tpu.memory_space<vmem>>) target(%dma_start3A_245 : memref<4096xf32, #tpu.memory_space<vmem_shared>>) target_semaphore(%run_scoped3A : memref<!tpu.dma_semaphore, #tpu.memory_space<semaphore_mem>>)
        %dma_wait3A = tpu.memref_slice %arg19[%add3A_243] : memref<524304xf32, #tpu.memory_space<vmem_shared>> -> memref<4096xf32, #tpu.memory_space<vmem_shared>>
        %dma_wait3A_246 = tpu.memref_slice %arg19[%add3A_243] : memref<524304xf32, #tpu.memory_space<vmem_shared>> -> memref<4096xf32, #tpu.memory_space<vmem_shared>>
        tpu.wait_dma2 semaphore(%run_scoped3A : memref<!tpu.dma_semaphore, #tpu.memory_space<semaphore_mem>>) src(%arg12 : memref<4096xf32, #tpu.memory_space<vmem>>) dst(%dma_wait3A_246 : memref<4096xf32, #tpu.memory_space<vmem_shared>>)
        tpu.yield
      }) : () -> ()
      %scan3A_244 = arith.constant 0 : i32
      scf.yield %scan3A_244 : i32
    }
    %scan3A_22 = arith.constant 8 : i32
    %barrier3A = arith.constant 0 : index
    tpu.barrier barrier_id(%barrier3A)
    %mul3A = arith.constant 2 : i32
    %mul3A_23 = arith.muli %arg0, %mul3A : i32
    %add3A = arith.constant 0 : i32
    %add3A_24 = arith.addi %mul3A_23, %add3A : i32
    %mul3A_25 = arith.constant 192 : i32
    %mul3A_26 = arith.muli %add3A_24, %mul3A_25 : i32
    %add3A_27 = arith.constant 0 : i32
    %add3A_28 = arith.addi %mul3A_26, %add3A_27 : i32
    %get3A = arith.index_cast %add3A_28 : i32 to index
    %get3A_29 = tpu.vector_load %arg11[%get3A] {strides = array<i32>} : memref<768xf32, #tpu.memory_space<vmem>>, vector<16xf32>,
    %add3A_30 = arith.constant 16 : i32
    %add3A_31 = arith.addi %mul3A_26, %add3A_30 : i32
    %get3A_32 = arith.index_cast %add3A_31 : i32 to index
    %get3A_33 = tpu.vector_load %arg11[%get3A_32] {strides = array<i32>} : memref<768xf32, #tpu.memory_space<vmem>>, vector<16xf32>,
    %add3A_34 = arith.constant 32 : i32
    %add3A_35 = arith.addi %mul3A_26, %add3A_34 : i32
    %get3A_36 = arith.index_cast %add3A_35 : i32 to index
    %get3A_37 = tpu.vector_load %arg11[%get3A_36] {strides = array<i32>} : memref<768xf32, #tpu.memory_space<vmem>>, vector<16xf32>,
    %add3A_38 = arith.constant 48 : i32
    %add3A_39 = arith.addi %mul3A_26, %add3A_38 : i32
    %get3A_40 = arith.index_cast %add3A_39 : i32 to index
    %get3A_41 = tpu.vector_load %arg11[%get3A_40] {strides = array<i32>} : memref<768xf32, #tpu.memory_space<vmem>>, vector<16xf32>,
    %add3A_42 = arith.constant 64 : i32
    %add3A_43 = arith.addi %mul3A_26, %add3A_42 : i32
    %get3A_44 = arith.index_cast %add3A_43 : i32 to index
    %get3A_45 = tpu.vector_load %arg11[%get3A_44] {strides = array<i32>} : memref<768xf32, #tpu.memory_space<vmem>>, vector<16xf32>,
    %add3A_46 = arith.constant 80 : i32
    %add3A_47 = arith.addi %mul3A_26, %add3A_46 : i32
    %get3A_48 = arith.index_cast %add3A_47 : i32 to index
    %get3A_49 = tpu.vector_load %arg11[%get3A_48] {strides = array<i32>} : memref<768xf32, #tpu.memory_space<vmem>>, vector<16xf32>,
    %mul3A_50 = arith.constant 6272 : i32
    %mul3A_51 = arith.muli %arg1, %mul3A_50 : i32
    %add3A_52 = arith.constant 0 : i32
    %add3A_53 = arith.addi %add3A_52, %add3A_24 : i32
    %mul3A_54 = arith.constant 100352 : i32
    %mul3A_55 = arith.muli %add3A_53, %mul3A_54 : i32
    %add3A_56 = arith.addi %mul3A_55, %mul3A_51 : i32
    "tpu.region"() ({
      %run_scoped3A = tpu.sem_alloc : memref<!tpu.dma_semaphore, #tpu.memory_space<semaphore_mem>>
      %dma_start3A = tpu.memref_slice %arg3[%add3A_56] : memref<1204224xf32, #tpu.memory_space<hbm>> -> memref<6272xf32, #tpu.memory_space<hbm>>
      %dma_start3A_237 = tpu.memref_slice %arg3[%add3A_56] : memref<1204224xf32, #tpu.memory_space<hbm>> -> memref<6272xf32, #tpu.memory_space<hbm>>
      tpu.enqueue_dma source(%dma_start3A_237 : memref<6272xf32, #tpu.memory_space<hbm>>) target(%arg6 : memref<6272xf32, #tpu.memory_space<vmem>>) target_semaphore(%run_scoped3A : memref<!tpu.dma_semaphore, #tpu.memory_space<semaphore_mem>>)
      %dma_wait3A = tpu.memref_slice %arg3[%add3A_56] : memref<1204224xf32, #tpu.memory_space<hbm>> -> memref<6272xf32, #tpu.memory_space<hbm>>
      %dma_wait3A_238 = tpu.memref_slice %arg3[%add3A_56] : memref<1204224xf32, #tpu.memory_space<hbm>> -> memref<6272xf32, #tpu.memory_space<hbm>>
      tpu.wait_dma2 semaphore(%run_scoped3A : memref<!tpu.dma_semaphore, #tpu.memory_space<semaphore_mem>>) src(%dma_wait3A_238 : memref<6272xf32, #tpu.memory_space<hbm>>) dst(%arg6 : memref<6272xf32, #tpu.memory_space<vmem>>)
      tpu.yield
    }) : () -> ()
    %add3A_57 = arith.constant 4 : i32
    %add3A_58 = arith.addi %add3A_57, %add3A_24 : i32
    %mul3A_59 = arith.constant 100352 : i32
    %mul3A_60 = arith.muli %add3A_58, %mul3A_59 : i32
    %add3A_61 = arith.addi %mul3A_60, %mul3A_51 : i32
    "tpu.region"() ({
      %run_scoped3A = tpu.sem_alloc : memref<!tpu.dma_semaphore, #tpu.memory_space<semaphore_mem>>
      %dma_start3A = tpu.memref_slice %arg3[%add3A_61] : memref<1204224xf32, #tpu.memory_space<hbm>> -> memref<6272xf32, #tpu.memory_space<hbm>>
      %dma_start3A_237 = tpu.memref_slice %arg3[%add3A_61] : memref<1204224xf32, #tpu.memory_space<hbm>> -> memref<6272xf32, #tpu.memory_space<hbm>>
      tpu.enqueue_dma source(%dma_start3A_237 : memref<6272xf32, #tpu.memory_space<hbm>>) target(%arg7 : memref<6272xf32, #tpu.memory_space<vmem>>) target_semaphore(%run_scoped3A : memref<!tpu.dma_semaphore, #tpu.memory_space<semaphore_mem>>)
      %dma_wait3A = tpu.memref_slice %arg3[%add3A_61] : memref<1204224xf32, #tpu.memory_space<hbm>> -> memref<6272xf32, #tpu.memory_space<hbm>>
      %dma_wait3A_238 = tpu.memref_slice %arg3[%add3A_61] : memref<1204224xf32, #tpu.memory_space<hbm>> -> memref<6272xf32, #tpu.memory_space<hbm>>
      tpu.wait_dma2 semaphore(%run_scoped3A : memref<!tpu.dma_semaphore, #tpu.memory_space<semaphore_mem>>) src(%dma_wait3A_238 : memref<6272xf32, #tpu.memory_space<hbm>>) dst(%arg7 : memref<6272xf32, #tpu.memory_space<vmem>>)
      tpu.yield
    }) : () -> ()
    %add3A_62 = arith.constant 8 : i32
    %add3A_63 = arith.addi %add3A_62, %add3A_24 : i32
    %mul3A_64 = arith.constant 100352 : i32
    %mul3A_65 = arith.muli %add3A_63, %mul3A_64 : i32
    %add3A_66 = arith.addi %mul3A_65, %mul3A_51 : i32
    "tpu.region"() ({
      %run_scoped3A = tpu.sem_alloc : memref<!tpu.dma_semaphore, #tpu.memory_space<semaphore_mem>>
      %dma_start3A = tpu.memref_slice %arg3[%add3A_66] : memref<1204224xf32, #tpu.memory_space<hbm>> -> memref<6272xf32, #tpu.memory_space<hbm>>
      %dma_start3A_237 = tpu.memref_slice %arg3[%add3A_66] : memref<1204224xf32, #tpu.memory_space<hbm>> -> memref<6272xf32, #tpu.memory_space<hbm>>
      tpu.enqueue_dma source(%dma_start3A_237 : memref<6272xf32, #tpu.memory_space<hbm>>) target(%arg8 : memref<6272xf32, #tpu.memory_space<vmem>>) target_semaphore(%run_scoped3A : memref<!tpu.dma_semaphore, #tpu.memory_space<semaphore_mem>>)
      %dma_wait3A = tpu.memref_slice %arg3[%add3A_66] : memref<1204224xf32, #tpu.memory_space<hbm>> -> memref<6272xf32, #tpu.memory_space<hbm>>
      %dma_wait3A_238 = tpu.memref_slice %arg3[%add3A_66] : memref<1204224xf32, #tpu.memory_space<hbm>> -> memref<6272xf32, #tpu.memory_space<hbm>>
      tpu.wait_dma2 semaphore(%run_scoped3A : memref<!tpu.dma_semaphore, #tpu.memory_space<semaphore_mem>>) src(%dma_wait3A_238 : memref<6272xf32, #tpu.memory_space<hbm>>) dst(%arg8 : memref<6272xf32, #tpu.memory_space<vmem>>)
      tpu.yield
    }) : () -> ()
    %scan3A_67 = arith.constant 0 : i32
    %scan3A_68 = arith.constant 0 : i32
    %scan3A_69 = arith.constant 49 : i32
    %scan3A_70 = arith.addi %scan3A_68, %scan3A_69 : i32
    %scan3A_71 = arith.constant 1 : i32
    %scan3A_72 = scf.for %scan3A_237 = %scan3A_68 to %scan3A_70 step %scan3A_71 iter_args(%scan3A_238 = %scan3A_67) -> (i32)  : i32 {
      %mul3A_239 = arith.constant 128 : i32
      %mul3A_240 = arith.muli %scan3A_237, %mul3A_239 : i32
      %add3A_241 = arith.constant 0 : i32
      %add3A_242 = arith.addi %mul3A_240, %add3A_241 : i32
      %get3A_243 = arith.index_cast %add3A_242 : i32 to index
      %get3A_244 = tpu.vector_load %arg6[%get3A_243] {strides = array<i32>} : memref<6272xf32, #tpu.memory_space<vmem>>, vector<16xf32>,
      %sub3A_245 = arith.subf %get3A_244, %get3A_29 : vector<16xf32>
      %get3A_246 = arith.index_cast %add3A_242 : i32 to index
      %get3A_247 = tpu.vector_load %arg7[%get3A_246] {strides = array<i32>} : memref<6272xf32, #tpu.memory_space<vmem>>, vector<16xf32>,
      %sub3A_248 = arith.subf %get3A_247, %get3A_33 : vector<16xf32>
      %get3A_249 = arith.index_cast %add3A_242 : i32 to index
      %get3A_250 = tpu.vector_load %arg8[%get3A_249] {strides = array<i32>} : memref<6272xf32, #tpu.memory_space<vmem>>, vector<16xf32>,
      %sub3A_251 = arith.subf %get3A_250, %get3A_37 : vector<16xf32>
      %ge3A = arith.constant 0.000000e+00 : f32
      %ge3A_252 = vector.broadcast %ge3A : f32 to vector<16xf32>
      %ge3A_253 = arith.cmpf oge, %sub3A_245, %ge3A_252 : vector<16xf32>
      %lt3A_254 = arith.cmpf olt, %sub3A_245, %get3A_41 : vector<16xf32>
      %and3A_255 = arith.andi %ge3A_253, %lt3A_254 : vector<16xi1>
      %ge3A_256 = arith.constant 0.000000e+00 : f32
      %ge3A_257 = vector.broadcast %ge3A_256 : f32 to vector<16xf32>
      %ge3A_258 = arith.cmpf oge, %sub3A_248, %ge3A_257 : vector<16xf32>
      %and3A_259 = arith.andi %and3A_255, %ge3A_258 : vector<16xi1>
      %lt3A_260 = arith.cmpf olt, %sub3A_248, %get3A_45 : vector<16xf32>
      %and3A_261 = arith.andi %and3A_259, %lt3A_260 : vector<16xi1>
      %ge3A_262 = arith.constant 0.000000e+00 : f32
      %ge3A_263 = vector.broadcast %ge3A_262 : f32 to vector<16xf32>
      %ge3A_264 = arith.cmpf oge, %sub3A_251, %ge3A_263 : vector<16xf32>
      %and3A_265 = arith.andi %and3A_261, %ge3A_264 : vector<16xi1>
      %lt3A_266 = arith.cmpf olt, %sub3A_251, %get3A_49 : vector<16xf32>
      %and3A_267 = arith.andi %and3A_265, %lt3A_266 : vector<16xi1>
      %convert_element_type3A_268 = arith.fptosi %sub3A_245 : vector<16xf32> to vector<16xi32>
      %convert_element_type3A_269 = arith.fptosi %sub3A_248 : vector<16xf32> to vector<16xi32>
      %convert_element_type3A_270 = arith.fptosi %sub3A_251 : vector<16xf32> to vector<16xi32>
      %shift_left3A = arith.constant 12 : i32
      %shift_left3A_271 = vector.broadcast %shift_left3A : i32 to vector<16xi32>
      %shift_left3A_272 = arith.shli %convert_element_type3A_268, %shift_left3A_271 : vector<16xi32>
      %add3A_273 = arith.constant 0 : i32
      %add3A_274 = vector.broadcast %add3A_273 : i32 to vector<16xi32>
      %add3A_275 = arith.addi %add3A_274, %shift_left3A_272 : vector<16xi32>
      %shift_left3A_276 = arith.constant 6 : i32
      %shift_left3A_277 = vector.broadcast %shift_left3A_276 : i32 to vector<16xi32>
      %shift_left3A_278 = arith.shli %convert_element_type3A_269, %shift_left3A_277 : vector<16xi32>
      %add3A_279 = arith.addi %add3A_275, %shift_left3A_278 : vector<16xi32>
      %add3A_280 = arith.addi %add3A_279, %convert_element_type3A_270 : vector<16xi32>
      %jit3A_281 = arith.constant 524288 : i32
      %broadcast_in_dim3A_282 = vector.broadcast %jit3A_281 : i32 to vector<16xi32>
      %select_n3A_283 = arith.select %and3A_267, %add3A_280, %broadcast_in_dim3A_282 : vector<16xi1>, vector<16xi32>
      %swap3A = arith.constant 0 : index
      %swap3A_284 = tpu.vector_load %arg9[%swap3A] {strides = array<i32>} : memref<128xi32, #tpu.memory_space<vmem>>, vector<16xi32>,
      tpu.vector_store %arg9[%swap3A], %select_n3A_283 {strides = array<i32>} : memref<128xi32, #tpu.memory_space<vmem>>, vector<16xi32>,
      %mul3A_285 = arith.constant 128 : i32
      %mul3A_286 = arith.muli %scan3A_237, %mul3A_285 : i32
      %add3A_287 = arith.constant 16 : i32
      %add3A_288 = arith.addi %mul3A_286, %add3A_287 : i32
      %get3A_289 = arith.index_cast %add3A_288 : i32 to index
      %get3A_290 = tpu.vector_load %arg6[%get3A_289] {strides = array<i32>} : memref<6272xf32, #tpu.memory_space<vmem>>, vector<16xf32>,
      %sub3A_291 = arith.subf %get3A_290, %get3A_29 : vector<16xf32>
      %get3A_292 = arith.index_cast %add3A_288 : i32 to index
      %get3A_293 = tpu.vector_load %arg7[%get3A_292] {strides = array<i32>} : memref<6272xf32, #tpu.memory_space<vmem>>, vector<16xf32>,
      %sub3A_294 = arith.subf %get3A_293, %get3A_33 : vector<16xf32>
      %get3A_295 = arith.index_cast %add3A_288 : i32 to index
      %get3A_296 = tpu.vector_load %arg8[%get3A_295] {strides = array<i32>} : memref<6272xf32, #tpu.memory_space<vmem>>, vector<16xf32>,
      %sub3A_297 = arith.subf %get3A_296, %get3A_37 : vector<16xf32>
      %ge3A_298 = arith.constant 0.000000e+00 : f32
      %ge3A_299 = vector.broadcast %ge3A_298 : f32 to vector<16xf32>
      %ge3A_300 = arith.cmpf oge, %sub3A_291, %ge3A_299 : vector<16xf32>
      %lt3A_301 = arith.cmpf olt, %sub3A_291, %get3A_41 : vector<16xf32>
      %and3A_302 = arith.andi %ge3A_300, %lt3A_301 : vector<16xi1>
      %ge3A_303 = arith.constant 0.000000e+00 : f32
      %ge3A_304 = vector.broadcast %ge3A_303 : f32 to vector<16xf32>
      %ge3A_305 = arith.cmpf oge, %sub3A_294, %ge3A_304 : vector<16xf32>
      %and3A_306 = arith.andi %and3A_302, %ge3A_305 : vector<16xi1>
      %lt3A_307 = arith.cmpf olt, %sub3A_294, %get3A_45 : vector<16xf32>
      %and3A_308 = arith.andi %and3A_306, %lt3A_307 : vector<16xi1>
      %ge3A_309 = arith.constant 0.000000e+00 : f32
      %ge3A_310 = vector.broadcast %ge3A_309 : f32 to vector<16xf32>
      %ge3A_311 = arith.cmpf oge, %sub3A_297, %ge3A_310 : vector<16xf32>
      %and3A_312 = arith.andi %and3A_308, %ge3A_311 : vector<16xi1>
      %lt3A_313 = arith.cmpf olt, %sub3A_297, %get3A_49 : vector<16xf32>
      %and3A_314 = arith.andi %and3A_312, %lt3A_313 : vector<16xi1>
      %convert_element_type3A_315 = arith.fptosi %sub3A_291 : vector<16xf32> to vector<16xi32>
      %convert_element_type3A_316 = arith.fptosi %sub3A_294 : vector<16xf32> to vector<16xi32>
      %convert_element_type3A_317 = arith.fptosi %sub3A_297 : vector<16xf32> to vector<16xi32>
      %shift_left3A_318 = arith.constant 12 : i32
      %shift_left3A_319 = vector.broadcast %shift_left3A_318 : i32 to vector<16xi32>
      %shift_left3A_320 = arith.shli %convert_element_type3A_315, %shift_left3A_319 : vector<16xi32>
      %add3A_321 = arith.constant 0 : i32
      %add3A_322 = vector.broadcast %add3A_321 : i32 to vector<16xi32>
      %add3A_323 = arith.addi %add3A_322, %shift_left3A_320 : vector<16xi32>
      %shift_left3A_324 = arith.constant 6 : i32
      %shift_left3A_325 = vector.broadcast %shift_left3A_324 : i32 to vector<16xi32>
      %shift_left3A_326 = arith.shli %convert_element_type3A_316, %shift_left3A_325 : vector<16xi32>
      %add3A_327 = arith.addi %add3A_323, %shift_left3A_326 : vector<16xi32>
      %add3A_328 = arith.addi %add3A_327, %convert_element_type3A_317 : vector<16xi32>
      %jit3A_329 = arith.constant 524288 : i32
      %broadcast_in_dim3A_330 = vector.broadcast %jit3A_329 : i32 to vector<16xi32>
      %select_n3A_331 = arith.select %and3A_314, %add3A_328, %broadcast_in_dim3A_330 : vector<16xi1>, vector<16xi32>
      %swap3A_332 = arith.constant 16 : index
      %swap3A_333 = tpu.vector_load %arg9[%swap3A_332] {strides = array<i32>} : memref<128xi32, #tpu.memory_space<vmem>>, vector<16xi32>,
      tpu.vector_store %arg9[%swap3A_332], %select_n3A_331 {strides = array<i32>} : memref<128xi32, #tpu.memory_space<vmem>>, vector<16xi32>,
      %mul3A_334 = arith.constant 128 : i32
      %mul3A_335 = arith.muli %scan3A_237, %mul3A_334 : i32
      %add3A_336 = arith.constant 32 : i32
      %add3A_337 = arith.addi %mul3A_335, %add3A_336 : i32
      %get3A_338 = arith.index_cast %add3A_337 : i32 to index
      %get3A_339 = tpu.vector_load %arg6[%get3A_338] {strides = array<i32>} : memref<6272xf32, #tpu.memory_space<vmem>>, vector<16xf32>,
      %sub3A_340 = arith.subf %get3A_339, %get3A_29 : vector<16xf32>
      %get3A_341 = arith.index_cast %add3A_337 : i32 to index
      %get3A_342 = tpu.vector_load %arg7[%get3A_341] {strides = array<i32>} : memref<6272xf32, #tpu.memory_space<vmem>>, vector<16xf32>,
      %sub3A_343 = arith.subf %get3A_342, %get3A_33 : vector<16xf32>
      %get3A_344 = arith.index_cast %add3A_337 : i32 to index
      %get3A_345 = tpu.vector_load %arg8[%get3A_344] {strides = array<i32>} : memref<6272xf32, #tpu.memory_space<vmem>>, vector<16xf32>,
      %sub3A_346 = arith.subf %get3A_345, %get3A_37 : vector<16xf32>
      %ge3A_347 = arith.constant 0.000000e+00 : f32
      %ge3A_348 = vector.broadcast %ge3A_347 : f32 to vector<16xf32>
      %ge3A_349 = arith.cmpf oge, %sub3A_340, %ge3A_348 : vector<16xf32>
      %lt3A_350 = arith.cmpf olt, %sub3A_340, %get3A_41 : vector<16xf32>
      %and3A_351 = arith.andi %ge3A_349, %lt3A_350 : vector<16xi1>
      %ge3A_352 = arith.constant 0.000000e+00 : f32
      %ge3A_353 = vector.broadcast %ge3A_352 : f32 to vector<16xf32>
      %ge3A_354 = arith.cmpf oge, %sub3A_343, %ge3A_353 : vector<16xf32>
      %and3A_355 = arith.andi %and3A_351, %ge3A_354 : vector<16xi1>
      %lt3A_356 = arith.cmpf olt, %sub3A_343, %get3A_45 : vector<16xf32>
      %and3A_357 = arith.andi %and3A_355, %lt3A_356 : vector<16xi1>
      %ge3A_358 = arith.constant 0.000000e+00 : f32
      %ge3A_359 = vector.broadcast %ge3A_358 : f32 to vector<16xf32>
      %ge3A_360 = arith.cmpf oge, %sub3A_346, %ge3A_359 : vector<16xf32>
      %and3A_361 = arith.andi %and3A_357, %ge3A_360 : vector<16xi1>
      %lt3A_362 = arith.cmpf olt, %sub3A_346, %get3A_49 : vector<16xf32>
      %and3A_363 = arith.andi %and3A_361, %lt3A_362 : vector<16xi1>
      %convert_element_type3A_364 = arith.fptosi %sub3A_340 : vector<16xf32> to vector<16xi32>
      %convert_element_type3A_365 = arith.fptosi %sub3A_343 : vector<16xf32> to vector<16xi32>
      %convert_element_type3A_366 = arith.fptosi %sub3A_346 : vector<16xf32> to vector<16xi32>
      %shift_left3A_367 = arith.constant 12 : i32
      %shift_left3A_368 = vector.broadcast %shift_left3A_367 : i32 to vector<16xi32>
      %shift_left3A_369 = arith.shli %convert_element_type3A_364, %shift_left3A_368 : vector<16xi32>
      %add3A_370 = arith.constant 0 : i32
      %add3A_371 = vector.broadcast %add3A_370 : i32 to vector<16xi32>
      %add3A_372 = arith.addi %add3A_371, %shift_left3A_369 : vector<16xi32>
      %shift_left3A_373 = arith.constant 6 : i32
      %shift_left3A_374 = vector.broadcast %shift_left3A_373 : i32 to vector<16xi32>
      %shift_left3A_375 = arith.shli %convert_element_type3A_365, %shift_left3A_374 : vector<16xi32>
      %add3A_376 = arith.addi %add3A_372, %shift_left3A_375 : vector<16xi32>
      %add3A_377 = arith.addi %add3A_376, %convert_element_type3A_366 : vector<16xi32>
      %jit3A_378 = arith.constant 524288 : i32
      %broadcast_in_dim3A_379 = vector.broadcast %jit3A_378 : i32 to vector<16xi32>
      %select_n3A_380 = arith.select %and3A_363, %add3A_377, %broadcast_in_dim3A_379 : vector<16xi1>, vector<16xi32>
      %swap3A_381 = arith.constant 32 : index
      %swap3A_382 = tpu.vector_load %arg9[%swap3A_381] {strides = array<i32>} : memref<128xi32, #tpu.memory_space<vmem>>, vector<16xi32>,
      tpu.vector_store %arg9[%swap3A_381], %select_n3A_380 {strides = array<i32>} : memref<128xi32, #tpu.memory_space<vmem>>, vector<16xi32>,
      %mul3A_383 = arith.constant 128 : i32
      %mul3A_384 = arith.muli %scan3A_237, %mul3A_383 : i32
      %add3A_385 = arith.constant 48 : i32
      %add3A_386 = arith.addi %mul3A_384, %add3A_385 : i32
      %get3A_387 = arith.index_cast %add3A_386 : i32 to index
      %get3A_388 = tpu.vector_load %arg6[%get3A_387] {strides = array<i32>} : memref<6272xf32, #tpu.memory_space<vmem>>, vector<16xf32>,
      %sub3A_389 = arith.subf %get3A_388, %get3A_29 : vector<16xf32>
      %get3A_390 = arith.index_cast %add3A_386 : i32 to index
      %get3A_391 = tpu.vector_load %arg7[%get3A_390] {strides = array<i32>} : memref<6272xf32, #tpu.memory_space<vmem>>, vector<16xf32>,
      %sub3A_392 = arith.subf %get3A_391, %get3A_33 : vector<16xf32>
      %get3A_393 = arith.index_cast %add3A_386 : i32 to index
      %get3A_394 = tpu.vector_load %arg8[%get3A_393] {strides = array<i32>} : memref<6272xf32, #tpu.memory_space<vmem>>, vector<16xf32>,
      %sub3A_395 = arith.subf %get3A_394, %get3A_37 : vector<16xf32>
      %ge3A_396 = arith.constant 0.000000e+00 : f32
      %ge3A_397 = vector.broadcast %ge3A_396 : f32 to vector<16xf32>
      %ge3A_398 = arith.cmpf oge, %sub3A_389, %ge3A_397 : vector<16xf32>
      %lt3A_399 = arith.cmpf olt, %sub3A_389, %get3A_41 : vector<16xf32>
      %and3A_400 = arith.andi %ge3A_398, %lt3A_399 : vector<16xi1>
      %ge3A_401 = arith.constant 0.000000e+00 : f32
      %ge3A_402 = vector.broadcast %ge3A_401 : f32 to vector<16xf32>
      %ge3A_403 = arith.cmpf oge, %sub3A_392, %ge3A_402 : vector<16xf32>
      %and3A_404 = arith.andi %and3A_400, %ge3A_403 : vector<16xi1>
      %lt3A_405 = arith.cmpf olt, %sub3A_392, %get3A_45 : vector<16xf32>
      %and3A_406 = arith.andi %and3A_404, %lt3A_405 : vector<16xi1>
      %ge3A_407 = arith.constant 0.000000e+00 : f32
      %ge3A_408 = vector.broadcast %ge3A_407 : f32 to vector<16xf32>
      %ge3A_409 = arith.cmpf oge, %sub3A_395, %ge3A_408 : vector<16xf32>
      %and3A_410 = arith.andi %and3A_406, %ge3A_409 : vector<16xi1>
      %lt3A_411 = arith.cmpf olt, %sub3A_395, %get3A_49 : vector<16xf32>
      %and3A_412 = arith.andi %and3A_410, %lt3A_411 : vector<16xi1>
      %convert_element_type3A_413 = arith.fptosi %sub3A_389 : vector<16xf32> to vector<16xi32>
      %convert_element_type3A_414 = arith.fptosi %sub3A_392 : vector<16xf32> to vector<16xi32>
      %convert_element_type3A_415 = arith.fptosi %sub3A_395 : vector<16xf32> to vector<16xi32>
      %shift_left3A_416 = arith.constant 12 : i32
      %shift_left3A_417 = vector.broadcast %shift_left3A_416 : i32 to vector<16xi32>
      %shift_left3A_418 = arith.shli %convert_element_type3A_413, %shift_left3A_417 : vector<16xi32>
      %add3A_419 = arith.constant 0 : i32
      %add3A_420 = vector.broadcast %add3A_419 : i32 to vector<16xi32>
      %add3A_421 = arith.addi %add3A_420, %shift_left3A_418 : vector<16xi32>
      %shift_left3A_422 = arith.constant 6 : i32
      %shift_left3A_423 = vector.broadcast %shift_left3A_422 : i32 to vector<16xi32>
      %shift_left3A_424 = arith.shli %convert_element_type3A_414, %shift_left3A_423 : vector<16xi32>
      %add3A_425 = arith.addi %add3A_421, %shift_left3A_424 : vector<16xi32>
      %add3A_426 = arith.addi %add3A_425, %convert_element_type3A_415 : vector<16xi32>
      %jit3A_427 = arith.constant 524288 : i32
      %broadcast_in_dim3A_428 = vector.broadcast %jit3A_427 : i32 to vector<16xi32>
      %select_n3A_429 = arith.select %and3A_412, %add3A_426, %broadcast_in_dim3A_428 : vector<16xi1>, vector<16xi32>
      %swap3A_430 = arith.constant 48 : index
      %swap3A_431 = tpu.vector_load %arg9[%swap3A_430] {strides = array<i32>} : memref<128xi32, #tpu.memory_space<vmem>>, vector<16xi32>,
      tpu.vector_store %arg9[%swap3A_430], %select_n3A_429 {strides = array<i32>} : memref<128xi32, #tpu.memory_space<vmem>>, vector<16xi32>,
      %mul3A_432 = arith.constant 128 : i32
      %mul3A_433 = arith.muli %scan3A_237, %mul3A_432 : i32
      %add3A_434 = arith.constant 64 : i32
      %add3A_435 = arith.addi %mul3A_433, %add3A_434 : i32
      %get3A_436 = arith.index_cast %add3A_435 : i32 to index
      %get3A_437 = tpu.vector_load %arg6[%get3A_436] {strides = array<i32>} : memref<6272xf32, #tpu.memory_space<vmem>>, vector<16xf32>,
      %sub3A_438 = arith.subf %get3A_437, %get3A_29 : vector<16xf32>
      %get3A_439 = arith.index_cast %add3A_435 : i32 to index
      %get3A_440 = tpu.vector_load %arg7[%get3A_439] {strides = array<i32>} : memref<6272xf32, #tpu.memory_space<vmem>>, vector<16xf32>,
      %sub3A_441 = arith.subf %get3A_440, %get3A_33 : vector<16xf32>
      %get3A_442 = arith.index_cast %add3A_435 : i32 to index
      %get3A_443 = tpu.vector_load %arg8[%get3A_442] {strides = array<i32>} : memref<6272xf32, #tpu.memory_space<vmem>>, vector<16xf32>,
      %sub3A_444 = arith.subf %get3A_443, %get3A_37 : vector<16xf32>
      %ge3A_445 = arith.constant 0.000000e+00 : f32
      %ge3A_446 = vector.broadcast %ge3A_445 : f32 to vector<16xf32>
      %ge3A_447 = arith.cmpf oge, %sub3A_438, %ge3A_446 : vector<16xf32>
      %lt3A_448 = arith.cmpf olt, %sub3A_438, %get3A_41 : vector<16xf32>
      %and3A_449 = arith.andi %ge3A_447, %lt3A_448 : vector<16xi1>
      %ge3A_450 = arith.constant 0.000000e+00 : f32
      %ge3A_451 = vector.broadcast %ge3A_450 : f32 to vector<16xf32>
      %ge3A_452 = arith.cmpf oge, %sub3A_441, %ge3A_451 : vector<16xf32>
      %and3A_453 = arith.andi %and3A_449, %ge3A_452 : vector<16xi1>
      %lt3A_454 = arith.cmpf olt, %sub3A_441, %get3A_45 : vector<16xf32>
      %and3A_455 = arith.andi %and3A_453, %lt3A_454 : vector<16xi1>
      %ge3A_456 = arith.constant 0.000000e+00 : f32
      %ge3A_457 = vector.broadcast %ge3A_456 : f32 to vector<16xf32>
      %ge3A_458 = arith.cmpf oge, %sub3A_444, %ge3A_457 : vector<16xf32>
      %and3A_459 = arith.andi %and3A_455, %ge3A_458 : vector<16xi1>
      %lt3A_460 = arith.cmpf olt, %sub3A_444, %get3A_49 : vector<16xf32>
      %and3A_461 = arith.andi %and3A_459, %lt3A_460 : vector<16xi1>
      %convert_element_type3A_462 = arith.fptosi %sub3A_438 : vector<16xf32> to vector<16xi32>
      %convert_element_type3A_463 = arith.fptosi %sub3A_441 : vector<16xf32> to vector<16xi32>
      %convert_element_type3A_464 = arith.fptosi %sub3A_444 : vector<16xf32> to vector<16xi32>
      %shift_left3A_465 = arith.constant 12 : i32
      %shift_left3A_466 = vector.broadcast %shift_left3A_465 : i32 to vector<16xi32>
      %shift_left3A_467 = arith.shli %convert_element_type3A_462, %shift_left3A_466 : vector<16xi32>
      %add3A_468 = arith.constant 0 : i32
      %add3A_469 = vector.broadcast %add3A_468 : i32 to vector<16xi32>
      %add3A_470 = arith.addi %add3A_469, %shift_left3A_467 : vector<16xi32>
      %shift_left3A_471 = arith.constant 6 : i32
      %shift_left3A_472 = vector.broadcast %shift_left3A_471 : i32 to vector<16xi32>
      %shift_left3A_473 = arith.shli %convert_element_type3A_463, %shift_left3A_472 : vector<16xi32>
      %add3A_474 = arith.addi %add3A_470, %shift_left3A_473 : vector<16xi32>
      %add3A_475 = arith.addi %add3A_474, %convert_element_type3A_464 : vector<16xi32>
      %jit3A_476 = arith.constant 524288 : i32
      %broadcast_in_dim3A_477 = vector.broadcast %jit3A_476 : i32 to vector<16xi32>
      %select_n3A_478 = arith.select %and3A_461, %add3A_475, %broadcast_in_dim3A_477 : vector<16xi1>, vector<16xi32>
      %swap3A_479 = arith.constant 64 : index
      %swap3A_480 = tpu.vector_load %arg9[%swap3A_479] {strides = array<i32>} : memref<128xi32, #tpu.memory_space<vmem>>, vector<16xi32>,
      tpu.vector_store %arg9[%swap3A_479], %select_n3A_478 {strides = array<i32>} : memref<128xi32, #tpu.memory_space<vmem>>, vector<16xi32>,
      %mul3A_481 = arith.constant 128 : i32
      %mul3A_482 = arith.muli %scan3A_237, %mul3A_481 : i32
      %add3A_483 = arith.constant 80 : i32
      %add3A_484 = arith.addi %mul3A_482, %add3A_483 : i32
      %get3A_485 = arith.index_cast %add3A_484 : i32 to index
      %get3A_486 = tpu.vector_load %arg6[%get3A_485] {strides = array<i32>} : memref<6272xf32, #tpu.memory_space<vmem>>, vector<16xf32>,
      %sub3A_487 = arith.subf %get3A_486, %get3A_29 : vector<16xf32>
      %get3A_488 = arith.index_cast %add3A_484 : i32 to index
      %get3A_489 = tpu.vector_load %arg7[%get3A_488] {strides = array<i32>} : memref<6272xf32, #tpu.memory_space<vmem>>, vector<16xf32>,
      %sub3A_490 = arith.subf %get3A_489, %get3A_33 : vector<16xf32>
      %get3A_491 = arith.index_cast %add3A_484 : i32 to index
      %get3A_492 = tpu.vector_load %arg8[%get3A_491] {strides = array<i32>} : memref<6272xf32, #tpu.memory_space<vmem>>, vector<16xf32>,
      %sub3A_493 = arith.subf %get3A_492, %get3A_37 : vector<16xf32>
      %ge3A_494 = arith.constant 0.000000e+00 : f32
      %ge3A_495 = vector.broadcast %ge3A_494 : f32 to vector<16xf32>
      %ge3A_496 = arith.cmpf oge, %sub3A_487, %ge3A_495 : vector<16xf32>
      %lt3A_497 = arith.cmpf olt, %sub3A_487, %get3A_41 : vector<16xf32>
      %and3A_498 = arith.andi %ge3A_496, %lt3A_497 : vector<16xi1>
      %ge3A_499 = arith.constant 0.000000e+00 : f32
      %ge3A_500 = vector.broadcast %ge3A_499 : f32 to vector<16xf32>
      %ge3A_501 = arith.cmpf oge, %sub3A_490, %ge3A_500 : vector<16xf32>
      %and3A_502 = arith.andi %and3A_498, %ge3A_501 : vector<16xi1>
      %lt3A_503 = arith.cmpf olt, %sub3A_490, %get3A_45 : vector<16xf32>
      %and3A_504 = arith.andi %and3A_502, %lt3A_503 : vector<16xi1>
      %ge3A_505 = arith.constant 0.000000e+00 : f32
      %ge3A_506 = vector.broadcast %ge3A_505 : f32 to vector<16xf32>
      %ge3A_507 = arith.cmpf oge, %sub3A_493, %ge3A_506 : vector<16xf32>
      %and3A_508 = arith.andi %and3A_504, %ge3A_507 : vector<16xi1>
      %lt3A_509 = arith.cmpf olt, %sub3A_493, %get3A_49 : vector<16xf32>
      %and3A_510 = arith.andi %and3A_508, %lt3A_509 : vector<16xi1>
      %convert_element_type3A_511 = arith.fptosi %sub3A_487 : vector<16xf32> to vector<16xi32>
      %convert_element_type3A_512 = arith.fptosi %sub3A_490 : vector<16xf32> to vector<16xi32>
      %convert_element_type3A_513 = arith.fptosi %sub3A_493 : vector<16xf32> to vector<16xi32>
      %shift_left3A_514 = arith.constant 12 : i32
      %shift_left3A_515 = vector.broadcast %shift_left3A_514 : i32 to vector<16xi32>
      %shift_left3A_516 = arith.shli %convert_element_type3A_511, %shift_left3A_515 : vector<16xi32>
      %add3A_517 = arith.constant 0 : i32
      %add3A_518 = vector.broadcast %add3A_517 : i32 to vector<16xi32>
      %add3A_519 = arith.addi %add3A_518, %shift_left3A_516 : vector<16xi32>
      %shift_left3A_520 = arith.constant 6 : i32
      %shift_left3A_521 = vector.broadcast %shift_left3A_520 : i32 to vector<16xi32>
      %shift_left3A_522 = arith.shli %convert_element_type3A_512, %shift_left3A_521 : vector<16xi32>
      %add3A_523 = arith.addi %add3A_519, %shift_left3A_522 : vector<16xi32>
      %add3A_524 = arith.addi %add3A_523, %convert_element_type3A_513 : vector<16xi32>
      %jit3A_525 = arith.constant 524288 : i32
      %broadcast_in_dim3A_526 = vector.broadcast %jit3A_525 : i32 to vector<16xi32>
      %select_n3A_527 = arith.select %and3A_510, %add3A_524, %broadcast_in_dim3A_526 : vector<16xi1>, vector<16xi32>
      %swap3A_528 = arith.constant 80 : index
      %swap3A_529 = tpu.vector_load %arg9[%swap3A_528] {strides = array<i32>} : memref<128xi32, #tpu.memory_space<vmem>>, vector<16xi32>,
      tpu.vector_store %arg9[%swap3A_528], %select_n3A_527 {strides = array<i32>} : memref<128xi32, #tpu.memory_space<vmem>>, vector<16xi32>,
      %mul3A_530 = arith.constant 128 : i32
      %mul3A_531 = arith.muli %scan3A_237, %mul3A_530 : i32
      %add3A_532 = arith.constant 96 : i32
      %add3A_533 = arith.addi %mul3A_531, %add3A_532 : i32
      %get3A_534 = arith.index_cast %add3A_533 : i32 to index
      %get3A_535 = tpu.vector_load %arg6[%get3A_534] {strides = array<i32>} : memref<6272xf32, #tpu.memory_space<vmem>>, vector<16xf32>,
      %sub3A_536 = arith.subf %get3A_535, %get3A_29 : vector<16xf32>
      %get3A_537 = arith.index_cast %add3A_533 : i32 to index
      %get3A_538 = tpu.vector_load %arg7[%get3A_537] {strides = array<i32>} : memref<6272xf32, #tpu.memory_space<vmem>>, vector<16xf32>,
      %sub3A_539 = arith.subf %get3A_538, %get3A_33 : vector<16xf32>
      %get3A_540 = arith.index_cast %add3A_533 : i32 to index
      %get3A_541 = tpu.vector_load %arg8[%get3A_540] {strides = array<i32>} : memref<6272xf32, #tpu.memory_space<vmem>>, vector<16xf32>,
      %sub3A_542 = arith.subf %get3A_541, %get3A_37 : vector<16xf32>
      %ge3A_543 = arith.constant 0.000000e+00 : f32
      %ge3A_544 = vector.broadcast %ge3A_543 : f32 to vector<16xf32>
      %ge3A_545 = arith.cmpf oge, %sub3A_536, %ge3A_544 : vector<16xf32>
      %lt3A_546 = arith.cmpf olt, %sub3A_536, %get3A_41 : vector<16xf32>
      %and3A_547 = arith.andi %ge3A_545, %lt3A_546 : vector<16xi1>
      %ge3A_548 = arith.constant 0.000000e+00 : f32
      %ge3A_549 = vector.broadcast %ge3A_548 : f32 to vector<16xf32>
      %ge3A_550 = arith.cmpf oge, %sub3A_539, %ge3A_549 : vector<16xf32>
      %and3A_551 = arith.andi %and3A_547, %ge3A_550 : vector<16xi1>
      %lt3A_552 = arith.cmpf olt, %sub3A_539, %get3A_45 : vector<16xf32>
      %and3A_553 = arith.andi %and3A_551, %lt3A_552 : vector<16xi1>
      %ge3A_554 = arith.constant 0.000000e+00 : f32
      %ge3A_555 = vector.broadcast %ge3A_554 : f32 to vector<16xf32>
      %ge3A_556 = arith.cmpf oge, %sub3A_542, %ge3A_555 : vector<16xf32>
      %and3A_557 = arith.andi %and3A_553, %ge3A_556 : vector<16xi1>
      %lt3A_558 = arith.cmpf olt, %sub3A_542, %get3A_49 : vector<16xf32>
      %and3A_559 = arith.andi %and3A_557, %lt3A_558 : vector<16xi1>
      %convert_element_type3A_560 = arith.fptosi %sub3A_536 : vector<16xf32> to vector<16xi32>
      %convert_element_type3A_561 = arith.fptosi %sub3A_539 : vector<16xf32> to vector<16xi32>
      %convert_element_type3A_562 = arith.fptosi %sub3A_542 : vector<16xf32> to vector<16xi32>
      %shift_left3A_563 = arith.constant 12 : i32
      %shift_left3A_564 = vector.broadcast %shift_left3A_563 : i32 to vector<16xi32>
      %shift_left3A_565 = arith.shli %convert_element_type3A_560, %shift_left3A_564 : vector<16xi32>
      %add3A_566 = arith.constant 0 : i32
      %add3A_567 = vector.broadcast %add3A_566 : i32 to vector<16xi32>
      %add3A_568 = arith.addi %add3A_567, %shift_left3A_565 : vector<16xi32>
      %shift_left3A_569 = arith.constant 6 : i32
      %shift_left3A_570 = vector.broadcast %shift_left3A_569 : i32 to vector<16xi32>
      %shift_left3A_571 = arith.shli %convert_element_type3A_561, %shift_left3A_570 : vector<16xi32>
      %add3A_572 = arith.addi %add3A_568, %shift_left3A_571 : vector<16xi32>
      %add3A_573 = arith.addi %add3A_572, %convert_element_type3A_562 : vector<16xi32>
      %jit3A_574 = arith.constant 524288 : i32
      %broadcast_in_dim3A_575 = vector.broadcast %jit3A_574 : i32 to vector<16xi32>
      %select_n3A_576 = arith.select %and3A_559, %add3A_573, %broadcast_in_dim3A_575 : vector<16xi1>, vector<16xi32>
      %swap3A_577 = arith.constant 96 : index
      %swap3A_578 = tpu.vector_load %arg9[%swap3A_577] {strides = array<i32>} : memref<128xi32, #tpu.memory_space<vmem>>, vector<16xi32>,
      tpu.vector_store %arg9[%swap3A_577], %select_n3A_576 {strides = array<i32>} : memref<128xi32, #tpu.memory_space<vmem>>, vector<16xi32>,
      %mul3A_579 = arith.constant 128 : i32
      %mul3A_580 = arith.muli %scan3A_237, %mul3A_579 : i32
      %add3A_581 = arith.constant 112 : i32
      %add3A_582 = arith.addi %mul3A_580, %add3A_581 : i32
      %get3A_583 = arith.index_cast %add3A_582 : i32 to index
      %get3A_584 = tpu.vector_load %arg6[%get3A_583] {strides = array<i32>} : memref<6272xf32, #tpu.memory_space<vmem>>, vector<16xf32>,
      %sub3A_585 = arith.subf %get3A_584, %get3A_29 : vector<16xf32>
      %get3A_586 = arith.index_cast %add3A_582 : i32 to index
      %get3A_587 = tpu.vector_load %arg7[%get3A_586] {strides = array<i32>} : memref<6272xf32, #tpu.memory_space<vmem>>, vector<16xf32>,
      %sub3A_588 = arith.subf %get3A_587, %get3A_33 : vector<16xf32>
      %get3A_589 = arith.index_cast %add3A_582 : i32 to index
      %get3A_590 = tpu.vector_load %arg8[%get3A_589] {strides = array<i32>} : memref<6272xf32, #tpu.memory_space<vmem>>, vector<16xf32>,
      %sub3A_591 = arith.subf %get3A_590, %get3A_37 : vector<16xf32>
      %ge3A_592 = arith.constant 0.000000e+00 : f32
      %ge3A_593 = vector.broadcast %ge3A_592 : f32 to vector<16xf32>
      %ge3A_594 = arith.cmpf oge, %sub3A_585, %ge3A_593 : vector<16xf32>
      %lt3A_595 = arith.cmpf olt, %sub3A_585, %get3A_41 : vector<16xf32>
      %and3A_596 = arith.andi %ge3A_594, %lt3A_595 : vector<16xi1>
      %ge3A_597 = arith.constant 0.000000e+00 : f32
      %ge3A_598 = vector.broadcast %ge3A_597 : f32 to vector<16xf32>
      %ge3A_599 = arith.cmpf oge, %sub3A_588, %ge3A_598 : vector<16xf32>
      %and3A_600 = arith.andi %and3A_596, %ge3A_599 : vector<16xi1>
      %lt3A_601 = arith.cmpf olt, %sub3A_588, %get3A_45 : vector<16xf32>
      %and3A_602 = arith.andi %and3A_600, %lt3A_601 : vector<16xi1>
      %ge3A_603 = arith.constant 0.000000e+00 : f32
      %ge3A_604 = vector.broadcast %ge3A_603 : f32 to vector<16xf32>
      %ge3A_605 = arith.cmpf oge, %sub3A_591, %ge3A_604 : vector<16xf32>
      %and3A_606 = arith.andi %and3A_602, %ge3A_605 : vector<16xi1>
      %lt3A_607 = arith.cmpf olt, %sub3A_591, %get3A_49 : vector<16xf32>
      %and3A_608 = arith.andi %and3A_606, %lt3A_607 : vector<16xi1>
      %convert_element_type3A_609 = arith.fptosi %sub3A_585 : vector<16xf32> to vector<16xi32>
      %convert_element_type3A_610 = arith.fptosi %sub3A_588 : vector<16xf32> to vector<16xi32>
      %convert_element_type3A_611 = arith.fptosi %sub3A_591 : vector<16xf32> to vector<16xi32>
      %shift_left3A_612 = arith.constant 12 : i32
      %shift_left3A_613 = vector.broadcast %shift_left3A_612 : i32 to vector<16xi32>
      %shift_left3A_614 = arith.shli %convert_element_type3A_609, %shift_left3A_613 : vector<16xi32>
      %add3A_615 = arith.constant 0 : i32
      %add3A_616 = vector.broadcast %add3A_615 : i32 to vector<16xi32>
      %add3A_617 = arith.addi %add3A_616, %shift_left3A_614 : vector<16xi32>
      %shift_left3A_618 = arith.constant 6 : i32
      %shift_left3A_619 = vector.broadcast %shift_left3A_618 : i32 to vector<16xi32>
      %shift_left3A_620 = arith.shli %convert_element_type3A_610, %shift_left3A_619 : vector<16xi32>
      %add3A_621 = arith.addi %add3A_617, %shift_left3A_620 : vector<16xi32>
      %add3A_622 = arith.addi %add3A_621, %convert_element_type3A_611 : vector<16xi32>
      %jit3A_623 = arith.constant 524288 : i32
      %broadcast_in_dim3A_624 = vector.broadcast %jit3A_623 : i32 to vector<16xi32>
      %select_n3A_625 = arith.select %and3A_608, %add3A_622, %broadcast_in_dim3A_624 : vector<16xi1>, vector<16xi32>
      %swap3A_626 = arith.constant 112 : index
      %swap3A_627 = tpu.vector_load %arg9[%swap3A_626] {strides = array<i32>} : memref<128xi32, #tpu.memory_space<vmem>>, vector<16xi32>,
      tpu.vector_store %arg9[%swap3A_626], %select_n3A_625 {strides = array<i32>} : memref<128xi32, #tpu.memory_space<vmem>>, vector<16xi32>,
      "tpu.region"() ({
        %run_scoped3A = tpu.sem_alloc : memref<!tpu.dma_semaphore, #tpu.memory_space<semaphore_mem>>
        %dma_start3A = arith.constant 0 : i32
        %dma_start3A_629 = tpu.memref_slice %arg19[%dma_start3A] : memref<524304xf32, #tpu.memory_space<vmem_shared>> -> memref<524304xf32, #tpu.memory_space<vmem_shared>>
        tpu.enqueue_indirect_dma source(%arg10 : memref<128xf32, #tpu.memory_space<vmem>>) target(%dma_start3A_629 : memref<524304xf32, #tpu.memory_space<vmem_shared>>) offsets(%arg9 : memref<128xi32, #tpu.memory_space<vmem>>) semaphore(%run_scoped3A : memref<!tpu.dma_semaphore, #tpu.memory_space<semaphore_mem>>) {add = true}
        %dma_wait3A = arith.constant 0 : i32
        %dma_wait3A_630 = tpu.memref_slice %arg19[%dma_wait3A] : memref<524304xf32, #tpu.memory_space<vmem_shared>> -> memref<524304xf32, #tpu.memory_space<vmem_shared>>
        tpu.wait_indirect_dma semaphore(%run_scoped3A : memref<!tpu.dma_semaphore, #tpu.memory_space<semaphore_mem>>) src(%arg10 : memref<128xf32, #tpu.memory_space<vmem>>) dst(%dma_wait3A_630 : memref<524304xf32, #tpu.memory_space<vmem_shared>>)
        tpu.yield
      }) : () -> ()
      %scan3A_628 = arith.constant 0 : i32
      scf.yield %scan3A_628 : i32
    }
    %scan3A_73 = arith.constant 49 : i32
    %mul3A_74 = arith.constant 2 : i32
    %mul3A_75 = arith.muli %arg0, %mul3A_74 : i32
    %add3A_76 = arith.constant 1 : i32
    %add3A_77 = arith.addi %mul3A_75, %add3A_76 : i32
    %mul3A_78 = arith.constant 192 : i32
    %mul3A_79 = arith.muli %add3A_77, %mul3A_78 : i32
    %add3A_80 = arith.constant 0 : i32
    %add3A_81 = arith.addi %mul3A_79, %add3A_80 : i32
    %get3A_82 = arith.index_cast %add3A_81 : i32 to index
    %get3A_83 = tpu.vector_load %arg11[%get3A_82] {strides = array<i32>} : memref<768xf32, #tpu.memory_space<vmem>>, vector<16xf32>,
    %add3A_84 = arith.constant 16 : i32
    %add3A_85 = arith.addi %mul3A_79, %add3A_84 : i32
    %get3A_86 = arith.index_cast %add3A_85 : i32 to index
    %get3A_87 = tpu.vector_load %arg11[%get3A_86] {strides = array<i32>} : memref<768xf32, #tpu.memory_space<vmem>>, vector<16xf32>,
    %add3A_88 = arith.constant 32 : i32
    %add3A_89 = arith.addi %mul3A_79, %add3A_88 : i32
    %get3A_90 = arith.index_cast %add3A_89 : i32 to index
    %get3A_91 = tpu.vector_load %arg11[%get3A_90] {strides = array<i32>} : memref<768xf32, #tpu.memory_space<vmem>>, vector<16xf32>,
    %add3A_92 = arith.constant 48 : i32
    %add3A_93 = arith.addi %mul3A_79, %add3A_92 : i32
    %get3A_94 = arith.index_cast %add3A_93 : i32 to index
    %get3A_95 = tpu.vector_load %arg11[%get3A_94] {strides = array<i32>} : memref<768xf32, #tpu.memory_space<vmem>>, vector<16xf32>,
    %add3A_96 = arith.constant 64 : i32
    %add3A_97 = arith.addi %mul3A_79, %add3A_96 : i32
    %get3A_98 = arith.index_cast %add3A_97 : i32 to index
    %get3A_99 = tpu.vector_load %arg11[%get3A_98] {strides = array<i32>} : memref<768xf32, #tpu.memory_space<vmem>>, vector<16xf32>,
    %add3A_100 = arith.constant 80 : i32
    %add3A_101 = arith.addi %mul3A_79, %add3A_100 : i32
    %get3A_102 = arith.index_cast %add3A_101 : i32 to index
    %get3A_103 = tpu.vector_load %arg11[%get3A_102] {strides = array<i32>} : memref<768xf32, #tpu.memory_space<vmem>>, vector<16xf32>,
    %mul3A_104 = arith.constant 6272 : i32
    %mul3A_105 = arith.muli %arg1, %mul3A_104 : i32
    %add3A_106 = arith.constant 0 : i32
    %add3A_107 = arith.addi %add3A_106, %add3A_77 : i32
    %mul3A_108 = arith.constant 100352 : i32
    %mul3A_109 = arith.muli %add3A_107, %mul3A_108 : i32
    %add3A_110 = arith.addi %mul3A_109, %mul3A_105 : i32
    "tpu.region"() ({
      %run_scoped3A = tpu.sem_alloc : memref<!tpu.dma_semaphore, #tpu.memory_space<semaphore_mem>>
      %dma_start3A = tpu.memref_slice %arg3[%add3A_110] : memref<1204224xf32, #tpu.memory_space<hbm>> -> memref<6272xf32, #tpu.memory_space<hbm>>
      %dma_start3A_237 = tpu.memref_slice %arg3[%add3A_110] : memref<1204224xf32, #tpu.memory_space<hbm>> -> memref<6272xf32, #tpu.memory_space<hbm>>
      tpu.enqueue_dma source(%dma_start3A_237 : memref<6272xf32, #tpu.memory_space<hbm>>) target(%arg6 : memref<6272xf32, #tpu.memory_space<vmem>>) target_semaphore(%run_scoped3A : memref<!tpu.dma_semaphore, #tpu.memory_space<semaphore_mem>>)
      %dma_wait3A = tpu.memref_slice %arg3[%add3A_110] : memref<1204224xf32, #tpu.memory_space<hbm>> -> memref<6272xf32, #tpu.memory_space<hbm>>
      %dma_wait3A_238 = tpu.memref_slice %arg3[%add3A_110] : memref<1204224xf32, #tpu.memory_space<hbm>> -> memref<6272xf32, #tpu.memory_space<hbm>>
      tpu.wait_dma2 semaphore(%run_scoped3A : memref<!tpu.dma_semaphore, #tpu.memory_space<semaphore_mem>>) src(%dma_wait3A_238 : memref<6272xf32, #tpu.memory_space<hbm>>) dst(%arg6 : memref<6272xf32, #tpu.memory_space<vmem>>)
      tpu.yield
    }) : () -> ()
    %add3A_111 = arith.constant 4 : i32
    %add3A_112 = arith.addi %add3A_111, %add3A_77 : i32
    %mul3A_113 = arith.constant 100352 : i32
    %mul3A_114 = arith.muli %add3A_112, %mul3A_113 : i32
    %add3A_115 = arith.addi %mul3A_114, %mul3A_105 : i32
    "tpu.region"() ({
      %run_scoped3A = tpu.sem_alloc : memref<!tpu.dma_semaphore, #tpu.memory_space<semaphore_mem>>
      %dma_start3A = tpu.memref_slice %arg3[%add3A_115] : memref<1204224xf32, #tpu.memory_space<hbm>> -> memref<6272xf32, #tpu.memory_space<hbm>>
      %dma_start3A_237 = tpu.memref_slice %arg3[%add3A_115] : memref<1204224xf32, #tpu.memory_space<hbm>> -> memref<6272xf32, #tpu.memory_space<hbm>>
      tpu.enqueue_dma source(%dma_start3A_237 : memref<6272xf32, #tpu.memory_space<hbm>>) target(%arg7 : memref<6272xf32, #tpu.memory_space<vmem>>) target_semaphore(%run_scoped3A : memref<!tpu.dma_semaphore, #tpu.memory_space<semaphore_mem>>)
      %dma_wait3A = tpu.memref_slice %arg3[%add3A_115] : memref<1204224xf32, #tpu.memory_space<hbm>> -> memref<6272xf32, #tpu.memory_space<hbm>>
      %dma_wait3A_238 = tpu.memref_slice %arg3[%add3A_115] : memref<1204224xf32, #tpu.memory_space<hbm>> -> memref<6272xf32, #tpu.memory_space<hbm>>
      tpu.wait_dma2 semaphore(%run_scoped3A : memref<!tpu.dma_semaphore, #tpu.memory_space<semaphore_mem>>) src(%dma_wait3A_238 : memref<6272xf32, #tpu.memory_space<hbm>>) dst(%arg7 : memref<6272xf32, #tpu.memory_space<vmem>>)
      tpu.yield
    }) : () -> ()
    %add3A_116 = arith.constant 8 : i32
    %add3A_117 = arith.addi %add3A_116, %add3A_77 : i32
    %mul3A_118 = arith.constant 100352 : i32
    %mul3A_119 = arith.muli %add3A_117, %mul3A_118 : i32
    %add3A_120 = arith.addi %mul3A_119, %mul3A_105 : i32
    "tpu.region"() ({
      %run_scoped3A = tpu.sem_alloc : memref<!tpu.dma_semaphore, #tpu.memory_space<semaphore_mem>>
      %dma_start3A = tpu.memref_slice %arg3[%add3A_120] : memref<1204224xf32, #tpu.memory_space<hbm>> -> memref<6272xf32, #tpu.memory_space<hbm>>
      %dma_start3A_237 = tpu.memref_slice %arg3[%add3A_120] : memref<1204224xf32, #tpu.memory_space<hbm>> -> memref<6272xf32, #tpu.memory_space<hbm>>
      tpu.enqueue_dma source(%dma_start3A_237 : memref<6272xf32, #tpu.memory_space<hbm>>) target(%arg8 : memref<6272xf32, #tpu.memory_space<vmem>>) target_semaphore(%run_scoped3A : memref<!tpu.dma_semaphore, #tpu.memory_space<semaphore_mem>>)
      %dma_wait3A = tpu.memref_slice %arg3[%add3A_120] : memref<1204224xf32, #tpu.memory_space<hbm>> -> memref<6272xf32, #tpu.memory_space<hbm>>
      %dma_wait3A_238 = tpu.memref_slice %arg3[%add3A_120] : memref<1204224xf32, #tpu.memory_space<hbm>> -> memref<6272xf32, #tpu.memory_space<hbm>>
      tpu.wait_dma2 semaphore(%run_scoped3A : memref<!tpu.dma_semaphore, #tpu.memory_space<semaphore_mem>>) src(%dma_wait3A_238 : memref<6272xf32, #tpu.memory_space<hbm>>) dst(%arg8 : memref<6272xf32, #tpu.memory_space<vmem>>)
      tpu.yield
    }) : () -> ()
    %scan3A_121 = arith.constant 0 : i32
    %scan3A_122 = arith.constant 0 : i32
    %scan3A_123 = arith.constant 49 : i32
    %scan3A_124 = arith.addi %scan3A_122, %scan3A_123 : i32
    %scan3A_125 = arith.constant 1 : i32
    %scan3A_126 = scf.for %scan3A_237 = %scan3A_122 to %scan3A_124 step %scan3A_125 iter_args(%scan3A_238 = %scan3A_121) -> (i32)  : i32 {
      %mul3A_239 = arith.constant 128 : i32
      %mul3A_240 = arith.muli %scan3A_237, %mul3A_239 : i32
      %add3A_241 = arith.constant 0 : i32
      %add3A_242 = arith.addi %mul3A_240, %add3A_241 : i32
      %get3A_243 = arith.index_cast %add3A_242 : i32 to index
      %get3A_244 = tpu.vector_load %arg6[%get3A_243] {strides = array<i32>} : memref<6272xf32, #tpu.memory_space<vmem>>, vector<16xf32>,
      %sub3A_245 = arith.subf %get3A_244, %get3A_83 : vector<16xf32>
      %get3A_246 = arith.index_cast %add3A_242 : i32 to index
      %get3A_247 = tpu.vector_load %arg7[%get3A_246] {strides = array<i32>} : memref<6272xf32, #tpu.memory_space<vmem>>, vector<16xf32>,
      %sub3A_248 = arith.subf %get3A_247, %get3A_87 : vector<16xf32>
      %get3A_249 = arith.index_cast %add3A_242 : i32 to index
      %get3A_250 = tpu.vector_load %arg8[%get3A_249] {strides = array<i32>} : memref<6272xf32, #tpu.memory_space<vmem>>, vector<16xf32>,
      %sub3A_251 = arith.subf %get3A_250, %get3A_91 : vector<16xf32>
      %ge3A = arith.constant 0.000000e+00 : f32
      %ge3A_252 = vector.broadcast %ge3A : f32 to vector<16xf32>
      %ge3A_253 = arith.cmpf oge, %sub3A_245, %ge3A_252 : vector<16xf32>
      %lt3A_254 = arith.cmpf olt, %sub3A_245, %get3A_95 : vector<16xf32>
      %and3A_255 = arith.andi %ge3A_253, %lt3A_254 : vector<16xi1>
      %ge3A_256 = arith.constant 0.000000e+00 : f32
      %ge3A_257 = vector.broadcast %ge3A_256 : f32 to vector<16xf32>
      %ge3A_258 = arith.cmpf oge, %sub3A_248, %ge3A_257 : vector<16xf32>
      %and3A_259 = arith.andi %and3A_255, %ge3A_258 : vector<16xi1>
      %lt3A_260 = arith.cmpf olt, %sub3A_248, %get3A_99 : vector<16xf32>
      %and3A_261 = arith.andi %and3A_259, %lt3A_260 : vector<16xi1>
      %ge3A_262 = arith.constant 0.000000e+00 : f32
      %ge3A_263 = vector.broadcast %ge3A_262 : f32 to vector<16xf32>
      %ge3A_264 = arith.cmpf oge, %sub3A_251, %ge3A_263 : vector<16xf32>
      %and3A_265 = arith.andi %and3A_261, %ge3A_264 : vector<16xi1>
      %lt3A_266 = arith.cmpf olt, %sub3A_251, %get3A_103 : vector<16xf32>
      %and3A_267 = arith.andi %and3A_265, %lt3A_266 : vector<16xi1>
      %convert_element_type3A_268 = arith.fptosi %sub3A_245 : vector<16xf32> to vector<16xi32>
      %convert_element_type3A_269 = arith.fptosi %sub3A_248 : vector<16xf32> to vector<16xi32>
      %convert_element_type3A_270 = arith.fptosi %sub3A_251 : vector<16xf32> to vector<16xi32>
      %shift_left3A = arith.constant 12 : i32
      %shift_left3A_271 = vector.broadcast %shift_left3A : i32 to vector<16xi32>
      %shift_left3A_272 = arith.shli %convert_element_type3A_268, %shift_left3A_271 : vector<16xi32>
      %add3A_273 = arith.constant 262144 : i32
      %add3A_274 = vector.broadcast %add3A_273 : i32 to vector<16xi32>
      %add3A_275 = arith.addi %add3A_274, %shift_left3A_272 : vector<16xi32>
      %shift_left3A_276 = arith.constant 6 : i32
      %shift_left3A_277 = vector.broadcast %shift_left3A_276 : i32 to vector<16xi32>
      %shift_left3A_278 = arith.shli %convert_element_type3A_269, %shift_left3A_277 : vector<16xi32>
      %add3A_279 = arith.addi %add3A_275, %shift_left3A_278 : vector<16xi32>
      %add3A_280 = arith.addi %add3A_279, %convert_element_type3A_270 : vector<16xi32>
      %jit3A_281 = arith.constant 524288 : i32
      %broadcast_in_dim3A_282 = vector.broadcast %jit3A_281 : i32 to vector<16xi32>
      %select_n3A_283 = arith.select %and3A_267, %add3A_280, %broadcast_in_dim3A_282 : vector<16xi1>, vector<16xi32>
      %swap3A = arith.constant 0 : index
      %swap3A_284 = tpu.vector_load %arg9[%swap3A] {strides = array<i32>} : memref<128xi32, #tpu.memory_space<vmem>>, vector<16xi32>,
      tpu.vector_store %arg9[%swap3A], %select_n3A_283 {strides = array<i32>} : memref<128xi32, #tpu.memory_space<vmem>>, vector<16xi32>,
      %mul3A_285 = arith.constant 128 : i32
      %mul3A_286 = arith.muli %scan3A_237, %mul3A_285 : i32
      %add3A_287 = arith.constant 16 : i32
      %add3A_288 = arith.addi %mul3A_286, %add3A_287 : i32
      %get3A_289 = arith.index_cast %add3A_288 : i32 to index
      %get3A_290 = tpu.vector_load %arg6[%get3A_289] {strides = array<i32>} : memref<6272xf32, #tpu.memory_space<vmem>>, vector<16xf32>,
      %sub3A_291 = arith.subf %get3A_290, %get3A_83 : vector<16xf32>
      %get3A_292 = arith.index_cast %add3A_288 : i32 to index
      %get3A_293 = tpu.vector_load %arg7[%get3A_292] {strides = array<i32>} : memref<6272xf32, #tpu.memory_space<vmem>>, vector<16xf32>,
      %sub3A_294 = arith.subf %get3A_293, %get3A_87 : vector<16xf32>
      %get3A_295 = arith.index_cast %add3A_288 : i32 to index
      %get3A_296 = tpu.vector_load %arg8[%get3A_295] {strides = array<i32>} : memref<6272xf32, #tpu.memory_space<vmem>>, vector<16xf32>,
      %sub3A_297 = arith.subf %get3A_296, %get3A_91 : vector<16xf32>
      %ge3A_298 = arith.constant 0.000000e+00 : f32
      %ge3A_299 = vector.broadcast %ge3A_298 : f32 to vector<16xf32>
      %ge3A_300 = arith.cmpf oge, %sub3A_291, %ge3A_299 : vector<16xf32>
      %lt3A_301 = arith.cmpf olt, %sub3A_291, %get3A_95 : vector<16xf32>
      %and3A_302 = arith.andi %ge3A_300, %lt3A_301 : vector<16xi1>
      %ge3A_303 = arith.constant 0.000000e+00 : f32
      %ge3A_304 = vector.broadcast %ge3A_303 : f32 to vector<16xf32>
      %ge3A_305 = arith.cmpf oge, %sub3A_294, %ge3A_304 : vector<16xf32>
      %and3A_306 = arith.andi %and3A_302, %ge3A_305 : vector<16xi1>
      %lt3A_307 = arith.cmpf olt, %sub3A_294, %get3A_99 : vector<16xf32>
      %and3A_308 = arith.andi %and3A_306, %lt3A_307 : vector<16xi1>
      %ge3A_309 = arith.constant 0.000000e+00 : f32
      %ge3A_310 = vector.broadcast %ge3A_309 : f32 to vector<16xf32>
      %ge3A_311 = arith.cmpf oge, %sub3A_297, %ge3A_310 : vector<16xf32>
      %and3A_312 = arith.andi %and3A_308, %ge3A_311 : vector<16xi1>
      %lt3A_313 = arith.cmpf olt, %sub3A_297, %get3A_103 : vector<16xf32>
      %and3A_314 = arith.andi %and3A_312, %lt3A_313 : vector<16xi1>
      %convert_element_type3A_315 = arith.fptosi %sub3A_291 : vector<16xf32> to vector<16xi32>
      %convert_element_type3A_316 = arith.fptosi %sub3A_294 : vector<16xf32> to vector<16xi32>
      %convert_element_type3A_317 = arith.fptosi %sub3A_297 : vector<16xf32> to vector<16xi32>
      %shift_left3A_318 = arith.constant 12 : i32
      %shift_left3A_319 = vector.broadcast %shift_left3A_318 : i32 to vector<16xi32>
      %shift_left3A_320 = arith.shli %convert_element_type3A_315, %shift_left3A_319 : vector<16xi32>
      %add3A_321 = arith.constant 262144 : i32
      %add3A_322 = vector.broadcast %add3A_321 : i32 to vector<16xi32>
      %add3A_323 = arith.addi %add3A_322, %shift_left3A_320 : vector<16xi32>
      %shift_left3A_324 = arith.constant 6 : i32
      %shift_left3A_325 = vector.broadcast %shift_left3A_324 : i32 to vector<16xi32>
      %shift_left3A_326 = arith.shli %convert_element_type3A_316, %shift_left3A_325 : vector<16xi32>
      %add3A_327 = arith.addi %add3A_323, %shift_left3A_326 : vector<16xi32>
      %add3A_328 = arith.addi %add3A_327, %convert_element_type3A_317 : vector<16xi32>
      %jit3A_329 = arith.constant 524288 : i32
      %broadcast_in_dim3A_330 = vector.broadcast %jit3A_329 : i32 to vector<16xi32>
      %select_n3A_331 = arith.select %and3A_314, %add3A_328, %broadcast_in_dim3A_330 : vector<16xi1>, vector<16xi32>
      %swap3A_332 = arith.constant 16 : index
      %swap3A_333 = tpu.vector_load %arg9[%swap3A_332] {strides = array<i32>} : memref<128xi32, #tpu.memory_space<vmem>>, vector<16xi32>,
      tpu.vector_store %arg9[%swap3A_332], %select_n3A_331 {strides = array<i32>} : memref<128xi32, #tpu.memory_space<vmem>>, vector<16xi32>,
      %mul3A_334 = arith.constant 128 : i32
      %mul3A_335 = arith.muli %scan3A_237, %mul3A_334 : i32
      %add3A_336 = arith.constant 32 : i32
      %add3A_337 = arith.addi %mul3A_335, %add3A_336 : i32
      %get3A_338 = arith.index_cast %add3A_337 : i32 to index
      %get3A_339 = tpu.vector_load %arg6[%get3A_338] {strides = array<i32>} : memref<6272xf32, #tpu.memory_space<vmem>>, vector<16xf32>,
      %sub3A_340 = arith.subf %get3A_339, %get3A_83 : vector<16xf32>
      %get3A_341 = arith.index_cast %add3A_337 : i32 to index
      %get3A_342 = tpu.vector_load %arg7[%get3A_341] {strides = array<i32>} : memref<6272xf32, #tpu.memory_space<vmem>>, vector<16xf32>,
      %sub3A_343 = arith.subf %get3A_342, %get3A_87 : vector<16xf32>
      %get3A_344 = arith.index_cast %add3A_337 : i32 to index
      %get3A_345 = tpu.vector_load %arg8[%get3A_344] {strides = array<i32>} : memref<6272xf32, #tpu.memory_space<vmem>>, vector<16xf32>,
      %sub3A_346 = arith.subf %get3A_345, %get3A_91 : vector<16xf32>
      %ge3A_347 = arith.constant 0.000000e+00 : f32
      %ge3A_348 = vector.broadcast %ge3A_347 : f32 to vector<16xf32>
      %ge3A_349 = arith.cmpf oge, %sub3A_340, %ge3A_348 : vector<16xf32>
      %lt3A_350 = arith.cmpf olt, %sub3A_340, %get3A_95 : vector<16xf32>
      %and3A_351 = arith.andi %ge3A_349, %lt3A_350 : vector<16xi1>
      %ge3A_352 = arith.constant 0.000000e+00 : f32
      %ge3A_353 = vector.broadcast %ge3A_352 : f32 to vector<16xf32>
      %ge3A_354 = arith.cmpf oge, %sub3A_343, %ge3A_353 : vector<16xf32>
      %and3A_355 = arith.andi %and3A_351, %ge3A_354 : vector<16xi1>
      %lt3A_356 = arith.cmpf olt, %sub3A_343, %get3A_99 : vector<16xf32>
      %and3A_357 = arith.andi %and3A_355, %lt3A_356 : vector<16xi1>
      %ge3A_358 = arith.constant 0.000000e+00 : f32
      %ge3A_359 = vector.broadcast %ge3A_358 : f32 to vector<16xf32>
      %ge3A_360 = arith.cmpf oge, %sub3A_346, %ge3A_359 : vector<16xf32>
      %and3A_361 = arith.andi %and3A_357, %ge3A_360 : vector<16xi1>
      %lt3A_362 = arith.cmpf olt, %sub3A_346, %get3A_103 : vector<16xf32>
      %and3A_363 = arith.andi %and3A_361, %lt3A_362 : vector<16xi1>
      %convert_element_type3A_364 = arith.fptosi %sub3A_340 : vector<16xf32> to vector<16xi32>
      %convert_element_type3A_365 = arith.fptosi %sub3A_343 : vector<16xf32> to vector<16xi32>
      %convert_element_type3A_366 = arith.fptosi %sub3A_346 : vector<16xf32> to vector<16xi32>
      %shift_left3A_367 = arith.constant 12 : i32
      %shift_left3A_368 = vector.broadcast %shift_left3A_367 : i32 to vector<16xi32>
      %shift_left3A_369 = arith.shli %convert_element_type3A_364, %shift_left3A_368 : vector<16xi32>
      %add3A_370 = arith.constant 262144 : i32
      %add3A_371 = vector.broadcast %add3A_370 : i32 to vector<16xi32>
      %add3A_372 = arith.addi %add3A_371, %shift_left3A_369 : vector<16xi32>
      %shift_left3A_373 = arith.constant 6 : i32
      %shift_left3A_374 = vector.broadcast %shift_left3A_373 : i32 to vector<16xi32>
      %shift_left3A_375 = arith.shli %convert_element_type3A_365, %shift_left3A_374 : vector<16xi32>
      %add3A_376 = arith.addi %add3A_372, %shift_left3A_375 : vector<16xi32>
      %add3A_377 = arith.addi %add3A_376, %convert_element_type3A_366 : vector<16xi32>
      %jit3A_378 = arith.constant 524288 : i32
      %broadcast_in_dim3A_379 = vector.broadcast %jit3A_378 : i32 to vector<16xi32>
      %select_n3A_380 = arith.select %and3A_363, %add3A_377, %broadcast_in_dim3A_379 : vector<16xi1>, vector<16xi32>
      %swap3A_381 = arith.constant 32 : index
      %swap3A_382 = tpu.vector_load %arg9[%swap3A_381] {strides = array<i32>} : memref<128xi32, #tpu.memory_space<vmem>>, vector<16xi32>,
      tpu.vector_store %arg9[%swap3A_381], %select_n3A_380 {strides = array<i32>} : memref<128xi32, #tpu.memory_space<vmem>>, vector<16xi32>,
      %mul3A_383 = arith.constant 128 : i32
      %mul3A_384 = arith.muli %scan3A_237, %mul3A_383 : i32
      %add3A_385 = arith.constant 48 : i32
      %add3A_386 = arith.addi %mul3A_384, %add3A_385 : i32
      %get3A_387 = arith.index_cast %add3A_386 : i32 to index
      %get3A_388 = tpu.vector_load %arg6[%get3A_387] {strides = array<i32>} : memref<6272xf32, #tpu.memory_space<vmem>>, vector<16xf32>,
      %sub3A_389 = arith.subf %get3A_388, %get3A_83 : vector<16xf32>
      %get3A_390 = arith.index_cast %add3A_386 : i32 to index
      %get3A_391 = tpu.vector_load %arg7[%get3A_390] {strides = array<i32>} : memref<6272xf32, #tpu.memory_space<vmem>>, vector<16xf32>,
      %sub3A_392 = arith.subf %get3A_391, %get3A_87 : vector<16xf32>
      %get3A_393 = arith.index_cast %add3A_386 : i32 to index
      %get3A_394 = tpu.vector_load %arg8[%get3A_393] {strides = array<i32>} : memref<6272xf32, #tpu.memory_space<vmem>>, vector<16xf32>,
      %sub3A_395 = arith.subf %get3A_394, %get3A_91 : vector<16xf32>
      %ge3A_396 = arith.constant 0.000000e+00 : f32
      %ge3A_397 = vector.broadcast %ge3A_396 : f32 to vector<16xf32>
      %ge3A_398 = arith.cmpf oge, %sub3A_389, %ge3A_397 : vector<16xf32>
      %lt3A_399 = arith.cmpf olt, %sub3A_389, %get3A_95 : vector<16xf32>
      %and3A_400 = arith.andi %ge3A_398, %lt3A_399 : vector<16xi1>
      %ge3A_401 = arith.constant 0.000000e+00 : f32
      %ge3A_402 = vector.broadcast %ge3A_401 : f32 to vector<16xf32>
      %ge3A_403 = arith.cmpf oge, %sub3A_392, %ge3A_402 : vector<16xf32>
      %and3A_404 = arith.andi %and3A_400, %ge3A_403 : vector<16xi1>
      %lt3A_405 = arith.cmpf olt, %sub3A_392, %get3A_99 : vector<16xf32>
      %and3A_406 = arith.andi %and3A_404, %lt3A_405 : vector<16xi1>
      %ge3A_407 = arith.constant 0.000000e+00 : f32
      %ge3A_408 = vector.broadcast %ge3A_407 : f32 to vector<16xf32>
      %ge3A_409 = arith.cmpf oge, %sub3A_395, %ge3A_408 : vector<16xf32>
      %and3A_410 = arith.andi %and3A_406, %ge3A_409 : vector<16xi1>
      %lt3A_411 = arith.cmpf olt, %sub3A_395, %get3A_103 : vector<16xf32>
      %and3A_412 = arith.andi %and3A_410, %lt3A_411 : vector<16xi1>
      %convert_element_type3A_413 = arith.fptosi %sub3A_389 : vector<16xf32> to vector<16xi32>
      %convert_element_type3A_414 = arith.fptosi %sub3A_392 : vector<16xf32> to vector<16xi32>
      %convert_element_type3A_415 = arith.fptosi %sub3A_395 : vector<16xf32> to vector<16xi32>
      %shift_left3A_416 = arith.constant 12 : i32
      %shift_left3A_417 = vector.broadcast %shift_left3A_416 : i32 to vector<16xi32>
      %shift_left3A_418 = arith.shli %convert_element_type3A_413, %shift_left3A_417 : vector<16xi32>
      %add3A_419 = arith.constant 262144 : i32
      %add3A_420 = vector.broadcast %add3A_419 : i32 to vector<16xi32>
      %add3A_421 = arith.addi %add3A_420, %shift_left3A_418 : vector<16xi32>
      %shift_left3A_422 = arith.constant 6 : i32
      %shift_left3A_423 = vector.broadcast %shift_left3A_422 : i32 to vector<16xi32>
      %shift_left3A_424 = arith.shli %convert_element_type3A_414, %shift_left3A_423 : vector<16xi32>
      %add3A_425 = arith.addi %add3A_421, %shift_left3A_424 : vector<16xi32>
      %add3A_426 = arith.addi %add3A_425, %convert_element_type3A_415 : vector<16xi32>
      %jit3A_427 = arith.constant 524288 : i32
      %broadcast_in_dim3A_428 = vector.broadcast %jit3A_427 : i32 to vector<16xi32>
      %select_n3A_429 = arith.select %and3A_412, %add3A_426, %broadcast_in_dim3A_428 : vector<16xi1>, vector<16xi32>
      %swap3A_430 = arith.constant 48 : index
      %swap3A_431 = tpu.vector_load %arg9[%swap3A_430] {strides = array<i32>} : memref<128xi32, #tpu.memory_space<vmem>>, vector<16xi32>,
      tpu.vector_store %arg9[%swap3A_430], %select_n3A_429 {strides = array<i32>} : memref<128xi32, #tpu.memory_space<vmem>>, vector<16xi32>,
      %mul3A_432 = arith.constant 128 : i32
      %mul3A_433 = arith.muli %scan3A_237, %mul3A_432 : i32
      %add3A_434 = arith.constant 64 : i32
      %add3A_435 = arith.addi %mul3A_433, %add3A_434 : i32
      %get3A_436 = arith.index_cast %add3A_435 : i32 to index
      %get3A_437 = tpu.vector_load %arg6[%get3A_436] {strides = array<i32>} : memref<6272xf32, #tpu.memory_space<vmem>>, vector<16xf32>,
      %sub3A_438 = arith.subf %get3A_437, %get3A_83 : vector<16xf32>
      %get3A_439 = arith.index_cast %add3A_435 : i32 to index
      %get3A_440 = tpu.vector_load %arg7[%get3A_439] {strides = array<i32>} : memref<6272xf32, #tpu.memory_space<vmem>>, vector<16xf32>,
      %sub3A_441 = arith.subf %get3A_440, %get3A_87 : vector<16xf32>
      %get3A_442 = arith.index_cast %add3A_435 : i32 to index
      %get3A_443 = tpu.vector_load %arg8[%get3A_442] {strides = array<i32>} : memref<6272xf32, #tpu.memory_space<vmem>>, vector<16xf32>,
      %sub3A_444 = arith.subf %get3A_443, %get3A_91 : vector<16xf32>
      %ge3A_445 = arith.constant 0.000000e+00 : f32
      %ge3A_446 = vector.broadcast %ge3A_445 : f32 to vector<16xf32>
      %ge3A_447 = arith.cmpf oge, %sub3A_438, %ge3A_446 : vector<16xf32>
      %lt3A_448 = arith.cmpf olt, %sub3A_438, %get3A_95 : vector<16xf32>
      %and3A_449 = arith.andi %ge3A_447, %lt3A_448 : vector<16xi1>
      %ge3A_450 = arith.constant 0.000000e+00 : f32
      %ge3A_451 = vector.broadcast %ge3A_450 : f32 to vector<16xf32>
      %ge3A_452 = arith.cmpf oge, %sub3A_441, %ge3A_451 : vector<16xf32>
      %and3A_453 = arith.andi %and3A_449, %ge3A_452 : vector<16xi1>
      %lt3A_454 = arith.cmpf olt, %sub3A_441, %get3A_99 : vector<16xf32>
      %and3A_455 = arith.andi %and3A_453, %lt3A_454 : vector<16xi1>
      %ge3A_456 = arith.constant 0.000000e+00 : f32
      %ge3A_457 = vector.broadcast %ge3A_456 : f32 to vector<16xf32>
      %ge3A_458 = arith.cmpf oge, %sub3A_444, %ge3A_457 : vector<16xf32>
      %and3A_459 = arith.andi %and3A_455, %ge3A_458 : vector<16xi1>
      %lt3A_460 = arith.cmpf olt, %sub3A_444, %get3A_103 : vector<16xf32>
      %and3A_461 = arith.andi %and3A_459, %lt3A_460 : vector<16xi1>
      %convert_element_type3A_462 = arith.fptosi %sub3A_438 : vector<16xf32> to vector<16xi32>
      %convert_element_type3A_463 = arith.fptosi %sub3A_441 : vector<16xf32> to vector<16xi32>
      %convert_element_type3A_464 = arith.fptosi %sub3A_444 : vector<16xf32> to vector<16xi32>
      %shift_left3A_465 = arith.constant 12 : i32
      %shift_left3A_466 = vector.broadcast %shift_left3A_465 : i32 to vector<16xi32>
      %shift_left3A_467 = arith.shli %convert_element_type3A_462, %shift_left3A_466 : vector<16xi32>
      %add3A_468 = arith.constant 262144 : i32
      %add3A_469 = vector.broadcast %add3A_468 : i32 to vector<16xi32>
      %add3A_470 = arith.addi %add3A_469, %shift_left3A_467 : vector<16xi32>
      %shift_left3A_471 = arith.constant 6 : i32
      %shift_left3A_472 = vector.broadcast %shift_left3A_471 : i32 to vector<16xi32>
      %shift_left3A_473 = arith.shli %convert_element_type3A_463, %shift_left3A_472 : vector<16xi32>
      %add3A_474 = arith.addi %add3A_470, %shift_left3A_473 : vector<16xi32>
      %add3A_475 = arith.addi %add3A_474, %convert_element_type3A_464 : vector<16xi32>
      %jit3A_476 = arith.constant 524288 : i32
      %broadcast_in_dim3A_477 = vector.broadcast %jit3A_476 : i32 to vector<16xi32>
      %select_n3A_478 = arith.select %and3A_461, %add3A_475, %broadcast_in_dim3A_477 : vector<16xi1>, vector<16xi32>
      %swap3A_479 = arith.constant 64 : index
      %swap3A_480 = tpu.vector_load %arg9[%swap3A_479] {strides = array<i32>} : memref<128xi32, #tpu.memory_space<vmem>>, vector<16xi32>,
      tpu.vector_store %arg9[%swap3A_479], %select_n3A_478 {strides = array<i32>} : memref<128xi32, #tpu.memory_space<vmem>>, vector<16xi32>,
      %mul3A_481 = arith.constant 128 : i32
      %mul3A_482 = arith.muli %scan3A_237, %mul3A_481 : i32
      %add3A_483 = arith.constant 80 : i32
      %add3A_484 = arith.addi %mul3A_482, %add3A_483 : i32
      %get3A_485 = arith.index_cast %add3A_484 : i32 to index
      %get3A_486 = tpu.vector_load %arg6[%get3A_485] {strides = array<i32>} : memref<6272xf32, #tpu.memory_space<vmem>>, vector<16xf32>,
      %sub3A_487 = arith.subf %get3A_486, %get3A_83 : vector<16xf32>
      %get3A_488 = arith.index_cast %add3A_484 : i32 to index
      %get3A_489 = tpu.vector_load %arg7[%get3A_488] {strides = array<i32>} : memref<6272xf32, #tpu.memory_space<vmem>>, vector<16xf32>,
      %sub3A_490 = arith.subf %get3A_489, %get3A_87 : vector<16xf32>
      %get3A_491 = arith.index_cast %add3A_484 : i32 to index
      %get3A_492 = tpu.vector_load %arg8[%get3A_491] {strides = array<i32>} : memref<6272xf32, #tpu.memory_space<vmem>>, vector<16xf32>,
      %sub3A_493 = arith.subf %get3A_492, %get3A_91 : vector<16xf32>
      %ge3A_494 = arith.constant 0.000000e+00 : f32
      %ge3A_495 = vector.broadcast %ge3A_494 : f32 to vector<16xf32>
      %ge3A_496 = arith.cmpf oge, %sub3A_487, %ge3A_495 : vector<16xf32>
      %lt3A_497 = arith.cmpf olt, %sub3A_487, %get3A_95 : vector<16xf32>
      %and3A_498 = arith.andi %ge3A_496, %lt3A_497 : vector<16xi1>
      %ge3A_499 = arith.constant 0.000000e+00 : f32
      %ge3A_500 = vector.broadcast %ge3A_499 : f32 to vector<16xf32>
      %ge3A_501 = arith.cmpf oge, %sub3A_490, %ge3A_500 : vector<16xf32>
      %and3A_502 = arith.andi %and3A_498, %ge3A_501 : vector<16xi1>
      %lt3A_503 = arith.cmpf olt, %sub3A_490, %get3A_99 : vector<16xf32>
      %and3A_504 = arith.andi %and3A_502, %lt3A_503 : vector<16xi1>
      %ge3A_505 = arith.constant 0.000000e+00 : f32
      %ge3A_506 = vector.broadcast %ge3A_505 : f32 to vector<16xf32>
      %ge3A_507 = arith.cmpf oge, %sub3A_493, %ge3A_506 : vector<16xf32>
      %and3A_508 = arith.andi %and3A_504, %ge3A_507 : vector<16xi1>
      %lt3A_509 = arith.cmpf olt, %sub3A_493, %get3A_103 : vector<16xf32>
      %and3A_510 = arith.andi %and3A_508, %lt3A_509 : vector<16xi1>
      %convert_element_type3A_511 = arith.fptosi %sub3A_487 : vector<16xf32> to vector<16xi32>
      %convert_element_type3A_512 = arith.fptosi %sub3A_490 : vector<16xf32> to vector<16xi32>
      %convert_element_type3A_513 = arith.fptosi %sub3A_493 : vector<16xf32> to vector<16xi32>
      %shift_left3A_514 = arith.constant 12 : i32
      %shift_left3A_515 = vector.broadcast %shift_left3A_514 : i32 to vector<16xi32>
      %shift_left3A_516 = arith.shli %convert_element_type3A_511, %shift_left3A_515 : vector<16xi32>
      %add3A_517 = arith.constant 262144 : i32
      %add3A_518 = vector.broadcast %add3A_517 : i32 to vector<16xi32>
      %add3A_519 = arith.addi %add3A_518, %shift_left3A_516 : vector<16xi32>
      %shift_left3A_520 = arith.constant 6 : i32
      %shift_left3A_521 = vector.broadcast %shift_left3A_520 : i32 to vector<16xi32>
      %shift_left3A_522 = arith.shli %convert_element_type3A_512, %shift_left3A_521 : vector<16xi32>
      %add3A_523 = arith.addi %add3A_519, %shift_left3A_522 : vector<16xi32>
      %add3A_524 = arith.addi %add3A_523, %convert_element_type3A_513 : vector<16xi32>
      %jit3A_525 = arith.constant 524288 : i32
      %broadcast_in_dim3A_526 = vector.broadcast %jit3A_525 : i32 to vector<16xi32>
      %select_n3A_527 = arith.select %and3A_510, %add3A_524, %broadcast_in_dim3A_526 : vector<16xi1>, vector<16xi32>
      %swap3A_528 = arith.constant 80 : index
      %swap3A_529 = tpu.vector_load %arg9[%swap3A_528] {strides = array<i32>} : memref<128xi32, #tpu.memory_space<vmem>>, vector<16xi32>,
      tpu.vector_store %arg9[%swap3A_528], %select_n3A_527 {strides = array<i32>} : memref<128xi32, #tpu.memory_space<vmem>>, vector<16xi32>,
      %mul3A_530 = arith.constant 128 : i32
      %mul3A_531 = arith.muli %scan3A_237, %mul3A_530 : i32
      %add3A_532 = arith.constant 96 : i32
      %add3A_533 = arith.addi %mul3A_531, %add3A_532 : i32
      %get3A_534 = arith.index_cast %add3A_533 : i32 to index
      %get3A_535 = tpu.vector_load %arg6[%get3A_534] {strides = array<i32>} : memref<6272xf32, #tpu.memory_space<vmem>>, vector<16xf32>,
      %sub3A_536 = arith.subf %get3A_535, %get3A_83 : vector<16xf32>
      %get3A_537 = arith.index_cast %add3A_533 : i32 to index
      %get3A_538 = tpu.vector_load %arg7[%get3A_537] {strides = array<i32>} : memref<6272xf32, #tpu.memory_space<vmem>>, vector<16xf32>,
      %sub3A_539 = arith.subf %get3A_538, %get3A_87 : vector<16xf32>
      %get3A_540 = arith.index_cast %add3A_533 : i32 to index
      %get3A_541 = tpu.vector_load %arg8[%get3A_540] {strides = array<i32>} : memref<6272xf32, #tpu.memory_space<vmem>>, vector<16xf32>,
      %sub3A_542 = arith.subf %get3A_541, %get3A_91 : vector<16xf32>
      %ge3A_543 = arith.constant 0.000000e+00 : f32
      %ge3A_544 = vector.broadcast %ge3A_543 : f32 to vector<16xf32>
      %ge3A_545 = arith.cmpf oge, %sub3A_536, %ge3A_544 : vector<16xf32>
      %lt3A_546 = arith.cmpf olt, %sub3A_536, %get3A_95 : vector<16xf32>
      %and3A_547 = arith.andi %ge3A_545, %lt3A_546 : vector<16xi1>
      %ge3A_548 = arith.constant 0.000000e+00 : f32
      %ge3A_549 = vector.broadcast %ge3A_548 : f32 to vector<16xf32>
      %ge3A_550 = arith.cmpf oge, %sub3A_539, %ge3A_549 : vector<16xf32>
      %and3A_551 = arith.andi %and3A_547, %ge3A_550 : vector<16xi1>
      %lt3A_552 = arith.cmpf olt, %sub3A_539, %get3A_99 : vector<16xf32>
      %and3A_553 = arith.andi %and3A_551, %lt3A_552 : vector<16xi1>
      %ge3A_554 = arith.constant 0.000000e+00 : f32
      %ge3A_555 = vector.broadcast %ge3A_554 : f32 to vector<16xf32>
      %ge3A_556 = arith.cmpf oge, %sub3A_542, %ge3A_555 : vector<16xf32>
      %and3A_557 = arith.andi %and3A_553, %ge3A_556 : vector<16xi1>
      %lt3A_558 = arith.cmpf olt, %sub3A_542, %get3A_103 : vector<16xf32>
      %and3A_559 = arith.andi %and3A_557, %lt3A_558 : vector<16xi1>
      %convert_element_type3A_560 = arith.fptosi %sub3A_536 : vector<16xf32> to vector<16xi32>
      %convert_element_type3A_561 = arith.fptosi %sub3A_539 : vector<16xf32> to vector<16xi32>
      %convert_element_type3A_562 = arith.fptosi %sub3A_542 : vector<16xf32> to vector<16xi32>
      %shift_left3A_563 = arith.constant 12 : i32
      %shift_left3A_564 = vector.broadcast %shift_left3A_563 : i32 to vector<16xi32>
      %shift_left3A_565 = arith.shli %convert_element_type3A_560, %shift_left3A_564 : vector<16xi32>
      %add3A_566 = arith.constant 262144 : i32
      %add3A_567 = vector.broadcast %add3A_566 : i32 to vector<16xi32>
      %add3A_568 = arith.addi %add3A_567, %shift_left3A_565 : vector<16xi32>
      %shift_left3A_569 = arith.constant 6 : i32
      %shift_left3A_570 = vector.broadcast %shift_left3A_569 : i32 to vector<16xi32>
      %shift_left3A_571 = arith.shli %convert_element_type3A_561, %shift_left3A_570 : vector<16xi32>
      %add3A_572 = arith.addi %add3A_568, %shift_left3A_571 : vector<16xi32>
      %add3A_573 = arith.addi %add3A_572, %convert_element_type3A_562 : vector<16xi32>
      %jit3A_574 = arith.constant 524288 : i32
      %broadcast_in_dim3A_575 = vector.broadcast %jit3A_574 : i32 to vector<16xi32>
      %select_n3A_576 = arith.select %and3A_559, %add3A_573, %broadcast_in_dim3A_575 : vector<16xi1>, vector<16xi32>
      %swap3A_577 = arith.constant 96 : index
      %swap3A_578 = tpu.vector_load %arg9[%swap3A_577] {strides = array<i32>} : memref<128xi32, #tpu.memory_space<vmem>>, vector<16xi32>,
      tpu.vector_store %arg9[%swap3A_577], %select_n3A_576 {strides = array<i32>} : memref<128xi32, #tpu.memory_space<vmem>>, vector<16xi32>,
      %mul3A_579 = arith.constant 128 : i32
      %mul3A_580 = arith.muli %scan3A_237, %mul3A_579 : i32
      %add3A_581 = arith.constant 112 : i32
      %add3A_582 = arith.addi %mul3A_580, %add3A_581 : i32
      %get3A_583 = arith.index_cast %add3A_582 : i32 to index
      %get3A_584 = tpu.vector_load %arg6[%get3A_583] {strides = array<i32>} : memref<6272xf32, #tpu.memory_space<vmem>>, vector<16xf32>,
      %sub3A_585 = arith.subf %get3A_584, %get3A_83 : vector<16xf32>
      %get3A_586 = arith.index_cast %add3A_582 : i32 to index
      %get3A_587 = tpu.vector_load %arg7[%get3A_586] {strides = array<i32>} : memref<6272xf32, #tpu.memory_space<vmem>>, vector<16xf32>,
      %sub3A_588 = arith.subf %get3A_587, %get3A_87 : vector<16xf32>
      %get3A_589 = arith.index_cast %add3A_582 : i32 to index
      %get3A_590 = tpu.vector_load %arg8[%get3A_589] {strides = array<i32>} : memref<6272xf32, #tpu.memory_space<vmem>>, vector<16xf32>,
      %sub3A_591 = arith.subf %get3A_590, %get3A_91 : vector<16xf32>
      %ge3A_592 = arith.constant 0.000000e+00 : f32
      %ge3A_593 = vector.broadcast %ge3A_592 : f32 to vector<16xf32>
      %ge3A_594 = arith.cmpf oge, %sub3A_585, %ge3A_593 : vector<16xf32>
      %lt3A_595 = arith.cmpf olt, %sub3A_585, %get3A_95 : vector<16xf32>
      %and3A_596 = arith.andi %ge3A_594, %lt3A_595 : vector<16xi1>
      %ge3A_597 = arith.constant 0.000000e+00 : f32
      %ge3A_598 = vector.broadcast %ge3A_597 : f32 to vector<16xf32>
      %ge3A_599 = arith.cmpf oge, %sub3A_588, %ge3A_598 : vector<16xf32>
      %and3A_600 = arith.andi %and3A_596, %ge3A_599 : vector<16xi1>
      %lt3A_601 = arith.cmpf olt, %sub3A_588, %get3A_99 : vector<16xf32>
      %and3A_602 = arith.andi %and3A_600, %lt3A_601 : vector<16xi1>
      %ge3A_603 = arith.constant 0.000000e+00 : f32
      %ge3A_604 = vector.broadcast %ge3A_603 : f32 to vector<16xf32>
      %ge3A_605 = arith.cmpf oge, %sub3A_591, %ge3A_604 : vector<16xf32>
      %and3A_606 = arith.andi %and3A_602, %ge3A_605 : vector<16xi1>
      %lt3A_607 = arith.cmpf olt, %sub3A_591, %get3A_103 : vector<16xf32>
      %and3A_608 = arith.andi %and3A_606, %lt3A_607 : vector<16xi1>
      %convert_element_type3A_609 = arith.fptosi %sub3A_585 : vector<16xf32> to vector<16xi32>
      %convert_element_type3A_610 = arith.fptosi %sub3A_588 : vector<16xf32> to vector<16xi32>
      %convert_element_type3A_611 = arith.fptosi %sub3A_591 : vector<16xf32> to vector<16xi32>
      %shift_left3A_612 = arith.constant 12 : i32
      %shift_left3A_613 = vector.broadcast %shift_left3A_612 : i32 to vector<16xi32>
      %shift_left3A_614 = arith.shli %convert_element_type3A_609, %shift_left3A_613 : vector<16xi32>
      %add3A_615 = arith.constant 262144 : i32
      %add3A_616 = vector.broadcast %add3A_615 : i32 to vector<16xi32>
      %add3A_617 = arith.addi %add3A_616, %shift_left3A_614 : vector<16xi32>
      %shift_left3A_618 = arith.constant 6 : i32
      %shift_left3A_619 = vector.broadcast %shift_left3A_618 : i32 to vector<16xi32>
      %shift_left3A_620 = arith.shli %convert_element_type3A_610, %shift_left3A_619 : vector<16xi32>
      %add3A_621 = arith.addi %add3A_617, %shift_left3A_620 : vector<16xi32>
      %add3A_622 = arith.addi %add3A_621, %convert_element_type3A_611 : vector<16xi32>
      %jit3A_623 = arith.constant 524288 : i32
      %broadcast_in_dim3A_624 = vector.broadcast %jit3A_623 : i32 to vector<16xi32>
      %select_n3A_625 = arith.select %and3A_608, %add3A_622, %broadcast_in_dim3A_624 : vector<16xi1>, vector<16xi32>
      %swap3A_626 = arith.constant 112 : index
      %swap3A_627 = tpu.vector_load %arg9[%swap3A_626] {strides = array<i32>} : memref<128xi32, #tpu.memory_space<vmem>>, vector<16xi32>,
      tpu.vector_store %arg9[%swap3A_626], %select_n3A_625 {strides = array<i32>} : memref<128xi32, #tpu.memory_space<vmem>>, vector<16xi32>,
      "tpu.region"() ({
        %run_scoped3A = tpu.sem_alloc : memref<!tpu.dma_semaphore, #tpu.memory_space<semaphore_mem>>
        %dma_start3A = arith.constant 0 : i32
        %dma_start3A_629 = tpu.memref_slice %arg19[%dma_start3A] : memref<524304xf32, #tpu.memory_space<vmem_shared>> -> memref<524304xf32, #tpu.memory_space<vmem_shared>>
        tpu.enqueue_indirect_dma source(%arg10 : memref<128xf32, #tpu.memory_space<vmem>>) target(%dma_start3A_629 : memref<524304xf32, #tpu.memory_space<vmem_shared>>) offsets(%arg9 : memref<128xi32, #tpu.memory_space<vmem>>) semaphore(%run_scoped3A : memref<!tpu.dma_semaphore, #tpu.memory_space<semaphore_mem>>) {add = true}
        %dma_wait3A = arith.constant 0 : i32
        %dma_wait3A_630 = tpu.memref_slice %arg19[%dma_wait3A] : memref<524304xf32, #tpu.memory_space<vmem_shared>> -> memref<524304xf32, #tpu.memory_space<vmem_shared>>
        tpu.wait_indirect_dma semaphore(%run_scoped3A : memref<!tpu.dma_semaphore, #tpu.memory_space<semaphore_mem>>) src(%arg10 : memref<128xf32, #tpu.memory_space<vmem>>) dst(%dma_wait3A_630 : memref<524304xf32, #tpu.memory_space<vmem_shared>>)
        tpu.yield
      }) : () -> ()
      %scan3A_628 = arith.constant 0 : i32
      scf.yield %scan3A_628 : i32
    }
    %scan3A_127 = arith.constant 49 : i32
    %barrier3A_128 = arith.constant 0 : index
    tpu.barrier barrier_id(%barrier3A_128)
    %iota3A = tpu.iota {dimensions = array<i32: 0>} : vector<16xi32>
    %mul3A_129 = arith.constant 32 : i32
    %mul3A_130 = vector.broadcast %mul3A_129 : i32 to vector<16xi32>
    %mul3A_131 = arith.muli %iota3A, %mul3A_130 : vector<16xi32>
    %scan3A_132 = arith.constant 0 : i32
    %scan3A_133 = arith.constant 0 : i32
    %scan3A_134 = arith.constant 8 : i32
    %scan3A_135 = arith.addi %scan3A_133, %scan3A_134 : i32
    %scan3A_136 = arith.constant 1 : i32
    %scan3A_137 = scf.for %scan3A_237 = %scan3A_133 to %scan3A_135 step %scan3A_136 iter_args(%scan3A_238 = %scan3A_132) -> (i32)  : i32 {
      %mul3A_239 = arith.constant 32768 : i32
      %mul3A_240 = arith.muli %arg1, %mul3A_239 : i32
      %mul3A_241 = arith.constant 4096 : i32
      %mul3A_242 = arith.muli %scan3A_237, %mul3A_241 : i32
      %add3A_243 = arith.addi %mul3A_240, %mul3A_242 : i32
      "tpu.region"() ({
        %run_scoped3A = tpu.sem_alloc : memref<!tpu.dma_semaphore, #tpu.memory_space<semaphore_mem>>
        %dma_start3A = tpu.memref_slice %arg19[%add3A_243] : memref<524304xf32, #tpu.memory_space<vmem_shared>> -> memref<4096xf32, #tpu.memory_space<vmem_shared>>
        %dma_start3A_3606 = tpu.memref_slice %arg19[%add3A_243] : memref<524304xf32, #tpu.memory_space<vmem_shared>> -> memref<4096xf32, #tpu.memory_space<vmem_shared>>
        tpu.enqueue_dma source(%dma_start3A_3606 : memref<4096xf32, #tpu.memory_space<vmem_shared>>) target(%arg12 : memref<4096xf32, #tpu.memory_space<vmem>>) target_semaphore(%run_scoped3A : memref<!tpu.dma_semaphore, #tpu.memory_space<semaphore_mem>>)
        %dma_wait3A = tpu.memref_slice %arg19[%add3A_243] : memref<524304xf32, #tpu.memory_space<vmem_shared>> -> memref<4096xf32, #tpu.memory_space<vmem_shared>>
        %dma_wait3A_3607 = tpu.memref_slice %arg19[%add3A_243] : memref<524304xf32, #tpu.memory_space<vmem_shared>> -> memref<4096xf32, #tpu.memory_space<vmem_shared>>
        tpu.wait_dma2 semaphore(%run_scoped3A : memref<!tpu.dma_semaphore, #tpu.memory_space<semaphore_mem>>) src(%dma_wait3A_3607 : memref<4096xf32, #tpu.memory_space<vmem_shared>>) dst(%arg12 : memref<4096xf32, #tpu.memory_space<vmem>>)
        tpu.yield
      }) : () -> ()
      %broadcast_in_dim3A_244 = arith.constant 0 : i32
      %broadcast_in_dim3A_245 = vector.broadcast %broadcast_in_dim3A_244 : i32 to vector<16xi32>
      %add3A_246 = arith.constant 0 : i32
      %add3A_247 = vector.broadcast %add3A_246 : i32 to vector<16xi32>
      %add3A_248 = arith.addi %mul3A_131, %add3A_247 : vector<16xi32>
      %gather3A = tpu.vector_load_idx %arg12[%add3A_248] : memref<4096xf32, #tpu.memory_space<vmem>>[vector<16xi32>], vector<16xf32>,
      %gt3A = arith.constant 0.000000e+00 : f32
      %gt3A_249 = vector.broadcast %gt3A : f32 to vector<16xf32>
      %gt3A_250 = arith.cmpf ogt, %gather3A, %gt3A_249 : vector<16xf32>
      %jit3A_251 = arith.constant 1 : i32
      %jit3A_252 = arith.constant 0 : i32
      %broadcast_in_dim3A_253 = vector.broadcast %jit3A_251 : i32 to vector<16xi32>
      %broadcast_in_dim3A_254 = vector.broadcast %jit3A_252 : i32 to vector<16xi32>
      %select_n3A_255 = arith.select %gt3A_250, %broadcast_in_dim3A_253, %broadcast_in_dim3A_254 : vector<16xi1>, vector<16xi32>
      %or3A = arith.ori %broadcast_in_dim3A_245, %select_n3A_255 : vector<16xi32>
      %add3A_256 = arith.constant 1 : i32
      %add3A_257 = vector.broadcast %add3A_256 : i32 to vector<16xi32>
      %add3A_258 = arith.addi %mul3A_131, %add3A_257 : vector<16xi32>
      %gather3A_259 = tpu.vector_load_idx %arg12[%add3A_258] : memref<4096xf32, #tpu.memory_space<vmem>>[vector<16xi32>], vector<16xf32>,
      %gt3A_260 = arith.constant 0.000000e+00 : f32
      %gt3A_261 = vector.broadcast %gt3A_260 : f32 to vector<16xf32>
      %gt3A_262 = arith.cmpf ogt, %gather3A_259, %gt3A_261 : vector<16xf32>
      %jit3A_263 = arith.constant 2 : i32
      %jit3A_264 = arith.constant 0 : i32
      %broadcast_in_dim3A_265 = vector.broadcast %jit3A_263 : i32 to vector<16xi32>
      %broadcast_in_dim3A_266 = vector.broadcast %jit3A_264 : i32 to vector<16xi32>
      %select_n3A_267 = arith.select %gt3A_262, %broadcast_in_dim3A_265, %broadcast_in_dim3A_266 : vector<16xi1>, vector<16xi32>
      %or3A_268 = arith.ori %or3A, %select_n3A_267 : vector<16xi32>
      %add3A_269 = arith.constant 2 : i32
      %add3A_270 = vector.broadcast %add3A_269 : i32 to vector<16xi32>
      %add3A_271 = arith.addi %mul3A_131, %add3A_270 : vector<16xi32>
      %gather3A_272 = tpu.vector_load_idx %arg12[%add3A_271] : memref<4096xf32, #tpu.memory_space<vmem>>[vector<16xi32>], vector<16xf32>,
      %gt3A_273 = arith.constant 0.000000e+00 : f32
      %gt3A_274 = vector.broadcast %gt3A_273 : f32 to vector<16xf32>
      %gt3A_275 = arith.cmpf ogt, %gather3A_272, %gt3A_274 : vector<16xf32>
      %jit3A_276 = arith.constant 4 : i32
      %jit3A_277 = arith.constant 0 : i32
      %broadcast_in_dim3A_278 = vector.broadcast %jit3A_276 : i32 to vector<16xi32>
      %broadcast_in_dim3A_279 = vector.broadcast %jit3A_277 : i32 to vector<16xi32>
      %select_n3A_280 = arith.select %gt3A_275, %broadcast_in_dim3A_278, %broadcast_in_dim3A_279 : vector<16xi1>, vector<16xi32>
      %or3A_281 = arith.ori %or3A_268, %select_n3A_280 : vector<16xi32>
      %add3A_282 = arith.constant 3 : i32
      %add3A_283 = vector.broadcast %add3A_282 : i32 to vector<16xi32>
      %add3A_284 = arith.addi %mul3A_131, %add3A_283 : vector<16xi32>
      %gather3A_285 = tpu.vector_load_idx %arg12[%add3A_284] : memref<4096xf32, #tpu.memory_space<vmem>>[vector<16xi32>], vector<16xf32>,
      %gt3A_286 = arith.constant 0.000000e+00 : f32
      %gt3A_287 = vector.broadcast %gt3A_286 : f32 to vector<16xf32>
      %gt3A_288 = arith.cmpf ogt, %gather3A_285, %gt3A_287 : vector<16xf32>
      %jit3A_289 = arith.constant 8 : i32
      %jit3A_290 = arith.constant 0 : i32
      %broadcast_in_dim3A_291 = vector.broadcast %jit3A_289 : i32 to vector<16xi32>
      %broadcast_in_dim3A_292 = vector.broadcast %jit3A_290 : i32 to vector<16xi32>
      %select_n3A_293 = arith.select %gt3A_288, %broadcast_in_dim3A_291, %broadcast_in_dim3A_292 : vector<16xi1>, vector<16xi32>
      %or3A_294 = arith.ori %or3A_281, %select_n3A_293 : vector<16xi32>
      %add3A_295 = arith.constant 4 : i32
      %add3A_296 = vector.broadcast %add3A_295 : i32 to vector<16xi32>
      %add3A_297 = arith.addi %mul3A_131, %add3A_296 : vector<16xi32>
      %gather3A_298 = tpu.vector_load_idx %arg12[%add3A_297] : memref<4096xf32, #tpu.memory_space<vmem>>[vector<16xi32>], vector<16xf32>,
      %gt3A_299 = arith.constant 0.000000e+00 : f32
      %gt3A_300 = vector.broadcast %gt3A_299 : f32 to vector<16xf32>
      %gt3A_301 = arith.cmpf ogt, %gather3A_298, %gt3A_300 : vector<16xf32>
      %jit3A_302 = arith.constant 16 : i32
      %jit3A_303 = arith.constant 0 : i32
      %broadcast_in_dim3A_304 = vector.broadcast %jit3A_302 : i32 to vector<16xi32>
      %broadcast_in_dim3A_305 = vector.broadcast %jit3A_303 : i32 to vector<16xi32>
      %select_n3A_306 = arith.select %gt3A_301, %broadcast_in_dim3A_304, %broadcast_in_dim3A_305 : vector<16xi1>, vector<16xi32>
      %or3A_307 = arith.ori %or3A_294, %select_n3A_306 : vector<16xi32>
      %add3A_308 = arith.constant 5 : i32
      %add3A_309 = vector.broadcast %add3A_308 : i32 to vector<16xi32>
      %add3A_310 = arith.addi %mul3A_131, %add3A_309 : vector<16xi32>
      %gather3A_311 = tpu.vector_load_idx %arg12[%add3A_310] : memref<4096xf32, #tpu.memory_space<vmem>>[vector<16xi32>], vector<16xf32>,
      %gt3A_312 = arith.constant 0.000000e+00 : f32
      %gt3A_313 = vector.broadcast %gt3A_312 : f32 to vector<16xf32>
      %gt3A_314 = arith.cmpf ogt, %gather3A_311, %gt3A_313 : vector<16xf32>
      %jit3A_315 = arith.constant 32 : i32
      %jit3A_316 = arith.constant 0 : i32
      %broadcast_in_dim3A_317 = vector.broadcast %jit3A_315 : i32 to vector<16xi32>
      %broadcast_in_dim3A_318 = vector.broadcast %jit3A_316 : i32 to vector<16xi32>
      %select_n3A_319 = arith.select %gt3A_314, %broadcast_in_dim3A_317, %broadcast_in_dim3A_318 : vector<16xi1>, vector<16xi32>
      %or3A_320 = arith.ori %or3A_307, %select_n3A_319 : vector<16xi32>
      %add3A_321 = arith.constant 6 : i32
      %add3A_322 = vector.broadcast %add3A_321 : i32 to vector<16xi32>
      %add3A_323 = arith.addi %mul3A_131, %add3A_322 : vector<16xi32>
      %gather3A_324 = tpu.vector_load_idx %arg12[%add3A_323] : memref<4096xf32, #tpu.memory_space<vmem>>[vector<16xi32>], vector<16xf32>,
      %gt3A_325 = arith.constant 0.000000e+00 : f32
      %gt3A_326 = vector.broadcast %gt3A_325 : f32 to vector<16xf32>
      %gt3A_327 = arith.cmpf ogt, %gather3A_324, %gt3A_326 : vector<16xf32>
      %jit3A_328 = arith.constant 64 : i32
      %jit3A_329 = arith.constant 0 : i32
      %broadcast_in_dim3A_330 = vector.broadcast %jit3A_328 : i32 to vector<16xi32>
      %broadcast_in_dim3A_331 = vector.broadcast %jit3A_329 : i32 to vector<16xi32>
      %select_n3A_332 = arith.select %gt3A_327, %broadcast_in_dim3A_330, %broadcast_in_dim3A_331 : vector<16xi1>, vector<16xi32>
      %or3A_333 = arith.ori %or3A_320, %select_n3A_332 : vector<16xi32>
      %add3A_334 = arith.constant 7 : i32
      %add3A_335 = vector.broadcast %add3A_334 : i32 to vector<16xi32>
      %add3A_336 = arith.addi %mul3A_131, %add3A_335 : vector<16xi32>
      %gather3A_337 = tpu.vector_load_idx %arg12[%add3A_336] : memref<4096xf32, #tpu.memory_space<vmem>>[vector<16xi32>], vector<16xf32>,
      %gt3A_338 = arith.constant 0.000000e+00 : f32
      %gt3A_339 = vector.broadcast %gt3A_338 : f32 to vector<16xf32>
      %gt3A_340 = arith.cmpf ogt, %gather3A_337, %gt3A_339 : vector<16xf32>
      %jit3A_341 = arith.constant 128 : i32
      %jit3A_342 = arith.constant 0 : i32
      %broadcast_in_dim3A_343 = vector.broadcast %jit3A_341 : i32 to vector<16xi32>
      %broadcast_in_dim3A_344 = vector.broadcast %jit3A_342 : i32 to vector<16xi32>
      %select_n3A_345 = arith.select %gt3A_340, %broadcast_in_dim3A_343, %broadcast_in_dim3A_344 : vector<16xi1>, vector<16xi32>
      %or3A_346 = arith.ori %or3A_333, %select_n3A_345 : vector<16xi32>
      %add3A_347 = arith.constant 8 : i32
      %add3A_348 = vector.broadcast %add3A_347 : i32 to vector<16xi32>
      %add3A_349 = arith.addi %mul3A_131, %add3A_348 : vector<16xi32>
      %gather3A_350 = tpu.vector_load_idx %arg12[%add3A_349] : memref<4096xf32, #tpu.memory_space<vmem>>[vector<16xi32>], vector<16xf32>,
      %gt3A_351 = arith.constant 0.000000e+00 : f32
      %gt3A_352 = vector.broadcast %gt3A_351 : f32 to vector<16xf32>
      %gt3A_353 = arith.cmpf ogt, %gather3A_350, %gt3A_352 : vector<16xf32>
      %jit3A_354 = arith.constant 256 : i32
      %jit3A_355 = arith.constant 0 : i32
      %broadcast_in_dim3A_356 = vector.broadcast %jit3A_354 : i32 to vector<16xi32>
      %broadcast_in_dim3A_357 = vector.broadcast %jit3A_355 : i32 to vector<16xi32>
      %select_n3A_358 = arith.select %gt3A_353, %broadcast_in_dim3A_356, %broadcast_in_dim3A_357 : vector<16xi1>, vector<16xi32>
      %or3A_359 = arith.ori %or3A_346, %select_n3A_358 : vector<16xi32>
      %add3A_360 = arith.constant 9 : i32
      %add3A_361 = vector.broadcast %add3A_360 : i32 to vector<16xi32>
      %add3A_362 = arith.addi %mul3A_131, %add3A_361 : vector<16xi32>
      %gather3A_363 = tpu.vector_load_idx %arg12[%add3A_362] : memref<4096xf32, #tpu.memory_space<vmem>>[vector<16xi32>], vector<16xf32>,
      %gt3A_364 = arith.constant 0.000000e+00 : f32
      %gt3A_365 = vector.broadcast %gt3A_364 : f32 to vector<16xf32>
      %gt3A_366 = arith.cmpf ogt, %gather3A_363, %gt3A_365 : vector<16xf32>
      %jit3A_367 = arith.constant 512 : i32
      %jit3A_368 = arith.constant 0 : i32
      %broadcast_in_dim3A_369 = vector.broadcast %jit3A_367 : i32 to vector<16xi32>
      %broadcast_in_dim3A_370 = vector.broadcast %jit3A_368 : i32 to vector<16xi32>
      %select_n3A_371 = arith.select %gt3A_366, %broadcast_in_dim3A_369, %broadcast_in_dim3A_370 : vector<16xi1>, vector<16xi32>
      %or3A_372 = arith.ori %or3A_359, %select_n3A_371 : vector<16xi32>
      %add3A_373 = arith.constant 10 : i32
      %add3A_374 = vector.broadcast %add3A_373 : i32 to vector<16xi32>
      %add3A_375 = arith.addi %mul3A_131, %add3A_374 : vector<16xi32>
      %gather3A_376 = tpu.vector_load_idx %arg12[%add3A_375] : memref<4096xf32, #tpu.memory_space<vmem>>[vector<16xi32>], vector<16xf32>,
      %gt3A_377 = arith.constant 0.000000e+00 : f32
      %gt3A_378 = vector.broadcast %gt3A_377 : f32 to vector<16xf32>
      %gt3A_379 = arith.cmpf ogt, %gather3A_376, %gt3A_378 : vector<16xf32>
      %jit3A_380 = arith.constant 1024 : i32
      %jit3A_381 = arith.constant 0 : i32
      %broadcast_in_dim3A_382 = vector.broadcast %jit3A_380 : i32 to vector<16xi32>
      %broadcast_in_dim3A_383 = vector.broadcast %jit3A_381 : i32 to vector<16xi32>
      %select_n3A_384 = arith.select %gt3A_379, %broadcast_in_dim3A_382, %broadcast_in_dim3A_383 : vector<16xi1>, vector<16xi32>
      %or3A_385 = arith.ori %or3A_372, %select_n3A_384 : vector<16xi32>
      %add3A_386 = arith.constant 11 : i32
      %add3A_387 = vector.broadcast %add3A_386 : i32 to vector<16xi32>
      %add3A_388 = arith.addi %mul3A_131, %add3A_387 : vector<16xi32>
      %gather3A_389 = tpu.vector_load_idx %arg12[%add3A_388] : memref<4096xf32, #tpu.memory_space<vmem>>[vector<16xi32>], vector<16xf32>,
      %gt3A_390 = arith.constant 0.000000e+00 : f32
      %gt3A_391 = vector.broadcast %gt3A_390 : f32 to vector<16xf32>
      %gt3A_392 = arith.cmpf ogt, %gather3A_389, %gt3A_391 : vector<16xf32>
      %jit3A_393 = arith.constant 2048 : i32
      %jit3A_394 = arith.constant 0 : i32
      %broadcast_in_dim3A_395 = vector.broadcast %jit3A_393 : i32 to vector<16xi32>
      %broadcast_in_dim3A_396 = vector.broadcast %jit3A_394 : i32 to vector<16xi32>
      %select_n3A_397 = arith.select %gt3A_392, %broadcast_in_dim3A_395, %broadcast_in_dim3A_396 : vector<16xi1>, vector<16xi32>
      %or3A_398 = arith.ori %or3A_385, %select_n3A_397 : vector<16xi32>
      %add3A_399 = arith.constant 12 : i32
      %add3A_400 = vector.broadcast %add3A_399 : i32 to vector<16xi32>
      %add3A_401 = arith.addi %mul3A_131, %add3A_400 : vector<16xi32>
      %gather3A_402 = tpu.vector_load_idx %arg12[%add3A_401] : memref<4096xf32, #tpu.memory_space<vmem>>[vector<16xi32>], vector<16xf32>,
      %gt3A_403 = arith.constant 0.000000e+00 : f32
      %gt3A_404 = vector.broadcast %gt3A_403 : f32 to vector<16xf32>
      %gt3A_405 = arith.cmpf ogt, %gather3A_402, %gt3A_404 : vector<16xf32>
      %jit3A_406 = arith.constant 4096 : i32
      %jit3A_407 = arith.constant 0 : i32
      %broadcast_in_dim3A_408 = vector.broadcast %jit3A_406 : i32 to vector<16xi32>
      %broadcast_in_dim3A_409 = vector.broadcast %jit3A_407 : i32 to vector<16xi32>
      %select_n3A_410 = arith.select %gt3A_405, %broadcast_in_dim3A_408, %broadcast_in_dim3A_409 : vector<16xi1>, vector<16xi32>
      %or3A_411 = arith.ori %or3A_398, %select_n3A_410 : vector<16xi32>
      %add3A_412 = arith.constant 13 : i32
      %add3A_413 = vector.broadcast %add3A_412 : i32 to vector<16xi32>
      %add3A_414 = arith.addi %mul3A_131, %add3A_413 : vector<16xi32>
      %gather3A_415 = tpu.vector_load_idx %arg12[%add3A_414] : memref<4096xf32, #tpu.memory_space<vmem>>[vector<16xi32>], vector<16xf32>,
      %gt3A_416 = arith.constant 0.000000e+00 : f32
      %gt3A_417 = vector.broadcast %gt3A_416 : f32 to vector<16xf32>
      %gt3A_418 = arith.cmpf ogt, %gather3A_415, %gt3A_417 : vector<16xf32>
      %jit3A_419 = arith.constant 8192 : i32
      %jit3A_420 = arith.constant 0 : i32
      %broadcast_in_dim3A_421 = vector.broadcast %jit3A_419 : i32 to vector<16xi32>
      %broadcast_in_dim3A_422 = vector.broadcast %jit3A_420 : i32 to vector<16xi32>
      %select_n3A_423 = arith.select %gt3A_418, %broadcast_in_dim3A_421, %broadcast_in_dim3A_422 : vector<16xi1>, vector<16xi32>
      %or3A_424 = arith.ori %or3A_411, %select_n3A_423 : vector<16xi32>
      %add3A_425 = arith.constant 14 : i32
      %add3A_426 = vector.broadcast %add3A_425 : i32 to vector<16xi32>
      %add3A_427 = arith.addi %mul3A_131, %add3A_426 : vector<16xi32>
      %gather3A_428 = tpu.vector_load_idx %arg12[%add3A_427] : memref<4096xf32, #tpu.memory_space<vmem>>[vector<16xi32>], vector<16xf32>,
      %gt3A_429 = arith.constant 0.000000e+00 : f32
      %gt3A_430 = vector.broadcast %gt3A_429 : f32 to vector<16xf32>
      %gt3A_431 = arith.cmpf ogt, %gather3A_428, %gt3A_430 : vector<16xf32>
      %jit3A_432 = arith.constant 16384 : i32
      %jit3A_433 = arith.constant 0 : i32
      %broadcast_in_dim3A_434 = vector.broadcast %jit3A_432 : i32 to vector<16xi32>
      %broadcast_in_dim3A_435 = vector.broadcast %jit3A_433 : i32 to vector<16xi32>
      %select_n3A_436 = arith.select %gt3A_431, %broadcast_in_dim3A_434, %broadcast_in_dim3A_435 : vector<16xi1>, vector<16xi32>
      %or3A_437 = arith.ori %or3A_424, %select_n3A_436 : vector<16xi32>
      %add3A_438 = arith.constant 15 : i32
      %add3A_439 = vector.broadcast %add3A_438 : i32 to vector<16xi32>
      %add3A_440 = arith.addi %mul3A_131, %add3A_439 : vector<16xi32>
      %gather3A_441 = tpu.vector_load_idx %arg12[%add3A_440] : memref<4096xf32, #tpu.memory_space<vmem>>[vector<16xi32>], vector<16xf32>,
      %gt3A_442 = arith.constant 0.000000e+00 : f32
      %gt3A_443 = vector.broadcast %gt3A_442 : f32 to vector<16xf32>
      %gt3A_444 = arith.cmpf ogt, %gather3A_441, %gt3A_443 : vector<16xf32>
      %jit3A_445 = arith.constant 32768 : i32
      %jit3A_446 = arith.constant 0 : i32
      %broadcast_in_dim3A_447 = vector.broadcast %jit3A_445 : i32 to vector<16xi32>
      %broadcast_in_dim3A_448 = vector.broadcast %jit3A_446 : i32 to vector<16xi32>
      %select_n3A_449 = arith.select %gt3A_444, %broadcast_in_dim3A_447, %broadcast_in_dim3A_448 : vector<16xi1>, vector<16xi32>
      %or3A_450 = arith.ori %or3A_437, %select_n3A_449 : vector<16xi32>
      %add3A_451 = arith.constant 16 : i32
      %add3A_452 = vector.broadcast %add3A_451 : i32 to vector<16xi32>
      %add3A_453 = arith.addi %mul3A_131, %add3A_452 : vector<16xi32>
      %gather3A_454 = tpu.vector_load_idx %arg12[%add3A_453] : memref<4096xf32, #tpu.memory_space<vmem>>[vector<16xi32>], vector<16xf32>,
      %gt3A_455 = arith.constant 0.000000e+00 : f32
      %gt3A_456 = vector.broadcast %gt3A_455 : f32 to vector<16xf32>
      %gt3A_457 = arith.cmpf ogt, %gather3A_454, %gt3A_456 : vector<16xf32>
      %jit3A_458 = arith.constant 65536 : i32
      %jit3A_459 = arith.constant 0 : i32
      %broadcast_in_dim3A_460 = vector.broadcast %jit3A_458 : i32 to vector<16xi32>
      %broadcast_in_dim3A_461 = vector.broadcast %jit3A_459 : i32 to vector<16xi32>
      %select_n3A_462 = arith.select %gt3A_457, %broadcast_in_dim3A_460, %broadcast_in_dim3A_461 : vector<16xi1>, vector<16xi32>
      %or3A_463 = arith.ori %or3A_450, %select_n3A_462 : vector<16xi32>
      %add3A_464 = arith.constant 17 : i32
      %add3A_465 = vector.broadcast %add3A_464 : i32 to vector<16xi32>
      %add3A_466 = arith.addi %mul3A_131, %add3A_465 : vector<16xi32>
      %gather3A_467 = tpu.vector_load_idx %arg12[%add3A_466] : memref<4096xf32, #tpu.memory_space<vmem>>[vector<16xi32>], vector<16xf32>,
      %gt3A_468 = arith.constant 0.000000e+00 : f32
      %gt3A_469 = vector.broadcast %gt3A_468 : f32 to vector<16xf32>
      %gt3A_470 = arith.cmpf ogt, %gather3A_467, %gt3A_469 : vector<16xf32>
      %jit3A_471 = arith.constant 131072 : i32
      %jit3A_472 = arith.constant 0 : i32
      %broadcast_in_dim3A_473 = vector.broadcast %jit3A_471 : i32 to vector<16xi32>
      %broadcast_in_dim3A_474 = vector.broadcast %jit3A_472 : i32 to vector<16xi32>
      %select_n3A_475 = arith.select %gt3A_470, %broadcast_in_dim3A_473, %broadcast_in_dim3A_474 : vector<16xi1>, vector<16xi32>
      %or3A_476 = arith.ori %or3A_463, %select_n3A_475 : vector<16xi32>
      %add3A_477 = arith.constant 18 : i32
      %add3A_478 = vector.broadcast %add3A_477 : i32 to vector<16xi32>
      %add3A_479 = arith.addi %mul3A_131, %add3A_478 : vector<16xi32>
      %gather3A_480 = tpu.vector_load_idx %arg12[%add3A_479] : memref<4096xf32, #tpu.memory_space<vmem>>[vector<16xi32>], vector<16xf32>,
      %gt3A_481 = arith.constant 0.000000e+00 : f32
      %gt3A_482 = vector.broadcast %gt3A_481 : f32 to vector<16xf32>
      %gt3A_483 = arith.cmpf ogt, %gather3A_480, %gt3A_482 : vector<16xf32>
      %jit3A_484 = arith.constant 262144 : i32
      %jit3A_485 = arith.constant 0 : i32
      %broadcast_in_dim3A_486 = vector.broadcast %jit3A_484 : i32 to vector<16xi32>
      %broadcast_in_dim3A_487 = vector.broadcast %jit3A_485 : i32 to vector<16xi32>
      %select_n3A_488 = arith.select %gt3A_483, %broadcast_in_dim3A_486, %broadcast_in_dim3A_487 : vector<16xi1>, vector<16xi32>
      %or3A_489 = arith.ori %or3A_476, %select_n3A_488 : vector<16xi32>
      %add3A_490 = arith.constant 19 : i32
      %add3A_491 = vector.broadcast %add3A_490 : i32 to vector<16xi32>
      %add3A_492 = arith.addi %mul3A_131, %add3A_491 : vector<16xi32>
      %gather3A_493 = tpu.vector_load_idx %arg12[%add3A_492] : memref<4096xf32, #tpu.memory_space<vmem>>[vector<16xi32>], vector<16xf32>,
      %gt3A_494 = arith.constant 0.000000e+00 : f32
      %gt3A_495 = vector.broadcast %gt3A_494 : f32 to vector<16xf32>
      %gt3A_496 = arith.cmpf ogt, %gather3A_493, %gt3A_495 : vector<16xf32>
      %jit3A_497 = arith.constant 524288 : i32
      %jit3A_498 = arith.constant 0 : i32
      %broadcast_in_dim3A_499 = vector.broadcast %jit3A_497 : i32 to vector<16xi32>
      %broadcast_in_dim3A_500 = vector.broadcast %jit3A_498 : i32 to vector<16xi32>
      %select_n3A_501 = arith.select %gt3A_496, %broadcast_in_dim3A_499, %broadcast_in_dim3A_500 : vector<16xi1>, vector<16xi32>
      %or3A_502 = arith.ori %or3A_489, %select_n3A_501 : vector<16xi32>
      %add3A_503 = arith.constant 20 : i32
      %add3A_504 = vector.broadcast %add3A_503 : i32 to vector<16xi32>
      %add3A_505 = arith.addi %mul3A_131, %add3A_504 : vector<16xi32>
      %gather3A_506 = tpu.vector_load_idx %arg12[%add3A_505] : memref<4096xf32, #tpu.memory_space<vmem>>[vector<16xi32>], vector<16xf32>,
      %gt3A_507 = arith.constant 0.000000e+00 : f32
      %gt3A_508 = vector.broadcast %gt3A_507 : f32 to vector<16xf32>
      %gt3A_509 = arith.cmpf ogt, %gather3A_506, %gt3A_508 : vector<16xf32>
      %jit3A_510 = arith.constant 1048576 : i32
      %jit3A_511 = arith.constant 0 : i32
      %broadcast_in_dim3A_512 = vector.broadcast %jit3A_510 : i32 to vector<16xi32>
      %broadcast_in_dim3A_513 = vector.broadcast %jit3A_511 : i32 to vector<16xi32>
      %select_n3A_514 = arith.select %gt3A_509, %broadcast_in_dim3A_512, %broadcast_in_dim3A_513 : vector<16xi1>, vector<16xi32>
      %or3A_515 = arith.ori %or3A_502, %select_n3A_514 : vector<16xi32>
      %add3A_516 = arith.constant 21 : i32
      %add3A_517 = vector.broadcast %add3A_516 : i32 to vector<16xi32>
      %add3A_518 = arith.addi %mul3A_131, %add3A_517 : vector<16xi32>
      %gather3A_519 = tpu.vector_load_idx %arg12[%add3A_518] : memref<4096xf32, #tpu.memory_space<vmem>>[vector<16xi32>], vector<16xf32>,
      %gt3A_520 = arith.constant 0.000000e+00 : f32
      %gt3A_521 = vector.broadcast %gt3A_520 : f32 to vector<16xf32>
      %gt3A_522 = arith.cmpf ogt, %gather3A_519, %gt3A_521 : vector<16xf32>
      %jit3A_523 = arith.constant 2097152 : i32
      %jit3A_524 = arith.constant 0 : i32
      %broadcast_in_dim3A_525 = vector.broadcast %jit3A_523 : i32 to vector<16xi32>
      %broadcast_in_dim3A_526 = vector.broadcast %jit3A_524 : i32 to vector<16xi32>
      %select_n3A_527 = arith.select %gt3A_522, %broadcast_in_dim3A_525, %broadcast_in_dim3A_526 : vector<16xi1>, vector<16xi32>
      %or3A_528 = arith.ori %or3A_515, %select_n3A_527 : vector<16xi32>
      %add3A_529 = arith.constant 22 : i32
      %add3A_530 = vector.broadcast %add3A_529 : i32 to vector<16xi32>
      %add3A_531 = arith.addi %mul3A_131, %add3A_530 : vector<16xi32>
      %gather3A_532 = tpu.vector_load_idx %arg12[%add3A_531] : memref<4096xf32, #tpu.memory_space<vmem>>[vector<16xi32>], vector<16xf32>,
      %gt3A_533 = arith.constant 0.000000e+00 : f32
      %gt3A_534 = vector.broadcast %gt3A_533 : f32 to vector<16xf32>
      %gt3A_535 = arith.cmpf ogt, %gather3A_532, %gt3A_534 : vector<16xf32>
      %jit3A_536 = arith.constant 4194304 : i32
      %jit3A_537 = arith.constant 0 : i32
      %broadcast_in_dim3A_538 = vector.broadcast %jit3A_536 : i32 to vector<16xi32>
      %broadcast_in_dim3A_539 = vector.broadcast %jit3A_537 : i32 to vector<16xi32>
      %select_n3A_540 = arith.select %gt3A_535, %broadcast_in_dim3A_538, %broadcast_in_dim3A_539 : vector<16xi1>, vector<16xi32>
      %or3A_541 = arith.ori %or3A_528, %select_n3A_540 : vector<16xi32>
      %add3A_542 = arith.constant 23 : i32
      %add3A_543 = vector.broadcast %add3A_542 : i32 to vector<16xi32>
      %add3A_544 = arith.addi %mul3A_131, %add3A_543 : vector<16xi32>
      %gather3A_545 = tpu.vector_load_idx %arg12[%add3A_544] : memref<4096xf32, #tpu.memory_space<vmem>>[vector<16xi32>], vector<16xf32>,
      %gt3A_546 = arith.constant 0.000000e+00 : f32
      %gt3A_547 = vector.broadcast %gt3A_546 : f32 to vector<16xf32>
      %gt3A_548 = arith.cmpf ogt, %gather3A_545, %gt3A_547 : vector<16xf32>
      %jit3A_549 = arith.constant 8388608 : i32
      %jit3A_550 = arith.constant 0 : i32
      %broadcast_in_dim3A_551 = vector.broadcast %jit3A_549 : i32 to vector<16xi32>
      %broadcast_in_dim3A_552 = vector.broadcast %jit3A_550 : i32 to vector<16xi32>
      %select_n3A_553 = arith.select %gt3A_548, %broadcast_in_dim3A_551, %broadcast_in_dim3A_552 : vector<16xi1>, vector<16xi32>
      %or3A_554 = arith.ori %or3A_541, %select_n3A_553 : vector<16xi32>
      %add3A_555 = arith.constant 24 : i32
      %add3A_556 = vector.broadcast %add3A_555 : i32 to vector<16xi32>
      %add3A_557 = arith.addi %mul3A_131, %add3A_556 : vector<16xi32>
      %gather3A_558 = tpu.vector_load_idx %arg12[%add3A_557] : memref<4096xf32, #tpu.memory_space<vmem>>[vector<16xi32>], vector<16xf32>,
      %gt3A_559 = arith.constant 0.000000e+00 : f32
      %gt3A_560 = vector.broadcast %gt3A_559 : f32 to vector<16xf32>
      %gt3A_561 = arith.cmpf ogt, %gather3A_558, %gt3A_560 : vector<16xf32>
      %jit3A_562 = arith.constant 16777216 : i32
      %jit3A_563 = arith.constant 0 : i32
      %broadcast_in_dim3A_564 = vector.broadcast %jit3A_562 : i32 to vector<16xi32>
      %broadcast_in_dim3A_565 = vector.broadcast %jit3A_563 : i32 to vector<16xi32>
      %select_n3A_566 = arith.select %gt3A_561, %broadcast_in_dim3A_564, %broadcast_in_dim3A_565 : vector<16xi1>, vector<16xi32>
      %or3A_567 = arith.ori %or3A_554, %select_n3A_566 : vector<16xi32>
      %add3A_568 = arith.constant 25 : i32
      %add3A_569 = vector.broadcast %add3A_568 : i32 to vector<16xi32>
      %add3A_570 = arith.addi %mul3A_131, %add3A_569 : vector<16xi32>
      %gather3A_571 = tpu.vector_load_idx %arg12[%add3A_570] : memref<4096xf32, #tpu.memory_space<vmem>>[vector<16xi32>], vector<16xf32>,
      %gt3A_572 = arith.constant 0.000000e+00 : f32
      %gt3A_573 = vector.broadcast %gt3A_572 : f32 to vector<16xf32>
      %gt3A_574 = arith.cmpf ogt, %gather3A_571, %gt3A_573 : vector<16xf32>
      %jit3A_575 = arith.constant 33554432 : i32
      %jit3A_576 = arith.constant 0 : i32
      %broadcast_in_dim3A_577 = vector.broadcast %jit3A_575 : i32 to vector<16xi32>
      %broadcast_in_dim3A_578 = vector.broadcast %jit3A_576 : i32 to vector<16xi32>
      %select_n3A_579 = arith.select %gt3A_574, %broadcast_in_dim3A_577, %broadcast_in_dim3A_578 : vector<16xi1>, vector<16xi32>
      %or3A_580 = arith.ori %or3A_567, %select_n3A_579 : vector<16xi32>
      %add3A_581 = arith.constant 26 : i32
      %add3A_582 = vector.broadcast %add3A_581 : i32 to vector<16xi32>
      %add3A_583 = arith.addi %mul3A_131, %add3A_582 : vector<16xi32>
      %gather3A_584 = tpu.vector_load_idx %arg12[%add3A_583] : memref<4096xf32, #tpu.memory_space<vmem>>[vector<16xi32>], vector<16xf32>,
      %gt3A_585 = arith.constant 0.000000e+00 : f32
      %gt3A_586 = vector.broadcast %gt3A_585 : f32 to vector<16xf32>
      %gt3A_587 = arith.cmpf ogt, %gather3A_584, %gt3A_586 : vector<16xf32>
      %jit3A_588 = arith.constant 67108864 : i32
      %jit3A_589 = arith.constant 0 : i32
      %broadcast_in_dim3A_590 = vector.broadcast %jit3A_588 : i32 to vector<16xi32>
      %broadcast_in_dim3A_591 = vector.broadcast %jit3A_589 : i32 to vector<16xi32>
      %select_n3A_592 = arith.select %gt3A_587, %broadcast_in_dim3A_590, %broadcast_in_dim3A_591 : vector<16xi1>, vector<16xi32>
      %or3A_593 = arith.ori %or3A_580, %select_n3A_592 : vector<16xi32>
      %add3A_594 = arith.constant 27 : i32
      %add3A_595 = vector.broadcast %add3A_594 : i32 to vector<16xi32>
      %add3A_596 = arith.addi %mul3A_131, %add3A_595 : vector<16xi32>
      %gather3A_597 = tpu.vector_load_idx %arg12[%add3A_596] : memref<4096xf32, #tpu.memory_space<vmem>>[vector<16xi32>], vector<16xf32>,
      %gt3A_598 = arith.constant 0.000000e+00 : f32
      %gt3A_599 = vector.broadcast %gt3A_598 : f32 to vector<16xf32>
      %gt3A_600 = arith.cmpf ogt, %gather3A_597, %gt3A_599 : vector<16xf32>
      %jit3A_601 = arith.constant 134217728 : i32
      %jit3A_602 = arith.constant 0 : i32
      %broadcast_in_dim3A_603 = vector.broadcast %jit3A_601 : i32 to vector<16xi32>
      %broadcast_in_dim3A_604 = vector.broadcast %jit3A_602 : i32 to vector<16xi32>
      %select_n3A_605 = arith.select %gt3A_600, %broadcast_in_dim3A_603, %broadcast_in_dim3A_604 : vector<16xi1>, vector<16xi32>
      %or3A_606 = arith.ori %or3A_593, %select_n3A_605 : vector<16xi32>
      %add3A_607 = arith.constant 28 : i32
      %add3A_608 = vector.broadcast %add3A_607 : i32 to vector<16xi32>
      %add3A_609 = arith.addi %mul3A_131, %add3A_608 : vector<16xi32>
      %gather3A_610 = tpu.vector_load_idx %arg12[%add3A_609] : memref<4096xf32, #tpu.memory_space<vmem>>[vector<16xi32>], vector<16xf32>,
      %gt3A_611 = arith.constant 0.000000e+00 : f32
      %gt3A_612 = vector.broadcast %gt3A_611 : f32 to vector<16xf32>
      %gt3A_613 = arith.cmpf ogt, %gather3A_610, %gt3A_612 : vector<16xf32>
      %jit3A_614 = arith.constant 268435456 : i32
      %jit3A_615 = arith.constant 0 : i32
      %broadcast_in_dim3A_616 = vector.broadcast %jit3A_614 : i32 to vector<16xi32>
      %broadcast_in_dim3A_617 = vector.broadcast %jit3A_615 : i32 to vector<16xi32>
      %select_n3A_618 = arith.select %gt3A_613, %broadcast_in_dim3A_616, %broadcast_in_dim3A_617 : vector<16xi1>, vector<16xi32>
      %or3A_619 = arith.ori %or3A_606, %select_n3A_618 : vector<16xi32>
      %add3A_620 = arith.constant 29 : i32
      %add3A_621 = vector.broadcast %add3A_620 : i32 to vector<16xi32>
      %add3A_622 = arith.addi %mul3A_131, %add3A_621 : vector<16xi32>
      %gather3A_623 = tpu.vector_load_idx %arg12[%add3A_622] : memref<4096xf32, #tpu.memory_space<vmem>>[vector<16xi32>], vector<16xf32>,
      %gt3A_624 = arith.constant 0.000000e+00 : f32
      %gt3A_625 = vector.broadcast %gt3A_624 : f32 to vector<16xf32>
      %gt3A_626 = arith.cmpf ogt, %gather3A_623, %gt3A_625 : vector<16xf32>
      %jit3A_627 = arith.constant 536870912 : i32
      %jit3A_628 = arith.constant 0 : i32
      %broadcast_in_dim3A_629 = vector.broadcast %jit3A_627 : i32 to vector<16xi32>
      %broadcast_in_dim3A_630 = vector.broadcast %jit3A_628 : i32 to vector<16xi32>
      %select_n3A_631 = arith.select %gt3A_626, %broadcast_in_dim3A_629, %broadcast_in_dim3A_630 : vector<16xi1>, vector<16xi32>
      %or3A_632 = arith.ori %or3A_619, %select_n3A_631 : vector<16xi32>
      %add3A_633 = arith.constant 30 : i32
      %add3A_634 = vector.broadcast %add3A_633 : i32 to vector<16xi32>
      %add3A_635 = arith.addi %mul3A_131, %add3A_634 : vector<16xi32>
      %gather3A_636 = tpu.vector_load_idx %arg12[%add3A_635] : memref<4096xf32, #tpu.memory_space<vmem>>[vector<16xi32>], vector<16xf32>,
      %gt3A_637 = arith.constant 0.000000e+00 : f32
      %gt3A_638 = vector.broadcast %gt3A_637 : f32 to vector<16xf32>
      %gt3A_639 = arith.cmpf ogt, %gather3A_636, %gt3A_638 : vector<16xf32>
      %jit3A_640 = arith.constant 1073741824 : i32
      %jit3A_641 = arith.constant 0 : i32
      %broadcast_in_dim3A_642 = vector.broadcast %jit3A_640 : i32 to vector<16xi32>
      %broadcast_in_dim3A_643 = vector.broadcast %jit3A_641 : i32 to vector<16xi32>
      %select_n3A_644 = arith.select %gt3A_639, %broadcast_in_dim3A_642, %broadcast_in_dim3A_643 : vector<16xi1>, vector<16xi32>
      %or3A_645 = arith.ori %or3A_632, %select_n3A_644 : vector<16xi32>
      %add3A_646 = arith.constant 31 : i32
      %add3A_647 = vector.broadcast %add3A_646 : i32 to vector<16xi32>
      %add3A_648 = arith.addi %mul3A_131, %add3A_647 : vector<16xi32>
      %gather3A_649 = tpu.vector_load_idx %arg12[%add3A_648] : memref<4096xf32, #tpu.memory_space<vmem>>[vector<16xi32>], vector<16xf32>,
      %gt3A_650 = arith.constant 0.000000e+00 : f32
      %gt3A_651 = vector.broadcast %gt3A_650 : f32 to vector<16xf32>
      %gt3A_652 = arith.cmpf ogt, %gather3A_649, %gt3A_651 : vector<16xf32>
      %jit3A_653 = arith.constant -2147483648 : i32
      %jit3A_654 = arith.constant 0 : i32
      %broadcast_in_dim3A_655 = vector.broadcast %jit3A_653 : i32 to vector<16xi32>
      %broadcast_in_dim3A_656 = vector.broadcast %jit3A_654 : i32 to vector<16xi32>
      %select_n3A_657 = arith.select %gt3A_652, %broadcast_in_dim3A_655, %broadcast_in_dim3A_656 : vector<16xi1>, vector<16xi32>
      %or3A_658 = arith.ori %or3A_645, %select_n3A_657 : vector<16xi32>
      %swap3A = arith.constant 0 : index
      %swap3A_659 = tpu.vector_load %arg13[%swap3A] {strides = array<i32>} : memref<128xi32, #tpu.memory_space<vmem>>, vector<16xi32>,
      tpu.vector_store %arg13[%swap3A], %or3A_658 {strides = array<i32>} : memref<128xi32, #tpu.memory_space<vmem>>, vector<16xi32>,
      %broadcast_in_dim3A_660 = arith.constant 0 : i32
      %broadcast_in_dim3A_661 = vector.broadcast %broadcast_in_dim3A_660 : i32 to vector<16xi32>
      %add3A_662 = arith.constant 512 : i32
      %add3A_663 = vector.broadcast %add3A_662 : i32 to vector<16xi32>
      %add3A_664 = arith.addi %mul3A_131, %add3A_663 : vector<16xi32>
      %gather3A_665 = tpu.vector_load_idx %arg12[%add3A_664] : memref<4096xf32, #tpu.memory_space<vmem>>[vector<16xi32>], vector<16xf32>,
      %gt3A_666 = arith.constant 0.000000e+00 : f32
      %gt3A_667 = vector.broadcast %gt3A_666 : f32 to vector<16xf32>
      %gt3A_668 = arith.cmpf ogt, %gather3A_665, %gt3A_667 : vector<16xf32>
      %jit3A_669 = arith.constant 1 : i32
      %jit3A_670 = arith.constant 0 : i32
      %broadcast_in_dim3A_671 = vector.broadcast %jit3A_669 : i32 to vector<16xi32>
      %broadcast_in_dim3A_672 = vector.broadcast %jit3A_670 : i32 to vector<16xi32>
      %select_n3A_673 = arith.select %gt3A_668, %broadcast_in_dim3A_671, %broadcast_in_dim3A_672 : vector<16xi1>, vector<16xi32>
      %or3A_674 = arith.ori %broadcast_in_dim3A_661, %select_n3A_673 : vector<16xi32>
      %add3A_675 = arith.constant 513 : i32
      %add3A_676 = vector.broadcast %add3A_675 : i32 to vector<16xi32>
      %add3A_677 = arith.addi %mul3A_131, %add3A_676 : vector<16xi32>
      %gather3A_678 = tpu.vector_load_idx %arg12[%add3A_677] : memref<4096xf32, #tpu.memory_space<vmem>>[vector<16xi32>], vector<16xf32>,
      %gt3A_679 = arith.constant 0.000000e+00 : f32
      %gt3A_680 = vector.broadcast %gt3A_679 : f32 to vector<16xf32>
      %gt3A_681 = arith.cmpf ogt, %gather3A_678, %gt3A_680 : vector<16xf32>
      %jit3A_682 = arith.constant 2 : i32
      %jit3A_683 = arith.constant 0 : i32
      %broadcast_in_dim3A_684 = vector.broadcast %jit3A_682 : i32 to vector<16xi32>
      %broadcast_in_dim3A_685 = vector.broadcast %jit3A_683 : i32 to vector<16xi32>
      %select_n3A_686 = arith.select %gt3A_681, %broadcast_in_dim3A_684, %broadcast_in_dim3A_685 : vector<16xi1>, vector<16xi32>
      %or3A_687 = arith.ori %or3A_674, %select_n3A_686 : vector<16xi32>
      %add3A_688 = arith.constant 514 : i32
      %add3A_689 = vector.broadcast %add3A_688 : i32 to vector<16xi32>
      %add3A_690 = arith.addi %mul3A_131, %add3A_689 : vector<16xi32>
      %gather3A_691 = tpu.vector_load_idx %arg12[%add3A_690] : memref<4096xf32, #tpu.memory_space<vmem>>[vector<16xi32>], vector<16xf32>,
      %gt3A_692 = arith.constant 0.000000e+00 : f32
      %gt3A_693 = vector.broadcast %gt3A_692 : f32 to vector<16xf32>
      %gt3A_694 = arith.cmpf ogt, %gather3A_691, %gt3A_693 : vector<16xf32>
      %jit3A_695 = arith.constant 4 : i32
      %jit3A_696 = arith.constant 0 : i32
      %broadcast_in_dim3A_697 = vector.broadcast %jit3A_695 : i32 to vector<16xi32>
      %broadcast_in_dim3A_698 = vector.broadcast %jit3A_696 : i32 to vector<16xi32>
      %select_n3A_699 = arith.select %gt3A_694, %broadcast_in_dim3A_697, %broadcast_in_dim3A_698 : vector<16xi1>, vector<16xi32>
      %or3A_700 = arith.ori %or3A_687, %select_n3A_699 : vector<16xi32>
      %add3A_701 = arith.constant 515 : i32
      %add3A_702 = vector.broadcast %add3A_701 : i32 to vector<16xi32>
      %add3A_703 = arith.addi %mul3A_131, %add3A_702 : vector<16xi32>
      %gather3A_704 = tpu.vector_load_idx %arg12[%add3A_703] : memref<4096xf32, #tpu.memory_space<vmem>>[vector<16xi32>], vector<16xf32>,
      %gt3A_705 = arith.constant 0.000000e+00 : f32
      %gt3A_706 = vector.broadcast %gt3A_705 : f32 to vector<16xf32>
      %gt3A_707 = arith.cmpf ogt, %gather3A_704, %gt3A_706 : vector<16xf32>
      %jit3A_708 = arith.constant 8 : i32
      %jit3A_709 = arith.constant 0 : i32
      %broadcast_in_dim3A_710 = vector.broadcast %jit3A_708 : i32 to vector<16xi32>
      %broadcast_in_dim3A_711 = vector.broadcast %jit3A_709 : i32 to vector<16xi32>
      %select_n3A_712 = arith.select %gt3A_707, %broadcast_in_dim3A_710, %broadcast_in_dim3A_711 : vector<16xi1>, vector<16xi32>
      %or3A_713 = arith.ori %or3A_700, %select_n3A_712 : vector<16xi32>
      %add3A_714 = arith.constant 516 : i32
      %add3A_715 = vector.broadcast %add3A_714 : i32 to vector<16xi32>
      %add3A_716 = arith.addi %mul3A_131, %add3A_715 : vector<16xi32>
      %gather3A_717 = tpu.vector_load_idx %arg12[%add3A_716] : memref<4096xf32, #tpu.memory_space<vmem>>[vector<16xi32>], vector<16xf32>,
      %gt3A_718 = arith.constant 0.000000e+00 : f32
      %gt3A_719 = vector.broadcast %gt3A_718 : f32 to vector<16xf32>
      %gt3A_720 = arith.cmpf ogt, %gather3A_717, %gt3A_719 : vector<16xf32>
      %jit3A_721 = arith.constant 16 : i32
      %jit3A_722 = arith.constant 0 : i32
      %broadcast_in_dim3A_723 = vector.broadcast %jit3A_721 : i32 to vector<16xi32>
      %broadcast_in_dim3A_724 = vector.broadcast %jit3A_722 : i32 to vector<16xi32>
      %select_n3A_725 = arith.select %gt3A_720, %broadcast_in_dim3A_723, %broadcast_in_dim3A_724 : vector<16xi1>, vector<16xi32>
      %or3A_726 = arith.ori %or3A_713, %select_n3A_725 : vector<16xi32>
      %add3A_727 = arith.constant 517 : i32
      %add3A_728 = vector.broadcast %add3A_727 : i32 to vector<16xi32>
      %add3A_729 = arith.addi %mul3A_131, %add3A_728 : vector<16xi32>
      %gather3A_730 = tpu.vector_load_idx %arg12[%add3A_729] : memref<4096xf32, #tpu.memory_space<vmem>>[vector<16xi32>], vector<16xf32>,
      %gt3A_731 = arith.constant 0.000000e+00 : f32
      %gt3A_732 = vector.broadcast %gt3A_731 : f32 to vector<16xf32>
      %gt3A_733 = arith.cmpf ogt, %gather3A_730, %gt3A_732 : vector<16xf32>
      %jit3A_734 = arith.constant 32 : i32
      %jit3A_735 = arith.constant 0 : i32
      %broadcast_in_dim3A_736 = vector.broadcast %jit3A_734 : i32 to vector<16xi32>
      %broadcast_in_dim3A_737 = vector.broadcast %jit3A_735 : i32 to vector<16xi32>
      %select_n3A_738 = arith.select %gt3A_733, %broadcast_in_dim3A_736, %broadcast_in_dim3A_737 : vector<16xi1>, vector<16xi32>
      %or3A_739 = arith.ori %or3A_726, %select_n3A_738 : vector<16xi32>
      %add3A_740 = arith.constant 518 : i32
      %add3A_741 = vector.broadcast %add3A_740 : i32 to vector<16xi32>
      %add3A_742 = arith.addi %mul3A_131, %add3A_741 : vector<16xi32>
      %gather3A_743 = tpu.vector_load_idx %arg12[%add3A_742] : memref<4096xf32, #tpu.memory_space<vmem>>[vector<16xi32>], vector<16xf32>,
      %gt3A_744 = arith.constant 0.000000e+00 : f32
      %gt3A_745 = vector.broadcast %gt3A_744 : f32 to vector<16xf32>
      %gt3A_746 = arith.cmpf ogt, %gather3A_743, %gt3A_745 : vector<16xf32>
      %jit3A_747 = arith.constant 64 : i32
      %jit3A_748 = arith.constant 0 : i32
      %broadcast_in_dim3A_749 = vector.broadcast %jit3A_747 : i32 to vector<16xi32>
      %broadcast_in_dim3A_750 = vector.broadcast %jit3A_748 : i32 to vector<16xi32>
      %select_n3A_751 = arith.select %gt3A_746, %broadcast_in_dim3A_749, %broadcast_in_dim3A_750 : vector<16xi1>, vector<16xi32>
      %or3A_752 = arith.ori %or3A_739, %select_n3A_751 : vector<16xi32>
      %add3A_753 = arith.constant 519 : i32
      %add3A_754 = vector.broadcast %add3A_753 : i32 to vector<16xi32>
      %add3A_755 = arith.addi %mul3A_131, %add3A_754 : vector<16xi32>
      %gather3A_756 = tpu.vector_load_idx %arg12[%add3A_755] : memref<4096xf32, #tpu.memory_space<vmem>>[vector<16xi32>], vector<16xf32>,
      %gt3A_757 = arith.constant 0.000000e+00 : f32
      %gt3A_758 = vector.broadcast %gt3A_757 : f32 to vector<16xf32>
      %gt3A_759 = arith.cmpf ogt, %gather3A_756, %gt3A_758 : vector<16xf32>
      %jit3A_760 = arith.constant 128 : i32
      %jit3A_761 = arith.constant 0 : i32
      %broadcast_in_dim3A_762 = vector.broadcast %jit3A_760 : i32 to vector<16xi32>
      %broadcast_in_dim3A_763 = vector.broadcast %jit3A_761 : i32 to vector<16xi32>
      %select_n3A_764 = arith.select %gt3A_759, %broadcast_in_dim3A_762, %broadcast_in_dim3A_763 : vector<16xi1>, vector<16xi32>
      %or3A_765 = arith.ori %or3A_752, %select_n3A_764 : vector<16xi32>
      %add3A_766 = arith.constant 520 : i32
      %add3A_767 = vector.broadcast %add3A_766 : i32 to vector<16xi32>
      %add3A_768 = arith.addi %mul3A_131, %add3A_767 : vector<16xi32>
      %gather3A_769 = tpu.vector_load_idx %arg12[%add3A_768] : memref<4096xf32, #tpu.memory_space<vmem>>[vector<16xi32>], vector<16xf32>,
      %gt3A_770 = arith.constant 0.000000e+00 : f32
      %gt3A_771 = vector.broadcast %gt3A_770 : f32 to vector<16xf32>
      %gt3A_772 = arith.cmpf ogt, %gather3A_769, %gt3A_771 : vector<16xf32>
      %jit3A_773 = arith.constant 256 : i32
      %jit3A_774 = arith.constant 0 : i32
      %broadcast_in_dim3A_775 = vector.broadcast %jit3A_773 : i32 to vector<16xi32>
      %broadcast_in_dim3A_776 = vector.broadcast %jit3A_774 : i32 to vector<16xi32>
      %select_n3A_777 = arith.select %gt3A_772, %broadcast_in_dim3A_775, %broadcast_in_dim3A_776 : vector<16xi1>, vector<16xi32>
      %or3A_778 = arith.ori %or3A_765, %select_n3A_777 : vector<16xi32>
      %add3A_779 = arith.constant 521 : i32
      %add3A_780 = vector.broadcast %add3A_779 : i32 to vector<16xi32>
      %add3A_781 = arith.addi %mul3A_131, %add3A_780 : vector<16xi32>
      %gather3A_782 = tpu.vector_load_idx %arg12[%add3A_781] : memref<4096xf32, #tpu.memory_space<vmem>>[vector<16xi32>], vector<16xf32>,
      %gt3A_783 = arith.constant 0.000000e+00 : f32
      %gt3A_784 = vector.broadcast %gt3A_783 : f32 to vector<16xf32>
      %gt3A_785 = arith.cmpf ogt, %gather3A_782, %gt3A_784 : vector<16xf32>
      %jit3A_786 = arith.constant 512 : i32
      %jit3A_787 = arith.constant 0 : i32
      %broadcast_in_dim3A_788 = vector.broadcast %jit3A_786 : i32 to vector<16xi32>
      %broadcast_in_dim3A_789 = vector.broadcast %jit3A_787 : i32 to vector<16xi32>
      %select_n3A_790 = arith.select %gt3A_785, %broadcast_in_dim3A_788, %broadcast_in_dim3A_789 : vector<16xi1>, vector<16xi32>
      %or3A_791 = arith.ori %or3A_778, %select_n3A_790 : vector<16xi32>
      %add3A_792 = arith.constant 522 : i32
      %add3A_793 = vector.broadcast %add3A_792 : i32 to vector<16xi32>
      %add3A_794 = arith.addi %mul3A_131, %add3A_793 : vector<16xi32>
      %gather3A_795 = tpu.vector_load_idx %arg12[%add3A_794] : memref<4096xf32, #tpu.memory_space<vmem>>[vector<16xi32>], vector<16xf32>,
      %gt3A_796 = arith.constant 0.000000e+00 : f32
      %gt3A_797 = vector.broadcast %gt3A_796 : f32 to vector<16xf32>
      %gt3A_798 = arith.cmpf ogt, %gather3A_795, %gt3A_797 : vector<16xf32>
      %jit3A_799 = arith.constant 1024 : i32
      %jit3A_800 = arith.constant 0 : i32
      %broadcast_in_dim3A_801 = vector.broadcast %jit3A_799 : i32 to vector<16xi32>
      %broadcast_in_dim3A_802 = vector.broadcast %jit3A_800 : i32 to vector<16xi32>
      %select_n3A_803 = arith.select %gt3A_798, %broadcast_in_dim3A_801, %broadcast_in_dim3A_802 : vector<16xi1>, vector<16xi32>
      %or3A_804 = arith.ori %or3A_791, %select_n3A_803 : vector<16xi32>
      %add3A_805 = arith.constant 523 : i32
      %add3A_806 = vector.broadcast %add3A_805 : i32 to vector<16xi32>
      %add3A_807 = arith.addi %mul3A_131, %add3A_806 : vector<16xi32>
      %gather3A_808 = tpu.vector_load_idx %arg12[%add3A_807] : memref<4096xf32, #tpu.memory_space<vmem>>[vector<16xi32>], vector<16xf32>,
      %gt3A_809 = arith.constant 0.000000e+00 : f32
      %gt3A_810 = vector.broadcast %gt3A_809 : f32 to vector<16xf32>
      %gt3A_811 = arith.cmpf ogt, %gather3A_808, %gt3A_810 : vector<16xf32>
      %jit3A_812 = arith.constant 2048 : i32
      %jit3A_813 = arith.constant 0 : i32
      %broadcast_in_dim3A_814 = vector.broadcast %jit3A_812 : i32 to vector<16xi32>
      %broadcast_in_dim3A_815 = vector.broadcast %jit3A_813 : i32 to vector<16xi32>
      %select_n3A_816 = arith.select %gt3A_811, %broadcast_in_dim3A_814, %broadcast_in_dim3A_815 : vector<16xi1>, vector<16xi32>
      %or3A_817 = arith.ori %or3A_804, %select_n3A_816 : vector<16xi32>
      %add3A_818 = arith.constant 524 : i32
      %add3A_819 = vector.broadcast %add3A_818 : i32 to vector<16xi32>
      %add3A_820 = arith.addi %mul3A_131, %add3A_819 : vector<16xi32>
      %gather3A_821 = tpu.vector_load_idx %arg12[%add3A_820] : memref<4096xf32, #tpu.memory_space<vmem>>[vector<16xi32>], vector<16xf32>,
      %gt3A_822 = arith.constant 0.000000e+00 : f32
      %gt3A_823 = vector.broadcast %gt3A_822 : f32 to vector<16xf32>
      %gt3A_824 = arith.cmpf ogt, %gather3A_821, %gt3A_823 : vector<16xf32>
      %jit3A_825 = arith.constant 4096 : i32
      %jit3A_826 = arith.constant 0 : i32
      %broadcast_in_dim3A_827 = vector.broadcast %jit3A_825 : i32 to vector<16xi32>
      %broadcast_in_dim3A_828 = vector.broadcast %jit3A_826 : i32 to vector<16xi32>
      %select_n3A_829 = arith.select %gt3A_824, %broadcast_in_dim3A_827, %broadcast_in_dim3A_828 : vector<16xi1>, vector<16xi32>
      %or3A_830 = arith.ori %or3A_817, %select_n3A_829 : vector<16xi32>
      %add3A_831 = arith.constant 525 : i32
      %add3A_832 = vector.broadcast %add3A_831 : i32 to vector<16xi32>
      %add3A_833 = arith.addi %mul3A_131, %add3A_832 : vector<16xi32>
      %gather3A_834 = tpu.vector_load_idx %arg12[%add3A_833] : memref<4096xf32, #tpu.memory_space<vmem>>[vector<16xi32>], vector<16xf32>,
      %gt3A_835 = arith.constant 0.000000e+00 : f32
      %gt3A_836 = vector.broadcast %gt3A_835 : f32 to vector<16xf32>
      %gt3A_837 = arith.cmpf ogt, %gather3A_834, %gt3A_836 : vector<16xf32>
      %jit3A_838 = arith.constant 8192 : i32
      %jit3A_839 = arith.constant 0 : i32
      %broadcast_in_dim3A_840 = vector.broadcast %jit3A_838 : i32 to vector<16xi32>
      %broadcast_in_dim3A_841 = vector.broadcast %jit3A_839 : i32 to vector<16xi32>
      %select_n3A_842 = arith.select %gt3A_837, %broadcast_in_dim3A_840, %broadcast_in_dim3A_841 : vector<16xi1>, vector<16xi32>
      %or3A_843 = arith.ori %or3A_830, %select_n3A_842 : vector<16xi32>
      %add3A_844 = arith.constant 526 : i32
      %add3A_845 = vector.broadcast %add3A_844 : i32 to vector<16xi32>
      %add3A_846 = arith.addi %mul3A_131, %add3A_845 : vector<16xi32>
      %gather3A_847 = tpu.vector_load_idx %arg12[%add3A_846] : memref<4096xf32, #tpu.memory_space<vmem>>[vector<16xi32>], vector<16xf32>,
      %gt3A_848 = arith.constant 0.000000e+00 : f32
      %gt3A_849 = vector.broadcast %gt3A_848 : f32 to vector<16xf32>
      %gt3A_850 = arith.cmpf ogt, %gather3A_847, %gt3A_849 : vector<16xf32>
      %jit3A_851 = arith.constant 16384 : i32
      %jit3A_852 = arith.constant 0 : i32
      %broadcast_in_dim3A_853 = vector.broadcast %jit3A_851 : i32 to vector<16xi32>
      %broadcast_in_dim3A_854 = vector.broadcast %jit3A_852 : i32 to vector<16xi32>
      %select_n3A_855 = arith.select %gt3A_850, %broadcast_in_dim3A_853, %broadcast_in_dim3A_854 : vector<16xi1>, vector<16xi32>
      %or3A_856 = arith.ori %or3A_843, %select_n3A_855 : vector<16xi32>
      %add3A_857 = arith.constant 527 : i32
      %add3A_858 = vector.broadcast %add3A_857 : i32 to vector<16xi32>
      %add3A_859 = arith.addi %mul3A_131, %add3A_858 : vector<16xi32>
      %gather3A_860 = tpu.vector_load_idx %arg12[%add3A_859] : memref<4096xf32, #tpu.memory_space<vmem>>[vector<16xi32>], vector<16xf32>,
      %gt3A_861 = arith.constant 0.000000e+00 : f32
      %gt3A_862 = vector.broadcast %gt3A_861 : f32 to vector<16xf32>
      %gt3A_863 = arith.cmpf ogt, %gather3A_860, %gt3A_862 : vector<16xf32>
      %jit3A_864 = arith.constant 32768 : i32
      %jit3A_865 = arith.constant 0 : i32
      %broadcast_in_dim3A_866 = vector.broadcast %jit3A_864 : i32 to vector<16xi32>
      %broadcast_in_dim3A_867 = vector.broadcast %jit3A_865 : i32 to vector<16xi32>
      %select_n3A_868 = arith.select %gt3A_863, %broadcast_in_dim3A_866, %broadcast_in_dim3A_867 : vector<16xi1>, vector<16xi32>
      %or3A_869 = arith.ori %or3A_856, %select_n3A_868 : vector<16xi32>
      %add3A_870 = arith.constant 528 : i32
      %add3A_871 = vector.broadcast %add3A_870 : i32 to vector<16xi32>
      %add3A_872 = arith.addi %mul3A_131, %add3A_871 : vector<16xi32>
      %gather3A_873 = tpu.vector_load_idx %arg12[%add3A_872] : memref<4096xf32, #tpu.memory_space<vmem>>[vector<16xi32>], vector<16xf32>,
      %gt3A_874 = arith.constant 0.000000e+00 : f32
      %gt3A_875 = vector.broadcast %gt3A_874 : f32 to vector<16xf32>
      %gt3A_876 = arith.cmpf ogt, %gather3A_873, %gt3A_875 : vector<16xf32>
      %jit3A_877 = arith.constant 65536 : i32
      %jit3A_878 = arith.constant 0 : i32
      %broadcast_in_dim3A_879 = vector.broadcast %jit3A_877 : i32 to vector<16xi32>
      %broadcast_in_dim3A_880 = vector.broadcast %jit3A_878 : i32 to vector<16xi32>
      %select_n3A_881 = arith.select %gt3A_876, %broadcast_in_dim3A_879, %broadcast_in_dim3A_880 : vector<16xi1>, vector<16xi32>
      %or3A_882 = arith.ori %or3A_869, %select_n3A_881 : vector<16xi32>
      %add3A_883 = arith.constant 529 : i32
      %add3A_884 = vector.broadcast %add3A_883 : i32 to vector<16xi32>
      %add3A_885 = arith.addi %mul3A_131, %add3A_884 : vector<16xi32>
      %gather3A_886 = tpu.vector_load_idx %arg12[%add3A_885] : memref<4096xf32, #tpu.memory_space<vmem>>[vector<16xi32>], vector<16xf32>,
      %gt3A_887 = arith.constant 0.000000e+00 : f32
      %gt3A_888 = vector.broadcast %gt3A_887 : f32 to vector<16xf32>
      %gt3A_889 = arith.cmpf ogt, %gather3A_886, %gt3A_888 : vector<16xf32>
      %jit3A_890 = arith.constant 131072 : i32
      %jit3A_891 = arith.constant 0 : i32
      %broadcast_in_dim3A_892 = vector.broadcast %jit3A_890 : i32 to vector<16xi32>
      %broadcast_in_dim3A_893 = vector.broadcast %jit3A_891 : i32 to vector<16xi32>
      %select_n3A_894 = arith.select %gt3A_889, %broadcast_in_dim3A_892, %broadcast_in_dim3A_893 : vector<16xi1>, vector<16xi32>
      %or3A_895 = arith.ori %or3A_882, %select_n3A_894 : vector<16xi32>
      %add3A_896 = arith.constant 530 : i32
      %add3A_897 = vector.broadcast %add3A_896 : i32 to vector<16xi32>
      %add3A_898 = arith.addi %mul3A_131, %add3A_897 : vector<16xi32>
      %gather3A_899 = tpu.vector_load_idx %arg12[%add3A_898] : memref<4096xf32, #tpu.memory_space<vmem>>[vector<16xi32>], vector<16xf32>,
      %gt3A_900 = arith.constant 0.000000e+00 : f32
      %gt3A_901 = vector.broadcast %gt3A_900 : f32 to vector<16xf32>
      %gt3A_902 = arith.cmpf ogt, %gather3A_899, %gt3A_901 : vector<16xf32>
      %jit3A_903 = arith.constant 262144 : i32
      %jit3A_904 = arith.constant 0 : i32
      %broadcast_in_dim3A_905 = vector.broadcast %jit3A_903 : i32 to vector<16xi32>
      %broadcast_in_dim3A_906 = vector.broadcast %jit3A_904 : i32 to vector<16xi32>
      %select_n3A_907 = arith.select %gt3A_902, %broadcast_in_dim3A_905, %broadcast_in_dim3A_906 : vector<16xi1>, vector<16xi32>
      %or3A_908 = arith.ori %or3A_895, %select_n3A_907 : vector<16xi32>
      %add3A_909 = arith.constant 531 : i32
      %add3A_910 = vector.broadcast %add3A_909 : i32 to vector<16xi32>
      %add3A_911 = arith.addi %mul3A_131, %add3A_910 : vector<16xi32>
      %gather3A_912 = tpu.vector_load_idx %arg12[%add3A_911] : memref<4096xf32, #tpu.memory_space<vmem>>[vector<16xi32>], vector<16xf32>,
      %gt3A_913 = arith.constant 0.000000e+00 : f32
      %gt3A_914 = vector.broadcast %gt3A_913 : f32 to vector<16xf32>
      %gt3A_915 = arith.cmpf ogt, %gather3A_912, %gt3A_914 : vector<16xf32>
      %jit3A_916 = arith.constant 524288 : i32
      %jit3A_917 = arith.constant 0 : i32
      %broadcast_in_dim3A_918 = vector.broadcast %jit3A_916 : i32 to vector<16xi32>
      %broadcast_in_dim3A_919 = vector.broadcast %jit3A_917 : i32 to vector<16xi32>
      %select_n3A_920 = arith.select %gt3A_915, %broadcast_in_dim3A_918, %broadcast_in_dim3A_919 : vector<16xi1>, vector<16xi32>
      %or3A_921 = arith.ori %or3A_908, %select_n3A_920 : vector<16xi32>
      %add3A_922 = arith.constant 532 : i32
      %add3A_923 = vector.broadcast %add3A_922 : i32 to vector<16xi32>
      %add3A_924 = arith.addi %mul3A_131, %add3A_923 : vector<16xi32>
      %gather3A_925 = tpu.vector_load_idx %arg12[%add3A_924] : memref<4096xf32, #tpu.memory_space<vmem>>[vector<16xi32>], vector<16xf32>,
      %gt3A_926 = arith.constant 0.000000e+00 : f32
      %gt3A_927 = vector.broadcast %gt3A_926 : f32 to vector<16xf32>
      %gt3A_928 = arith.cmpf ogt, %gather3A_925, %gt3A_927 : vector<16xf32>
      %jit3A_929 = arith.constant 1048576 : i32
      %jit3A_930 = arith.constant 0 : i32
      %broadcast_in_dim3A_931 = vector.broadcast %jit3A_929 : i32 to vector<16xi32>
      %broadcast_in_dim3A_932 = vector.broadcast %jit3A_930 : i32 to vector<16xi32>
      %select_n3A_933 = arith.select %gt3A_928, %broadcast_in_dim3A_931, %broadcast_in_dim3A_932 : vector<16xi1>, vector<16xi32>
      %or3A_934 = arith.ori %or3A_921, %select_n3A_933 : vector<16xi32>
      %add3A_935 = arith.constant 533 : i32
      %add3A_936 = vector.broadcast %add3A_935 : i32 to vector<16xi32>
      %add3A_937 = arith.addi %mul3A_131, %add3A_936 : vector<16xi32>
      %gather3A_938 = tpu.vector_load_idx %arg12[%add3A_937] : memref<4096xf32, #tpu.memory_space<vmem>>[vector<16xi32>], vector<16xf32>,
      %gt3A_939 = arith.constant 0.000000e+00 : f32
      %gt3A_940 = vector.broadcast %gt3A_939 : f32 to vector<16xf32>
      %gt3A_941 = arith.cmpf ogt, %gather3A_938, %gt3A_940 : vector<16xf32>
      %jit3A_942 = arith.constant 2097152 : i32
      %jit3A_943 = arith.constant 0 : i32
      %broadcast_in_dim3A_944 = vector.broadcast %jit3A_942 : i32 to vector<16xi32>
      %broadcast_in_dim3A_945 = vector.broadcast %jit3A_943 : i32 to vector<16xi32>
      %select_n3A_946 = arith.select %gt3A_941, %broadcast_in_dim3A_944, %broadcast_in_dim3A_945 : vector<16xi1>, vector<16xi32>
      %or3A_947 = arith.ori %or3A_934, %select_n3A_946 : vector<16xi32>
      %add3A_948 = arith.constant 534 : i32
      %add3A_949 = vector.broadcast %add3A_948 : i32 to vector<16xi32>
      %add3A_950 = arith.addi %mul3A_131, %add3A_949 : vector<16xi32>
      %gather3A_951 = tpu.vector_load_idx %arg12[%add3A_950] : memref<4096xf32, #tpu.memory_space<vmem>>[vector<16xi32>], vector<16xf32>,
      %gt3A_952 = arith.constant 0.000000e+00 : f32
      %gt3A_953 = vector.broadcast %gt3A_952 : f32 to vector<16xf32>
      %gt3A_954 = arith.cmpf ogt, %gather3A_951, %gt3A_953 : vector<16xf32>
      %jit3A_955 = arith.constant 4194304 : i32
      %jit3A_956 = arith.constant 0 : i32
      %broadcast_in_dim3A_957 = vector.broadcast %jit3A_955 : i32 to vector<16xi32>
      %broadcast_in_dim3A_958 = vector.broadcast %jit3A_956 : i32 to vector<16xi32>
      %select_n3A_959 = arith.select %gt3A_954, %broadcast_in_dim3A_957, %broadcast_in_dim3A_958 : vector<16xi1>, vector<16xi32>
      %or3A_960 = arith.ori %or3A_947, %select_n3A_959 : vector<16xi32>
      %add3A_961 = arith.constant 535 : i32
      %add3A_962 = vector.broadcast %add3A_961 : i32 to vector<16xi32>
      %add3A_963 = arith.addi %mul3A_131, %add3A_962 : vector<16xi32>
      %gather3A_964 = tpu.vector_load_idx %arg12[%add3A_963] : memref<4096xf32, #tpu.memory_space<vmem>>[vector<16xi32>], vector<16xf32>,
      %gt3A_965 = arith.constant 0.000000e+00 : f32
      %gt3A_966 = vector.broadcast %gt3A_965 : f32 to vector<16xf32>
      %gt3A_967 = arith.cmpf ogt, %gather3A_964, %gt3A_966 : vector<16xf32>
      %jit3A_968 = arith.constant 8388608 : i32
      %jit3A_969 = arith.constant 0 : i32
      %broadcast_in_dim3A_970 = vector.broadcast %jit3A_968 : i32 to vector<16xi32>
      %broadcast_in_dim3A_971 = vector.broadcast %jit3A_969 : i32 to vector<16xi32>
      %select_n3A_972 = arith.select %gt3A_967, %broadcast_in_dim3A_970, %broadcast_in_dim3A_971 : vector<16xi1>, vector<16xi32>
      %or3A_973 = arith.ori %or3A_960, %select_n3A_972 : vector<16xi32>
      %add3A_974 = arith.constant 536 : i32
      %add3A_975 = vector.broadcast %add3A_974 : i32 to vector<16xi32>
      %add3A_976 = arith.addi %mul3A_131, %add3A_975 : vector<16xi32>
      %gather3A_977 = tpu.vector_load_idx %arg12[%add3A_976] : memref<4096xf32, #tpu.memory_space<vmem>>[vector<16xi32>], vector<16xf32>,
      %gt3A_978 = arith.constant 0.000000e+00 : f32
      %gt3A_979 = vector.broadcast %gt3A_978 : f32 to vector<16xf32>
      %gt3A_980 = arith.cmpf ogt, %gather3A_977, %gt3A_979 : vector<16xf32>
      %jit3A_981 = arith.constant 16777216 : i32
      %jit3A_982 = arith.constant 0 : i32
      %broadcast_in_dim3A_983 = vector.broadcast %jit3A_981 : i32 to vector<16xi32>
      %broadcast_in_dim3A_984 = vector.broadcast %jit3A_982 : i32 to vector<16xi32>
      %select_n3A_985 = arith.select %gt3A_980, %broadcast_in_dim3A_983, %broadcast_in_dim3A_984 : vector<16xi1>, vector<16xi32>
      %or3A_986 = arith.ori %or3A_973, %select_n3A_985 : vector<16xi32>
      %add3A_987 = arith.constant 537 : i32
      %add3A_988 = vector.broadcast %add3A_987 : i32 to vector<16xi32>
      %add3A_989 = arith.addi %mul3A_131, %add3A_988 : vector<16xi32>
      %gather3A_990 = tpu.vector_load_idx %arg12[%add3A_989] : memref<4096xf32, #tpu.memory_space<vmem>>[vector<16xi32>], vector<16xf32>,
      %gt3A_991 = arith.constant 0.000000e+00 : f32
      %gt3A_992 = vector.broadcast %gt3A_991 : f32 to vector<16xf32>
      %gt3A_993 = arith.cmpf ogt, %gather3A_990, %gt3A_992 : vector<16xf32>
      %jit3A_994 = arith.constant 33554432 : i32
      %jit3A_995 = arith.constant 0 : i32
      %broadcast_in_dim3A_996 = vector.broadcast %jit3A_994 : i32 to vector<16xi32>
      %broadcast_in_dim3A_997 = vector.broadcast %jit3A_995 : i32 to vector<16xi32>
      %select_n3A_998 = arith.select %gt3A_993, %broadcast_in_dim3A_996, %broadcast_in_dim3A_997 : vector<16xi1>, vector<16xi32>
      %or3A_999 = arith.ori %or3A_986, %select_n3A_998 : vector<16xi32>
      %add3A_1000 = arith.constant 538 : i32
      %add3A_1001 = vector.broadcast %add3A_1000 : i32 to vector<16xi32>
      %add3A_1002 = arith.addi %mul3A_131, %add3A_1001 : vector<16xi32>
      %gather3A_1003 = tpu.vector_load_idx %arg12[%add3A_1002] : memref<4096xf32, #tpu.memory_space<vmem>>[vector<16xi32>], vector<16xf32>,
      %gt3A_1004 = arith.constant 0.000000e+00 : f32
      %gt3A_1005 = vector.broadcast %gt3A_1004 : f32 to vector<16xf32>
      %gt3A_1006 = arith.cmpf ogt, %gather3A_1003, %gt3A_1005 : vector<16xf32>
      %jit3A_1007 = arith.constant 67108864 : i32
      %jit3A_1008 = arith.constant 0 : i32
      %broadcast_in_dim3A_1009 = vector.broadcast %jit3A_1007 : i32 to vector<16xi32>
      %broadcast_in_dim3A_1010 = vector.broadcast %jit3A_1008 : i32 to vector<16xi32>
      %select_n3A_1011 = arith.select %gt3A_1006, %broadcast_in_dim3A_1009, %broadcast_in_dim3A_1010 : vector<16xi1>, vector<16xi32>
      %or3A_1012 = arith.ori %or3A_999, %select_n3A_1011 : vector<16xi32>
      %add3A_1013 = arith.constant 539 : i32
      %add3A_1014 = vector.broadcast %add3A_1013 : i32 to vector<16xi32>
      %add3A_1015 = arith.addi %mul3A_131, %add3A_1014 : vector<16xi32>
      %gather3A_1016 = tpu.vector_load_idx %arg12[%add3A_1015] : memref<4096xf32, #tpu.memory_space<vmem>>[vector<16xi32>], vector<16xf32>,
      %gt3A_1017 = arith.constant 0.000000e+00 : f32
      %gt3A_1018 = vector.broadcast %gt3A_1017 : f32 to vector<16xf32>
      %gt3A_1019 = arith.cmpf ogt, %gather3A_1016, %gt3A_1018 : vector<16xf32>
      %jit3A_1020 = arith.constant 134217728 : i32
      %jit3A_1021 = arith.constant 0 : i32
      %broadcast_in_dim3A_1022 = vector.broadcast %jit3A_1020 : i32 to vector<16xi32>
      %broadcast_in_dim3A_1023 = vector.broadcast %jit3A_1021 : i32 to vector<16xi32>
      %select_n3A_1024 = arith.select %gt3A_1019, %broadcast_in_dim3A_1022, %broadcast_in_dim3A_1023 : vector<16xi1>, vector<16xi32>
      %or3A_1025 = arith.ori %or3A_1012, %select_n3A_1024 : vector<16xi32>
      %add3A_1026 = arith.constant 540 : i32
      %add3A_1027 = vector.broadcast %add3A_1026 : i32 to vector<16xi32>
      %add3A_1028 = arith.addi %mul3A_131, %add3A_1027 : vector<16xi32>
      %gather3A_1029 = tpu.vector_load_idx %arg12[%add3A_1028] : memref<4096xf32, #tpu.memory_space<vmem>>[vector<16xi32>], vector<16xf32>,
      %gt3A_1030 = arith.constant 0.000000e+00 : f32
      %gt3A_1031 = vector.broadcast %gt3A_1030 : f32 to vector<16xf32>
      %gt3A_1032 = arith.cmpf ogt, %gather3A_1029, %gt3A_1031 : vector<16xf32>
      %jit3A_1033 = arith.constant 268435456 : i32
      %jit3A_1034 = arith.constant 0 : i32
      %broadcast_in_dim3A_1035 = vector.broadcast %jit3A_1033 : i32 to vector<16xi32>
      %broadcast_in_dim3A_1036 = vector.broadcast %jit3A_1034 : i32 to vector<16xi32>
      %select_n3A_1037 = arith.select %gt3A_1032, %broadcast_in_dim3A_1035, %broadcast_in_dim3A_1036 : vector<16xi1>, vector<16xi32>
      %or3A_1038 = arith.ori %or3A_1025, %select_n3A_1037 : vector<16xi32>
      %add3A_1039 = arith.constant 541 : i32
      %add3A_1040 = vector.broadcast %add3A_1039 : i32 to vector<16xi32>
      %add3A_1041 = arith.addi %mul3A_131, %add3A_1040 : vector<16xi32>
      %gather3A_1042 = tpu.vector_load_idx %arg12[%add3A_1041] : memref<4096xf32, #tpu.memory_space<vmem>>[vector<16xi32>], vector<16xf32>,
      %gt3A_1043 = arith.constant 0.000000e+00 : f32
      %gt3A_1044 = vector.broadcast %gt3A_1043 : f32 to vector<16xf32>
      %gt3A_1045 = arith.cmpf ogt, %gather3A_1042, %gt3A_1044 : vector<16xf32>
      %jit3A_1046 = arith.constant 536870912 : i32
      %jit3A_1047 = arith.constant 0 : i32
      %broadcast_in_dim3A_1048 = vector.broadcast %jit3A_1046 : i32 to vector<16xi32>
      %broadcast_in_dim3A_1049 = vector.broadcast %jit3A_1047 : i32 to vector<16xi32>
      %select_n3A_1050 = arith.select %gt3A_1045, %broadcast_in_dim3A_1048, %broadcast_in_dim3A_1049 : vector<16xi1>, vector<16xi32>
      %or3A_1051 = arith.ori %or3A_1038, %select_n3A_1050 : vector<16xi32>
      %add3A_1052 = arith.constant 542 : i32
      %add3A_1053 = vector.broadcast %add3A_1052 : i32 to vector<16xi32>
      %add3A_1054 = arith.addi %mul3A_131, %add3A_1053 : vector<16xi32>
      %gather3A_1055 = tpu.vector_load_idx %arg12[%add3A_1054] : memref<4096xf32, #tpu.memory_space<vmem>>[vector<16xi32>], vector<16xf32>,
      %gt3A_1056 = arith.constant 0.000000e+00 : f32
      %gt3A_1057 = vector.broadcast %gt3A_1056 : f32 to vector<16xf32>
      %gt3A_1058 = arith.cmpf ogt, %gather3A_1055, %gt3A_1057 : vector<16xf32>
      %jit3A_1059 = arith.constant 1073741824 : i32
      %jit3A_1060 = arith.constant 0 : i32
      %broadcast_in_dim3A_1061 = vector.broadcast %jit3A_1059 : i32 to vector<16xi32>
      %broadcast_in_dim3A_1062 = vector.broadcast %jit3A_1060 : i32 to vector<16xi32>
      %select_n3A_1063 = arith.select %gt3A_1058, %broadcast_in_dim3A_1061, %broadcast_in_dim3A_1062 : vector<16xi1>, vector<16xi32>
      %or3A_1064 = arith.ori %or3A_1051, %select_n3A_1063 : vector<16xi32>
      %add3A_1065 = arith.constant 543 : i32
      %add3A_1066 = vector.broadcast %add3A_1065 : i32 to vector<16xi32>
      %add3A_1067 = arith.addi %mul3A_131, %add3A_1066 : vector<16xi32>
      %gather3A_1068 = tpu.vector_load_idx %arg12[%add3A_1067] : memref<4096xf32, #tpu.memory_space<vmem>>[vector<16xi32>], vector<16xf32>,
      %gt3A_1069 = arith.constant 0.000000e+00 : f32
      %gt3A_1070 = vector.broadcast %gt3A_1069 : f32 to vector<16xf32>
      %gt3A_1071 = arith.cmpf ogt, %gather3A_1068, %gt3A_1070 : vector<16xf32>
      %jit3A_1072 = arith.constant -2147483648 : i32
      %jit3A_1073 = arith.constant 0 : i32
      %broadcast_in_dim3A_1074 = vector.broadcast %jit3A_1072 : i32 to vector<16xi32>
      %broadcast_in_dim3A_1075 = vector.broadcast %jit3A_1073 : i32 to vector<16xi32>
      %select_n3A_1076 = arith.select %gt3A_1071, %broadcast_in_dim3A_1074, %broadcast_in_dim3A_1075 : vector<16xi1>, vector<16xi32>
      %or3A_1077 = arith.ori %or3A_1064, %select_n3A_1076 : vector<16xi32>
      %swap3A_1078 = arith.constant 16 : index
      %swap3A_1079 = tpu.vector_load %arg13[%swap3A_1078] {strides = array<i32>} : memref<128xi32, #tpu.memory_space<vmem>>, vector<16xi32>,
      tpu.vector_store %arg13[%swap3A_1078], %or3A_1077 {strides = array<i32>} : memref<128xi32, #tpu.memory_space<vmem>>, vector<16xi32>,
      %broadcast_in_dim3A_1080 = arith.constant 0 : i32
      %broadcast_in_dim3A_1081 = vector.broadcast %broadcast_in_dim3A_1080 : i32 to vector<16xi32>
      %add3A_1082 = arith.constant 1024 : i32
      %add3A_1083 = vector.broadcast %add3A_1082 : i32 to vector<16xi32>
      %add3A_1084 = arith.addi %mul3A_131, %add3A_1083 : vector<16xi32>
      %gather3A_1085 = tpu.vector_load_idx %arg12[%add3A_1084] : memref<4096xf32, #tpu.memory_space<vmem>>[vector<16xi32>], vector<16xf32>,
      %gt3A_1086 = arith.constant 0.000000e+00 : f32
      %gt3A_1087 = vector.broadcast %gt3A_1086 : f32 to vector<16xf32>
      %gt3A_1088 = arith.cmpf ogt, %gather3A_1085, %gt3A_1087 : vector<16xf32>
      %jit3A_1089 = arith.constant 1 : i32
      %jit3A_1090 = arith.constant 0 : i32
      %broadcast_in_dim3A_1091 = vector.broadcast %jit3A_1089 : i32 to vector<16xi32>
      %broadcast_in_dim3A_1092 = vector.broadcast %jit3A_1090 : i32 to vector<16xi32>
      %select_n3A_1093 = arith.select %gt3A_1088, %broadcast_in_dim3A_1091, %broadcast_in_dim3A_1092 : vector<16xi1>, vector<16xi32>
      %or3A_1094 = arith.ori %broadcast_in_dim3A_1081, %select_n3A_1093 : vector<16xi32>
      %add3A_1095 = arith.constant 1025 : i32
      %add3A_1096 = vector.broadcast %add3A_1095 : i32 to vector<16xi32>
      %add3A_1097 = arith.addi %mul3A_131, %add3A_1096 : vector<16xi32>
      %gather3A_1098 = tpu.vector_load_idx %arg12[%add3A_1097] : memref<4096xf32, #tpu.memory_space<vmem>>[vector<16xi32>], vector<16xf32>,
      %gt3A_1099 = arith.constant 0.000000e+00 : f32
      %gt3A_1100 = vector.broadcast %gt3A_1099 : f32 to vector<16xf32>
      %gt3A_1101 = arith.cmpf ogt, %gather3A_1098, %gt3A_1100 : vector<16xf32>
      %jit3A_1102 = arith.constant 2 : i32
      %jit3A_1103 = arith.constant 0 : i32
      %broadcast_in_dim3A_1104 = vector.broadcast %jit3A_1102 : i32 to vector<16xi32>
      %broadcast_in_dim3A_1105 = vector.broadcast %jit3A_1103 : i32 to vector<16xi32>
      %select_n3A_1106 = arith.select %gt3A_1101, %broadcast_in_dim3A_1104, %broadcast_in_dim3A_1105 : vector<16xi1>, vector<16xi32>
      %or3A_1107 = arith.ori %or3A_1094, %select_n3A_1106 : vector<16xi32>
      %add3A_1108 = arith.constant 1026 : i32
      %add3A_1109 = vector.broadcast %add3A_1108 : i32 to vector<16xi32>
      %add3A_1110 = arith.addi %mul3A_131, %add3A_1109 : vector<16xi32>
      %gather3A_1111 = tpu.vector_load_idx %arg12[%add3A_1110] : memref<4096xf32, #tpu.memory_space<vmem>>[vector<16xi32>], vector<16xf32>,
      %gt3A_1112 = arith.constant 0.000000e+00 : f32
      %gt3A_1113 = vector.broadcast %gt3A_1112 : f32 to vector<16xf32>
      %gt3A_1114 = arith.cmpf ogt, %gather3A_1111, %gt3A_1113 : vector<16xf32>
      %jit3A_1115 = arith.constant 4 : i32
      %jit3A_1116 = arith.constant 0 : i32
      %broadcast_in_dim3A_1117 = vector.broadcast %jit3A_1115 : i32 to vector<16xi32>
      %broadcast_in_dim3A_1118 = vector.broadcast %jit3A_1116 : i32 to vector<16xi32>
      %select_n3A_1119 = arith.select %gt3A_1114, %broadcast_in_dim3A_1117, %broadcast_in_dim3A_1118 : vector<16xi1>, vector<16xi32>
      %or3A_1120 = arith.ori %or3A_1107, %select_n3A_1119 : vector<16xi32>
      %add3A_1121 = arith.constant 1027 : i32
      %add3A_1122 = vector.broadcast %add3A_1121 : i32 to vector<16xi32>
      %add3A_1123 = arith.addi %mul3A_131, %add3A_1122 : vector<16xi32>
      %gather3A_1124 = tpu.vector_load_idx %arg12[%add3A_1123] : memref<4096xf32, #tpu.memory_space<vmem>>[vector<16xi32>], vector<16xf32>,
      %gt3A_1125 = arith.constant 0.000000e+00 : f32
      %gt3A_1126 = vector.broadcast %gt3A_1125 : f32 to vector<16xf32>
      %gt3A_1127 = arith.cmpf ogt, %gather3A_1124, %gt3A_1126 : vector<16xf32>
      %jit3A_1128 = arith.constant 8 : i32
      %jit3A_1129 = arith.constant 0 : i32
      %broadcast_in_dim3A_1130 = vector.broadcast %jit3A_1128 : i32 to vector<16xi32>
      %broadcast_in_dim3A_1131 = vector.broadcast %jit3A_1129 : i32 to vector<16xi32>
      %select_n3A_1132 = arith.select %gt3A_1127, %broadcast_in_dim3A_1130, %broadcast_in_dim3A_1131 : vector<16xi1>, vector<16xi32>
      %or3A_1133 = arith.ori %or3A_1120, %select_n3A_1132 : vector<16xi32>
      %add3A_1134 = arith.constant 1028 : i32
      %add3A_1135 = vector.broadcast %add3A_1134 : i32 to vector<16xi32>
      %add3A_1136 = arith.addi %mul3A_131, %add3A_1135 : vector<16xi32>
      %gather3A_1137 = tpu.vector_load_idx %arg12[%add3A_1136] : memref<4096xf32, #tpu.memory_space<vmem>>[vector<16xi32>], vector<16xf32>,
      %gt3A_1138 = arith.constant 0.000000e+00 : f32
      %gt3A_1139 = vector.broadcast %gt3A_1138 : f32 to vector<16xf32>
      %gt3A_1140 = arith.cmpf ogt, %gather3A_1137, %gt3A_1139 : vector<16xf32>
      %jit3A_1141 = arith.constant 16 : i32
      %jit3A_1142 = arith.constant 0 : i32
      %broadcast_in_dim3A_1143 = vector.broadcast %jit3A_1141 : i32 to vector<16xi32>
      %broadcast_in_dim3A_1144 = vector.broadcast %jit3A_1142 : i32 to vector<16xi32>
      %select_n3A_1145 = arith.select %gt3A_1140, %broadcast_in_dim3A_1143, %broadcast_in_dim3A_1144 : vector<16xi1>, vector<16xi32>
      %or3A_1146 = arith.ori %or3A_1133, %select_n3A_1145 : vector<16xi32>
      %add3A_1147 = arith.constant 1029 : i32
      %add3A_1148 = vector.broadcast %add3A_1147 : i32 to vector<16xi32>
      %add3A_1149 = arith.addi %mul3A_131, %add3A_1148 : vector<16xi32>
      %gather3A_1150 = tpu.vector_load_idx %arg12[%add3A_1149] : memref<4096xf32, #tpu.memory_space<vmem>>[vector<16xi32>], vector<16xf32>,
      %gt3A_1151 = arith.constant 0.000000e+00 : f32
      %gt3A_1152 = vector.broadcast %gt3A_1151 : f32 to vector<16xf32>
      %gt3A_1153 = arith.cmpf ogt, %gather3A_1150, %gt3A_1152 : vector<16xf32>
      %jit3A_1154 = arith.constant 32 : i32
      %jit3A_1155 = arith.constant 0 : i32
      %broadcast_in_dim3A_1156 = vector.broadcast %jit3A_1154 : i32 to vector<16xi32>
      %broadcast_in_dim3A_1157 = vector.broadcast %jit3A_1155 : i32 to vector<16xi32>
      %select_n3A_1158 = arith.select %gt3A_1153, %broadcast_in_dim3A_1156, %broadcast_in_dim3A_1157 : vector<16xi1>, vector<16xi32>
      %or3A_1159 = arith.ori %or3A_1146, %select_n3A_1158 : vector<16xi32>
      %add3A_1160 = arith.constant 1030 : i32
      %add3A_1161 = vector.broadcast %add3A_1160 : i32 to vector<16xi32>
      %add3A_1162 = arith.addi %mul3A_131, %add3A_1161 : vector<16xi32>
      %gather3A_1163 = tpu.vector_load_idx %arg12[%add3A_1162] : memref<4096xf32, #tpu.memory_space<vmem>>[vector<16xi32>], vector<16xf32>,
      %gt3A_1164 = arith.constant 0.000000e+00 : f32
      %gt3A_1165 = vector.broadcast %gt3A_1164 : f32 to vector<16xf32>
      %gt3A_1166 = arith.cmpf ogt, %gather3A_1163, %gt3A_1165 : vector<16xf32>
      %jit3A_1167 = arith.constant 64 : i32
      %jit3A_1168 = arith.constant 0 : i32
      %broadcast_in_dim3A_1169 = vector.broadcast %jit3A_1167 : i32 to vector<16xi32>
      %broadcast_in_dim3A_1170 = vector.broadcast %jit3A_1168 : i32 to vector<16xi32>
      %select_n3A_1171 = arith.select %gt3A_1166, %broadcast_in_dim3A_1169, %broadcast_in_dim3A_1170 : vector<16xi1>, vector<16xi32>
      %or3A_1172 = arith.ori %or3A_1159, %select_n3A_1171 : vector<16xi32>
      %add3A_1173 = arith.constant 1031 : i32
      %add3A_1174 = vector.broadcast %add3A_1173 : i32 to vector<16xi32>
      %add3A_1175 = arith.addi %mul3A_131, %add3A_1174 : vector<16xi32>
      %gather3A_1176 = tpu.vector_load_idx %arg12[%add3A_1175] : memref<4096xf32, #tpu.memory_space<vmem>>[vector<16xi32>], vector<16xf32>,
      %gt3A_1177 = arith.constant 0.000000e+00 : f32
      %gt3A_1178 = vector.broadcast %gt3A_1177 : f32 to vector<16xf32>
      %gt3A_1179 = arith.cmpf ogt, %gather3A_1176, %gt3A_1178 : vector<16xf32>
      %jit3A_1180 = arith.constant 128 : i32
      %jit3A_1181 = arith.constant 0 : i32
      %broadcast_in_dim3A_1182 = vector.broadcast %jit3A_1180 : i32 to vector<16xi32>
      %broadcast_in_dim3A_1183 = vector.broadcast %jit3A_1181 : i32 to vector<16xi32>
      %select_n3A_1184 = arith.select %gt3A_1179, %broadcast_in_dim3A_1182, %broadcast_in_dim3A_1183 : vector<16xi1>, vector<16xi32>
      %or3A_1185 = arith.ori %or3A_1172, %select_n3A_1184 : vector<16xi32>
      %add3A_1186 = arith.constant 1032 : i32
      %add3A_1187 = vector.broadcast %add3A_1186 : i32 to vector<16xi32>
      %add3A_1188 = arith.addi %mul3A_131, %add3A_1187 : vector<16xi32>
      %gather3A_1189 = tpu.vector_load_idx %arg12[%add3A_1188] : memref<4096xf32, #tpu.memory_space<vmem>>[vector<16xi32>], vector<16xf32>,
      %gt3A_1190 = arith.constant 0.000000e+00 : f32
      %gt3A_1191 = vector.broadcast %gt3A_1190 : f32 to vector<16xf32>
      %gt3A_1192 = arith.cmpf ogt, %gather3A_1189, %gt3A_1191 : vector<16xf32>
      %jit3A_1193 = arith.constant 256 : i32
      %jit3A_1194 = arith.constant 0 : i32
      %broadcast_in_dim3A_1195 = vector.broadcast %jit3A_1193 : i32 to vector<16xi32>
      %broadcast_in_dim3A_1196 = vector.broadcast %jit3A_1194 : i32 to vector<16xi32>
      %select_n3A_1197 = arith.select %gt3A_1192, %broadcast_in_dim3A_1195, %broadcast_in_dim3A_1196 : vector<16xi1>, vector<16xi32>
      %or3A_1198 = arith.ori %or3A_1185, %select_n3A_1197 : vector<16xi32>
      %add3A_1199 = arith.constant 1033 : i32
      %add3A_1200 = vector.broadcast %add3A_1199 : i32 to vector<16xi32>
      %add3A_1201 = arith.addi %mul3A_131, %add3A_1200 : vector<16xi32>
      %gather3A_1202 = tpu.vector_load_idx %arg12[%add3A_1201] : memref<4096xf32, #tpu.memory_space<vmem>>[vector<16xi32>], vector<16xf32>,
      %gt3A_1203 = arith.constant 0.000000e+00 : f32
      %gt3A_1204 = vector.broadcast %gt3A_1203 : f32 to vector<16xf32>
      %gt3A_1205 = arith.cmpf ogt, %gather3A_1202, %gt3A_1204 : vector<16xf32>
      %jit3A_1206 = arith.constant 512 : i32
      %jit3A_1207 = arith.constant 0 : i32
      %broadcast_in_dim3A_1208 = vector.broadcast %jit3A_1206 : i32 to vector<16xi32>
      %broadcast_in_dim3A_1209 = vector.broadcast %jit3A_1207 : i32 to vector<16xi32>
      %select_n3A_1210 = arith.select %gt3A_1205, %broadcast_in_dim3A_1208, %broadcast_in_dim3A_1209 : vector<16xi1>, vector<16xi32>
      %or3A_1211 = arith.ori %or3A_1198, %select_n3A_1210 : vector<16xi32>
      %add3A_1212 = arith.constant 1034 : i32
      %add3A_1213 = vector.broadcast %add3A_1212 : i32 to vector<16xi32>
      %add3A_1214 = arith.addi %mul3A_131, %add3A_1213 : vector<16xi32>
      %gather3A_1215 = tpu.vector_load_idx %arg12[%add3A_1214] : memref<4096xf32, #tpu.memory_space<vmem>>[vector<16xi32>], vector<16xf32>,
      %gt3A_1216 = arith.constant 0.000000e+00 : f32
      %gt3A_1217 = vector.broadcast %gt3A_1216 : f32 to vector<16xf32>
      %gt3A_1218 = arith.cmpf ogt, %gather3A_1215, %gt3A_1217 : vector<16xf32>
      %jit3A_1219 = arith.constant 1024 : i32
      %jit3A_1220 = arith.constant 0 : i32
      %broadcast_in_dim3A_1221 = vector.broadcast %jit3A_1219 : i32 to vector<16xi32>
      %broadcast_in_dim3A_1222 = vector.broadcast %jit3A_1220 : i32 to vector<16xi32>
      %select_n3A_1223 = arith.select %gt3A_1218, %broadcast_in_dim3A_1221, %broadcast_in_dim3A_1222 : vector<16xi1>, vector<16xi32>
      %or3A_1224 = arith.ori %or3A_1211, %select_n3A_1223 : vector<16xi32>
      %add3A_1225 = arith.constant 1035 : i32
      %add3A_1226 = vector.broadcast %add3A_1225 : i32 to vector<16xi32>
      %add3A_1227 = arith.addi %mul3A_131, %add3A_1226 : vector<16xi32>
      %gather3A_1228 = tpu.vector_load_idx %arg12[%add3A_1227] : memref<4096xf32, #tpu.memory_space<vmem>>[vector<16xi32>], vector<16xf32>,
      %gt3A_1229 = arith.constant 0.000000e+00 : f32
      %gt3A_1230 = vector.broadcast %gt3A_1229 : f32 to vector<16xf32>
      %gt3A_1231 = arith.cmpf ogt, %gather3A_1228, %gt3A_1230 : vector<16xf32>
      %jit3A_1232 = arith.constant 2048 : i32
      %jit3A_1233 = arith.constant 0 : i32
      %broadcast_in_dim3A_1234 = vector.broadcast %jit3A_1232 : i32 to vector<16xi32>
      %broadcast_in_dim3A_1235 = vector.broadcast %jit3A_1233 : i32 to vector<16xi32>
      %select_n3A_1236 = arith.select %gt3A_1231, %broadcast_in_dim3A_1234, %broadcast_in_dim3A_1235 : vector<16xi1>, vector<16xi32>
      %or3A_1237 = arith.ori %or3A_1224, %select_n3A_1236 : vector<16xi32>
      %add3A_1238 = arith.constant 1036 : i32
      %add3A_1239 = vector.broadcast %add3A_1238 : i32 to vector<16xi32>
      %add3A_1240 = arith.addi %mul3A_131, %add3A_1239 : vector<16xi32>
      %gather3A_1241 = tpu.vector_load_idx %arg12[%add3A_1240] : memref<4096xf32, #tpu.memory_space<vmem>>[vector<16xi32>], vector<16xf32>,
      %gt3A_1242 = arith.constant 0.000000e+00 : f32
      %gt3A_1243 = vector.broadcast %gt3A_1242 : f32 to vector<16xf32>
      %gt3A_1244 = arith.cmpf ogt, %gather3A_1241, %gt3A_1243 : vector<16xf32>
      %jit3A_1245 = arith.constant 4096 : i32
      %jit3A_1246 = arith.constant 0 : i32
      %broadcast_in_dim3A_1247 = vector.broadcast %jit3A_1245 : i32 to vector<16xi32>
      %broadcast_in_dim3A_1248 = vector.broadcast %jit3A_1246 : i32 to vector<16xi32>
      %select_n3A_1249 = arith.select %gt3A_1244, %broadcast_in_dim3A_1247, %broadcast_in_dim3A_1248 : vector<16xi1>, vector<16xi32>
      %or3A_1250 = arith.ori %or3A_1237, %select_n3A_1249 : vector<16xi32>
      %add3A_1251 = arith.constant 1037 : i32
      %add3A_1252 = vector.broadcast %add3A_1251 : i32 to vector<16xi32>
      %add3A_1253 = arith.addi %mul3A_131, %add3A_1252 : vector<16xi32>
      %gather3A_1254 = tpu.vector_load_idx %arg12[%add3A_1253] : memref<4096xf32, #tpu.memory_space<vmem>>[vector<16xi32>], vector<16xf32>,
      %gt3A_1255 = arith.constant 0.000000e+00 : f32
      %gt3A_1256 = vector.broadcast %gt3A_1255 : f32 to vector<16xf32>
      %gt3A_1257 = arith.cmpf ogt, %gather3A_1254, %gt3A_1256 : vector<16xf32>
      %jit3A_1258 = arith.constant 8192 : i32
      %jit3A_1259 = arith.constant 0 : i32
      %broadcast_in_dim3A_1260 = vector.broadcast %jit3A_1258 : i32 to vector<16xi32>
      %broadcast_in_dim3A_1261 = vector.broadcast %jit3A_1259 : i32 to vector<16xi32>
      %select_n3A_1262 = arith.select %gt3A_1257, %broadcast_in_dim3A_1260, %broadcast_in_dim3A_1261 : vector<16xi1>, vector<16xi32>
      %or3A_1263 = arith.ori %or3A_1250, %select_n3A_1262 : vector<16xi32>
      %add3A_1264 = arith.constant 1038 : i32
      %add3A_1265 = vector.broadcast %add3A_1264 : i32 to vector<16xi32>
      %add3A_1266 = arith.addi %mul3A_131, %add3A_1265 : vector<16xi32>
      %gather3A_1267 = tpu.vector_load_idx %arg12[%add3A_1266] : memref<4096xf32, #tpu.memory_space<vmem>>[vector<16xi32>], vector<16xf32>,
      %gt3A_1268 = arith.constant 0.000000e+00 : f32
      %gt3A_1269 = vector.broadcast %gt3A_1268 : f32 to vector<16xf32>
      %gt3A_1270 = arith.cmpf ogt, %gather3A_1267, %gt3A_1269 : vector<16xf32>
      %jit3A_1271 = arith.constant 16384 : i32
      %jit3A_1272 = arith.constant 0 : i32
      %broadcast_in_dim3A_1273 = vector.broadcast %jit3A_1271 : i32 to vector<16xi32>
      %broadcast_in_dim3A_1274 = vector.broadcast %jit3A_1272 : i32 to vector<16xi32>
      %select_n3A_1275 = arith.select %gt3A_1270, %broadcast_in_dim3A_1273, %broadcast_in_dim3A_1274 : vector<16xi1>, vector<16xi32>
      %or3A_1276 = arith.ori %or3A_1263, %select_n3A_1275 : vector<16xi32>
      %add3A_1277 = arith.constant 1039 : i32
      %add3A_1278 = vector.broadcast %add3A_1277 : i32 to vector<16xi32>
      %add3A_1279 = arith.addi %mul3A_131, %add3A_1278 : vector<16xi32>
      %gather3A_1280 = tpu.vector_load_idx %arg12[%add3A_1279] : memref<4096xf32, #tpu.memory_space<vmem>>[vector<16xi32>], vector<16xf32>,
      %gt3A_1281 = arith.constant 0.000000e+00 : f32
      %gt3A_1282 = vector.broadcast %gt3A_1281 : f32 to vector<16xf32>
      %gt3A_1283 = arith.cmpf ogt, %gather3A_1280, %gt3A_1282 : vector<16xf32>
      %jit3A_1284 = arith.constant 32768 : i32
      %jit3A_1285 = arith.constant 0 : i32
      %broadcast_in_dim3A_1286 = vector.broadcast %jit3A_1284 : i32 to vector<16xi32>
      %broadcast_in_dim3A_1287 = vector.broadcast %jit3A_1285 : i32 to vector<16xi32>
      %select_n3A_1288 = arith.select %gt3A_1283, %broadcast_in_dim3A_1286, %broadcast_in_dim3A_1287 : vector<16xi1>, vector<16xi32>
      %or3A_1289 = arith.ori %or3A_1276, %select_n3A_1288 : vector<16xi32>
      %add3A_1290 = arith.constant 1040 : i32
      %add3A_1291 = vector.broadcast %add3A_1290 : i32 to vector<16xi32>
      %add3A_1292 = arith.addi %mul3A_131, %add3A_1291 : vector<16xi32>
      %gather3A_1293 = tpu.vector_load_idx %arg12[%add3A_1292] : memref<4096xf32, #tpu.memory_space<vmem>>[vector<16xi32>], vector<16xf32>,
      %gt3A_1294 = arith.constant 0.000000e+00 : f32
      %gt3A_1295 = vector.broadcast %gt3A_1294 : f32 to vector<16xf32>
      %gt3A_1296 = arith.cmpf ogt, %gather3A_1293, %gt3A_1295 : vector<16xf32>
      %jit3A_1297 = arith.constant 65536 : i32
      %jit3A_1298 = arith.constant 0 : i32
      %broadcast_in_dim3A_1299 = vector.broadcast %jit3A_1297 : i32 to vector<16xi32>
      %broadcast_in_dim3A_1300 = vector.broadcast %jit3A_1298 : i32 to vector<16xi32>
      %select_n3A_1301 = arith.select %gt3A_1296, %broadcast_in_dim3A_1299, %broadcast_in_dim3A_1300 : vector<16xi1>, vector<16xi32>
      %or3A_1302 = arith.ori %or3A_1289, %select_n3A_1301 : vector<16xi32>
      %add3A_1303 = arith.constant 1041 : i32
      %add3A_1304 = vector.broadcast %add3A_1303 : i32 to vector<16xi32>
      %add3A_1305 = arith.addi %mul3A_131, %add3A_1304 : vector<16xi32>
      %gather3A_1306 = tpu.vector_load_idx %arg12[%add3A_1305] : memref<4096xf32, #tpu.memory_space<vmem>>[vector<16xi32>], vector<16xf32>,
      %gt3A_1307 = arith.constant 0.000000e+00 : f32
      %gt3A_1308 = vector.broadcast %gt3A_1307 : f32 to vector<16xf32>
      %gt3A_1309 = arith.cmpf ogt, %gather3A_1306, %gt3A_1308 : vector<16xf32>
      %jit3A_1310 = arith.constant 131072 : i32
      %jit3A_1311 = arith.constant 0 : i32
      %broadcast_in_dim3A_1312 = vector.broadcast %jit3A_1310 : i32 to vector<16xi32>
      %broadcast_in_dim3A_1313 = vector.broadcast %jit3A_1311 : i32 to vector<16xi32>
      %select_n3A_1314 = arith.select %gt3A_1309, %broadcast_in_dim3A_1312, %broadcast_in_dim3A_1313 : vector<16xi1>, vector<16xi32>
      %or3A_1315 = arith.ori %or3A_1302, %select_n3A_1314 : vector<16xi32>
      %add3A_1316 = arith.constant 1042 : i32
      %add3A_1317 = vector.broadcast %add3A_1316 : i32 to vector<16xi32>
      %add3A_1318 = arith.addi %mul3A_131, %add3A_1317 : vector<16xi32>
      %gather3A_1319 = tpu.vector_load_idx %arg12[%add3A_1318] : memref<4096xf32, #tpu.memory_space<vmem>>[vector<16xi32>], vector<16xf32>,
      %gt3A_1320 = arith.constant 0.000000e+00 : f32
      %gt3A_1321 = vector.broadcast %gt3A_1320 : f32 to vector<16xf32>
      %gt3A_1322 = arith.cmpf ogt, %gather3A_1319, %gt3A_1321 : vector<16xf32>
      %jit3A_1323 = arith.constant 262144 : i32
      %jit3A_1324 = arith.constant 0 : i32
      %broadcast_in_dim3A_1325 = vector.broadcast %jit3A_1323 : i32 to vector<16xi32>
      %broadcast_in_dim3A_1326 = vector.broadcast %jit3A_1324 : i32 to vector<16xi32>
      %select_n3A_1327 = arith.select %gt3A_1322, %broadcast_in_dim3A_1325, %broadcast_in_dim3A_1326 : vector<16xi1>, vector<16xi32>
      %or3A_1328 = arith.ori %or3A_1315, %select_n3A_1327 : vector<16xi32>
      %add3A_1329 = arith.constant 1043 : i32
      %add3A_1330 = vector.broadcast %add3A_1329 : i32 to vector<16xi32>
      %add3A_1331 = arith.addi %mul3A_131, %add3A_1330 : vector<16xi32>
      %gather3A_1332 = tpu.vector_load_idx %arg12[%add3A_1331] : memref<4096xf32, #tpu.memory_space<vmem>>[vector<16xi32>], vector<16xf32>,
      %gt3A_1333 = arith.constant 0.000000e+00 : f32
      %gt3A_1334 = vector.broadcast %gt3A_1333 : f32 to vector<16xf32>
      %gt3A_1335 = arith.cmpf ogt, %gather3A_1332, %gt3A_1334 : vector<16xf32>
      %jit3A_1336 = arith.constant 524288 : i32
      %jit3A_1337 = arith.constant 0 : i32
      %broadcast_in_dim3A_1338 = vector.broadcast %jit3A_1336 : i32 to vector<16xi32>
      %broadcast_in_dim3A_1339 = vector.broadcast %jit3A_1337 : i32 to vector<16xi32>
      %select_n3A_1340 = arith.select %gt3A_1335, %broadcast_in_dim3A_1338, %broadcast_in_dim3A_1339 : vector<16xi1>, vector<16xi32>
      %or3A_1341 = arith.ori %or3A_1328, %select_n3A_1340 : vector<16xi32>
      %add3A_1342 = arith.constant 1044 : i32
      %add3A_1343 = vector.broadcast %add3A_1342 : i32 to vector<16xi32>
      %add3A_1344 = arith.addi %mul3A_131, %add3A_1343 : vector<16xi32>
      %gather3A_1345 = tpu.vector_load_idx %arg12[%add3A_1344] : memref<4096xf32, #tpu.memory_space<vmem>>[vector<16xi32>], vector<16xf32>,
      %gt3A_1346 = arith.constant 0.000000e+00 : f32
      %gt3A_1347 = vector.broadcast %gt3A_1346 : f32 to vector<16xf32>
      %gt3A_1348 = arith.cmpf ogt, %gather3A_1345, %gt3A_1347 : vector<16xf32>
      %jit3A_1349 = arith.constant 1048576 : i32
      %jit3A_1350 = arith.constant 0 : i32
      %broadcast_in_dim3A_1351 = vector.broadcast %jit3A_1349 : i32 to vector<16xi32>
      %broadcast_in_dim3A_1352 = vector.broadcast %jit3A_1350 : i32 to vector<16xi32>
      %select_n3A_1353 = arith.select %gt3A_1348, %broadcast_in_dim3A_1351, %broadcast_in_dim3A_1352 : vector<16xi1>, vector<16xi32>
      %or3A_1354 = arith.ori %or3A_1341, %select_n3A_1353 : vector<16xi32>
      %add3A_1355 = arith.constant 1045 : i32
      %add3A_1356 = vector.broadcast %add3A_1355 : i32 to vector<16xi32>
      %add3A_1357 = arith.addi %mul3A_131, %add3A_1356 : vector<16xi32>
      %gather3A_1358 = tpu.vector_load_idx %arg12[%add3A_1357] : memref<4096xf32, #tpu.memory_space<vmem>>[vector<16xi32>], vector<16xf32>,
      %gt3A_1359 = arith.constant 0.000000e+00 : f32
      %gt3A_1360 = vector.broadcast %gt3A_1359 : f32 to vector<16xf32>
      %gt3A_1361 = arith.cmpf ogt, %gather3A_1358, %gt3A_1360 : vector<16xf32>
      %jit3A_1362 = arith.constant 2097152 : i32
      %jit3A_1363 = arith.constant 0 : i32
      %broadcast_in_dim3A_1364 = vector.broadcast %jit3A_1362 : i32 to vector<16xi32>
      %broadcast_in_dim3A_1365 = vector.broadcast %jit3A_1363 : i32 to vector<16xi32>
      %select_n3A_1366 = arith.select %gt3A_1361, %broadcast_in_dim3A_1364, %broadcast_in_dim3A_1365 : vector<16xi1>, vector<16xi32>
      %or3A_1367 = arith.ori %or3A_1354, %select_n3A_1366 : vector<16xi32>
      %add3A_1368 = arith.constant 1046 : i32
      %add3A_1369 = vector.broadcast %add3A_1368 : i32 to vector<16xi32>
      %add3A_1370 = arith.addi %mul3A_131, %add3A_1369 : vector<16xi32>
      %gather3A_1371 = tpu.vector_load_idx %arg12[%add3A_1370] : memref<4096xf32, #tpu.memory_space<vmem>>[vector<16xi32>], vector<16xf32>,
      %gt3A_1372 = arith.constant 0.000000e+00 : f32
      %gt3A_1373 = vector.broadcast %gt3A_1372 : f32 to vector<16xf32>
      %gt3A_1374 = arith.cmpf ogt, %gather3A_1371, %gt3A_1373 : vector<16xf32>
      %jit3A_1375 = arith.constant 4194304 : i32
      %jit3A_1376 = arith.constant 0 : i32
      %broadcast_in_dim3A_1377 = vector.broadcast %jit3A_1375 : i32 to vector<16xi32>
      %broadcast_in_dim3A_1378 = vector.broadcast %jit3A_1376 : i32 to vector<16xi32>
      %select_n3A_1379 = arith.select %gt3A_1374, %broadcast_in_dim3A_1377, %broadcast_in_dim3A_1378 : vector<16xi1>, vector<16xi32>
      %or3A_1380 = arith.ori %or3A_1367, %select_n3A_1379 : vector<16xi32>
      %add3A_1381 = arith.constant 1047 : i32
      %add3A_1382 = vector.broadcast %add3A_1381 : i32 to vector<16xi32>
      %add3A_1383 = arith.addi %mul3A_131, %add3A_1382 : vector<16xi32>
      %gather3A_1384 = tpu.vector_load_idx %arg12[%add3A_1383] : memref<4096xf32, #tpu.memory_space<vmem>>[vector<16xi32>], vector<16xf32>,
      %gt3A_1385 = arith.constant 0.000000e+00 : f32
      %gt3A_1386 = vector.broadcast %gt3A_1385 : f32 to vector<16xf32>
      %gt3A_1387 = arith.cmpf ogt, %gather3A_1384, %gt3A_1386 : vector<16xf32>
      %jit3A_1388 = arith.constant 8388608 : i32
      %jit3A_1389 = arith.constant 0 : i32
      %broadcast_in_dim3A_1390 = vector.broadcast %jit3A_1388 : i32 to vector<16xi32>
      %broadcast_in_dim3A_1391 = vector.broadcast %jit3A_1389 : i32 to vector<16xi32>
      %select_n3A_1392 = arith.select %gt3A_1387, %broadcast_in_dim3A_1390, %broadcast_in_dim3A_1391 : vector<16xi1>, vector<16xi32>
      %or3A_1393 = arith.ori %or3A_1380, %select_n3A_1392 : vector<16xi32>
      %add3A_1394 = arith.constant 1048 : i32
      %add3A_1395 = vector.broadcast %add3A_1394 : i32 to vector<16xi32>
      %add3A_1396 = arith.addi %mul3A_131, %add3A_1395 : vector<16xi32>
      %gather3A_1397 = tpu.vector_load_idx %arg12[%add3A_1396] : memref<4096xf32, #tpu.memory_space<vmem>>[vector<16xi32>], vector<16xf32>,
      %gt3A_1398 = arith.constant 0.000000e+00 : f32
      %gt3A_1399 = vector.broadcast %gt3A_1398 : f32 to vector<16xf32>
      %gt3A_1400 = arith.cmpf ogt, %gather3A_1397, %gt3A_1399 : vector<16xf32>
      %jit3A_1401 = arith.constant 16777216 : i32
      %jit3A_1402 = arith.constant 0 : i32
      %broadcast_in_dim3A_1403 = vector.broadcast %jit3A_1401 : i32 to vector<16xi32>
      %broadcast_in_dim3A_1404 = vector.broadcast %jit3A_1402 : i32 to vector<16xi32>
      %select_n3A_1405 = arith.select %gt3A_1400, %broadcast_in_dim3A_1403, %broadcast_in_dim3A_1404 : vector<16xi1>, vector<16xi32>
      %or3A_1406 = arith.ori %or3A_1393, %select_n3A_1405 : vector<16xi32>
      %add3A_1407 = arith.constant 1049 : i32
      %add3A_1408 = vector.broadcast %add3A_1407 : i32 to vector<16xi32>
      %add3A_1409 = arith.addi %mul3A_131, %add3A_1408 : vector<16xi32>
      %gather3A_1410 = tpu.vector_load_idx %arg12[%add3A_1409] : memref<4096xf32, #tpu.memory_space<vmem>>[vector<16xi32>], vector<16xf32>,
      %gt3A_1411 = arith.constant 0.000000e+00 : f32
      %gt3A_1412 = vector.broadcast %gt3A_1411 : f32 to vector<16xf32>
      %gt3A_1413 = arith.cmpf ogt, %gather3A_1410, %gt3A_1412 : vector<16xf32>
      %jit3A_1414 = arith.constant 33554432 : i32
      %jit3A_1415 = arith.constant 0 : i32
      %broadcast_in_dim3A_1416 = vector.broadcast %jit3A_1414 : i32 to vector<16xi32>
      %broadcast_in_dim3A_1417 = vector.broadcast %jit3A_1415 : i32 to vector<16xi32>
      %select_n3A_1418 = arith.select %gt3A_1413, %broadcast_in_dim3A_1416, %broadcast_in_dim3A_1417 : vector<16xi1>, vector<16xi32>
      %or3A_1419 = arith.ori %or3A_1406, %select_n3A_1418 : vector<16xi32>
      %add3A_1420 = arith.constant 1050 : i32
      %add3A_1421 = vector.broadcast %add3A_1420 : i32 to vector<16xi32>
      %add3A_1422 = arith.addi %mul3A_131, %add3A_1421 : vector<16xi32>
      %gather3A_1423 = tpu.vector_load_idx %arg12[%add3A_1422] : memref<4096xf32, #tpu.memory_space<vmem>>[vector<16xi32>], vector<16xf32>,
      %gt3A_1424 = arith.constant 0.000000e+00 : f32
      %gt3A_1425 = vector.broadcast %gt3A_1424 : f32 to vector<16xf32>
      %gt3A_1426 = arith.cmpf ogt, %gather3A_1423, %gt3A_1425 : vector<16xf32>
      %jit3A_1427 = arith.constant 67108864 : i32
      %jit3A_1428 = arith.constant 0 : i32
      %broadcast_in_dim3A_1429 = vector.broadcast %jit3A_1427 : i32 to vector<16xi32>
      %broadcast_in_dim3A_1430 = vector.broadcast %jit3A_1428 : i32 to vector<16xi32>
      %select_n3A_1431 = arith.select %gt3A_1426, %broadcast_in_dim3A_1429, %broadcast_in_dim3A_1430 : vector<16xi1>, vector<16xi32>
      %or3A_1432 = arith.ori %or3A_1419, %select_n3A_1431 : vector<16xi32>
      %add3A_1433 = arith.constant 1051 : i32
      %add3A_1434 = vector.broadcast %add3A_1433 : i32 to vector<16xi32>
      %add3A_1435 = arith.addi %mul3A_131, %add3A_1434 : vector<16xi32>
      %gather3A_1436 = tpu.vector_load_idx %arg12[%add3A_1435] : memref<4096xf32, #tpu.memory_space<vmem>>[vector<16xi32>], vector<16xf32>,
      %gt3A_1437 = arith.constant 0.000000e+00 : f32
      %gt3A_1438 = vector.broadcast %gt3A_1437 : f32 to vector<16xf32>
      %gt3A_1439 = arith.cmpf ogt, %gather3A_1436, %gt3A_1438 : vector<16xf32>
      %jit3A_1440 = arith.constant 134217728 : i32
      %jit3A_1441 = arith.constant 0 : i32
      %broadcast_in_dim3A_1442 = vector.broadcast %jit3A_1440 : i32 to vector<16xi32>
      %broadcast_in_dim3A_1443 = vector.broadcast %jit3A_1441 : i32 to vector<16xi32>
      %select_n3A_1444 = arith.select %gt3A_1439, %broadcast_in_dim3A_1442, %broadcast_in_dim3A_1443 : vector<16xi1>, vector<16xi32>
      %or3A_1445 = arith.ori %or3A_1432, %select_n3A_1444 : vector<16xi32>
      %add3A_1446 = arith.constant 1052 : i32
      %add3A_1447 = vector.broadcast %add3A_1446 : i32 to vector<16xi32>
      %add3A_1448 = arith.addi %mul3A_131, %add3A_1447 : vector<16xi32>
      %gather3A_1449 = tpu.vector_load_idx %arg12[%add3A_1448] : memref<4096xf32, #tpu.memory_space<vmem>>[vector<16xi32>], vector<16xf32>,
      %gt3A_1450 = arith.constant 0.000000e+00 : f32
      %gt3A_1451 = vector.broadcast %gt3A_1450 : f32 to vector<16xf32>
      %gt3A_1452 = arith.cmpf ogt, %gather3A_1449, %gt3A_1451 : vector<16xf32>
      %jit3A_1453 = arith.constant 268435456 : i32
      %jit3A_1454 = arith.constant 0 : i32
      %broadcast_in_dim3A_1455 = vector.broadcast %jit3A_1453 : i32 to vector<16xi32>
      %broadcast_in_dim3A_1456 = vector.broadcast %jit3A_1454 : i32 to vector<16xi32>
      %select_n3A_1457 = arith.select %gt3A_1452, %broadcast_in_dim3A_1455, %broadcast_in_dim3A_1456 : vector<16xi1>, vector<16xi32>
      %or3A_1458 = arith.ori %or3A_1445, %select_n3A_1457 : vector<16xi32>
      %add3A_1459 = arith.constant 1053 : i32
      %add3A_1460 = vector.broadcast %add3A_1459 : i32 to vector<16xi32>
      %add3A_1461 = arith.addi %mul3A_131, %add3A_1460 : vector<16xi32>
      %gather3A_1462 = tpu.vector_load_idx %arg12[%add3A_1461] : memref<4096xf32, #tpu.memory_space<vmem>>[vector<16xi32>], vector<16xf32>,
      %gt3A_1463 = arith.constant 0.000000e+00 : f32
      %gt3A_1464 = vector.broadcast %gt3A_1463 : f32 to vector<16xf32>
      %gt3A_1465 = arith.cmpf ogt, %gather3A_1462, %gt3A_1464 : vector<16xf32>
      %jit3A_1466 = arith.constant 536870912 : i32
      %jit3A_1467 = arith.constant 0 : i32
      %broadcast_in_dim3A_1468 = vector.broadcast %jit3A_1466 : i32 to vector<16xi32>
      %broadcast_in_dim3A_1469 = vector.broadcast %jit3A_1467 : i32 to vector<16xi32>
      %select_n3A_1470 = arith.select %gt3A_1465, %broadcast_in_dim3A_1468, %broadcast_in_dim3A_1469 : vector<16xi1>, vector<16xi32>
      %or3A_1471 = arith.ori %or3A_1458, %select_n3A_1470 : vector<16xi32>
      %add3A_1472 = arith.constant 1054 : i32
      %add3A_1473 = vector.broadcast %add3A_1472 : i32 to vector<16xi32>
      %add3A_1474 = arith.addi %mul3A_131, %add3A_1473 : vector<16xi32>
      %gather3A_1475 = tpu.vector_load_idx %arg12[%add3A_1474] : memref<4096xf32, #tpu.memory_space<vmem>>[vector<16xi32>], vector<16xf32>,
      %gt3A_1476 = arith.constant 0.000000e+00 : f32
      %gt3A_1477 = vector.broadcast %gt3A_1476 : f32 to vector<16xf32>
      %gt3A_1478 = arith.cmpf ogt, %gather3A_1475, %gt3A_1477 : vector<16xf32>
      %jit3A_1479 = arith.constant 1073741824 : i32
      %jit3A_1480 = arith.constant 0 : i32
      %broadcast_in_dim3A_1481 = vector.broadcast %jit3A_1479 : i32 to vector<16xi32>
      %broadcast_in_dim3A_1482 = vector.broadcast %jit3A_1480 : i32 to vector<16xi32>
      %select_n3A_1483 = arith.select %gt3A_1478, %broadcast_in_dim3A_1481, %broadcast_in_dim3A_1482 : vector<16xi1>, vector<16xi32>
      %or3A_1484 = arith.ori %or3A_1471, %select_n3A_1483 : vector<16xi32>
      %add3A_1485 = arith.constant 1055 : i32
      %add3A_1486 = vector.broadcast %add3A_1485 : i32 to vector<16xi32>
      %add3A_1487 = arith.addi %mul3A_131, %add3A_1486 : vector<16xi32>
      %gather3A_1488 = tpu.vector_load_idx %arg12[%add3A_1487] : memref<4096xf32, #tpu.memory_space<vmem>>[vector<16xi32>], vector<16xf32>,
      %gt3A_1489 = arith.constant 0.000000e+00 : f32
      %gt3A_1490 = vector.broadcast %gt3A_1489 : f32 to vector<16xf32>
      %gt3A_1491 = arith.cmpf ogt, %gather3A_1488, %gt3A_1490 : vector<16xf32>
      %jit3A_1492 = arith.constant -2147483648 : i32
      %jit3A_1493 = arith.constant 0 : i32
      %broadcast_in_dim3A_1494 = vector.broadcast %jit3A_1492 : i32 to vector<16xi32>
      %broadcast_in_dim3A_1495 = vector.broadcast %jit3A_1493 : i32 to vector<16xi32>
      %select_n3A_1496 = arith.select %gt3A_1491, %broadcast_in_dim3A_1494, %broadcast_in_dim3A_1495 : vector<16xi1>, vector<16xi32>
      %or3A_1497 = arith.ori %or3A_1484, %select_n3A_1496 : vector<16xi32>
      %swap3A_1498 = arith.constant 32 : index
      %swap3A_1499 = tpu.vector_load %arg13[%swap3A_1498] {strides = array<i32>} : memref<128xi32, #tpu.memory_space<vmem>>, vector<16xi32>,
      tpu.vector_store %arg13[%swap3A_1498], %or3A_1497 {strides = array<i32>} : memref<128xi32, #tpu.memory_space<vmem>>, vector<16xi32>,
      %broadcast_in_dim3A_1500 = arith.constant 0 : i32
      %broadcast_in_dim3A_1501 = vector.broadcast %broadcast_in_dim3A_1500 : i32 to vector<16xi32>
      %add3A_1502 = arith.constant 1536 : i32
      %add3A_1503 = vector.broadcast %add3A_1502 : i32 to vector<16xi32>
      %add3A_1504 = arith.addi %mul3A_131, %add3A_1503 : vector<16xi32>
      %gather3A_1505 = tpu.vector_load_idx %arg12[%add3A_1504] : memref<4096xf32, #tpu.memory_space<vmem>>[vector<16xi32>], vector<16xf32>,
      %gt3A_1506 = arith.constant 0.000000e+00 : f32
      %gt3A_1507 = vector.broadcast %gt3A_1506 : f32 to vector<16xf32>
      %gt3A_1508 = arith.cmpf ogt, %gather3A_1505, %gt3A_1507 : vector<16xf32>
      %jit3A_1509 = arith.constant 1 : i32
      %jit3A_1510 = arith.constant 0 : i32
      %broadcast_in_dim3A_1511 = vector.broadcast %jit3A_1509 : i32 to vector<16xi32>
      %broadcast_in_dim3A_1512 = vector.broadcast %jit3A_1510 : i32 to vector<16xi32>
      %select_n3A_1513 = arith.select %gt3A_1508, %broadcast_in_dim3A_1511, %broadcast_in_dim3A_1512 : vector<16xi1>, vector<16xi32>
      %or3A_1514 = arith.ori %broadcast_in_dim3A_1501, %select_n3A_1513 : vector<16xi32>
      %add3A_1515 = arith.constant 1537 : i32
      %add3A_1516 = vector.broadcast %add3A_1515 : i32 to vector<16xi32>
      %add3A_1517 = arith.addi %mul3A_131, %add3A_1516 : vector<16xi32>
      %gather3A_1518 = tpu.vector_load_idx %arg12[%add3A_1517] : memref<4096xf32, #tpu.memory_space<vmem>>[vector<16xi32>], vector<16xf32>,
      %gt3A_1519 = arith.constant 0.000000e+00 : f32
      %gt3A_1520 = vector.broadcast %gt3A_1519 : f32 to vector<16xf32>
      %gt3A_1521 = arith.cmpf ogt, %gather3A_1518, %gt3A_1520 : vector<16xf32>
      %jit3A_1522 = arith.constant 2 : i32
      %jit3A_1523 = arith.constant 0 : i32
      %broadcast_in_dim3A_1524 = vector.broadcast %jit3A_1522 : i32 to vector<16xi32>
      %broadcast_in_dim3A_1525 = vector.broadcast %jit3A_1523 : i32 to vector<16xi32>
      %select_n3A_1526 = arith.select %gt3A_1521, %broadcast_in_dim3A_1524, %broadcast_in_dim3A_1525 : vector<16xi1>, vector<16xi32>
      %or3A_1527 = arith.ori %or3A_1514, %select_n3A_1526 : vector<16xi32>
      %add3A_1528 = arith.constant 1538 : i32
      %add3A_1529 = vector.broadcast %add3A_1528 : i32 to vector<16xi32>
      %add3A_1530 = arith.addi %mul3A_131, %add3A_1529 : vector<16xi32>
      %gather3A_1531 = tpu.vector_load_idx %arg12[%add3A_1530] : memref<4096xf32, #tpu.memory_space<vmem>>[vector<16xi32>], vector<16xf32>,
      %gt3A_1532 = arith.constant 0.000000e+00 : f32
      %gt3A_1533 = vector.broadcast %gt3A_1532 : f32 to vector<16xf32>
      %gt3A_1534 = arith.cmpf ogt, %gather3A_1531, %gt3A_1533 : vector<16xf32>
      %jit3A_1535 = arith.constant 4 : i32
      %jit3A_1536 = arith.constant 0 : i32
      %broadcast_in_dim3A_1537 = vector.broadcast %jit3A_1535 : i32 to vector<16xi32>
      %broadcast_in_dim3A_1538 = vector.broadcast %jit3A_1536 : i32 to vector<16xi32>
      %select_n3A_1539 = arith.select %gt3A_1534, %broadcast_in_dim3A_1537, %broadcast_in_dim3A_1538 : vector<16xi1>, vector<16xi32>
      %or3A_1540 = arith.ori %or3A_1527, %select_n3A_1539 : vector<16xi32>
      %add3A_1541 = arith.constant 1539 : i32
      %add3A_1542 = vector.broadcast %add3A_1541 : i32 to vector<16xi32>
      %add3A_1543 = arith.addi %mul3A_131, %add3A_1542 : vector<16xi32>
      %gather3A_1544 = tpu.vector_load_idx %arg12[%add3A_1543] : memref<4096xf32, #tpu.memory_space<vmem>>[vector<16xi32>], vector<16xf32>,
      %gt3A_1545 = arith.constant 0.000000e+00 : f32
      %gt3A_1546 = vector.broadcast %gt3A_1545 : f32 to vector<16xf32>
      %gt3A_1547 = arith.cmpf ogt, %gather3A_1544, %gt3A_1546 : vector<16xf32>
      %jit3A_1548 = arith.constant 8 : i32
      %jit3A_1549 = arith.constant 0 : i32
      %broadcast_in_dim3A_1550 = vector.broadcast %jit3A_1548 : i32 to vector<16xi32>
      %broadcast_in_dim3A_1551 = vector.broadcast %jit3A_1549 : i32 to vector<16xi32>
      %select_n3A_1552 = arith.select %gt3A_1547, %broadcast_in_dim3A_1550, %broadcast_in_dim3A_1551 : vector<16xi1>, vector<16xi32>
      %or3A_1553 = arith.ori %or3A_1540, %select_n3A_1552 : vector<16xi32>
      %add3A_1554 = arith.constant 1540 : i32
      %add3A_1555 = vector.broadcast %add3A_1554 : i32 to vector<16xi32>
      %add3A_1556 = arith.addi %mul3A_131, %add3A_1555 : vector<16xi32>
      %gather3A_1557 = tpu.vector_load_idx %arg12[%add3A_1556] : memref<4096xf32, #tpu.memory_space<vmem>>[vector<16xi32>], vector<16xf32>,
      %gt3A_1558 = arith.constant 0.000000e+00 : f32
      %gt3A_1559 = vector.broadcast %gt3A_1558 : f32 to vector<16xf32>
      %gt3A_1560 = arith.cmpf ogt, %gather3A_1557, %gt3A_1559 : vector<16xf32>
      %jit3A_1561 = arith.constant 16 : i32
      %jit3A_1562 = arith.constant 0 : i32
      %broadcast_in_dim3A_1563 = vector.broadcast %jit3A_1561 : i32 to vector<16xi32>
      %broadcast_in_dim3A_1564 = vector.broadcast %jit3A_1562 : i32 to vector<16xi32>
      %select_n3A_1565 = arith.select %gt3A_1560, %broadcast_in_dim3A_1563, %broadcast_in_dim3A_1564 : vector<16xi1>, vector<16xi32>
      %or3A_1566 = arith.ori %or3A_1553, %select_n3A_1565 : vector<16xi32>
      %add3A_1567 = arith.constant 1541 : i32
      %add3A_1568 = vector.broadcast %add3A_1567 : i32 to vector<16xi32>
      %add3A_1569 = arith.addi %mul3A_131, %add3A_1568 : vector<16xi32>
      %gather3A_1570 = tpu.vector_load_idx %arg12[%add3A_1569] : memref<4096xf32, #tpu.memory_space<vmem>>[vector<16xi32>], vector<16xf32>,
      %gt3A_1571 = arith.constant 0.000000e+00 : f32
      %gt3A_1572 = vector.broadcast %gt3A_1571 : f32 to vector<16xf32>
      %gt3A_1573 = arith.cmpf ogt, %gather3A_1570, %gt3A_1572 : vector<16xf32>
      %jit3A_1574 = arith.constant 32 : i32
      %jit3A_1575 = arith.constant 0 : i32
      %broadcast_in_dim3A_1576 = vector.broadcast %jit3A_1574 : i32 to vector<16xi32>
      %broadcast_in_dim3A_1577 = vector.broadcast %jit3A_1575 : i32 to vector<16xi32>
      %select_n3A_1578 = arith.select %gt3A_1573, %broadcast_in_dim3A_1576, %broadcast_in_dim3A_1577 : vector<16xi1>, vector<16xi32>
      %or3A_1579 = arith.ori %or3A_1566, %select_n3A_1578 : vector<16xi32>
      %add3A_1580 = arith.constant 1542 : i32
      %add3A_1581 = vector.broadcast %add3A_1580 : i32 to vector<16xi32>
      %add3A_1582 = arith.addi %mul3A_131, %add3A_1581 : vector<16xi32>
      %gather3A_1583 = tpu.vector_load_idx %arg12[%add3A_1582] : memref<4096xf32, #tpu.memory_space<vmem>>[vector<16xi32>], vector<16xf32>,
      %gt3A_1584 = arith.constant 0.000000e+00 : f32
      %gt3A_1585 = vector.broadcast %gt3A_1584 : f32 to vector<16xf32>
      %gt3A_1586 = arith.cmpf ogt, %gather3A_1583, %gt3A_1585 : vector<16xf32>
      %jit3A_1587 = arith.constant 64 : i32
      %jit3A_1588 = arith.constant 0 : i32
      %broadcast_in_dim3A_1589 = vector.broadcast %jit3A_1587 : i32 to vector<16xi32>
      %broadcast_in_dim3A_1590 = vector.broadcast %jit3A_1588 : i32 to vector<16xi32>
      %select_n3A_1591 = arith.select %gt3A_1586, %broadcast_in_dim3A_1589, %broadcast_in_dim3A_1590 : vector<16xi1>, vector<16xi32>
      %or3A_1592 = arith.ori %or3A_1579, %select_n3A_1591 : vector<16xi32>
      %add3A_1593 = arith.constant 1543 : i32
      %add3A_1594 = vector.broadcast %add3A_1593 : i32 to vector<16xi32>
      %add3A_1595 = arith.addi %mul3A_131, %add3A_1594 : vector<16xi32>
      %gather3A_1596 = tpu.vector_load_idx %arg12[%add3A_1595] : memref<4096xf32, #tpu.memory_space<vmem>>[vector<16xi32>], vector<16xf32>,
      %gt3A_1597 = arith.constant 0.000000e+00 : f32
      %gt3A_1598 = vector.broadcast %gt3A_1597 : f32 to vector<16xf32>
      %gt3A_1599 = arith.cmpf ogt, %gather3A_1596, %gt3A_1598 : vector<16xf32>
      %jit3A_1600 = arith.constant 128 : i32
      %jit3A_1601 = arith.constant 0 : i32
      %broadcast_in_dim3A_1602 = vector.broadcast %jit3A_1600 : i32 to vector<16xi32>
      %broadcast_in_dim3A_1603 = vector.broadcast %jit3A_1601 : i32 to vector<16xi32>
      %select_n3A_1604 = arith.select %gt3A_1599, %broadcast_in_dim3A_1602, %broadcast_in_dim3A_1603 : vector<16xi1>, vector<16xi32>
      %or3A_1605 = arith.ori %or3A_1592, %select_n3A_1604 : vector<16xi32>
      %add3A_1606 = arith.constant 1544 : i32
      %add3A_1607 = vector.broadcast %add3A_1606 : i32 to vector<16xi32>
      %add3A_1608 = arith.addi %mul3A_131, %add3A_1607 : vector<16xi32>
      %gather3A_1609 = tpu.vector_load_idx %arg12[%add3A_1608] : memref<4096xf32, #tpu.memory_space<vmem>>[vector<16xi32>], vector<16xf32>,
      %gt3A_1610 = arith.constant 0.000000e+00 : f32
      %gt3A_1611 = vector.broadcast %gt3A_1610 : f32 to vector<16xf32>
      %gt3A_1612 = arith.cmpf ogt, %gather3A_1609, %gt3A_1611 : vector<16xf32>
      %jit3A_1613 = arith.constant 256 : i32
      %jit3A_1614 = arith.constant 0 : i32
      %broadcast_in_dim3A_1615 = vector.broadcast %jit3A_1613 : i32 to vector<16xi32>
      %broadcast_in_dim3A_1616 = vector.broadcast %jit3A_1614 : i32 to vector<16xi32>
      %select_n3A_1617 = arith.select %gt3A_1612, %broadcast_in_dim3A_1615, %broadcast_in_dim3A_1616 : vector<16xi1>, vector<16xi32>
      %or3A_1618 = arith.ori %or3A_1605, %select_n3A_1617 : vector<16xi32>
      %add3A_1619 = arith.constant 1545 : i32
      %add3A_1620 = vector.broadcast %add3A_1619 : i32 to vector<16xi32>
      %add3A_1621 = arith.addi %mul3A_131, %add3A_1620 : vector<16xi32>
      %gather3A_1622 = tpu.vector_load_idx %arg12[%add3A_1621] : memref<4096xf32, #tpu.memory_space<vmem>>[vector<16xi32>], vector<16xf32>,
      %gt3A_1623 = arith.constant 0.000000e+00 : f32
      %gt3A_1624 = vector.broadcast %gt3A_1623 : f32 to vector<16xf32>
      %gt3A_1625 = arith.cmpf ogt, %gather3A_1622, %gt3A_1624 : vector<16xf32>
      %jit3A_1626 = arith.constant 512 : i32
      %jit3A_1627 = arith.constant 0 : i32
      %broadcast_in_dim3A_1628 = vector.broadcast %jit3A_1626 : i32 to vector<16xi32>
      %broadcast_in_dim3A_1629 = vector.broadcast %jit3A_1627 : i32 to vector<16xi32>
      %select_n3A_1630 = arith.select %gt3A_1625, %broadcast_in_dim3A_1628, %broadcast_in_dim3A_1629 : vector<16xi1>, vector<16xi32>
      %or3A_1631 = arith.ori %or3A_1618, %select_n3A_1630 : vector<16xi32>
      %add3A_1632 = arith.constant 1546 : i32
      %add3A_1633 = vector.broadcast %add3A_1632 : i32 to vector<16xi32>
      %add3A_1634 = arith.addi %mul3A_131, %add3A_1633 : vector<16xi32>
      %gather3A_1635 = tpu.vector_load_idx %arg12[%add3A_1634] : memref<4096xf32, #tpu.memory_space<vmem>>[vector<16xi32>], vector<16xf32>,
      %gt3A_1636 = arith.constant 0.000000e+00 : f32
      %gt3A_1637 = vector.broadcast %gt3A_1636 : f32 to vector<16xf32>
      %gt3A_1638 = arith.cmpf ogt, %gather3A_1635, %gt3A_1637 : vector<16xf32>
      %jit3A_1639 = arith.constant 1024 : i32
      %jit3A_1640 = arith.constant 0 : i32
      %broadcast_in_dim3A_1641 = vector.broadcast %jit3A_1639 : i32 to vector<16xi32>
      %broadcast_in_dim3A_1642 = vector.broadcast %jit3A_1640 : i32 to vector<16xi32>
      %select_n3A_1643 = arith.select %gt3A_1638, %broadcast_in_dim3A_1641, %broadcast_in_dim3A_1642 : vector<16xi1>, vector<16xi32>
      %or3A_1644 = arith.ori %or3A_1631, %select_n3A_1643 : vector<16xi32>
      %add3A_1645 = arith.constant 1547 : i32
      %add3A_1646 = vector.broadcast %add3A_1645 : i32 to vector<16xi32>
      %add3A_1647 = arith.addi %mul3A_131, %add3A_1646 : vector<16xi32>
      %gather3A_1648 = tpu.vector_load_idx %arg12[%add3A_1647] : memref<4096xf32, #tpu.memory_space<vmem>>[vector<16xi32>], vector<16xf32>,
      %gt3A_1649 = arith.constant 0.000000e+00 : f32
      %gt3A_1650 = vector.broadcast %gt3A_1649 : f32 to vector<16xf32>
      %gt3A_1651 = arith.cmpf ogt, %gather3A_1648, %gt3A_1650 : vector<16xf32>
      %jit3A_1652 = arith.constant 2048 : i32
      %jit3A_1653 = arith.constant 0 : i32
      %broadcast_in_dim3A_1654 = vector.broadcast %jit3A_1652 : i32 to vector<16xi32>
      %broadcast_in_dim3A_1655 = vector.broadcast %jit3A_1653 : i32 to vector<16xi32>
      %select_n3A_1656 = arith.select %gt3A_1651, %broadcast_in_dim3A_1654, %broadcast_in_dim3A_1655 : vector<16xi1>, vector<16xi32>
      %or3A_1657 = arith.ori %or3A_1644, %select_n3A_1656 : vector<16xi32>
      %add3A_1658 = arith.constant 1548 : i32
      %add3A_1659 = vector.broadcast %add3A_1658 : i32 to vector<16xi32>
      %add3A_1660 = arith.addi %mul3A_131, %add3A_1659 : vector<16xi32>
      %gather3A_1661 = tpu.vector_load_idx %arg12[%add3A_1660] : memref<4096xf32, #tpu.memory_space<vmem>>[vector<16xi32>], vector<16xf32>,
      %gt3A_1662 = arith.constant 0.000000e+00 : f32
      %gt3A_1663 = vector.broadcast %gt3A_1662 : f32 to vector<16xf32>
      %gt3A_1664 = arith.cmpf ogt, %gather3A_1661, %gt3A_1663 : vector<16xf32>
      %jit3A_1665 = arith.constant 4096 : i32
      %jit3A_1666 = arith.constant 0 : i32
      %broadcast_in_dim3A_1667 = vector.broadcast %jit3A_1665 : i32 to vector<16xi32>
      %broadcast_in_dim3A_1668 = vector.broadcast %jit3A_1666 : i32 to vector<16xi32>
      %select_n3A_1669 = arith.select %gt3A_1664, %broadcast_in_dim3A_1667, %broadcast_in_dim3A_1668 : vector<16xi1>, vector<16xi32>
      %or3A_1670 = arith.ori %or3A_1657, %select_n3A_1669 : vector<16xi32>
      %add3A_1671 = arith.constant 1549 : i32
      %add3A_1672 = vector.broadcast %add3A_1671 : i32 to vector<16xi32>
      %add3A_1673 = arith.addi %mul3A_131, %add3A_1672 : vector<16xi32>
      %gather3A_1674 = tpu.vector_load_idx %arg12[%add3A_1673] : memref<4096xf32, #tpu.memory_space<vmem>>[vector<16xi32>], vector<16xf32>,
      %gt3A_1675 = arith.constant 0.000000e+00 : f32
      %gt3A_1676 = vector.broadcast %gt3A_1675 : f32 to vector<16xf32>
      %gt3A_1677 = arith.cmpf ogt, %gather3A_1674, %gt3A_1676 : vector<16xf32>
      %jit3A_1678 = arith.constant 8192 : i32
      %jit3A_1679 = arith.constant 0 : i32
      %broadcast_in_dim3A_1680 = vector.broadcast %jit3A_1678 : i32 to vector<16xi32>
      %broadcast_in_dim3A_1681 = vector.broadcast %jit3A_1679 : i32 to vector<16xi32>
      %select_n3A_1682 = arith.select %gt3A_1677, %broadcast_in_dim3A_1680, %broadcast_in_dim3A_1681 : vector<16xi1>, vector<16xi32>
      %or3A_1683 = arith.ori %or3A_1670, %select_n3A_1682 : vector<16xi32>
      %add3A_1684 = arith.constant 1550 : i32
      %add3A_1685 = vector.broadcast %add3A_1684 : i32 to vector<16xi32>
      %add3A_1686 = arith.addi %mul3A_131, %add3A_1685 : vector<16xi32>
      %gather3A_1687 = tpu.vector_load_idx %arg12[%add3A_1686] : memref<4096xf32, #tpu.memory_space<vmem>>[vector<16xi32>], vector<16xf32>,
      %gt3A_1688 = arith.constant 0.000000e+00 : f32
      %gt3A_1689 = vector.broadcast %gt3A_1688 : f32 to vector<16xf32>
      %gt3A_1690 = arith.cmpf ogt, %gather3A_1687, %gt3A_1689 : vector<16xf32>
      %jit3A_1691 = arith.constant 16384 : i32
      %jit3A_1692 = arith.constant 0 : i32
      %broadcast_in_dim3A_1693 = vector.broadcast %jit3A_1691 : i32 to vector<16xi32>
      %broadcast_in_dim3A_1694 = vector.broadcast %jit3A_1692 : i32 to vector<16xi32>
      %select_n3A_1695 = arith.select %gt3A_1690, %broadcast_in_dim3A_1693, %broadcast_in_dim3A_1694 : vector<16xi1>, vector<16xi32>
      %or3A_1696 = arith.ori %or3A_1683, %select_n3A_1695 : vector<16xi32>
      %add3A_1697 = arith.constant 1551 : i32
      %add3A_1698 = vector.broadcast %add3A_1697 : i32 to vector<16xi32>
      %add3A_1699 = arith.addi %mul3A_131, %add3A_1698 : vector<16xi32>
      %gather3A_1700 = tpu.vector_load_idx %arg12[%add3A_1699] : memref<4096xf32, #tpu.memory_space<vmem>>[vector<16xi32>], vector<16xf32>,
      %gt3A_1701 = arith.constant 0.000000e+00 : f32
      %gt3A_1702 = vector.broadcast %gt3A_1701 : f32 to vector<16xf32>
      %gt3A_1703 = arith.cmpf ogt, %gather3A_1700, %gt3A_1702 : vector<16xf32>
      %jit3A_1704 = arith.constant 32768 : i32
      %jit3A_1705 = arith.constant 0 : i32
      %broadcast_in_dim3A_1706 = vector.broadcast %jit3A_1704 : i32 to vector<16xi32>
      %broadcast_in_dim3A_1707 = vector.broadcast %jit3A_1705 : i32 to vector<16xi32>
      %select_n3A_1708 = arith.select %gt3A_1703, %broadcast_in_dim3A_1706, %broadcast_in_dim3A_1707 : vector<16xi1>, vector<16xi32>
      %or3A_1709 = arith.ori %or3A_1696, %select_n3A_1708 : vector<16xi32>
      %add3A_1710 = arith.constant 1552 : i32
      %add3A_1711 = vector.broadcast %add3A_1710 : i32 to vector<16xi32>
      %add3A_1712 = arith.addi %mul3A_131, %add3A_1711 : vector<16xi32>
      %gather3A_1713 = tpu.vector_load_idx %arg12[%add3A_1712] : memref<4096xf32, #tpu.memory_space<vmem>>[vector<16xi32>], vector<16xf32>,
      %gt3A_1714 = arith.constant 0.000000e+00 : f32
      %gt3A_1715 = vector.broadcast %gt3A_1714 : f32 to vector<16xf32>
      %gt3A_1716 = arith.cmpf ogt, %gather3A_1713, %gt3A_1715 : vector<16xf32>
      %jit3A_1717 = arith.constant 65536 : i32
      %jit3A_1718 = arith.constant 0 : i32
      %broadcast_in_dim3A_1719 = vector.broadcast %jit3A_1717 : i32 to vector<16xi32>
      %broadcast_in_dim3A_1720 = vector.broadcast %jit3A_1718 : i32 to vector<16xi32>
      %select_n3A_1721 = arith.select %gt3A_1716, %broadcast_in_dim3A_1719, %broadcast_in_dim3A_1720 : vector<16xi1>, vector<16xi32>
      %or3A_1722 = arith.ori %or3A_1709, %select_n3A_1721 : vector<16xi32>
      %add3A_1723 = arith.constant 1553 : i32
      %add3A_1724 = vector.broadcast %add3A_1723 : i32 to vector<16xi32>
      %add3A_1725 = arith.addi %mul3A_131, %add3A_1724 : vector<16xi32>
      %gather3A_1726 = tpu.vector_load_idx %arg12[%add3A_1725] : memref<4096xf32, #tpu.memory_space<vmem>>[vector<16xi32>], vector<16xf32>,
      %gt3A_1727 = arith.constant 0.000000e+00 : f32
      %gt3A_1728 = vector.broadcast %gt3A_1727 : f32 to vector<16xf32>
      %gt3A_1729 = arith.cmpf ogt, %gather3A_1726, %gt3A_1728 : vector<16xf32>
      %jit3A_1730 = arith.constant 131072 : i32
      %jit3A_1731 = arith.constant 0 : i32
      %broadcast_in_dim3A_1732 = vector.broadcast %jit3A_1730 : i32 to vector<16xi32>
      %broadcast_in_dim3A_1733 = vector.broadcast %jit3A_1731 : i32 to vector<16xi32>
      %select_n3A_1734 = arith.select %gt3A_1729, %broadcast_in_dim3A_1732, %broadcast_in_dim3A_1733 : vector<16xi1>, vector<16xi32>
      %or3A_1735 = arith.ori %or3A_1722, %select_n3A_1734 : vector<16xi32>
      %add3A_1736 = arith.constant 1554 : i32
      %add3A_1737 = vector.broadcast %add3A_1736 : i32 to vector<16xi32>
      %add3A_1738 = arith.addi %mul3A_131, %add3A_1737 : vector<16xi32>
      %gather3A_1739 = tpu.vector_load_idx %arg12[%add3A_1738] : memref<4096xf32, #tpu.memory_space<vmem>>[vector<16xi32>], vector<16xf32>,
      %gt3A_1740 = arith.constant 0.000000e+00 : f32
      %gt3A_1741 = vector.broadcast %gt3A_1740 : f32 to vector<16xf32>
      %gt3A_1742 = arith.cmpf ogt, %gather3A_1739, %gt3A_1741 : vector<16xf32>
      %jit3A_1743 = arith.constant 262144 : i32
      %jit3A_1744 = arith.constant 0 : i32
      %broadcast_in_dim3A_1745 = vector.broadcast %jit3A_1743 : i32 to vector<16xi32>
      %broadcast_in_dim3A_1746 = vector.broadcast %jit3A_1744 : i32 to vector<16xi32>
      %select_n3A_1747 = arith.select %gt3A_1742, %broadcast_in_dim3A_1745, %broadcast_in_dim3A_1746 : vector<16xi1>, vector<16xi32>
      %or3A_1748 = arith.ori %or3A_1735, %select_n3A_1747 : vector<16xi32>
      %add3A_1749 = arith.constant 1555 : i32
      %add3A_1750 = vector.broadcast %add3A_1749 : i32 to vector<16xi32>
      %add3A_1751 = arith.addi %mul3A_131, %add3A_1750 : vector<16xi32>
      %gather3A_1752 = tpu.vector_load_idx %arg12[%add3A_1751] : memref<4096xf32, #tpu.memory_space<vmem>>[vector<16xi32>], vector<16xf32>,
      %gt3A_1753 = arith.constant 0.000000e+00 : f32
      %gt3A_1754 = vector.broadcast %gt3A_1753 : f32 to vector<16xf32>
      %gt3A_1755 = arith.cmpf ogt, %gather3A_1752, %gt3A_1754 : vector<16xf32>
      %jit3A_1756 = arith.constant 524288 : i32
      %jit3A_1757 = arith.constant 0 : i32
      %broadcast_in_dim3A_1758 = vector.broadcast %jit3A_1756 : i32 to vector<16xi32>
      %broadcast_in_dim3A_1759 = vector.broadcast %jit3A_1757 : i32 to vector<16xi32>
      %select_n3A_1760 = arith.select %gt3A_1755, %broadcast_in_dim3A_1758, %broadcast_in_dim3A_1759 : vector<16xi1>, vector<16xi32>
      %or3A_1761 = arith.ori %or3A_1748, %select_n3A_1760 : vector<16xi32>
      %add3A_1762 = arith.constant 1556 : i32
      %add3A_1763 = vector.broadcast %add3A_1762 : i32 to vector<16xi32>
      %add3A_1764 = arith.addi %mul3A_131, %add3A_1763 : vector<16xi32>
      %gather3A_1765 = tpu.vector_load_idx %arg12[%add3A_1764] : memref<4096xf32, #tpu.memory_space<vmem>>[vector<16xi32>], vector<16xf32>,
      %gt3A_1766 = arith.constant 0.000000e+00 : f32
      %gt3A_1767 = vector.broadcast %gt3A_1766 : f32 to vector<16xf32>
      %gt3A_1768 = arith.cmpf ogt, %gather3A_1765, %gt3A_1767 : vector<16xf32>
      %jit3A_1769 = arith.constant 1048576 : i32
      %jit3A_1770 = arith.constant 0 : i32
      %broadcast_in_dim3A_1771 = vector.broadcast %jit3A_1769 : i32 to vector<16xi32>
      %broadcast_in_dim3A_1772 = vector.broadcast %jit3A_1770 : i32 to vector<16xi32>
      %select_n3A_1773 = arith.select %gt3A_1768, %broadcast_in_dim3A_1771, %broadcast_in_dim3A_1772 : vector<16xi1>, vector<16xi32>
      %or3A_1774 = arith.ori %or3A_1761, %select_n3A_1773 : vector<16xi32>
      %add3A_1775 = arith.constant 1557 : i32
      %add3A_1776 = vector.broadcast %add3A_1775 : i32 to vector<16xi32>
      %add3A_1777 = arith.addi %mul3A_131, %add3A_1776 : vector<16xi32>
      %gather3A_1778 = tpu.vector_load_idx %arg12[%add3A_1777] : memref<4096xf32, #tpu.memory_space<vmem>>[vector<16xi32>], vector<16xf32>,
      %gt3A_1779 = arith.constant 0.000000e+00 : f32
      %gt3A_1780 = vector.broadcast %gt3A_1779 : f32 to vector<16xf32>
      %gt3A_1781 = arith.cmpf ogt, %gather3A_1778, %gt3A_1780 : vector<16xf32>
      %jit3A_1782 = arith.constant 2097152 : i32
      %jit3A_1783 = arith.constant 0 : i32
      %broadcast_in_dim3A_1784 = vector.broadcast %jit3A_1782 : i32 to vector<16xi32>
      %broadcast_in_dim3A_1785 = vector.broadcast %jit3A_1783 : i32 to vector<16xi32>
      %select_n3A_1786 = arith.select %gt3A_1781, %broadcast_in_dim3A_1784, %broadcast_in_dim3A_1785 : vector<16xi1>, vector<16xi32>
      %or3A_1787 = arith.ori %or3A_1774, %select_n3A_1786 : vector<16xi32>
      %add3A_1788 = arith.constant 1558 : i32
      %add3A_1789 = vector.broadcast %add3A_1788 : i32 to vector<16xi32>
      %add3A_1790 = arith.addi %mul3A_131, %add3A_1789 : vector<16xi32>
      %gather3A_1791 = tpu.vector_load_idx %arg12[%add3A_1790] : memref<4096xf32, #tpu.memory_space<vmem>>[vector<16xi32>], vector<16xf32>,
      %gt3A_1792 = arith.constant 0.000000e+00 : f32
      %gt3A_1793 = vector.broadcast %gt3A_1792 : f32 to vector<16xf32>
      %gt3A_1794 = arith.cmpf ogt, %gather3A_1791, %gt3A_1793 : vector<16xf32>
      %jit3A_1795 = arith.constant 4194304 : i32
      %jit3A_1796 = arith.constant 0 : i32
      %broadcast_in_dim3A_1797 = vector.broadcast %jit3A_1795 : i32 to vector<16xi32>
      %broadcast_in_dim3A_1798 = vector.broadcast %jit3A_1796 : i32 to vector<16xi32>
      %select_n3A_1799 = arith.select %gt3A_1794, %broadcast_in_dim3A_1797, %broadcast_in_dim3A_1798 : vector<16xi1>, vector<16xi32>
      %or3A_1800 = arith.ori %or3A_1787, %select_n3A_1799 : vector<16xi32>
      %add3A_1801 = arith.constant 1559 : i32
      %add3A_1802 = vector.broadcast %add3A_1801 : i32 to vector<16xi32>
      %add3A_1803 = arith.addi %mul3A_131, %add3A_1802 : vector<16xi32>
      %gather3A_1804 = tpu.vector_load_idx %arg12[%add3A_1803] : memref<4096xf32, #tpu.memory_space<vmem>>[vector<16xi32>], vector<16xf32>,
      %gt3A_1805 = arith.constant 0.000000e+00 : f32
      %gt3A_1806 = vector.broadcast %gt3A_1805 : f32 to vector<16xf32>
      %gt3A_1807 = arith.cmpf ogt, %gather3A_1804, %gt3A_1806 : vector<16xf32>
      %jit3A_1808 = arith.constant 8388608 : i32
      %jit3A_1809 = arith.constant 0 : i32
      %broadcast_in_dim3A_1810 = vector.broadcast %jit3A_1808 : i32 to vector<16xi32>
      %broadcast_in_dim3A_1811 = vector.broadcast %jit3A_1809 : i32 to vector<16xi32>
      %select_n3A_1812 = arith.select %gt3A_1807, %broadcast_in_dim3A_1810, %broadcast_in_dim3A_1811 : vector<16xi1>, vector<16xi32>
      %or3A_1813 = arith.ori %or3A_1800, %select_n3A_1812 : vector<16xi32>
      %add3A_1814 = arith.constant 1560 : i32
      %add3A_1815 = vector.broadcast %add3A_1814 : i32 to vector<16xi32>
      %add3A_1816 = arith.addi %mul3A_131, %add3A_1815 : vector<16xi32>
      %gather3A_1817 = tpu.vector_load_idx %arg12[%add3A_1816] : memref<4096xf32, #tpu.memory_space<vmem>>[vector<16xi32>], vector<16xf32>,
      %gt3A_1818 = arith.constant 0.000000e+00 : f32
      %gt3A_1819 = vector.broadcast %gt3A_1818 : f32 to vector<16xf32>
      %gt3A_1820 = arith.cmpf ogt, %gather3A_1817, %gt3A_1819 : vector<16xf32>
      %jit3A_1821 = arith.constant 16777216 : i32
      %jit3A_1822 = arith.constant 0 : i32
      %broadcast_in_dim3A_1823 = vector.broadcast %jit3A_1821 : i32 to vector<16xi32>
      %broadcast_in_dim3A_1824 = vector.broadcast %jit3A_1822 : i32 to vector<16xi32>
      %select_n3A_1825 = arith.select %gt3A_1820, %broadcast_in_dim3A_1823, %broadcast_in_dim3A_1824 : vector<16xi1>, vector<16xi32>
      %or3A_1826 = arith.ori %or3A_1813, %select_n3A_1825 : vector<16xi32>
      %add3A_1827 = arith.constant 1561 : i32
      %add3A_1828 = vector.broadcast %add3A_1827 : i32 to vector<16xi32>
      %add3A_1829 = arith.addi %mul3A_131, %add3A_1828 : vector<16xi32>
      %gather3A_1830 = tpu.vector_load_idx %arg12[%add3A_1829] : memref<4096xf32, #tpu.memory_space<vmem>>[vector<16xi32>], vector<16xf32>,
      %gt3A_1831 = arith.constant 0.000000e+00 : f32
      %gt3A_1832 = vector.broadcast %gt3A_1831 : f32 to vector<16xf32>
      %gt3A_1833 = arith.cmpf ogt, %gather3A_1830, %gt3A_1832 : vector<16xf32>
      %jit3A_1834 = arith.constant 33554432 : i32
      %jit3A_1835 = arith.constant 0 : i32
      %broadcast_in_dim3A_1836 = vector.broadcast %jit3A_1834 : i32 to vector<16xi32>
      %broadcast_in_dim3A_1837 = vector.broadcast %jit3A_1835 : i32 to vector<16xi32>
      %select_n3A_1838 = arith.select %gt3A_1833, %broadcast_in_dim3A_1836, %broadcast_in_dim3A_1837 : vector<16xi1>, vector<16xi32>
      %or3A_1839 = arith.ori %or3A_1826, %select_n3A_1838 : vector<16xi32>
      %add3A_1840 = arith.constant 1562 : i32
      %add3A_1841 = vector.broadcast %add3A_1840 : i32 to vector<16xi32>
      %add3A_1842 = arith.addi %mul3A_131, %add3A_1841 : vector<16xi32>
      %gather3A_1843 = tpu.vector_load_idx %arg12[%add3A_1842] : memref<4096xf32, #tpu.memory_space<vmem>>[vector<16xi32>], vector<16xf32>,
      %gt3A_1844 = arith.constant 0.000000e+00 : f32
      %gt3A_1845 = vector.broadcast %gt3A_1844 : f32 to vector<16xf32>
      %gt3A_1846 = arith.cmpf ogt, %gather3A_1843, %gt3A_1845 : vector<16xf32>
      %jit3A_1847 = arith.constant 67108864 : i32
      %jit3A_1848 = arith.constant 0 : i32
      %broadcast_in_dim3A_1849 = vector.broadcast %jit3A_1847 : i32 to vector<16xi32>
      %broadcast_in_dim3A_1850 = vector.broadcast %jit3A_1848 : i32 to vector<16xi32>
      %select_n3A_1851 = arith.select %gt3A_1846, %broadcast_in_dim3A_1849, %broadcast_in_dim3A_1850 : vector<16xi1>, vector<16xi32>
      %or3A_1852 = arith.ori %or3A_1839, %select_n3A_1851 : vector<16xi32>
      %add3A_1853 = arith.constant 1563 : i32
      %add3A_1854 = vector.broadcast %add3A_1853 : i32 to vector<16xi32>
      %add3A_1855 = arith.addi %mul3A_131, %add3A_1854 : vector<16xi32>
      %gather3A_1856 = tpu.vector_load_idx %arg12[%add3A_1855] : memref<4096xf32, #tpu.memory_space<vmem>>[vector<16xi32>], vector<16xf32>,
      %gt3A_1857 = arith.constant 0.000000e+00 : f32
      %gt3A_1858 = vector.broadcast %gt3A_1857 : f32 to vector<16xf32>
      %gt3A_1859 = arith.cmpf ogt, %gather3A_1856, %gt3A_1858 : vector<16xf32>
      %jit3A_1860 = arith.constant 134217728 : i32
      %jit3A_1861 = arith.constant 0 : i32
      %broadcast_in_dim3A_1862 = vector.broadcast %jit3A_1860 : i32 to vector<16xi32>
      %broadcast_in_dim3A_1863 = vector.broadcast %jit3A_1861 : i32 to vector<16xi32>
      %select_n3A_1864 = arith.select %gt3A_1859, %broadcast_in_dim3A_1862, %broadcast_in_dim3A_1863 : vector<16xi1>, vector<16xi32>
      %or3A_1865 = arith.ori %or3A_1852, %select_n3A_1864 : vector<16xi32>
      %add3A_1866 = arith.constant 1564 : i32
      %add3A_1867 = vector.broadcast %add3A_1866 : i32 to vector<16xi32>
      %add3A_1868 = arith.addi %mul3A_131, %add3A_1867 : vector<16xi32>
      %gather3A_1869 = tpu.vector_load_idx %arg12[%add3A_1868] : memref<4096xf32, #tpu.memory_space<vmem>>[vector<16xi32>], vector<16xf32>,
      %gt3A_1870 = arith.constant 0.000000e+00 : f32
      %gt3A_1871 = vector.broadcast %gt3A_1870 : f32 to vector<16xf32>
      %gt3A_1872 = arith.cmpf ogt, %gather3A_1869, %gt3A_1871 : vector<16xf32>
      %jit3A_1873 = arith.constant 268435456 : i32
      %jit3A_1874 = arith.constant 0 : i32
      %broadcast_in_dim3A_1875 = vector.broadcast %jit3A_1873 : i32 to vector<16xi32>
      %broadcast_in_dim3A_1876 = vector.broadcast %jit3A_1874 : i32 to vector<16xi32>
      %select_n3A_1877 = arith.select %gt3A_1872, %broadcast_in_dim3A_1875, %broadcast_in_dim3A_1876 : vector<16xi1>, vector<16xi32>
      %or3A_1878 = arith.ori %or3A_1865, %select_n3A_1877 : vector<16xi32>
      %add3A_1879 = arith.constant 1565 : i32
      %add3A_1880 = vector.broadcast %add3A_1879 : i32 to vector<16xi32>
      %add3A_1881 = arith.addi %mul3A_131, %add3A_1880 : vector<16xi32>
      %gather3A_1882 = tpu.vector_load_idx %arg12[%add3A_1881] : memref<4096xf32, #tpu.memory_space<vmem>>[vector<16xi32>], vector<16xf32>,
      %gt3A_1883 = arith.constant 0.000000e+00 : f32
      %gt3A_1884 = vector.broadcast %gt3A_1883 : f32 to vector<16xf32>
      %gt3A_1885 = arith.cmpf ogt, %gather3A_1882, %gt3A_1884 : vector<16xf32>
      %jit3A_1886 = arith.constant 536870912 : i32
      %jit3A_1887 = arith.constant 0 : i32
      %broadcast_in_dim3A_1888 = vector.broadcast %jit3A_1886 : i32 to vector<16xi32>
      %broadcast_in_dim3A_1889 = vector.broadcast %jit3A_1887 : i32 to vector<16xi32>
      %select_n3A_1890 = arith.select %gt3A_1885, %broadcast_in_dim3A_1888, %broadcast_in_dim3A_1889 : vector<16xi1>, vector<16xi32>
      %or3A_1891 = arith.ori %or3A_1878, %select_n3A_1890 : vector<16xi32>
      %add3A_1892 = arith.constant 1566 : i32
      %add3A_1893 = vector.broadcast %add3A_1892 : i32 to vector<16xi32>
      %add3A_1894 = arith.addi %mul3A_131, %add3A_1893 : vector<16xi32>
      %gather3A_1895 = tpu.vector_load_idx %arg12[%add3A_1894] : memref<4096xf32, #tpu.memory_space<vmem>>[vector<16xi32>], vector<16xf32>,
      %gt3A_1896 = arith.constant 0.000000e+00 : f32
      %gt3A_1897 = vector.broadcast %gt3A_1896 : f32 to vector<16xf32>
      %gt3A_1898 = arith.cmpf ogt, %gather3A_1895, %gt3A_1897 : vector<16xf32>
      %jit3A_1899 = arith.constant 1073741824 : i32
      %jit3A_1900 = arith.constant 0 : i32
      %broadcast_in_dim3A_1901 = vector.broadcast %jit3A_1899 : i32 to vector<16xi32>
      %broadcast_in_dim3A_1902 = vector.broadcast %jit3A_1900 : i32 to vector<16xi32>
      %select_n3A_1903 = arith.select %gt3A_1898, %broadcast_in_dim3A_1901, %broadcast_in_dim3A_1902 : vector<16xi1>, vector<16xi32>
      %or3A_1904 = arith.ori %or3A_1891, %select_n3A_1903 : vector<16xi32>
      %add3A_1905 = arith.constant 1567 : i32
      %add3A_1906 = vector.broadcast %add3A_1905 : i32 to vector<16xi32>
      %add3A_1907 = arith.addi %mul3A_131, %add3A_1906 : vector<16xi32>
      %gather3A_1908 = tpu.vector_load_idx %arg12[%add3A_1907] : memref<4096xf32, #tpu.memory_space<vmem>>[vector<16xi32>], vector<16xf32>,
      %gt3A_1909 = arith.constant 0.000000e+00 : f32
      %gt3A_1910 = vector.broadcast %gt3A_1909 : f32 to vector<16xf32>
      %gt3A_1911 = arith.cmpf ogt, %gather3A_1908, %gt3A_1910 : vector<16xf32>
      %jit3A_1912 = arith.constant -2147483648 : i32
      %jit3A_1913 = arith.constant 0 : i32
      %broadcast_in_dim3A_1914 = vector.broadcast %jit3A_1912 : i32 to vector<16xi32>
      %broadcast_in_dim3A_1915 = vector.broadcast %jit3A_1913 : i32 to vector<16xi32>
      %select_n3A_1916 = arith.select %gt3A_1911, %broadcast_in_dim3A_1914, %broadcast_in_dim3A_1915 : vector<16xi1>, vector<16xi32>
      %or3A_1917 = arith.ori %or3A_1904, %select_n3A_1916 : vector<16xi32>
      %swap3A_1918 = arith.constant 48 : index
      %swap3A_1919 = tpu.vector_load %arg13[%swap3A_1918] {strides = array<i32>} : memref<128xi32, #tpu.memory_space<vmem>>, vector<16xi32>,
      tpu.vector_store %arg13[%swap3A_1918], %or3A_1917 {strides = array<i32>} : memref<128xi32, #tpu.memory_space<vmem>>, vector<16xi32>,
      %broadcast_in_dim3A_1920 = arith.constant 0 : i32
      %broadcast_in_dim3A_1921 = vector.broadcast %broadcast_in_dim3A_1920 : i32 to vector<16xi32>
      %add3A_1922 = arith.constant 2048 : i32
      %add3A_1923 = vector.broadcast %add3A_1922 : i32 to vector<16xi32>
      %add3A_1924 = arith.addi %mul3A_131, %add3A_1923 : vector<16xi32>
      %gather3A_1925 = tpu.vector_load_idx %arg12[%add3A_1924] : memref<4096xf32, #tpu.memory_space<vmem>>[vector<16xi32>], vector<16xf32>,
      %gt3A_1926 = arith.constant 0.000000e+00 : f32
      %gt3A_1927 = vector.broadcast %gt3A_1926 : f32 to vector<16xf32>
      %gt3A_1928 = arith.cmpf ogt, %gather3A_1925, %gt3A_1927 : vector<16xf32>
      %jit3A_1929 = arith.constant 1 : i32
      %jit3A_1930 = arith.constant 0 : i32
      %broadcast_in_dim3A_1931 = vector.broadcast %jit3A_1929 : i32 to vector<16xi32>
      %broadcast_in_dim3A_1932 = vector.broadcast %jit3A_1930 : i32 to vector<16xi32>
      %select_n3A_1933 = arith.select %gt3A_1928, %broadcast_in_dim3A_1931, %broadcast_in_dim3A_1932 : vector<16xi1>, vector<16xi32>
      %or3A_1934 = arith.ori %broadcast_in_dim3A_1921, %select_n3A_1933 : vector<16xi32>
      %add3A_1935 = arith.constant 2049 : i32
      %add3A_1936 = vector.broadcast %add3A_1935 : i32 to vector<16xi32>
      %add3A_1937 = arith.addi %mul3A_131, %add3A_1936 : vector<16xi32>
      %gather3A_1938 = tpu.vector_load_idx %arg12[%add3A_1937] : memref<4096xf32, #tpu.memory_space<vmem>>[vector<16xi32>], vector<16xf32>,
      %gt3A_1939 = arith.constant 0.000000e+00 : f32
      %gt3A_1940 = vector.broadcast %gt3A_1939 : f32 to vector<16xf32>
      %gt3A_1941 = arith.cmpf ogt, %gather3A_1938, %gt3A_1940 : vector<16xf32>
      %jit3A_1942 = arith.constant 2 : i32
      %jit3A_1943 = arith.constant 0 : i32
      %broadcast_in_dim3A_1944 = vector.broadcast %jit3A_1942 : i32 to vector<16xi32>
      %broadcast_in_dim3A_1945 = vector.broadcast %jit3A_1943 : i32 to vector<16xi32>
      %select_n3A_1946 = arith.select %gt3A_1941, %broadcast_in_dim3A_1944, %broadcast_in_dim3A_1945 : vector<16xi1>, vector<16xi32>
      %or3A_1947 = arith.ori %or3A_1934, %select_n3A_1946 : vector<16xi32>
      %add3A_1948 = arith.constant 2050 : i32
      %add3A_1949 = vector.broadcast %add3A_1948 : i32 to vector<16xi32>
      %add3A_1950 = arith.addi %mul3A_131, %add3A_1949 : vector<16xi32>
      %gather3A_1951 = tpu.vector_load_idx %arg12[%add3A_1950] : memref<4096xf32, #tpu.memory_space<vmem>>[vector<16xi32>], vector<16xf32>,
      %gt3A_1952 = arith.constant 0.000000e+00 : f32
      %gt3A_1953 = vector.broadcast %gt3A_1952 : f32 to vector<16xf32>
      %gt3A_1954 = arith.cmpf ogt, %gather3A_1951, %gt3A_1953 : vector<16xf32>
      %jit3A_1955 = arith.constant 4 : i32
      %jit3A_1956 = arith.constant 0 : i32
      %broadcast_in_dim3A_1957 = vector.broadcast %jit3A_1955 : i32 to vector<16xi32>
      %broadcast_in_dim3A_1958 = vector.broadcast %jit3A_1956 : i32 to vector<16xi32>
      %select_n3A_1959 = arith.select %gt3A_1954, %broadcast_in_dim3A_1957, %broadcast_in_dim3A_1958 : vector<16xi1>, vector<16xi32>
      %or3A_1960 = arith.ori %or3A_1947, %select_n3A_1959 : vector<16xi32>
      %add3A_1961 = arith.constant 2051 : i32
      %add3A_1962 = vector.broadcast %add3A_1961 : i32 to vector<16xi32>
      %add3A_1963 = arith.addi %mul3A_131, %add3A_1962 : vector<16xi32>
      %gather3A_1964 = tpu.vector_load_idx %arg12[%add3A_1963] : memref<4096xf32, #tpu.memory_space<vmem>>[vector<16xi32>], vector<16xf32>,
      %gt3A_1965 = arith.constant 0.000000e+00 : f32
      %gt3A_1966 = vector.broadcast %gt3A_1965 : f32 to vector<16xf32>
      %gt3A_1967 = arith.cmpf ogt, %gather3A_1964, %gt3A_1966 : vector<16xf32>
      %jit3A_1968 = arith.constant 8 : i32
      %jit3A_1969 = arith.constant 0 : i32
      %broadcast_in_dim3A_1970 = vector.broadcast %jit3A_1968 : i32 to vector<16xi32>
      %broadcast_in_dim3A_1971 = vector.broadcast %jit3A_1969 : i32 to vector<16xi32>
      %select_n3A_1972 = arith.select %gt3A_1967, %broadcast_in_dim3A_1970, %broadcast_in_dim3A_1971 : vector<16xi1>, vector<16xi32>
      %or3A_1973 = arith.ori %or3A_1960, %select_n3A_1972 : vector<16xi32>
      %add3A_1974 = arith.constant 2052 : i32
      %add3A_1975 = vector.broadcast %add3A_1974 : i32 to vector<16xi32>
      %add3A_1976 = arith.addi %mul3A_131, %add3A_1975 : vector<16xi32>
      %gather3A_1977 = tpu.vector_load_idx %arg12[%add3A_1976] : memref<4096xf32, #tpu.memory_space<vmem>>[vector<16xi32>], vector<16xf32>,
      %gt3A_1978 = arith.constant 0.000000e+00 : f32
      %gt3A_1979 = vector.broadcast %gt3A_1978 : f32 to vector<16xf32>
      %gt3A_1980 = arith.cmpf ogt, %gather3A_1977, %gt3A_1979 : vector<16xf32>
      %jit3A_1981 = arith.constant 16 : i32
      %jit3A_1982 = arith.constant 0 : i32
      %broadcast_in_dim3A_1983 = vector.broadcast %jit3A_1981 : i32 to vector<16xi32>
      %broadcast_in_dim3A_1984 = vector.broadcast %jit3A_1982 : i32 to vector<16xi32>
      %select_n3A_1985 = arith.select %gt3A_1980, %broadcast_in_dim3A_1983, %broadcast_in_dim3A_1984 : vector<16xi1>, vector<16xi32>
      %or3A_1986 = arith.ori %or3A_1973, %select_n3A_1985 : vector<16xi32>
      %add3A_1987 = arith.constant 2053 : i32
      %add3A_1988 = vector.broadcast %add3A_1987 : i32 to vector<16xi32>
      %add3A_1989 = arith.addi %mul3A_131, %add3A_1988 : vector<16xi32>
      %gather3A_1990 = tpu.vector_load_idx %arg12[%add3A_1989] : memref<4096xf32, #tpu.memory_space<vmem>>[vector<16xi32>], vector<16xf32>,
      %gt3A_1991 = arith.constant 0.000000e+00 : f32
      %gt3A_1992 = vector.broadcast %gt3A_1991 : f32 to vector<16xf32>
      %gt3A_1993 = arith.cmpf ogt, %gather3A_1990, %gt3A_1992 : vector<16xf32>
      %jit3A_1994 = arith.constant 32 : i32
      %jit3A_1995 = arith.constant 0 : i32
      %broadcast_in_dim3A_1996 = vector.broadcast %jit3A_1994 : i32 to vector<16xi32>
      %broadcast_in_dim3A_1997 = vector.broadcast %jit3A_1995 : i32 to vector<16xi32>
      %select_n3A_1998 = arith.select %gt3A_1993, %broadcast_in_dim3A_1996, %broadcast_in_dim3A_1997 : vector<16xi1>, vector<16xi32>
      %or3A_1999 = arith.ori %or3A_1986, %select_n3A_1998 : vector<16xi32>
      %add3A_2000 = arith.constant 2054 : i32
      %add3A_2001 = vector.broadcast %add3A_2000 : i32 to vector<16xi32>
      %add3A_2002 = arith.addi %mul3A_131, %add3A_2001 : vector<16xi32>
      %gather3A_2003 = tpu.vector_load_idx %arg12[%add3A_2002] : memref<4096xf32, #tpu.memory_space<vmem>>[vector<16xi32>], vector<16xf32>,
      %gt3A_2004 = arith.constant 0.000000e+00 : f32
      %gt3A_2005 = vector.broadcast %gt3A_2004 : f32 to vector<16xf32>
      %gt3A_2006 = arith.cmpf ogt, %gather3A_2003, %gt3A_2005 : vector<16xf32>
      %jit3A_2007 = arith.constant 64 : i32
      %jit3A_2008 = arith.constant 0 : i32
      %broadcast_in_dim3A_2009 = vector.broadcast %jit3A_2007 : i32 to vector<16xi32>
      %broadcast_in_dim3A_2010 = vector.broadcast %jit3A_2008 : i32 to vector<16xi32>
      %select_n3A_2011 = arith.select %gt3A_2006, %broadcast_in_dim3A_2009, %broadcast_in_dim3A_2010 : vector<16xi1>, vector<16xi32>
      %or3A_2012 = arith.ori %or3A_1999, %select_n3A_2011 : vector<16xi32>
      %add3A_2013 = arith.constant 2055 : i32
      %add3A_2014 = vector.broadcast %add3A_2013 : i32 to vector<16xi32>
      %add3A_2015 = arith.addi %mul3A_131, %add3A_2014 : vector<16xi32>
      %gather3A_2016 = tpu.vector_load_idx %arg12[%add3A_2015] : memref<4096xf32, #tpu.memory_space<vmem>>[vector<16xi32>], vector<16xf32>,
      %gt3A_2017 = arith.constant 0.000000e+00 : f32
      %gt3A_2018 = vector.broadcast %gt3A_2017 : f32 to vector<16xf32>
      %gt3A_2019 = arith.cmpf ogt, %gather3A_2016, %gt3A_2018 : vector<16xf32>
      %jit3A_2020 = arith.constant 128 : i32
      %jit3A_2021 = arith.constant 0 : i32
      %broadcast_in_dim3A_2022 = vector.broadcast %jit3A_2020 : i32 to vector<16xi32>
      %broadcast_in_dim3A_2023 = vector.broadcast %jit3A_2021 : i32 to vector<16xi32>
      %select_n3A_2024 = arith.select %gt3A_2019, %broadcast_in_dim3A_2022, %broadcast_in_dim3A_2023 : vector<16xi1>, vector<16xi32>
      %or3A_2025 = arith.ori %or3A_2012, %select_n3A_2024 : vector<16xi32>
      %add3A_2026 = arith.constant 2056 : i32
      %add3A_2027 = vector.broadcast %add3A_2026 : i32 to vector<16xi32>
      %add3A_2028 = arith.addi %mul3A_131, %add3A_2027 : vector<16xi32>
      %gather3A_2029 = tpu.vector_load_idx %arg12[%add3A_2028] : memref<4096xf32, #tpu.memory_space<vmem>>[vector<16xi32>], vector<16xf32>,
      %gt3A_2030 = arith.constant 0.000000e+00 : f32
      %gt3A_2031 = vector.broadcast %gt3A_2030 : f32 to vector<16xf32>
      %gt3A_2032 = arith.cmpf ogt, %gather3A_2029, %gt3A_2031 : vector<16xf32>
      %jit3A_2033 = arith.constant 256 : i32
      %jit3A_2034 = arith.constant 0 : i32
      %broadcast_in_dim3A_2035 = vector.broadcast %jit3A_2033 : i32 to vector<16xi32>
      %broadcast_in_dim3A_2036 = vector.broadcast %jit3A_2034 : i32 to vector<16xi32>
      %select_n3A_2037 = arith.select %gt3A_2032, %broadcast_in_dim3A_2035, %broadcast_in_dim3A_2036 : vector<16xi1>, vector<16xi32>
      %or3A_2038 = arith.ori %or3A_2025, %select_n3A_2037 : vector<16xi32>
      %add3A_2039 = arith.constant 2057 : i32
      %add3A_2040 = vector.broadcast %add3A_2039 : i32 to vector<16xi32>
      %add3A_2041 = arith.addi %mul3A_131, %add3A_2040 : vector<16xi32>
      %gather3A_2042 = tpu.vector_load_idx %arg12[%add3A_2041] : memref<4096xf32, #tpu.memory_space<vmem>>[vector<16xi32>], vector<16xf32>,
      %gt3A_2043 = arith.constant 0.000000e+00 : f32
      %gt3A_2044 = vector.broadcast %gt3A_2043 : f32 to vector<16xf32>
      %gt3A_2045 = arith.cmpf ogt, %gather3A_2042, %gt3A_2044 : vector<16xf32>
      %jit3A_2046 = arith.constant 512 : i32
      %jit3A_2047 = arith.constant 0 : i32
      %broadcast_in_dim3A_2048 = vector.broadcast %jit3A_2046 : i32 to vector<16xi32>
      %broadcast_in_dim3A_2049 = vector.broadcast %jit3A_2047 : i32 to vector<16xi32>
      %select_n3A_2050 = arith.select %gt3A_2045, %broadcast_in_dim3A_2048, %broadcast_in_dim3A_2049 : vector<16xi1>, vector<16xi32>
      %or3A_2051 = arith.ori %or3A_2038, %select_n3A_2050 : vector<16xi32>
      %add3A_2052 = arith.constant 2058 : i32
      %add3A_2053 = vector.broadcast %add3A_2052 : i32 to vector<16xi32>
      %add3A_2054 = arith.addi %mul3A_131, %add3A_2053 : vector<16xi32>
      %gather3A_2055 = tpu.vector_load_idx %arg12[%add3A_2054] : memref<4096xf32, #tpu.memory_space<vmem>>[vector<16xi32>], vector<16xf32>,
      %gt3A_2056 = arith.constant 0.000000e+00 : f32
      %gt3A_2057 = vector.broadcast %gt3A_2056 : f32 to vector<16xf32>
      %gt3A_2058 = arith.cmpf ogt, %gather3A_2055, %gt3A_2057 : vector<16xf32>
      %jit3A_2059 = arith.constant 1024 : i32
      %jit3A_2060 = arith.constant 0 : i32
      %broadcast_in_dim3A_2061 = vector.broadcast %jit3A_2059 : i32 to vector<16xi32>
      %broadcast_in_dim3A_2062 = vector.broadcast %jit3A_2060 : i32 to vector<16xi32>
      %select_n3A_2063 = arith.select %gt3A_2058, %broadcast_in_dim3A_2061, %broadcast_in_dim3A_2062 : vector<16xi1>, vector<16xi32>
      %or3A_2064 = arith.ori %or3A_2051, %select_n3A_2063 : vector<16xi32>
      %add3A_2065 = arith.constant 2059 : i32
      %add3A_2066 = vector.broadcast %add3A_2065 : i32 to vector<16xi32>
      %add3A_2067 = arith.addi %mul3A_131, %add3A_2066 : vector<16xi32>
      %gather3A_2068 = tpu.vector_load_idx %arg12[%add3A_2067] : memref<4096xf32, #tpu.memory_space<vmem>>[vector<16xi32>], vector<16xf32>,
      %gt3A_2069 = arith.constant 0.000000e+00 : f32
      %gt3A_2070 = vector.broadcast %gt3A_2069 : f32 to vector<16xf32>
      %gt3A_2071 = arith.cmpf ogt, %gather3A_2068, %gt3A_2070 : vector<16xf32>
      %jit3A_2072 = arith.constant 2048 : i32
      %jit3A_2073 = arith.constant 0 : i32
      %broadcast_in_dim3A_2074 = vector.broadcast %jit3A_2072 : i32 to vector<16xi32>
      %broadcast_in_dim3A_2075 = vector.broadcast %jit3A_2073 : i32 to vector<16xi32>
      %select_n3A_2076 = arith.select %gt3A_2071, %broadcast_in_dim3A_2074, %broadcast_in_dim3A_2075 : vector<16xi1>, vector<16xi32>
      %or3A_2077 = arith.ori %or3A_2064, %select_n3A_2076 : vector<16xi32>
      %add3A_2078 = arith.constant 2060 : i32
      %add3A_2079 = vector.broadcast %add3A_2078 : i32 to vector<16xi32>
      %add3A_2080 = arith.addi %mul3A_131, %add3A_2079 : vector<16xi32>
      %gather3A_2081 = tpu.vector_load_idx %arg12[%add3A_2080] : memref<4096xf32, #tpu.memory_space<vmem>>[vector<16xi32>], vector<16xf32>,
      %gt3A_2082 = arith.constant 0.000000e+00 : f32
      %gt3A_2083 = vector.broadcast %gt3A_2082 : f32 to vector<16xf32>
      %gt3A_2084 = arith.cmpf ogt, %gather3A_2081, %gt3A_2083 : vector<16xf32>
      %jit3A_2085 = arith.constant 4096 : i32
      %jit3A_2086 = arith.constant 0 : i32
      %broadcast_in_dim3A_2087 = vector.broadcast %jit3A_2085 : i32 to vector<16xi32>
      %broadcast_in_dim3A_2088 = vector.broadcast %jit3A_2086 : i32 to vector<16xi32>
      %select_n3A_2089 = arith.select %gt3A_2084, %broadcast_in_dim3A_2087, %broadcast_in_dim3A_2088 : vector<16xi1>, vector<16xi32>
      %or3A_2090 = arith.ori %or3A_2077, %select_n3A_2089 : vector<16xi32>
      %add3A_2091 = arith.constant 2061 : i32
      %add3A_2092 = vector.broadcast %add3A_2091 : i32 to vector<16xi32>
      %add3A_2093 = arith.addi %mul3A_131, %add3A_2092 : vector<16xi32>
      %gather3A_2094 = tpu.vector_load_idx %arg12[%add3A_2093] : memref<4096xf32, #tpu.memory_space<vmem>>[vector<16xi32>], vector<16xf32>,
      %gt3A_2095 = arith.constant 0.000000e+00 : f32
      %gt3A_2096 = vector.broadcast %gt3A_2095 : f32 to vector<16xf32>
      %gt3A_2097 = arith.cmpf ogt, %gather3A_2094, %gt3A_2096 : vector<16xf32>
      %jit3A_2098 = arith.constant 8192 : i32
      %jit3A_2099 = arith.constant 0 : i32
      %broadcast_in_dim3A_2100 = vector.broadcast %jit3A_2098 : i32 to vector<16xi32>
      %broadcast_in_dim3A_2101 = vector.broadcast %jit3A_2099 : i32 to vector<16xi32>
      %select_n3A_2102 = arith.select %gt3A_2097, %broadcast_in_dim3A_2100, %broadcast_in_dim3A_2101 : vector<16xi1>, vector<16xi32>
      %or3A_2103 = arith.ori %or3A_2090, %select_n3A_2102 : vector<16xi32>
      %add3A_2104 = arith.constant 2062 : i32
      %add3A_2105 = vector.broadcast %add3A_2104 : i32 to vector<16xi32>
      %add3A_2106 = arith.addi %mul3A_131, %add3A_2105 : vector<16xi32>
      %gather3A_2107 = tpu.vector_load_idx %arg12[%add3A_2106] : memref<4096xf32, #tpu.memory_space<vmem>>[vector<16xi32>], vector<16xf32>,
      %gt3A_2108 = arith.constant 0.000000e+00 : f32
      %gt3A_2109 = vector.broadcast %gt3A_2108 : f32 to vector<16xf32>
      %gt3A_2110 = arith.cmpf ogt, %gather3A_2107, %gt3A_2109 : vector<16xf32>
      %jit3A_2111 = arith.constant 16384 : i32
      %jit3A_2112 = arith.constant 0 : i32
      %broadcast_in_dim3A_2113 = vector.broadcast %jit3A_2111 : i32 to vector<16xi32>
      %broadcast_in_dim3A_2114 = vector.broadcast %jit3A_2112 : i32 to vector<16xi32>
      %select_n3A_2115 = arith.select %gt3A_2110, %broadcast_in_dim3A_2113, %broadcast_in_dim3A_2114 : vector<16xi1>, vector<16xi32>
      %or3A_2116 = arith.ori %or3A_2103, %select_n3A_2115 : vector<16xi32>
      %add3A_2117 = arith.constant 2063 : i32
      %add3A_2118 = vector.broadcast %add3A_2117 : i32 to vector<16xi32>
      %add3A_2119 = arith.addi %mul3A_131, %add3A_2118 : vector<16xi32>
      %gather3A_2120 = tpu.vector_load_idx %arg12[%add3A_2119] : memref<4096xf32, #tpu.memory_space<vmem>>[vector<16xi32>], vector<16xf32>,
      %gt3A_2121 = arith.constant 0.000000e+00 : f32
      %gt3A_2122 = vector.broadcast %gt3A_2121 : f32 to vector<16xf32>
      %gt3A_2123 = arith.cmpf ogt, %gather3A_2120, %gt3A_2122 : vector<16xf32>
      %jit3A_2124 = arith.constant 32768 : i32
      %jit3A_2125 = arith.constant 0 : i32
      %broadcast_in_dim3A_2126 = vector.broadcast %jit3A_2124 : i32 to vector<16xi32>
      %broadcast_in_dim3A_2127 = vector.broadcast %jit3A_2125 : i32 to vector<16xi32>
      %select_n3A_2128 = arith.select %gt3A_2123, %broadcast_in_dim3A_2126, %broadcast_in_dim3A_2127 : vector<16xi1>, vector<16xi32>
      %or3A_2129 = arith.ori %or3A_2116, %select_n3A_2128 : vector<16xi32>
      %add3A_2130 = arith.constant 2064 : i32
      %add3A_2131 = vector.broadcast %add3A_2130 : i32 to vector<16xi32>
      %add3A_2132 = arith.addi %mul3A_131, %add3A_2131 : vector<16xi32>
      %gather3A_2133 = tpu.vector_load_idx %arg12[%add3A_2132] : memref<4096xf32, #tpu.memory_space<vmem>>[vector<16xi32>], vector<16xf32>,
      %gt3A_2134 = arith.constant 0.000000e+00 : f32
      %gt3A_2135 = vector.broadcast %gt3A_2134 : f32 to vector<16xf32>
      %gt3A_2136 = arith.cmpf ogt, %gather3A_2133, %gt3A_2135 : vector<16xf32>
      %jit3A_2137 = arith.constant 65536 : i32
      %jit3A_2138 = arith.constant 0 : i32
      %broadcast_in_dim3A_2139 = vector.broadcast %jit3A_2137 : i32 to vector<16xi32>
      %broadcast_in_dim3A_2140 = vector.broadcast %jit3A_2138 : i32 to vector<16xi32>
      %select_n3A_2141 = arith.select %gt3A_2136, %broadcast_in_dim3A_2139, %broadcast_in_dim3A_2140 : vector<16xi1>, vector<16xi32>
      %or3A_2142 = arith.ori %or3A_2129, %select_n3A_2141 : vector<16xi32>
      %add3A_2143 = arith.constant 2065 : i32
      %add3A_2144 = vector.broadcast %add3A_2143 : i32 to vector<16xi32>
      %add3A_2145 = arith.addi %mul3A_131, %add3A_2144 : vector<16xi32>
      %gather3A_2146 = tpu.vector_load_idx %arg12[%add3A_2145] : memref<4096xf32, #tpu.memory_space<vmem>>[vector<16xi32>], vector<16xf32>,
      %gt3A_2147 = arith.constant 0.000000e+00 : f32
      %gt3A_2148 = vector.broadcast %gt3A_2147 : f32 to vector<16xf32>
      %gt3A_2149 = arith.cmpf ogt, %gather3A_2146, %gt3A_2148 : vector<16xf32>
      %jit3A_2150 = arith.constant 131072 : i32
      %jit3A_2151 = arith.constant 0 : i32
      %broadcast_in_dim3A_2152 = vector.broadcast %jit3A_2150 : i32 to vector<16xi32>
      %broadcast_in_dim3A_2153 = vector.broadcast %jit3A_2151 : i32 to vector<16xi32>
      %select_n3A_2154 = arith.select %gt3A_2149, %broadcast_in_dim3A_2152, %broadcast_in_dim3A_2153 : vector<16xi1>, vector<16xi32>
      %or3A_2155 = arith.ori %or3A_2142, %select_n3A_2154 : vector<16xi32>
      %add3A_2156 = arith.constant 2066 : i32
      %add3A_2157 = vector.broadcast %add3A_2156 : i32 to vector<16xi32>
      %add3A_2158 = arith.addi %mul3A_131, %add3A_2157 : vector<16xi32>
      %gather3A_2159 = tpu.vector_load_idx %arg12[%add3A_2158] : memref<4096xf32, #tpu.memory_space<vmem>>[vector<16xi32>], vector<16xf32>,
      %gt3A_2160 = arith.constant 0.000000e+00 : f32
      %gt3A_2161 = vector.broadcast %gt3A_2160 : f32 to vector<16xf32>
      %gt3A_2162 = arith.cmpf ogt, %gather3A_2159, %gt3A_2161 : vector<16xf32>
      %jit3A_2163 = arith.constant 262144 : i32
      %jit3A_2164 = arith.constant 0 : i32
      %broadcast_in_dim3A_2165 = vector.broadcast %jit3A_2163 : i32 to vector<16xi32>
      %broadcast_in_dim3A_2166 = vector.broadcast %jit3A_2164 : i32 to vector<16xi32>
      %select_n3A_2167 = arith.select %gt3A_2162, %broadcast_in_dim3A_2165, %broadcast_in_dim3A_2166 : vector<16xi1>, vector<16xi32>
      %or3A_2168 = arith.ori %or3A_2155, %select_n3A_2167 : vector<16xi32>
      %add3A_2169 = arith.constant 2067 : i32
      %add3A_2170 = vector.broadcast %add3A_2169 : i32 to vector<16xi32>
      %add3A_2171 = arith.addi %mul3A_131, %add3A_2170 : vector<16xi32>
      %gather3A_2172 = tpu.vector_load_idx %arg12[%add3A_2171] : memref<4096xf32, #tpu.memory_space<vmem>>[vector<16xi32>], vector<16xf32>,
      %gt3A_2173 = arith.constant 0.000000e+00 : f32
      %gt3A_2174 = vector.broadcast %gt3A_2173 : f32 to vector<16xf32>
      %gt3A_2175 = arith.cmpf ogt, %gather3A_2172, %gt3A_2174 : vector<16xf32>
      %jit3A_2176 = arith.constant 524288 : i32
      %jit3A_2177 = arith.constant 0 : i32
      %broadcast_in_dim3A_2178 = vector.broadcast %jit3A_2176 : i32 to vector<16xi32>
      %broadcast_in_dim3A_2179 = vector.broadcast %jit3A_2177 : i32 to vector<16xi32>
      %select_n3A_2180 = arith.select %gt3A_2175, %broadcast_in_dim3A_2178, %broadcast_in_dim3A_2179 : vector<16xi1>, vector<16xi32>
      %or3A_2181 = arith.ori %or3A_2168, %select_n3A_2180 : vector<16xi32>
      %add3A_2182 = arith.constant 2068 : i32
      %add3A_2183 = vector.broadcast %add3A_2182 : i32 to vector<16xi32>
      %add3A_2184 = arith.addi %mul3A_131, %add3A_2183 : vector<16xi32>
      %gather3A_2185 = tpu.vector_load_idx %arg12[%add3A_2184] : memref<4096xf32, #tpu.memory_space<vmem>>[vector<16xi32>], vector<16xf32>,
      %gt3A_2186 = arith.constant 0.000000e+00 : f32
      %gt3A_2187 = vector.broadcast %gt3A_2186 : f32 to vector<16xf32>
      %gt3A_2188 = arith.cmpf ogt, %gather3A_2185, %gt3A_2187 : vector<16xf32>
      %jit3A_2189 = arith.constant 1048576 : i32
      %jit3A_2190 = arith.constant 0 : i32
      %broadcast_in_dim3A_2191 = vector.broadcast %jit3A_2189 : i32 to vector<16xi32>
      %broadcast_in_dim3A_2192 = vector.broadcast %jit3A_2190 : i32 to vector<16xi32>
      %select_n3A_2193 = arith.select %gt3A_2188, %broadcast_in_dim3A_2191, %broadcast_in_dim3A_2192 : vector<16xi1>, vector<16xi32>
      %or3A_2194 = arith.ori %or3A_2181, %select_n3A_2193 : vector<16xi32>
      %add3A_2195 = arith.constant 2069 : i32
      %add3A_2196 = vector.broadcast %add3A_2195 : i32 to vector<16xi32>
      %add3A_2197 = arith.addi %mul3A_131, %add3A_2196 : vector<16xi32>
      %gather3A_2198 = tpu.vector_load_idx %arg12[%add3A_2197] : memref<4096xf32, #tpu.memory_space<vmem>>[vector<16xi32>], vector<16xf32>,
      %gt3A_2199 = arith.constant 0.000000e+00 : f32
      %gt3A_2200 = vector.broadcast %gt3A_2199 : f32 to vector<16xf32>
      %gt3A_2201 = arith.cmpf ogt, %gather3A_2198, %gt3A_2200 : vector<16xf32>
      %jit3A_2202 = arith.constant 2097152 : i32
      %jit3A_2203 = arith.constant 0 : i32
      %broadcast_in_dim3A_2204 = vector.broadcast %jit3A_2202 : i32 to vector<16xi32>
      %broadcast_in_dim3A_2205 = vector.broadcast %jit3A_2203 : i32 to vector<16xi32>
      %select_n3A_2206 = arith.select %gt3A_2201, %broadcast_in_dim3A_2204, %broadcast_in_dim3A_2205 : vector<16xi1>, vector<16xi32>
      %or3A_2207 = arith.ori %or3A_2194, %select_n3A_2206 : vector<16xi32>
      %add3A_2208 = arith.constant 2070 : i32
      %add3A_2209 = vector.broadcast %add3A_2208 : i32 to vector<16xi32>
      %add3A_2210 = arith.addi %mul3A_131, %add3A_2209 : vector<16xi32>
      %gather3A_2211 = tpu.vector_load_idx %arg12[%add3A_2210] : memref<4096xf32, #tpu.memory_space<vmem>>[vector<16xi32>], vector<16xf32>,
      %gt3A_2212 = arith.constant 0.000000e+00 : f32
      %gt3A_2213 = vector.broadcast %gt3A_2212 : f32 to vector<16xf32>
      %gt3A_2214 = arith.cmpf ogt, %gather3A_2211, %gt3A_2213 : vector<16xf32>
      %jit3A_2215 = arith.constant 4194304 : i32
      %jit3A_2216 = arith.constant 0 : i32
      %broadcast_in_dim3A_2217 = vector.broadcast %jit3A_2215 : i32 to vector<16xi32>
      %broadcast_in_dim3A_2218 = vector.broadcast %jit3A_2216 : i32 to vector<16xi32>
      %select_n3A_2219 = arith.select %gt3A_2214, %broadcast_in_dim3A_2217, %broadcast_in_dim3A_2218 : vector<16xi1>, vector<16xi32>
      %or3A_2220 = arith.ori %or3A_2207, %select_n3A_2219 : vector<16xi32>
      %add3A_2221 = arith.constant 2071 : i32
      %add3A_2222 = vector.broadcast %add3A_2221 : i32 to vector<16xi32>
      %add3A_2223 = arith.addi %mul3A_131, %add3A_2222 : vector<16xi32>
      %gather3A_2224 = tpu.vector_load_idx %arg12[%add3A_2223] : memref<4096xf32, #tpu.memory_space<vmem>>[vector<16xi32>], vector<16xf32>,
      %gt3A_2225 = arith.constant 0.000000e+00 : f32
      %gt3A_2226 = vector.broadcast %gt3A_2225 : f32 to vector<16xf32>
      %gt3A_2227 = arith.cmpf ogt, %gather3A_2224, %gt3A_2226 : vector<16xf32>
      %jit3A_2228 = arith.constant 8388608 : i32
      %jit3A_2229 = arith.constant 0 : i32
      %broadcast_in_dim3A_2230 = vector.broadcast %jit3A_2228 : i32 to vector<16xi32>
      %broadcast_in_dim3A_2231 = vector.broadcast %jit3A_2229 : i32 to vector<16xi32>
      %select_n3A_2232 = arith.select %gt3A_2227, %broadcast_in_dim3A_2230, %broadcast_in_dim3A_2231 : vector<16xi1>, vector<16xi32>
      %or3A_2233 = arith.ori %or3A_2220, %select_n3A_2232 : vector<16xi32>
      %add3A_2234 = arith.constant 2072 : i32
      %add3A_2235 = vector.broadcast %add3A_2234 : i32 to vector<16xi32>
      %add3A_2236 = arith.addi %mul3A_131, %add3A_2235 : vector<16xi32>
      %gather3A_2237 = tpu.vector_load_idx %arg12[%add3A_2236] : memref<4096xf32, #tpu.memory_space<vmem>>[vector<16xi32>], vector<16xf32>,
      %gt3A_2238 = arith.constant 0.000000e+00 : f32
      %gt3A_2239 = vector.broadcast %gt3A_2238 : f32 to vector<16xf32>
      %gt3A_2240 = arith.cmpf ogt, %gather3A_2237, %gt3A_2239 : vector<16xf32>
      %jit3A_2241 = arith.constant 16777216 : i32
      %jit3A_2242 = arith.constant 0 : i32
      %broadcast_in_dim3A_2243 = vector.broadcast %jit3A_2241 : i32 to vector<16xi32>
      %broadcast_in_dim3A_2244 = vector.broadcast %jit3A_2242 : i32 to vector<16xi32>
      %select_n3A_2245 = arith.select %gt3A_2240, %broadcast_in_dim3A_2243, %broadcast_in_dim3A_2244 : vector<16xi1>, vector<16xi32>
      %or3A_2246 = arith.ori %or3A_2233, %select_n3A_2245 : vector<16xi32>
      %add3A_2247 = arith.constant 2073 : i32
      %add3A_2248 = vector.broadcast %add3A_2247 : i32 to vector<16xi32>
      %add3A_2249 = arith.addi %mul3A_131, %add3A_2248 : vector<16xi32>
      %gather3A_2250 = tpu.vector_load_idx %arg12[%add3A_2249] : memref<4096xf32, #tpu.memory_space<vmem>>[vector<16xi32>], vector<16xf32>,
      %gt3A_2251 = arith.constant 0.000000e+00 : f32
      %gt3A_2252 = vector.broadcast %gt3A_2251 : f32 to vector<16xf32>
      %gt3A_2253 = arith.cmpf ogt, %gather3A_2250, %gt3A_2252 : vector<16xf32>
      %jit3A_2254 = arith.constant 33554432 : i32
      %jit3A_2255 = arith.constant 0 : i32
      %broadcast_in_dim3A_2256 = vector.broadcast %jit3A_2254 : i32 to vector<16xi32>
      %broadcast_in_dim3A_2257 = vector.broadcast %jit3A_2255 : i32 to vector<16xi32>
      %select_n3A_2258 = arith.select %gt3A_2253, %broadcast_in_dim3A_2256, %broadcast_in_dim3A_2257 : vector<16xi1>, vector<16xi32>
      %or3A_2259 = arith.ori %or3A_2246, %select_n3A_2258 : vector<16xi32>
      %add3A_2260 = arith.constant 2074 : i32
      %add3A_2261 = vector.broadcast %add3A_2260 : i32 to vector<16xi32>
      %add3A_2262 = arith.addi %mul3A_131, %add3A_2261 : vector<16xi32>
      %gather3A_2263 = tpu.vector_load_idx %arg12[%add3A_2262] : memref<4096xf32, #tpu.memory_space<vmem>>[vector<16xi32>], vector<16xf32>,
      %gt3A_2264 = arith.constant 0.000000e+00 : f32
      %gt3A_2265 = vector.broadcast %gt3A_2264 : f32 to vector<16xf32>
      %gt3A_2266 = arith.cmpf ogt, %gather3A_2263, %gt3A_2265 : vector<16xf32>
      %jit3A_2267 = arith.constant 67108864 : i32
      %jit3A_2268 = arith.constant 0 : i32
      %broadcast_in_dim3A_2269 = vector.broadcast %jit3A_2267 : i32 to vector<16xi32>
      %broadcast_in_dim3A_2270 = vector.broadcast %jit3A_2268 : i32 to vector<16xi32>
      %select_n3A_2271 = arith.select %gt3A_2266, %broadcast_in_dim3A_2269, %broadcast_in_dim3A_2270 : vector<16xi1>, vector<16xi32>
      %or3A_2272 = arith.ori %or3A_2259, %select_n3A_2271 : vector<16xi32>
      %add3A_2273 = arith.constant 2075 : i32
      %add3A_2274 = vector.broadcast %add3A_2273 : i32 to vector<16xi32>
      %add3A_2275 = arith.addi %mul3A_131, %add3A_2274 : vector<16xi32>
      %gather3A_2276 = tpu.vector_load_idx %arg12[%add3A_2275] : memref<4096xf32, #tpu.memory_space<vmem>>[vector<16xi32>], vector<16xf32>,
      %gt3A_2277 = arith.constant 0.000000e+00 : f32
      %gt3A_2278 = vector.broadcast %gt3A_2277 : f32 to vector<16xf32>
      %gt3A_2279 = arith.cmpf ogt, %gather3A_2276, %gt3A_2278 : vector<16xf32>
      %jit3A_2280 = arith.constant 134217728 : i32
      %jit3A_2281 = arith.constant 0 : i32
      %broadcast_in_dim3A_2282 = vector.broadcast %jit3A_2280 : i32 to vector<16xi32>
      %broadcast_in_dim3A_2283 = vector.broadcast %jit3A_2281 : i32 to vector<16xi32>
      %select_n3A_2284 = arith.select %gt3A_2279, %broadcast_in_dim3A_2282, %broadcast_in_dim3A_2283 : vector<16xi1>, vector<16xi32>
      %or3A_2285 = arith.ori %or3A_2272, %select_n3A_2284 : vector<16xi32>
      %add3A_2286 = arith.constant 2076 : i32
      %add3A_2287 = vector.broadcast %add3A_2286 : i32 to vector<16xi32>
      %add3A_2288 = arith.addi %mul3A_131, %add3A_2287 : vector<16xi32>
      %gather3A_2289 = tpu.vector_load_idx %arg12[%add3A_2288] : memref<4096xf32, #tpu.memory_space<vmem>>[vector<16xi32>], vector<16xf32>,
      %gt3A_2290 = arith.constant 0.000000e+00 : f32
      %gt3A_2291 = vector.broadcast %gt3A_2290 : f32 to vector<16xf32>
      %gt3A_2292 = arith.cmpf ogt, %gather3A_2289, %gt3A_2291 : vector<16xf32>
      %jit3A_2293 = arith.constant 268435456 : i32
      %jit3A_2294 = arith.constant 0 : i32
      %broadcast_in_dim3A_2295 = vector.broadcast %jit3A_2293 : i32 to vector<16xi32>
      %broadcast_in_dim3A_2296 = vector.broadcast %jit3A_2294 : i32 to vector<16xi32>
      %select_n3A_2297 = arith.select %gt3A_2292, %broadcast_in_dim3A_2295, %broadcast_in_dim3A_2296 : vector<16xi1>, vector<16xi32>
      %or3A_2298 = arith.ori %or3A_2285, %select_n3A_2297 : vector<16xi32>
      %add3A_2299 = arith.constant 2077 : i32
      %add3A_2300 = vector.broadcast %add3A_2299 : i32 to vector<16xi32>
      %add3A_2301 = arith.addi %mul3A_131, %add3A_2300 : vector<16xi32>
      %gather3A_2302 = tpu.vector_load_idx %arg12[%add3A_2301] : memref<4096xf32, #tpu.memory_space<vmem>>[vector<16xi32>], vector<16xf32>,
      %gt3A_2303 = arith.constant 0.000000e+00 : f32
      %gt3A_2304 = vector.broadcast %gt3A_2303 : f32 to vector<16xf32>
      %gt3A_2305 = arith.cmpf ogt, %gather3A_2302, %gt3A_2304 : vector<16xf32>
      %jit3A_2306 = arith.constant 536870912 : i32
      %jit3A_2307 = arith.constant 0 : i32
      %broadcast_in_dim3A_2308 = vector.broadcast %jit3A_2306 : i32 to vector<16xi32>
      %broadcast_in_dim3A_2309 = vector.broadcast %jit3A_2307 : i32 to vector<16xi32>
      %select_n3A_2310 = arith.select %gt3A_2305, %broadcast_in_dim3A_2308, %broadcast_in_dim3A_2309 : vector<16xi1>, vector<16xi32>
      %or3A_2311 = arith.ori %or3A_2298, %select_n3A_2310 : vector<16xi32>
      %add3A_2312 = arith.constant 2078 : i32
      %add3A_2313 = vector.broadcast %add3A_2312 : i32 to vector<16xi32>
      %add3A_2314 = arith.addi %mul3A_131, %add3A_2313 : vector<16xi32>
      %gather3A_2315 = tpu.vector_load_idx %arg12[%add3A_2314] : memref<4096xf32, #tpu.memory_space<vmem>>[vector<16xi32>], vector<16xf32>,
      %gt3A_2316 = arith.constant 0.000000e+00 : f32
      %gt3A_2317 = vector.broadcast %gt3A_2316 : f32 to vector<16xf32>
      %gt3A_2318 = arith.cmpf ogt, %gather3A_2315, %gt3A_2317 : vector<16xf32>
      %jit3A_2319 = arith.constant 1073741824 : i32
      %jit3A_2320 = arith.constant 0 : i32
      %broadcast_in_dim3A_2321 = vector.broadcast %jit3A_2319 : i32 to vector<16xi32>
      %broadcast_in_dim3A_2322 = vector.broadcast %jit3A_2320 : i32 to vector<16xi32>
      %select_n3A_2323 = arith.select %gt3A_2318, %broadcast_in_dim3A_2321, %broadcast_in_dim3A_2322 : vector<16xi1>, vector<16xi32>
      %or3A_2324 = arith.ori %or3A_2311, %select_n3A_2323 : vector<16xi32>
      %add3A_2325 = arith.constant 2079 : i32
      %add3A_2326 = vector.broadcast %add3A_2325 : i32 to vector<16xi32>
      %add3A_2327 = arith.addi %mul3A_131, %add3A_2326 : vector<16xi32>
      %gather3A_2328 = tpu.vector_load_idx %arg12[%add3A_2327] : memref<4096xf32, #tpu.memory_space<vmem>>[vector<16xi32>], vector<16xf32>,
      %gt3A_2329 = arith.constant 0.000000e+00 : f32
      %gt3A_2330 = vector.broadcast %gt3A_2329 : f32 to vector<16xf32>
      %gt3A_2331 = arith.cmpf ogt, %gather3A_2328, %gt3A_2330 : vector<16xf32>
      %jit3A_2332 = arith.constant -2147483648 : i32
      %jit3A_2333 = arith.constant 0 : i32
      %broadcast_in_dim3A_2334 = vector.broadcast %jit3A_2332 : i32 to vector<16xi32>
      %broadcast_in_dim3A_2335 = vector.broadcast %jit3A_2333 : i32 to vector<16xi32>
      %select_n3A_2336 = arith.select %gt3A_2331, %broadcast_in_dim3A_2334, %broadcast_in_dim3A_2335 : vector<16xi1>, vector<16xi32>
      %or3A_2337 = arith.ori %or3A_2324, %select_n3A_2336 : vector<16xi32>
      %swap3A_2338 = arith.constant 64 : index
      %swap3A_2339 = tpu.vector_load %arg13[%swap3A_2338] {strides = array<i32>} : memref<128xi32, #tpu.memory_space<vmem>>, vector<16xi32>,
      tpu.vector_store %arg13[%swap3A_2338], %or3A_2337 {strides = array<i32>} : memref<128xi32, #tpu.memory_space<vmem>>, vector<16xi32>,
      %broadcast_in_dim3A_2340 = arith.constant 0 : i32
      %broadcast_in_dim3A_2341 = vector.broadcast %broadcast_in_dim3A_2340 : i32 to vector<16xi32>
      %add3A_2342 = arith.constant 2560 : i32
      %add3A_2343 = vector.broadcast %add3A_2342 : i32 to vector<16xi32>
      %add3A_2344 = arith.addi %mul3A_131, %add3A_2343 : vector<16xi32>
      %gather3A_2345 = tpu.vector_load_idx %arg12[%add3A_2344] : memref<4096xf32, #tpu.memory_space<vmem>>[vector<16xi32>], vector<16xf32>,
      %gt3A_2346 = arith.constant 0.000000e+00 : f32
      %gt3A_2347 = vector.broadcast %gt3A_2346 : f32 to vector<16xf32>
      %gt3A_2348 = arith.cmpf ogt, %gather3A_2345, %gt3A_2347 : vector<16xf32>
      %jit3A_2349 = arith.constant 1 : i32
      %jit3A_2350 = arith.constant 0 : i32
      %broadcast_in_dim3A_2351 = vector.broadcast %jit3A_2349 : i32 to vector<16xi32>
      %broadcast_in_dim3A_2352 = vector.broadcast %jit3A_2350 : i32 to vector<16xi32>
      %select_n3A_2353 = arith.select %gt3A_2348, %broadcast_in_dim3A_2351, %broadcast_in_dim3A_2352 : vector<16xi1>, vector<16xi32>
      %or3A_2354 = arith.ori %broadcast_in_dim3A_2341, %select_n3A_2353 : vector<16xi32>
      %add3A_2355 = arith.constant 2561 : i32
      %add3A_2356 = vector.broadcast %add3A_2355 : i32 to vector<16xi32>
      %add3A_2357 = arith.addi %mul3A_131, %add3A_2356 : vector<16xi32>
      %gather3A_2358 = tpu.vector_load_idx %arg12[%add3A_2357] : memref<4096xf32, #tpu.memory_space<vmem>>[vector<16xi32>], vector<16xf32>,
      %gt3A_2359 = arith.constant 0.000000e+00 : f32
      %gt3A_2360 = vector.broadcast %gt3A_2359 : f32 to vector<16xf32>
      %gt3A_2361 = arith.cmpf ogt, %gather3A_2358, %gt3A_2360 : vector<16xf32>
      %jit3A_2362 = arith.constant 2 : i32
      %jit3A_2363 = arith.constant 0 : i32
      %broadcast_in_dim3A_2364 = vector.broadcast %jit3A_2362 : i32 to vector<16xi32>
      %broadcast_in_dim3A_2365 = vector.broadcast %jit3A_2363 : i32 to vector<16xi32>
      %select_n3A_2366 = arith.select %gt3A_2361, %broadcast_in_dim3A_2364, %broadcast_in_dim3A_2365 : vector<16xi1>, vector<16xi32>
      %or3A_2367 = arith.ori %or3A_2354, %select_n3A_2366 : vector<16xi32>
      %add3A_2368 = arith.constant 2562 : i32
      %add3A_2369 = vector.broadcast %add3A_2368 : i32 to vector<16xi32>
      %add3A_2370 = arith.addi %mul3A_131, %add3A_2369 : vector<16xi32>
      %gather3A_2371 = tpu.vector_load_idx %arg12[%add3A_2370] : memref<4096xf32, #tpu.memory_space<vmem>>[vector<16xi32>], vector<16xf32>,
      %gt3A_2372 = arith.constant 0.000000e+00 : f32
      %gt3A_2373 = vector.broadcast %gt3A_2372 : f32 to vector<16xf32>
      %gt3A_2374 = arith.cmpf ogt, %gather3A_2371, %gt3A_2373 : vector<16xf32>
      %jit3A_2375 = arith.constant 4 : i32
      %jit3A_2376 = arith.constant 0 : i32
      %broadcast_in_dim3A_2377 = vector.broadcast %jit3A_2375 : i32 to vector<16xi32>
      %broadcast_in_dim3A_2378 = vector.broadcast %jit3A_2376 : i32 to vector<16xi32>
      %select_n3A_2379 = arith.select %gt3A_2374, %broadcast_in_dim3A_2377, %broadcast_in_dim3A_2378 : vector<16xi1>, vector<16xi32>
      %or3A_2380 = arith.ori %or3A_2367, %select_n3A_2379 : vector<16xi32>
      %add3A_2381 = arith.constant 2563 : i32
      %add3A_2382 = vector.broadcast %add3A_2381 : i32 to vector<16xi32>
      %add3A_2383 = arith.addi %mul3A_131, %add3A_2382 : vector<16xi32>
      %gather3A_2384 = tpu.vector_load_idx %arg12[%add3A_2383] : memref<4096xf32, #tpu.memory_space<vmem>>[vector<16xi32>], vector<16xf32>,
      %gt3A_2385 = arith.constant 0.000000e+00 : f32
      %gt3A_2386 = vector.broadcast %gt3A_2385 : f32 to vector<16xf32>
      %gt3A_2387 = arith.cmpf ogt, %gather3A_2384, %gt3A_2386 : vector<16xf32>
      %jit3A_2388 = arith.constant 8 : i32
      %jit3A_2389 = arith.constant 0 : i32
      %broadcast_in_dim3A_2390 = vector.broadcast %jit3A_2388 : i32 to vector<16xi32>
      %broadcast_in_dim3A_2391 = vector.broadcast %jit3A_2389 : i32 to vector<16xi32>
      %select_n3A_2392 = arith.select %gt3A_2387, %broadcast_in_dim3A_2390, %broadcast_in_dim3A_2391 : vector<16xi1>, vector<16xi32>
      %or3A_2393 = arith.ori %or3A_2380, %select_n3A_2392 : vector<16xi32>
      %add3A_2394 = arith.constant 2564 : i32
      %add3A_2395 = vector.broadcast %add3A_2394 : i32 to vector<16xi32>
      %add3A_2396 = arith.addi %mul3A_131, %add3A_2395 : vector<16xi32>
      %gather3A_2397 = tpu.vector_load_idx %arg12[%add3A_2396] : memref<4096xf32, #tpu.memory_space<vmem>>[vector<16xi32>], vector<16xf32>,
      %gt3A_2398 = arith.constant 0.000000e+00 : f32
      %gt3A_2399 = vector.broadcast %gt3A_2398 : f32 to vector<16xf32>
      %gt3A_2400 = arith.cmpf ogt, %gather3A_2397, %gt3A_2399 : vector<16xf32>
      %jit3A_2401 = arith.constant 16 : i32
      %jit3A_2402 = arith.constant 0 : i32
      %broadcast_in_dim3A_2403 = vector.broadcast %jit3A_2401 : i32 to vector<16xi32>
      %broadcast_in_dim3A_2404 = vector.broadcast %jit3A_2402 : i32 to vector<16xi32>
      %select_n3A_2405 = arith.select %gt3A_2400, %broadcast_in_dim3A_2403, %broadcast_in_dim3A_2404 : vector<16xi1>, vector<16xi32>
      %or3A_2406 = arith.ori %or3A_2393, %select_n3A_2405 : vector<16xi32>
      %add3A_2407 = arith.constant 2565 : i32
      %add3A_2408 = vector.broadcast %add3A_2407 : i32 to vector<16xi32>
      %add3A_2409 = arith.addi %mul3A_131, %add3A_2408 : vector<16xi32>
      %gather3A_2410 = tpu.vector_load_idx %arg12[%add3A_2409] : memref<4096xf32, #tpu.memory_space<vmem>>[vector<16xi32>], vector<16xf32>,
      %gt3A_2411 = arith.constant 0.000000e+00 : f32
      %gt3A_2412 = vector.broadcast %gt3A_2411 : f32 to vector<16xf32>
      %gt3A_2413 = arith.cmpf ogt, %gather3A_2410, %gt3A_2412 : vector<16xf32>
      %jit3A_2414 = arith.constant 32 : i32
      %jit3A_2415 = arith.constant 0 : i32
      %broadcast_in_dim3A_2416 = vector.broadcast %jit3A_2414 : i32 to vector<16xi32>
      %broadcast_in_dim3A_2417 = vector.broadcast %jit3A_2415 : i32 to vector<16xi32>
      %select_n3A_2418 = arith.select %gt3A_2413, %broadcast_in_dim3A_2416, %broadcast_in_dim3A_2417 : vector<16xi1>, vector<16xi32>
      %or3A_2419 = arith.ori %or3A_2406, %select_n3A_2418 : vector<16xi32>
      %add3A_2420 = arith.constant 2566 : i32
      %add3A_2421 = vector.broadcast %add3A_2420 : i32 to vector<16xi32>
      %add3A_2422 = arith.addi %mul3A_131, %add3A_2421 : vector<16xi32>
      %gather3A_2423 = tpu.vector_load_idx %arg12[%add3A_2422] : memref<4096xf32, #tpu.memory_space<vmem>>[vector<16xi32>], vector<16xf32>,
      %gt3A_2424 = arith.constant 0.000000e+00 : f32
      %gt3A_2425 = vector.broadcast %gt3A_2424 : f32 to vector<16xf32>
      %gt3A_2426 = arith.cmpf ogt, %gather3A_2423, %gt3A_2425 : vector<16xf32>
      %jit3A_2427 = arith.constant 64 : i32
      %jit3A_2428 = arith.constant 0 : i32
      %broadcast_in_dim3A_2429 = vector.broadcast %jit3A_2427 : i32 to vector<16xi32>
      %broadcast_in_dim3A_2430 = vector.broadcast %jit3A_2428 : i32 to vector<16xi32>
      %select_n3A_2431 = arith.select %gt3A_2426, %broadcast_in_dim3A_2429, %broadcast_in_dim3A_2430 : vector<16xi1>, vector<16xi32>
      %or3A_2432 = arith.ori %or3A_2419, %select_n3A_2431 : vector<16xi32>
      %add3A_2433 = arith.constant 2567 : i32
      %add3A_2434 = vector.broadcast %add3A_2433 : i32 to vector<16xi32>
      %add3A_2435 = arith.addi %mul3A_131, %add3A_2434 : vector<16xi32>
      %gather3A_2436 = tpu.vector_load_idx %arg12[%add3A_2435] : memref<4096xf32, #tpu.memory_space<vmem>>[vector<16xi32>], vector<16xf32>,
      %gt3A_2437 = arith.constant 0.000000e+00 : f32
      %gt3A_2438 = vector.broadcast %gt3A_2437 : f32 to vector<16xf32>
      %gt3A_2439 = arith.cmpf ogt, %gather3A_2436, %gt3A_2438 : vector<16xf32>
      %jit3A_2440 = arith.constant 128 : i32
      %jit3A_2441 = arith.constant 0 : i32
      %broadcast_in_dim3A_2442 = vector.broadcast %jit3A_2440 : i32 to vector<16xi32>
      %broadcast_in_dim3A_2443 = vector.broadcast %jit3A_2441 : i32 to vector<16xi32>
      %select_n3A_2444 = arith.select %gt3A_2439, %broadcast_in_dim3A_2442, %broadcast_in_dim3A_2443 : vector<16xi1>, vector<16xi32>
      %or3A_2445 = arith.ori %or3A_2432, %select_n3A_2444 : vector<16xi32>
      %add3A_2446 = arith.constant 2568 : i32
      %add3A_2447 = vector.broadcast %add3A_2446 : i32 to vector<16xi32>
      %add3A_2448 = arith.addi %mul3A_131, %add3A_2447 : vector<16xi32>
      %gather3A_2449 = tpu.vector_load_idx %arg12[%add3A_2448] : memref<4096xf32, #tpu.memory_space<vmem>>[vector<16xi32>], vector<16xf32>,
      %gt3A_2450 = arith.constant 0.000000e+00 : f32
      %gt3A_2451 = vector.broadcast %gt3A_2450 : f32 to vector<16xf32>
      %gt3A_2452 = arith.cmpf ogt, %gather3A_2449, %gt3A_2451 : vector<16xf32>
      %jit3A_2453 = arith.constant 256 : i32
      %jit3A_2454 = arith.constant 0 : i32
      %broadcast_in_dim3A_2455 = vector.broadcast %jit3A_2453 : i32 to vector<16xi32>
      %broadcast_in_dim3A_2456 = vector.broadcast %jit3A_2454 : i32 to vector<16xi32>
      %select_n3A_2457 = arith.select %gt3A_2452, %broadcast_in_dim3A_2455, %broadcast_in_dim3A_2456 : vector<16xi1>, vector<16xi32>
      %or3A_2458 = arith.ori %or3A_2445, %select_n3A_2457 : vector<16xi32>
      %add3A_2459 = arith.constant 2569 : i32
      %add3A_2460 = vector.broadcast %add3A_2459 : i32 to vector<16xi32>
      %add3A_2461 = arith.addi %mul3A_131, %add3A_2460 : vector<16xi32>
      %gather3A_2462 = tpu.vector_load_idx %arg12[%add3A_2461] : memref<4096xf32, #tpu.memory_space<vmem>>[vector<16xi32>], vector<16xf32>,
      %gt3A_2463 = arith.constant 0.000000e+00 : f32
      %gt3A_2464 = vector.broadcast %gt3A_2463 : f32 to vector<16xf32>
      %gt3A_2465 = arith.cmpf ogt, %gather3A_2462, %gt3A_2464 : vector<16xf32>
      %jit3A_2466 = arith.constant 512 : i32
      %jit3A_2467 = arith.constant 0 : i32
      %broadcast_in_dim3A_2468 = vector.broadcast %jit3A_2466 : i32 to vector<16xi32>
      %broadcast_in_dim3A_2469 = vector.broadcast %jit3A_2467 : i32 to vector<16xi32>
      %select_n3A_2470 = arith.select %gt3A_2465, %broadcast_in_dim3A_2468, %broadcast_in_dim3A_2469 : vector<16xi1>, vector<16xi32>
      %or3A_2471 = arith.ori %or3A_2458, %select_n3A_2470 : vector<16xi32>
      %add3A_2472 = arith.constant 2570 : i32
      %add3A_2473 = vector.broadcast %add3A_2472 : i32 to vector<16xi32>
      %add3A_2474 = arith.addi %mul3A_131, %add3A_2473 : vector<16xi32>
      %gather3A_2475 = tpu.vector_load_idx %arg12[%add3A_2474] : memref<4096xf32, #tpu.memory_space<vmem>>[vector<16xi32>], vector<16xf32>,
      %gt3A_2476 = arith.constant 0.000000e+00 : f32
      %gt3A_2477 = vector.broadcast %gt3A_2476 : f32 to vector<16xf32>
      %gt3A_2478 = arith.cmpf ogt, %gather3A_2475, %gt3A_2477 : vector<16xf32>
      %jit3A_2479 = arith.constant 1024 : i32
      %jit3A_2480 = arith.constant 0 : i32
      %broadcast_in_dim3A_2481 = vector.broadcast %jit3A_2479 : i32 to vector<16xi32>
      %broadcast_in_dim3A_2482 = vector.broadcast %jit3A_2480 : i32 to vector<16xi32>
      %select_n3A_2483 = arith.select %gt3A_2478, %broadcast_in_dim3A_2481, %broadcast_in_dim3A_2482 : vector<16xi1>, vector<16xi32>
      %or3A_2484 = arith.ori %or3A_2471, %select_n3A_2483 : vector<16xi32>
      %add3A_2485 = arith.constant 2571 : i32
      %add3A_2486 = vector.broadcast %add3A_2485 : i32 to vector<16xi32>
      %add3A_2487 = arith.addi %mul3A_131, %add3A_2486 : vector<16xi32>
      %gather3A_2488 = tpu.vector_load_idx %arg12[%add3A_2487] : memref<4096xf32, #tpu.memory_space<vmem>>[vector<16xi32>], vector<16xf32>,
      %gt3A_2489 = arith.constant 0.000000e+00 : f32
      %gt3A_2490 = vector.broadcast %gt3A_2489 : f32 to vector<16xf32>
      %gt3A_2491 = arith.cmpf ogt, %gather3A_2488, %gt3A_2490 : vector<16xf32>
      %jit3A_2492 = arith.constant 2048 : i32
      %jit3A_2493 = arith.constant 0 : i32
      %broadcast_in_dim3A_2494 = vector.broadcast %jit3A_2492 : i32 to vector<16xi32>
      %broadcast_in_dim3A_2495 = vector.broadcast %jit3A_2493 : i32 to vector<16xi32>
      %select_n3A_2496 = arith.select %gt3A_2491, %broadcast_in_dim3A_2494, %broadcast_in_dim3A_2495 : vector<16xi1>, vector<16xi32>
      %or3A_2497 = arith.ori %or3A_2484, %select_n3A_2496 : vector<16xi32>
      %add3A_2498 = arith.constant 2572 : i32
      %add3A_2499 = vector.broadcast %add3A_2498 : i32 to vector<16xi32>
      %add3A_2500 = arith.addi %mul3A_131, %add3A_2499 : vector<16xi32>
      %gather3A_2501 = tpu.vector_load_idx %arg12[%add3A_2500] : memref<4096xf32, #tpu.memory_space<vmem>>[vector<16xi32>], vector<16xf32>,
      %gt3A_2502 = arith.constant 0.000000e+00 : f32
      %gt3A_2503 = vector.broadcast %gt3A_2502 : f32 to vector<16xf32>
      %gt3A_2504 = arith.cmpf ogt, %gather3A_2501, %gt3A_2503 : vector<16xf32>
      %jit3A_2505 = arith.constant 4096 : i32
      %jit3A_2506 = arith.constant 0 : i32
      %broadcast_in_dim3A_2507 = vector.broadcast %jit3A_2505 : i32 to vector<16xi32>
      %broadcast_in_dim3A_2508 = vector.broadcast %jit3A_2506 : i32 to vector<16xi32>
      %select_n3A_2509 = arith.select %gt3A_2504, %broadcast_in_dim3A_2507, %broadcast_in_dim3A_2508 : vector<16xi1>, vector<16xi32>
      %or3A_2510 = arith.ori %or3A_2497, %select_n3A_2509 : vector<16xi32>
      %add3A_2511 = arith.constant 2573 : i32
      %add3A_2512 = vector.broadcast %add3A_2511 : i32 to vector<16xi32>
      %add3A_2513 = arith.addi %mul3A_131, %add3A_2512 : vector<16xi32>
      %gather3A_2514 = tpu.vector_load_idx %arg12[%add3A_2513] : memref<4096xf32, #tpu.memory_space<vmem>>[vector<16xi32>], vector<16xf32>,
      %gt3A_2515 = arith.constant 0.000000e+00 : f32
      %gt3A_2516 = vector.broadcast %gt3A_2515 : f32 to vector<16xf32>
      %gt3A_2517 = arith.cmpf ogt, %gather3A_2514, %gt3A_2516 : vector<16xf32>
      %jit3A_2518 = arith.constant 8192 : i32
      %jit3A_2519 = arith.constant 0 : i32
      %broadcast_in_dim3A_2520 = vector.broadcast %jit3A_2518 : i32 to vector<16xi32>
      %broadcast_in_dim3A_2521 = vector.broadcast %jit3A_2519 : i32 to vector<16xi32>
      %select_n3A_2522 = arith.select %gt3A_2517, %broadcast_in_dim3A_2520, %broadcast_in_dim3A_2521 : vector<16xi1>, vector<16xi32>
      %or3A_2523 = arith.ori %or3A_2510, %select_n3A_2522 : vector<16xi32>
      %add3A_2524 = arith.constant 2574 : i32
      %add3A_2525 = vector.broadcast %add3A_2524 : i32 to vector<16xi32>
      %add3A_2526 = arith.addi %mul3A_131, %add3A_2525 : vector<16xi32>
      %gather3A_2527 = tpu.vector_load_idx %arg12[%add3A_2526] : memref<4096xf32, #tpu.memory_space<vmem>>[vector<16xi32>], vector<16xf32>,
      %gt3A_2528 = arith.constant 0.000000e+00 : f32
      %gt3A_2529 = vector.broadcast %gt3A_2528 : f32 to vector<16xf32>
      %gt3A_2530 = arith.cmpf ogt, %gather3A_2527, %gt3A_2529 : vector<16xf32>
      %jit3A_2531 = arith.constant 16384 : i32
      %jit3A_2532 = arith.constant 0 : i32
      %broadcast_in_dim3A_2533 = vector.broadcast %jit3A_2531 : i32 to vector<16xi32>
      %broadcast_in_dim3A_2534 = vector.broadcast %jit3A_2532 : i32 to vector<16xi32>
      %select_n3A_2535 = arith.select %gt3A_2530, %broadcast_in_dim3A_2533, %broadcast_in_dim3A_2534 : vector<16xi1>, vector<16xi32>
      %or3A_2536 = arith.ori %or3A_2523, %select_n3A_2535 : vector<16xi32>
      %add3A_2537 = arith.constant 2575 : i32
      %add3A_2538 = vector.broadcast %add3A_2537 : i32 to vector<16xi32>
      %add3A_2539 = arith.addi %mul3A_131, %add3A_2538 : vector<16xi32>
      %gather3A_2540 = tpu.vector_load_idx %arg12[%add3A_2539] : memref<4096xf32, #tpu.memory_space<vmem>>[vector<16xi32>], vector<16xf32>,
      %gt3A_2541 = arith.constant 0.000000e+00 : f32
      %gt3A_2542 = vector.broadcast %gt3A_2541 : f32 to vector<16xf32>
      %gt3A_2543 = arith.cmpf ogt, %gather3A_2540, %gt3A_2542 : vector<16xf32>
      %jit3A_2544 = arith.constant 32768 : i32
      %jit3A_2545 = arith.constant 0 : i32
      %broadcast_in_dim3A_2546 = vector.broadcast %jit3A_2544 : i32 to vector<16xi32>
      %broadcast_in_dim3A_2547 = vector.broadcast %jit3A_2545 : i32 to vector<16xi32>
      %select_n3A_2548 = arith.select %gt3A_2543, %broadcast_in_dim3A_2546, %broadcast_in_dim3A_2547 : vector<16xi1>, vector<16xi32>
      %or3A_2549 = arith.ori %or3A_2536, %select_n3A_2548 : vector<16xi32>
      %add3A_2550 = arith.constant 2576 : i32
      %add3A_2551 = vector.broadcast %add3A_2550 : i32 to vector<16xi32>
      %add3A_2552 = arith.addi %mul3A_131, %add3A_2551 : vector<16xi32>
      %gather3A_2553 = tpu.vector_load_idx %arg12[%add3A_2552] : memref<4096xf32, #tpu.memory_space<vmem>>[vector<16xi32>], vector<16xf32>,
      %gt3A_2554 = arith.constant 0.000000e+00 : f32
      %gt3A_2555 = vector.broadcast %gt3A_2554 : f32 to vector<16xf32>
      %gt3A_2556 = arith.cmpf ogt, %gather3A_2553, %gt3A_2555 : vector<16xf32>
      %jit3A_2557 = arith.constant 65536 : i32
      %jit3A_2558 = arith.constant 0 : i32
      %broadcast_in_dim3A_2559 = vector.broadcast %jit3A_2557 : i32 to vector<16xi32>
      %broadcast_in_dim3A_2560 = vector.broadcast %jit3A_2558 : i32 to vector<16xi32>
      %select_n3A_2561 = arith.select %gt3A_2556, %broadcast_in_dim3A_2559, %broadcast_in_dim3A_2560 : vector<16xi1>, vector<16xi32>
      %or3A_2562 = arith.ori %or3A_2549, %select_n3A_2561 : vector<16xi32>
      %add3A_2563 = arith.constant 2577 : i32
      %add3A_2564 = vector.broadcast %add3A_2563 : i32 to vector<16xi32>
      %add3A_2565 = arith.addi %mul3A_131, %add3A_2564 : vector<16xi32>
      %gather3A_2566 = tpu.vector_load_idx %arg12[%add3A_2565] : memref<4096xf32, #tpu.memory_space<vmem>>[vector<16xi32>], vector<16xf32>,
      %gt3A_2567 = arith.constant 0.000000e+00 : f32
      %gt3A_2568 = vector.broadcast %gt3A_2567 : f32 to vector<16xf32>
      %gt3A_2569 = arith.cmpf ogt, %gather3A_2566, %gt3A_2568 : vector<16xf32>
      %jit3A_2570 = arith.constant 131072 : i32
      %jit3A_2571 = arith.constant 0 : i32
      %broadcast_in_dim3A_2572 = vector.broadcast %jit3A_2570 : i32 to vector<16xi32>
      %broadcast_in_dim3A_2573 = vector.broadcast %jit3A_2571 : i32 to vector<16xi32>
      %select_n3A_2574 = arith.select %gt3A_2569, %broadcast_in_dim3A_2572, %broadcast_in_dim3A_2573 : vector<16xi1>, vector<16xi32>
      %or3A_2575 = arith.ori %or3A_2562, %select_n3A_2574 : vector<16xi32>
      %add3A_2576 = arith.constant 2578 : i32
      %add3A_2577 = vector.broadcast %add3A_2576 : i32 to vector<16xi32>
      %add3A_2578 = arith.addi %mul3A_131, %add3A_2577 : vector<16xi32>
      %gather3A_2579 = tpu.vector_load_idx %arg12[%add3A_2578] : memref<4096xf32, #tpu.memory_space<vmem>>[vector<16xi32>], vector<16xf32>,
      %gt3A_2580 = arith.constant 0.000000e+00 : f32
      %gt3A_2581 = vector.broadcast %gt3A_2580 : f32 to vector<16xf32>
      %gt3A_2582 = arith.cmpf ogt, %gather3A_2579, %gt3A_2581 : vector<16xf32>
      %jit3A_2583 = arith.constant 262144 : i32
      %jit3A_2584 = arith.constant 0 : i32
      %broadcast_in_dim3A_2585 = vector.broadcast %jit3A_2583 : i32 to vector<16xi32>
      %broadcast_in_dim3A_2586 = vector.broadcast %jit3A_2584 : i32 to vector<16xi32>
      %select_n3A_2587 = arith.select %gt3A_2582, %broadcast_in_dim3A_2585, %broadcast_in_dim3A_2586 : vector<16xi1>, vector<16xi32>
      %or3A_2588 = arith.ori %or3A_2575, %select_n3A_2587 : vector<16xi32>
      %add3A_2589 = arith.constant 2579 : i32
      %add3A_2590 = vector.broadcast %add3A_2589 : i32 to vector<16xi32>
      %add3A_2591 = arith.addi %mul3A_131, %add3A_2590 : vector<16xi32>
      %gather3A_2592 = tpu.vector_load_idx %arg12[%add3A_2591] : memref<4096xf32, #tpu.memory_space<vmem>>[vector<16xi32>], vector<16xf32>,
      %gt3A_2593 = arith.constant 0.000000e+00 : f32
      %gt3A_2594 = vector.broadcast %gt3A_2593 : f32 to vector<16xf32>
      %gt3A_2595 = arith.cmpf ogt, %gather3A_2592, %gt3A_2594 : vector<16xf32>
      %jit3A_2596 = arith.constant 524288 : i32
      %jit3A_2597 = arith.constant 0 : i32
      %broadcast_in_dim3A_2598 = vector.broadcast %jit3A_2596 : i32 to vector<16xi32>
      %broadcast_in_dim3A_2599 = vector.broadcast %jit3A_2597 : i32 to vector<16xi32>
      %select_n3A_2600 = arith.select %gt3A_2595, %broadcast_in_dim3A_2598, %broadcast_in_dim3A_2599 : vector<16xi1>, vector<16xi32>
      %or3A_2601 = arith.ori %or3A_2588, %select_n3A_2600 : vector<16xi32>
      %add3A_2602 = arith.constant 2580 : i32
      %add3A_2603 = vector.broadcast %add3A_2602 : i32 to vector<16xi32>
      %add3A_2604 = arith.addi %mul3A_131, %add3A_2603 : vector<16xi32>
      %gather3A_2605 = tpu.vector_load_idx %arg12[%add3A_2604] : memref<4096xf32, #tpu.memory_space<vmem>>[vector<16xi32>], vector<16xf32>,
      %gt3A_2606 = arith.constant 0.000000e+00 : f32
      %gt3A_2607 = vector.broadcast %gt3A_2606 : f32 to vector<16xf32>
      %gt3A_2608 = arith.cmpf ogt, %gather3A_2605, %gt3A_2607 : vector<16xf32>
      %jit3A_2609 = arith.constant 1048576 : i32
      %jit3A_2610 = arith.constant 0 : i32
      %broadcast_in_dim3A_2611 = vector.broadcast %jit3A_2609 : i32 to vector<16xi32>
      %broadcast_in_dim3A_2612 = vector.broadcast %jit3A_2610 : i32 to vector<16xi32>
      %select_n3A_2613 = arith.select %gt3A_2608, %broadcast_in_dim3A_2611, %broadcast_in_dim3A_2612 : vector<16xi1>, vector<16xi32>
      %or3A_2614 = arith.ori %or3A_2601, %select_n3A_2613 : vector<16xi32>
      %add3A_2615 = arith.constant 2581 : i32
      %add3A_2616 = vector.broadcast %add3A_2615 : i32 to vector<16xi32>
      %add3A_2617 = arith.addi %mul3A_131, %add3A_2616 : vector<16xi32>
      %gather3A_2618 = tpu.vector_load_idx %arg12[%add3A_2617] : memref<4096xf32, #tpu.memory_space<vmem>>[vector<16xi32>], vector<16xf32>,
      %gt3A_2619 = arith.constant 0.000000e+00 : f32
      %gt3A_2620 = vector.broadcast %gt3A_2619 : f32 to vector<16xf32>
      %gt3A_2621 = arith.cmpf ogt, %gather3A_2618, %gt3A_2620 : vector<16xf32>
      %jit3A_2622 = arith.constant 2097152 : i32
      %jit3A_2623 = arith.constant 0 : i32
      %broadcast_in_dim3A_2624 = vector.broadcast %jit3A_2622 : i32 to vector<16xi32>
      %broadcast_in_dim3A_2625 = vector.broadcast %jit3A_2623 : i32 to vector<16xi32>
      %select_n3A_2626 = arith.select %gt3A_2621, %broadcast_in_dim3A_2624, %broadcast_in_dim3A_2625 : vector<16xi1>, vector<16xi32>
      %or3A_2627 = arith.ori %or3A_2614, %select_n3A_2626 : vector<16xi32>
      %add3A_2628 = arith.constant 2582 : i32
      %add3A_2629 = vector.broadcast %add3A_2628 : i32 to vector<16xi32>
      %add3A_2630 = arith.addi %mul3A_131, %add3A_2629 : vector<16xi32>
      %gather3A_2631 = tpu.vector_load_idx %arg12[%add3A_2630] : memref<4096xf32, #tpu.memory_space<vmem>>[vector<16xi32>], vector<16xf32>,
      %gt3A_2632 = arith.constant 0.000000e+00 : f32
      %gt3A_2633 = vector.broadcast %gt3A_2632 : f32 to vector<16xf32>
      %gt3A_2634 = arith.cmpf ogt, %gather3A_2631, %gt3A_2633 : vector<16xf32>
      %jit3A_2635 = arith.constant 4194304 : i32
      %jit3A_2636 = arith.constant 0 : i32
      %broadcast_in_dim3A_2637 = vector.broadcast %jit3A_2635 : i32 to vector<16xi32>
      %broadcast_in_dim3A_2638 = vector.broadcast %jit3A_2636 : i32 to vector<16xi32>
      %select_n3A_2639 = arith.select %gt3A_2634, %broadcast_in_dim3A_2637, %broadcast_in_dim3A_2638 : vector<16xi1>, vector<16xi32>
      %or3A_2640 = arith.ori %or3A_2627, %select_n3A_2639 : vector<16xi32>
      %add3A_2641 = arith.constant 2583 : i32
      %add3A_2642 = vector.broadcast %add3A_2641 : i32 to vector<16xi32>
      %add3A_2643 = arith.addi %mul3A_131, %add3A_2642 : vector<16xi32>
      %gather3A_2644 = tpu.vector_load_idx %arg12[%add3A_2643] : memref<4096xf32, #tpu.memory_space<vmem>>[vector<16xi32>], vector<16xf32>,
      %gt3A_2645 = arith.constant 0.000000e+00 : f32
      %gt3A_2646 = vector.broadcast %gt3A_2645 : f32 to vector<16xf32>
      %gt3A_2647 = arith.cmpf ogt, %gather3A_2644, %gt3A_2646 : vector<16xf32>
      %jit3A_2648 = arith.constant 8388608 : i32
      %jit3A_2649 = arith.constant 0 : i32
      %broadcast_in_dim3A_2650 = vector.broadcast %jit3A_2648 : i32 to vector<16xi32>
      %broadcast_in_dim3A_2651 = vector.broadcast %jit3A_2649 : i32 to vector<16xi32>
      %select_n3A_2652 = arith.select %gt3A_2647, %broadcast_in_dim3A_2650, %broadcast_in_dim3A_2651 : vector<16xi1>, vector<16xi32>
      %or3A_2653 = arith.ori %or3A_2640, %select_n3A_2652 : vector<16xi32>
      %add3A_2654 = arith.constant 2584 : i32
      %add3A_2655 = vector.broadcast %add3A_2654 : i32 to vector<16xi32>
      %add3A_2656 = arith.addi %mul3A_131, %add3A_2655 : vector<16xi32>
      %gather3A_2657 = tpu.vector_load_idx %arg12[%add3A_2656] : memref<4096xf32, #tpu.memory_space<vmem>>[vector<16xi32>], vector<16xf32>,
      %gt3A_2658 = arith.constant 0.000000e+00 : f32
      %gt3A_2659 = vector.broadcast %gt3A_2658 : f32 to vector<16xf32>
      %gt3A_2660 = arith.cmpf ogt, %gather3A_2657, %gt3A_2659 : vector<16xf32>
      %jit3A_2661 = arith.constant 16777216 : i32
      %jit3A_2662 = arith.constant 0 : i32
      %broadcast_in_dim3A_2663 = vector.broadcast %jit3A_2661 : i32 to vector<16xi32>
      %broadcast_in_dim3A_2664 = vector.broadcast %jit3A_2662 : i32 to vector<16xi32>
      %select_n3A_2665 = arith.select %gt3A_2660, %broadcast_in_dim3A_2663, %broadcast_in_dim3A_2664 : vector<16xi1>, vector<16xi32>
      %or3A_2666 = arith.ori %or3A_2653, %select_n3A_2665 : vector<16xi32>
      %add3A_2667 = arith.constant 2585 : i32
      %add3A_2668 = vector.broadcast %add3A_2667 : i32 to vector<16xi32>
      %add3A_2669 = arith.addi %mul3A_131, %add3A_2668 : vector<16xi32>
      %gather3A_2670 = tpu.vector_load_idx %arg12[%add3A_2669] : memref<4096xf32, #tpu.memory_space<vmem>>[vector<16xi32>], vector<16xf32>,
      %gt3A_2671 = arith.constant 0.000000e+00 : f32
      %gt3A_2672 = vector.broadcast %gt3A_2671 : f32 to vector<16xf32>
      %gt3A_2673 = arith.cmpf ogt, %gather3A_2670, %gt3A_2672 : vector<16xf32>
      %jit3A_2674 = arith.constant 33554432 : i32
      %jit3A_2675 = arith.constant 0 : i32
      %broadcast_in_dim3A_2676 = vector.broadcast %jit3A_2674 : i32 to vector<16xi32>
      %broadcast_in_dim3A_2677 = vector.broadcast %jit3A_2675 : i32 to vector<16xi32>
      %select_n3A_2678 = arith.select %gt3A_2673, %broadcast_in_dim3A_2676, %broadcast_in_dim3A_2677 : vector<16xi1>, vector<16xi32>
      %or3A_2679 = arith.ori %or3A_2666, %select_n3A_2678 : vector<16xi32>
      %add3A_2680 = arith.constant 2586 : i32
      %add3A_2681 = vector.broadcast %add3A_2680 : i32 to vector<16xi32>
      %add3A_2682 = arith.addi %mul3A_131, %add3A_2681 : vector<16xi32>
      %gather3A_2683 = tpu.vector_load_idx %arg12[%add3A_2682] : memref<4096xf32, #tpu.memory_space<vmem>>[vector<16xi32>], vector<16xf32>,
      %gt3A_2684 = arith.constant 0.000000e+00 : f32
      %gt3A_2685 = vector.broadcast %gt3A_2684 : f32 to vector<16xf32>
      %gt3A_2686 = arith.cmpf ogt, %gather3A_2683, %gt3A_2685 : vector<16xf32>
      %jit3A_2687 = arith.constant 67108864 : i32
      %jit3A_2688 = arith.constant 0 : i32
      %broadcast_in_dim3A_2689 = vector.broadcast %jit3A_2687 : i32 to vector<16xi32>
      %broadcast_in_dim3A_2690 = vector.broadcast %jit3A_2688 : i32 to vector<16xi32>
      %select_n3A_2691 = arith.select %gt3A_2686, %broadcast_in_dim3A_2689, %broadcast_in_dim3A_2690 : vector<16xi1>, vector<16xi32>
      %or3A_2692 = arith.ori %or3A_2679, %select_n3A_2691 : vector<16xi32>
      %add3A_2693 = arith.constant 2587 : i32
      %add3A_2694 = vector.broadcast %add3A_2693 : i32 to vector<16xi32>
      %add3A_2695 = arith.addi %mul3A_131, %add3A_2694 : vector<16xi32>
      %gather3A_2696 = tpu.vector_load_idx %arg12[%add3A_2695] : memref<4096xf32, #tpu.memory_space<vmem>>[vector<16xi32>], vector<16xf32>,
      %gt3A_2697 = arith.constant 0.000000e+00 : f32
      %gt3A_2698 = vector.broadcast %gt3A_2697 : f32 to vector<16xf32>
      %gt3A_2699 = arith.cmpf ogt, %gather3A_2696, %gt3A_2698 : vector<16xf32>
      %jit3A_2700 = arith.constant 134217728 : i32
      %jit3A_2701 = arith.constant 0 : i32
      %broadcast_in_dim3A_2702 = vector.broadcast %jit3A_2700 : i32 to vector<16xi32>
      %broadcast_in_dim3A_2703 = vector.broadcast %jit3A_2701 : i32 to vector<16xi32>
      %select_n3A_2704 = arith.select %gt3A_2699, %broadcast_in_dim3A_2702, %broadcast_in_dim3A_2703 : vector<16xi1>, vector<16xi32>
      %or3A_2705 = arith.ori %or3A_2692, %select_n3A_2704 : vector<16xi32>
      %add3A_2706 = arith.constant 2588 : i32
      %add3A_2707 = vector.broadcast %add3A_2706 : i32 to vector<16xi32>
      %add3A_2708 = arith.addi %mul3A_131, %add3A_2707 : vector<16xi32>
      %gather3A_2709 = tpu.vector_load_idx %arg12[%add3A_2708] : memref<4096xf32, #tpu.memory_space<vmem>>[vector<16xi32>], vector<16xf32>,
      %gt3A_2710 = arith.constant 0.000000e+00 : f32
      %gt3A_2711 = vector.broadcast %gt3A_2710 : f32 to vector<16xf32>
      %gt3A_2712 = arith.cmpf ogt, %gather3A_2709, %gt3A_2711 : vector<16xf32>
      %jit3A_2713 = arith.constant 268435456 : i32
      %jit3A_2714 = arith.constant 0 : i32
      %broadcast_in_dim3A_2715 = vector.broadcast %jit3A_2713 : i32 to vector<16xi32>
      %broadcast_in_dim3A_2716 = vector.broadcast %jit3A_2714 : i32 to vector<16xi32>
      %select_n3A_2717 = arith.select %gt3A_2712, %broadcast_in_dim3A_2715, %broadcast_in_dim3A_2716 : vector<16xi1>, vector<16xi32>
      %or3A_2718 = arith.ori %or3A_2705, %select_n3A_2717 : vector<16xi32>
      %add3A_2719 = arith.constant 2589 : i32
      %add3A_2720 = vector.broadcast %add3A_2719 : i32 to vector<16xi32>
      %add3A_2721 = arith.addi %mul3A_131, %add3A_2720 : vector<16xi32>
      %gather3A_2722 = tpu.vector_load_idx %arg12[%add3A_2721] : memref<4096xf32, #tpu.memory_space<vmem>>[vector<16xi32>], vector<16xf32>,
      %gt3A_2723 = arith.constant 0.000000e+00 : f32
      %gt3A_2724 = vector.broadcast %gt3A_2723 : f32 to vector<16xf32>
      %gt3A_2725 = arith.cmpf ogt, %gather3A_2722, %gt3A_2724 : vector<16xf32>
      %jit3A_2726 = arith.constant 536870912 : i32
      %jit3A_2727 = arith.constant 0 : i32
      %broadcast_in_dim3A_2728 = vector.broadcast %jit3A_2726 : i32 to vector<16xi32>
      %broadcast_in_dim3A_2729 = vector.broadcast %jit3A_2727 : i32 to vector<16xi32>
      %select_n3A_2730 = arith.select %gt3A_2725, %broadcast_in_dim3A_2728, %broadcast_in_dim3A_2729 : vector<16xi1>, vector<16xi32>
      %or3A_2731 = arith.ori %or3A_2718, %select_n3A_2730 : vector<16xi32>
      %add3A_2732 = arith.constant 2590 : i32
      %add3A_2733 = vector.broadcast %add3A_2732 : i32 to vector<16xi32>
      %add3A_2734 = arith.addi %mul3A_131, %add3A_2733 : vector<16xi32>
      %gather3A_2735 = tpu.vector_load_idx %arg12[%add3A_2734] : memref<4096xf32, #tpu.memory_space<vmem>>[vector<16xi32>], vector<16xf32>,
      %gt3A_2736 = arith.constant 0.000000e+00 : f32
      %gt3A_2737 = vector.broadcast %gt3A_2736 : f32 to vector<16xf32>
      %gt3A_2738 = arith.cmpf ogt, %gather3A_2735, %gt3A_2737 : vector<16xf32>
      %jit3A_2739 = arith.constant 1073741824 : i32
      %jit3A_2740 = arith.constant 0 : i32
      %broadcast_in_dim3A_2741 = vector.broadcast %jit3A_2739 : i32 to vector<16xi32>
      %broadcast_in_dim3A_2742 = vector.broadcast %jit3A_2740 : i32 to vector<16xi32>
      %select_n3A_2743 = arith.select %gt3A_2738, %broadcast_in_dim3A_2741, %broadcast_in_dim3A_2742 : vector<16xi1>, vector<16xi32>
      %or3A_2744 = arith.ori %or3A_2731, %select_n3A_2743 : vector<16xi32>
      %add3A_2745 = arith.constant 2591 : i32
      %add3A_2746 = vector.broadcast %add3A_2745 : i32 to vector<16xi32>
      %add3A_2747 = arith.addi %mul3A_131, %add3A_2746 : vector<16xi32>
      %gather3A_2748 = tpu.vector_load_idx %arg12[%add3A_2747] : memref<4096xf32, #tpu.memory_space<vmem>>[vector<16xi32>], vector<16xf32>,
      %gt3A_2749 = arith.constant 0.000000e+00 : f32
      %gt3A_2750 = vector.broadcast %gt3A_2749 : f32 to vector<16xf32>
      %gt3A_2751 = arith.cmpf ogt, %gather3A_2748, %gt3A_2750 : vector<16xf32>
      %jit3A_2752 = arith.constant -2147483648 : i32
      %jit3A_2753 = arith.constant 0 : i32
      %broadcast_in_dim3A_2754 = vector.broadcast %jit3A_2752 : i32 to vector<16xi32>
      %broadcast_in_dim3A_2755 = vector.broadcast %jit3A_2753 : i32 to vector<16xi32>
      %select_n3A_2756 = arith.select %gt3A_2751, %broadcast_in_dim3A_2754, %broadcast_in_dim3A_2755 : vector<16xi1>, vector<16xi32>
      %or3A_2757 = arith.ori %or3A_2744, %select_n3A_2756 : vector<16xi32>
      %swap3A_2758 = arith.constant 80 : index
      %swap3A_2759 = tpu.vector_load %arg13[%swap3A_2758] {strides = array<i32>} : memref<128xi32, #tpu.memory_space<vmem>>, vector<16xi32>,
      tpu.vector_store %arg13[%swap3A_2758], %or3A_2757 {strides = array<i32>} : memref<128xi32, #tpu.memory_space<vmem>>, vector<16xi32>,
      %broadcast_in_dim3A_2760 = arith.constant 0 : i32
      %broadcast_in_dim3A_2761 = vector.broadcast %broadcast_in_dim3A_2760 : i32 to vector<16xi32>
      %add3A_2762 = arith.constant 3072 : i32
      %add3A_2763 = vector.broadcast %add3A_2762 : i32 to vector<16xi32>
      %add3A_2764 = arith.addi %mul3A_131, %add3A_2763 : vector<16xi32>
      %gather3A_2765 = tpu.vector_load_idx %arg12[%add3A_2764] : memref<4096xf32, #tpu.memory_space<vmem>>[vector<16xi32>], vector<16xf32>,
      %gt3A_2766 = arith.constant 0.000000e+00 : f32
      %gt3A_2767 = vector.broadcast %gt3A_2766 : f32 to vector<16xf32>
      %gt3A_2768 = arith.cmpf ogt, %gather3A_2765, %gt3A_2767 : vector<16xf32>
      %jit3A_2769 = arith.constant 1 : i32
      %jit3A_2770 = arith.constant 0 : i32
      %broadcast_in_dim3A_2771 = vector.broadcast %jit3A_2769 : i32 to vector<16xi32>
      %broadcast_in_dim3A_2772 = vector.broadcast %jit3A_2770 : i32 to vector<16xi32>
      %select_n3A_2773 = arith.select %gt3A_2768, %broadcast_in_dim3A_2771, %broadcast_in_dim3A_2772 : vector<16xi1>, vector<16xi32>
      %or3A_2774 = arith.ori %broadcast_in_dim3A_2761, %select_n3A_2773 : vector<16xi32>
      %add3A_2775 = arith.constant 3073 : i32
      %add3A_2776 = vector.broadcast %add3A_2775 : i32 to vector<16xi32>
      %add3A_2777 = arith.addi %mul3A_131, %add3A_2776 : vector<16xi32>
      %gather3A_2778 = tpu.vector_load_idx %arg12[%add3A_2777] : memref<4096xf32, #tpu.memory_space<vmem>>[vector<16xi32>], vector<16xf32>,
      %gt3A_2779 = arith.constant 0.000000e+00 : f32
      %gt3A_2780 = vector.broadcast %gt3A_2779 : f32 to vector<16xf32>
      %gt3A_2781 = arith.cmpf ogt, %gather3A_2778, %gt3A_2780 : vector<16xf32>
      %jit3A_2782 = arith.constant 2 : i32
      %jit3A_2783 = arith.constant 0 : i32
      %broadcast_in_dim3A_2784 = vector.broadcast %jit3A_2782 : i32 to vector<16xi32>
      %broadcast_in_dim3A_2785 = vector.broadcast %jit3A_2783 : i32 to vector<16xi32>
      %select_n3A_2786 = arith.select %gt3A_2781, %broadcast_in_dim3A_2784, %broadcast_in_dim3A_2785 : vector<16xi1>, vector<16xi32>
      %or3A_2787 = arith.ori %or3A_2774, %select_n3A_2786 : vector<16xi32>
      %add3A_2788 = arith.constant 3074 : i32
      %add3A_2789 = vector.broadcast %add3A_2788 : i32 to vector<16xi32>
      %add3A_2790 = arith.addi %mul3A_131, %add3A_2789 : vector<16xi32>
      %gather3A_2791 = tpu.vector_load_idx %arg12[%add3A_2790] : memref<4096xf32, #tpu.memory_space<vmem>>[vector<16xi32>], vector<16xf32>,
      %gt3A_2792 = arith.constant 0.000000e+00 : f32
      %gt3A_2793 = vector.broadcast %gt3A_2792 : f32 to vector<16xf32>
      %gt3A_2794 = arith.cmpf ogt, %gather3A_2791, %gt3A_2793 : vector<16xf32>
      %jit3A_2795 = arith.constant 4 : i32
      %jit3A_2796 = arith.constant 0 : i32
      %broadcast_in_dim3A_2797 = vector.broadcast %jit3A_2795 : i32 to vector<16xi32>
      %broadcast_in_dim3A_2798 = vector.broadcast %jit3A_2796 : i32 to vector<16xi32>
      %select_n3A_2799 = arith.select %gt3A_2794, %broadcast_in_dim3A_2797, %broadcast_in_dim3A_2798 : vector<16xi1>, vector<16xi32>
      %or3A_2800 = arith.ori %or3A_2787, %select_n3A_2799 : vector<16xi32>
      %add3A_2801 = arith.constant 3075 : i32
      %add3A_2802 = vector.broadcast %add3A_2801 : i32 to vector<16xi32>
      %add3A_2803 = arith.addi %mul3A_131, %add3A_2802 : vector<16xi32>
      %gather3A_2804 = tpu.vector_load_idx %arg12[%add3A_2803] : memref<4096xf32, #tpu.memory_space<vmem>>[vector<16xi32>], vector<16xf32>,
      %gt3A_2805 = arith.constant 0.000000e+00 : f32
      %gt3A_2806 = vector.broadcast %gt3A_2805 : f32 to vector<16xf32>
      %gt3A_2807 = arith.cmpf ogt, %gather3A_2804, %gt3A_2806 : vector<16xf32>
      %jit3A_2808 = arith.constant 8 : i32
      %jit3A_2809 = arith.constant 0 : i32
      %broadcast_in_dim3A_2810 = vector.broadcast %jit3A_2808 : i32 to vector<16xi32>
      %broadcast_in_dim3A_2811 = vector.broadcast %jit3A_2809 : i32 to vector<16xi32>
      %select_n3A_2812 = arith.select %gt3A_2807, %broadcast_in_dim3A_2810, %broadcast_in_dim3A_2811 : vector<16xi1>, vector<16xi32>
      %or3A_2813 = arith.ori %or3A_2800, %select_n3A_2812 : vector<16xi32>
      %add3A_2814 = arith.constant 3076 : i32
      %add3A_2815 = vector.broadcast %add3A_2814 : i32 to vector<16xi32>
      %add3A_2816 = arith.addi %mul3A_131, %add3A_2815 : vector<16xi32>
      %gather3A_2817 = tpu.vector_load_idx %arg12[%add3A_2816] : memref<4096xf32, #tpu.memory_space<vmem>>[vector<16xi32>], vector<16xf32>,
      %gt3A_2818 = arith.constant 0.000000e+00 : f32
      %gt3A_2819 = vector.broadcast %gt3A_2818 : f32 to vector<16xf32>
      %gt3A_2820 = arith.cmpf ogt, %gather3A_2817, %gt3A_2819 : vector<16xf32>
      %jit3A_2821 = arith.constant 16 : i32
      %jit3A_2822 = arith.constant 0 : i32
      %broadcast_in_dim3A_2823 = vector.broadcast %jit3A_2821 : i32 to vector<16xi32>
      %broadcast_in_dim3A_2824 = vector.broadcast %jit3A_2822 : i32 to vector<16xi32>
      %select_n3A_2825 = arith.select %gt3A_2820, %broadcast_in_dim3A_2823, %broadcast_in_dim3A_2824 : vector<16xi1>, vector<16xi32>
      %or3A_2826 = arith.ori %or3A_2813, %select_n3A_2825 : vector<16xi32>
      %add3A_2827 = arith.constant 3077 : i32
      %add3A_2828 = vector.broadcast %add3A_2827 : i32 to vector<16xi32>
      %add3A_2829 = arith.addi %mul3A_131, %add3A_2828 : vector<16xi32>
      %gather3A_2830 = tpu.vector_load_idx %arg12[%add3A_2829] : memref<4096xf32, #tpu.memory_space<vmem>>[vector<16xi32>], vector<16xf32>,
      %gt3A_2831 = arith.constant 0.000000e+00 : f32
      %gt3A_2832 = vector.broadcast %gt3A_2831 : f32 to vector<16xf32>
      %gt3A_2833 = arith.cmpf ogt, %gather3A_2830, %gt3A_2832 : vector<16xf32>
      %jit3A_2834 = arith.constant 32 : i32
      %jit3A_2835 = arith.constant 0 : i32
      %broadcast_in_dim3A_2836 = vector.broadcast %jit3A_2834 : i32 to vector<16xi32>
      %broadcast_in_dim3A_2837 = vector.broadcast %jit3A_2835 : i32 to vector<16xi32>
      %select_n3A_2838 = arith.select %gt3A_2833, %broadcast_in_dim3A_2836, %broadcast_in_dim3A_2837 : vector<16xi1>, vector<16xi32>
      %or3A_2839 = arith.ori %or3A_2826, %select_n3A_2838 : vector<16xi32>
      %add3A_2840 = arith.constant 3078 : i32
      %add3A_2841 = vector.broadcast %add3A_2840 : i32 to vector<16xi32>
      %add3A_2842 = arith.addi %mul3A_131, %add3A_2841 : vector<16xi32>
      %gather3A_2843 = tpu.vector_load_idx %arg12[%add3A_2842] : memref<4096xf32, #tpu.memory_space<vmem>>[vector<16xi32>], vector<16xf32>,
      %gt3A_2844 = arith.constant 0.000000e+00 : f32
      %gt3A_2845 = vector.broadcast %gt3A_2844 : f32 to vector<16xf32>
      %gt3A_2846 = arith.cmpf ogt, %gather3A_2843, %gt3A_2845 : vector<16xf32>
      %jit3A_2847 = arith.constant 64 : i32
      %jit3A_2848 = arith.constant 0 : i32
      %broadcast_in_dim3A_2849 = vector.broadcast %jit3A_2847 : i32 to vector<16xi32>
      %broadcast_in_dim3A_2850 = vector.broadcast %jit3A_2848 : i32 to vector<16xi32>
      %select_n3A_2851 = arith.select %gt3A_2846, %broadcast_in_dim3A_2849, %broadcast_in_dim3A_2850 : vector<16xi1>, vector<16xi32>
      %or3A_2852 = arith.ori %or3A_2839, %select_n3A_2851 : vector<16xi32>
      %add3A_2853 = arith.constant 3079 : i32
      %add3A_2854 = vector.broadcast %add3A_2853 : i32 to vector<16xi32>
      %add3A_2855 = arith.addi %mul3A_131, %add3A_2854 : vector<16xi32>
      %gather3A_2856 = tpu.vector_load_idx %arg12[%add3A_2855] : memref<4096xf32, #tpu.memory_space<vmem>>[vector<16xi32>], vector<16xf32>,
      %gt3A_2857 = arith.constant 0.000000e+00 : f32
      %gt3A_2858 = vector.broadcast %gt3A_2857 : f32 to vector<16xf32>
      %gt3A_2859 = arith.cmpf ogt, %gather3A_2856, %gt3A_2858 : vector<16xf32>
      %jit3A_2860 = arith.constant 128 : i32
      %jit3A_2861 = arith.constant 0 : i32
      %broadcast_in_dim3A_2862 = vector.broadcast %jit3A_2860 : i32 to vector<16xi32>
      %broadcast_in_dim3A_2863 = vector.broadcast %jit3A_2861 : i32 to vector<16xi32>
      %select_n3A_2864 = arith.select %gt3A_2859, %broadcast_in_dim3A_2862, %broadcast_in_dim3A_2863 : vector<16xi1>, vector<16xi32>
      %or3A_2865 = arith.ori %or3A_2852, %select_n3A_2864 : vector<16xi32>
      %add3A_2866 = arith.constant 3080 : i32
      %add3A_2867 = vector.broadcast %add3A_2866 : i32 to vector<16xi32>
      %add3A_2868 = arith.addi %mul3A_131, %add3A_2867 : vector<16xi32>
      %gather3A_2869 = tpu.vector_load_idx %arg12[%add3A_2868] : memref<4096xf32, #tpu.memory_space<vmem>>[vector<16xi32>], vector<16xf32>,
      %gt3A_2870 = arith.constant 0.000000e+00 : f32
      %gt3A_2871 = vector.broadcast %gt3A_2870 : f32 to vector<16xf32>
      %gt3A_2872 = arith.cmpf ogt, %gather3A_2869, %gt3A_2871 : vector<16xf32>
      %jit3A_2873 = arith.constant 256 : i32
      %jit3A_2874 = arith.constant 0 : i32
      %broadcast_in_dim3A_2875 = vector.broadcast %jit3A_2873 : i32 to vector<16xi32>
      %broadcast_in_dim3A_2876 = vector.broadcast %jit3A_2874 : i32 to vector<16xi32>
      %select_n3A_2877 = arith.select %gt3A_2872, %broadcast_in_dim3A_2875, %broadcast_in_dim3A_2876 : vector<16xi1>, vector<16xi32>
      %or3A_2878 = arith.ori %or3A_2865, %select_n3A_2877 : vector<16xi32>
      %add3A_2879 = arith.constant 3081 : i32
      %add3A_2880 = vector.broadcast %add3A_2879 : i32 to vector<16xi32>
      %add3A_2881 = arith.addi %mul3A_131, %add3A_2880 : vector<16xi32>
      %gather3A_2882 = tpu.vector_load_idx %arg12[%add3A_2881] : memref<4096xf32, #tpu.memory_space<vmem>>[vector<16xi32>], vector<16xf32>,
      %gt3A_2883 = arith.constant 0.000000e+00 : f32
      %gt3A_2884 = vector.broadcast %gt3A_2883 : f32 to vector<16xf32>
      %gt3A_2885 = arith.cmpf ogt, %gather3A_2882, %gt3A_2884 : vector<16xf32>
      %jit3A_2886 = arith.constant 512 : i32
      %jit3A_2887 = arith.constant 0 : i32
      %broadcast_in_dim3A_2888 = vector.broadcast %jit3A_2886 : i32 to vector<16xi32>
      %broadcast_in_dim3A_2889 = vector.broadcast %jit3A_2887 : i32 to vector<16xi32>
      %select_n3A_2890 = arith.select %gt3A_2885, %broadcast_in_dim3A_2888, %broadcast_in_dim3A_2889 : vector<16xi1>, vector<16xi32>
      %or3A_2891 = arith.ori %or3A_2878, %select_n3A_2890 : vector<16xi32>
      %add3A_2892 = arith.constant 3082 : i32
      %add3A_2893 = vector.broadcast %add3A_2892 : i32 to vector<16xi32>
      %add3A_2894 = arith.addi %mul3A_131, %add3A_2893 : vector<16xi32>
      %gather3A_2895 = tpu.vector_load_idx %arg12[%add3A_2894] : memref<4096xf32, #tpu.memory_space<vmem>>[vector<16xi32>], vector<16xf32>,
      %gt3A_2896 = arith.constant 0.000000e+00 : f32
      %gt3A_2897 = vector.broadcast %gt3A_2896 : f32 to vector<16xf32>
      %gt3A_2898 = arith.cmpf ogt, %gather3A_2895, %gt3A_2897 : vector<16xf32>
      %jit3A_2899 = arith.constant 1024 : i32
      %jit3A_2900 = arith.constant 0 : i32
      %broadcast_in_dim3A_2901 = vector.broadcast %jit3A_2899 : i32 to vector<16xi32>
      %broadcast_in_dim3A_2902 = vector.broadcast %jit3A_2900 : i32 to vector<16xi32>
      %select_n3A_2903 = arith.select %gt3A_2898, %broadcast_in_dim3A_2901, %broadcast_in_dim3A_2902 : vector<16xi1>, vector<16xi32>
      %or3A_2904 = arith.ori %or3A_2891, %select_n3A_2903 : vector<16xi32>
      %add3A_2905 = arith.constant 3083 : i32
      %add3A_2906 = vector.broadcast %add3A_2905 : i32 to vector<16xi32>
      %add3A_2907 = arith.addi %mul3A_131, %add3A_2906 : vector<16xi32>
      %gather3A_2908 = tpu.vector_load_idx %arg12[%add3A_2907] : memref<4096xf32, #tpu.memory_space<vmem>>[vector<16xi32>], vector<16xf32>,
      %gt3A_2909 = arith.constant 0.000000e+00 : f32
      %gt3A_2910 = vector.broadcast %gt3A_2909 : f32 to vector<16xf32>
      %gt3A_2911 = arith.cmpf ogt, %gather3A_2908, %gt3A_2910 : vector<16xf32>
      %jit3A_2912 = arith.constant 2048 : i32
      %jit3A_2913 = arith.constant 0 : i32
      %broadcast_in_dim3A_2914 = vector.broadcast %jit3A_2912 : i32 to vector<16xi32>
      %broadcast_in_dim3A_2915 = vector.broadcast %jit3A_2913 : i32 to vector<16xi32>
      %select_n3A_2916 = arith.select %gt3A_2911, %broadcast_in_dim3A_2914, %broadcast_in_dim3A_2915 : vector<16xi1>, vector<16xi32>
      %or3A_2917 = arith.ori %or3A_2904, %select_n3A_2916 : vector<16xi32>
      %add3A_2918 = arith.constant 3084 : i32
      %add3A_2919 = vector.broadcast %add3A_2918 : i32 to vector<16xi32>
      %add3A_2920 = arith.addi %mul3A_131, %add3A_2919 : vector<16xi32>
      %gather3A_2921 = tpu.vector_load_idx %arg12[%add3A_2920] : memref<4096xf32, #tpu.memory_space<vmem>>[vector<16xi32>], vector<16xf32>,
      %gt3A_2922 = arith.constant 0.000000e+00 : f32
      %gt3A_2923 = vector.broadcast %gt3A_2922 : f32 to vector<16xf32>
      %gt3A_2924 = arith.cmpf ogt, %gather3A_2921, %gt3A_2923 : vector<16xf32>
      %jit3A_2925 = arith.constant 4096 : i32
      %jit3A_2926 = arith.constant 0 : i32
      %broadcast_in_dim3A_2927 = vector.broadcast %jit3A_2925 : i32 to vector<16xi32>
      %broadcast_in_dim3A_2928 = vector.broadcast %jit3A_2926 : i32 to vector<16xi32>
      %select_n3A_2929 = arith.select %gt3A_2924, %broadcast_in_dim3A_2927, %broadcast_in_dim3A_2928 : vector<16xi1>, vector<16xi32>
      %or3A_2930 = arith.ori %or3A_2917, %select_n3A_2929 : vector<16xi32>
      %add3A_2931 = arith.constant 3085 : i32
      %add3A_2932 = vector.broadcast %add3A_2931 : i32 to vector<16xi32>
      %add3A_2933 = arith.addi %mul3A_131, %add3A_2932 : vector<16xi32>
      %gather3A_2934 = tpu.vector_load_idx %arg12[%add3A_2933] : memref<4096xf32, #tpu.memory_space<vmem>>[vector<16xi32>], vector<16xf32>,
      %gt3A_2935 = arith.constant 0.000000e+00 : f32
      %gt3A_2936 = vector.broadcast %gt3A_2935 : f32 to vector<16xf32>
      %gt3A_2937 = arith.cmpf ogt, %gather3A_2934, %gt3A_2936 : vector<16xf32>
      %jit3A_2938 = arith.constant 8192 : i32
      %jit3A_2939 = arith.constant 0 : i32
      %broadcast_in_dim3A_2940 = vector.broadcast %jit3A_2938 : i32 to vector<16xi32>
      %broadcast_in_dim3A_2941 = vector.broadcast %jit3A_2939 : i32 to vector<16xi32>
      %select_n3A_2942 = arith.select %gt3A_2937, %broadcast_in_dim3A_2940, %broadcast_in_dim3A_2941 : vector<16xi1>, vector<16xi32>
      %or3A_2943 = arith.ori %or3A_2930, %select_n3A_2942 : vector<16xi32>
      %add3A_2944 = arith.constant 3086 : i32
      %add3A_2945 = vector.broadcast %add3A_2944 : i32 to vector<16xi32>
      %add3A_2946 = arith.addi %mul3A_131, %add3A_2945 : vector<16xi32>
      %gather3A_2947 = tpu.vector_load_idx %arg12[%add3A_2946] : memref<4096xf32, #tpu.memory_space<vmem>>[vector<16xi32>], vector<16xf32>,
      %gt3A_2948 = arith.constant 0.000000e+00 : f32
      %gt3A_2949 = vector.broadcast %gt3A_2948 : f32 to vector<16xf32>
      %gt3A_2950 = arith.cmpf ogt, %gather3A_2947, %gt3A_2949 : vector<16xf32>
      %jit3A_2951 = arith.constant 16384 : i32
      %jit3A_2952 = arith.constant 0 : i32
      %broadcast_in_dim3A_2953 = vector.broadcast %jit3A_2951 : i32 to vector<16xi32>
      %broadcast_in_dim3A_2954 = vector.broadcast %jit3A_2952 : i32 to vector<16xi32>
      %select_n3A_2955 = arith.select %gt3A_2950, %broadcast_in_dim3A_2953, %broadcast_in_dim3A_2954 : vector<16xi1>, vector<16xi32>
      %or3A_2956 = arith.ori %or3A_2943, %select_n3A_2955 : vector<16xi32>
      %add3A_2957 = arith.constant 3087 : i32
      %add3A_2958 = vector.broadcast %add3A_2957 : i32 to vector<16xi32>
      %add3A_2959 = arith.addi %mul3A_131, %add3A_2958 : vector<16xi32>
      %gather3A_2960 = tpu.vector_load_idx %arg12[%add3A_2959] : memref<4096xf32, #tpu.memory_space<vmem>>[vector<16xi32>], vector<16xf32>,
      %gt3A_2961 = arith.constant 0.000000e+00 : f32
      %gt3A_2962 = vector.broadcast %gt3A_2961 : f32 to vector<16xf32>
      %gt3A_2963 = arith.cmpf ogt, %gather3A_2960, %gt3A_2962 : vector<16xf32>
      %jit3A_2964 = arith.constant 32768 : i32
      %jit3A_2965 = arith.constant 0 : i32
      %broadcast_in_dim3A_2966 = vector.broadcast %jit3A_2964 : i32 to vector<16xi32>
      %broadcast_in_dim3A_2967 = vector.broadcast %jit3A_2965 : i32 to vector<16xi32>
      %select_n3A_2968 = arith.select %gt3A_2963, %broadcast_in_dim3A_2966, %broadcast_in_dim3A_2967 : vector<16xi1>, vector<16xi32>
      %or3A_2969 = arith.ori %or3A_2956, %select_n3A_2968 : vector<16xi32>
      %add3A_2970 = arith.constant 3088 : i32
      %add3A_2971 = vector.broadcast %add3A_2970 : i32 to vector<16xi32>
      %add3A_2972 = arith.addi %mul3A_131, %add3A_2971 : vector<16xi32>
      %gather3A_2973 = tpu.vector_load_idx %arg12[%add3A_2972] : memref<4096xf32, #tpu.memory_space<vmem>>[vector<16xi32>], vector<16xf32>,
      %gt3A_2974 = arith.constant 0.000000e+00 : f32
      %gt3A_2975 = vector.broadcast %gt3A_2974 : f32 to vector<16xf32>
      %gt3A_2976 = arith.cmpf ogt, %gather3A_2973, %gt3A_2975 : vector<16xf32>
      %jit3A_2977 = arith.constant 65536 : i32
      %jit3A_2978 = arith.constant 0 : i32
      %broadcast_in_dim3A_2979 = vector.broadcast %jit3A_2977 : i32 to vector<16xi32>
      %broadcast_in_dim3A_2980 = vector.broadcast %jit3A_2978 : i32 to vector<16xi32>
      %select_n3A_2981 = arith.select %gt3A_2976, %broadcast_in_dim3A_2979, %broadcast_in_dim3A_2980 : vector<16xi1>, vector<16xi32>
      %or3A_2982 = arith.ori %or3A_2969, %select_n3A_2981 : vector<16xi32>
      %add3A_2983 = arith.constant 3089 : i32
      %add3A_2984 = vector.broadcast %add3A_2983 : i32 to vector<16xi32>
      %add3A_2985 = arith.addi %mul3A_131, %add3A_2984 : vector<16xi32>
      %gather3A_2986 = tpu.vector_load_idx %arg12[%add3A_2985] : memref<4096xf32, #tpu.memory_space<vmem>>[vector<16xi32>], vector<16xf32>,
      %gt3A_2987 = arith.constant 0.000000e+00 : f32
      %gt3A_2988 = vector.broadcast %gt3A_2987 : f32 to vector<16xf32>
      %gt3A_2989 = arith.cmpf ogt, %gather3A_2986, %gt3A_2988 : vector<16xf32>
      %jit3A_2990 = arith.constant 131072 : i32
      %jit3A_2991 = arith.constant 0 : i32
      %broadcast_in_dim3A_2992 = vector.broadcast %jit3A_2990 : i32 to vector<16xi32>
      %broadcast_in_dim3A_2993 = vector.broadcast %jit3A_2991 : i32 to vector<16xi32>
      %select_n3A_2994 = arith.select %gt3A_2989, %broadcast_in_dim3A_2992, %broadcast_in_dim3A_2993 : vector<16xi1>, vector<16xi32>
      %or3A_2995 = arith.ori %or3A_2982, %select_n3A_2994 : vector<16xi32>
      %add3A_2996 = arith.constant 3090 : i32
      %add3A_2997 = vector.broadcast %add3A_2996 : i32 to vector<16xi32>
      %add3A_2998 = arith.addi %mul3A_131, %add3A_2997 : vector<16xi32>
      %gather3A_2999 = tpu.vector_load_idx %arg12[%add3A_2998] : memref<4096xf32, #tpu.memory_space<vmem>>[vector<16xi32>], vector<16xf32>,
      %gt3A_3000 = arith.constant 0.000000e+00 : f32
      %gt3A_3001 = vector.broadcast %gt3A_3000 : f32 to vector<16xf32>
      %gt3A_3002 = arith.cmpf ogt, %gather3A_2999, %gt3A_3001 : vector<16xf32>
      %jit3A_3003 = arith.constant 262144 : i32
      %jit3A_3004 = arith.constant 0 : i32
      %broadcast_in_dim3A_3005 = vector.broadcast %jit3A_3003 : i32 to vector<16xi32>
      %broadcast_in_dim3A_3006 = vector.broadcast %jit3A_3004 : i32 to vector<16xi32>
      %select_n3A_3007 = arith.select %gt3A_3002, %broadcast_in_dim3A_3005, %broadcast_in_dim3A_3006 : vector<16xi1>, vector<16xi32>
      %or3A_3008 = arith.ori %or3A_2995, %select_n3A_3007 : vector<16xi32>
      %add3A_3009 = arith.constant 3091 : i32
      %add3A_3010 = vector.broadcast %add3A_3009 : i32 to vector<16xi32>
      %add3A_3011 = arith.addi %mul3A_131, %add3A_3010 : vector<16xi32>
      %gather3A_3012 = tpu.vector_load_idx %arg12[%add3A_3011] : memref<4096xf32, #tpu.memory_space<vmem>>[vector<16xi32>], vector<16xf32>,
      %gt3A_3013 = arith.constant 0.000000e+00 : f32
      %gt3A_3014 = vector.broadcast %gt3A_3013 : f32 to vector<16xf32>
      %gt3A_3015 = arith.cmpf ogt, %gather3A_3012, %gt3A_3014 : vector<16xf32>
      %jit3A_3016 = arith.constant 524288 : i32
      %jit3A_3017 = arith.constant 0 : i32
      %broadcast_in_dim3A_3018 = vector.broadcast %jit3A_3016 : i32 to vector<16xi32>
      %broadcast_in_dim3A_3019 = vector.broadcast %jit3A_3017 : i32 to vector<16xi32>
      %select_n3A_3020 = arith.select %gt3A_3015, %broadcast_in_dim3A_3018, %broadcast_in_dim3A_3019 : vector<16xi1>, vector<16xi32>
      %or3A_3021 = arith.ori %or3A_3008, %select_n3A_3020 : vector<16xi32>
      %add3A_3022 = arith.constant 3092 : i32
      %add3A_3023 = vector.broadcast %add3A_3022 : i32 to vector<16xi32>
      %add3A_3024 = arith.addi %mul3A_131, %add3A_3023 : vector<16xi32>
      %gather3A_3025 = tpu.vector_load_idx %arg12[%add3A_3024] : memref<4096xf32, #tpu.memory_space<vmem>>[vector<16xi32>], vector<16xf32>,
      %gt3A_3026 = arith.constant 0.000000e+00 : f32
      %gt3A_3027 = vector.broadcast %gt3A_3026 : f32 to vector<16xf32>
      %gt3A_3028 = arith.cmpf ogt, %gather3A_3025, %gt3A_3027 : vector<16xf32>
      %jit3A_3029 = arith.constant 1048576 : i32
      %jit3A_3030 = arith.constant 0 : i32
      %broadcast_in_dim3A_3031 = vector.broadcast %jit3A_3029 : i32 to vector<16xi32>
      %broadcast_in_dim3A_3032 = vector.broadcast %jit3A_3030 : i32 to vector<16xi32>
      %select_n3A_3033 = arith.select %gt3A_3028, %broadcast_in_dim3A_3031, %broadcast_in_dim3A_3032 : vector<16xi1>, vector<16xi32>
      %or3A_3034 = arith.ori %or3A_3021, %select_n3A_3033 : vector<16xi32>
      %add3A_3035 = arith.constant 3093 : i32
      %add3A_3036 = vector.broadcast %add3A_3035 : i32 to vector<16xi32>
      %add3A_3037 = arith.addi %mul3A_131, %add3A_3036 : vector<16xi32>
      %gather3A_3038 = tpu.vector_load_idx %arg12[%add3A_3037] : memref<4096xf32, #tpu.memory_space<vmem>>[vector<16xi32>], vector<16xf32>,
      %gt3A_3039 = arith.constant 0.000000e+00 : f32
      %gt3A_3040 = vector.broadcast %gt3A_3039 : f32 to vector<16xf32>
      %gt3A_3041 = arith.cmpf ogt, %gather3A_3038, %gt3A_3040 : vector<16xf32>
      %jit3A_3042 = arith.constant 2097152 : i32
      %jit3A_3043 = arith.constant 0 : i32
      %broadcast_in_dim3A_3044 = vector.broadcast %jit3A_3042 : i32 to vector<16xi32>
      %broadcast_in_dim3A_3045 = vector.broadcast %jit3A_3043 : i32 to vector<16xi32>
      %select_n3A_3046 = arith.select %gt3A_3041, %broadcast_in_dim3A_3044, %broadcast_in_dim3A_3045 : vector<16xi1>, vector<16xi32>
      %or3A_3047 = arith.ori %or3A_3034, %select_n3A_3046 : vector<16xi32>
      %add3A_3048 = arith.constant 3094 : i32
      %add3A_3049 = vector.broadcast %add3A_3048 : i32 to vector<16xi32>
      %add3A_3050 = arith.addi %mul3A_131, %add3A_3049 : vector<16xi32>
      %gather3A_3051 = tpu.vector_load_idx %arg12[%add3A_3050] : memref<4096xf32, #tpu.memory_space<vmem>>[vector<16xi32>], vector<16xf32>,
      %gt3A_3052 = arith.constant 0.000000e+00 : f32
      %gt3A_3053 = vector.broadcast %gt3A_3052 : f32 to vector<16xf32>
      %gt3A_3054 = arith.cmpf ogt, %gather3A_3051, %gt3A_3053 : vector<16xf32>
      %jit3A_3055 = arith.constant 4194304 : i32
      %jit3A_3056 = arith.constant 0 : i32
      %broadcast_in_dim3A_3057 = vector.broadcast %jit3A_3055 : i32 to vector<16xi32>
      %broadcast_in_dim3A_3058 = vector.broadcast %jit3A_3056 : i32 to vector<16xi32>
      %select_n3A_3059 = arith.select %gt3A_3054, %broadcast_in_dim3A_3057, %broadcast_in_dim3A_3058 : vector<16xi1>, vector<16xi32>
      %or3A_3060 = arith.ori %or3A_3047, %select_n3A_3059 : vector<16xi32>
      %add3A_3061 = arith.constant 3095 : i32
      %add3A_3062 = vector.broadcast %add3A_3061 : i32 to vector<16xi32>
      %add3A_3063 = arith.addi %mul3A_131, %add3A_3062 : vector<16xi32>
      %gather3A_3064 = tpu.vector_load_idx %arg12[%add3A_3063] : memref<4096xf32, #tpu.memory_space<vmem>>[vector<16xi32>], vector<16xf32>,
      %gt3A_3065 = arith.constant 0.000000e+00 : f32
      %gt3A_3066 = vector.broadcast %gt3A_3065 : f32 to vector<16xf32>
      %gt3A_3067 = arith.cmpf ogt, %gather3A_3064, %gt3A_3066 : vector<16xf32>
      %jit3A_3068 = arith.constant 8388608 : i32
      %jit3A_3069 = arith.constant 0 : i32
      %broadcast_in_dim3A_3070 = vector.broadcast %jit3A_3068 : i32 to vector<16xi32>
      %broadcast_in_dim3A_3071 = vector.broadcast %jit3A_3069 : i32 to vector<16xi32>
      %select_n3A_3072 = arith.select %gt3A_3067, %broadcast_in_dim3A_3070, %broadcast_in_dim3A_3071 : vector<16xi1>, vector<16xi32>
      %or3A_3073 = arith.ori %or3A_3060, %select_n3A_3072 : vector<16xi32>
      %add3A_3074 = arith.constant 3096 : i32
      %add3A_3075 = vector.broadcast %add3A_3074 : i32 to vector<16xi32>
      %add3A_3076 = arith.addi %mul3A_131, %add3A_3075 : vector<16xi32>
      %gather3A_3077 = tpu.vector_load_idx %arg12[%add3A_3076] : memref<4096xf32, #tpu.memory_space<vmem>>[vector<16xi32>], vector<16xf32>,
      %gt3A_3078 = arith.constant 0.000000e+00 : f32
      %gt3A_3079 = vector.broadcast %gt3A_3078 : f32 to vector<16xf32>
      %gt3A_3080 = arith.cmpf ogt, %gather3A_3077, %gt3A_3079 : vector<16xf32>
      %jit3A_3081 = arith.constant 16777216 : i32
      %jit3A_3082 = arith.constant 0 : i32
      %broadcast_in_dim3A_3083 = vector.broadcast %jit3A_3081 : i32 to vector<16xi32>
      %broadcast_in_dim3A_3084 = vector.broadcast %jit3A_3082 : i32 to vector<16xi32>
      %select_n3A_3085 = arith.select %gt3A_3080, %broadcast_in_dim3A_3083, %broadcast_in_dim3A_3084 : vector<16xi1>, vector<16xi32>
      %or3A_3086 = arith.ori %or3A_3073, %select_n3A_3085 : vector<16xi32>
      %add3A_3087 = arith.constant 3097 : i32
      %add3A_3088 = vector.broadcast %add3A_3087 : i32 to vector<16xi32>
      %add3A_3089 = arith.addi %mul3A_131, %add3A_3088 : vector<16xi32>
      %gather3A_3090 = tpu.vector_load_idx %arg12[%add3A_3089] : memref<4096xf32, #tpu.memory_space<vmem>>[vector<16xi32>], vector<16xf32>,
      %gt3A_3091 = arith.constant 0.000000e+00 : f32
      %gt3A_3092 = vector.broadcast %gt3A_3091 : f32 to vector<16xf32>
      %gt3A_3093 = arith.cmpf ogt, %gather3A_3090, %gt3A_3092 : vector<16xf32>
      %jit3A_3094 = arith.constant 33554432 : i32
      %jit3A_3095 = arith.constant 0 : i32
      %broadcast_in_dim3A_3096 = vector.broadcast %jit3A_3094 : i32 to vector<16xi32>
      %broadcast_in_dim3A_3097 = vector.broadcast %jit3A_3095 : i32 to vector<16xi32>
      %select_n3A_3098 = arith.select %gt3A_3093, %broadcast_in_dim3A_3096, %broadcast_in_dim3A_3097 : vector<16xi1>, vector<16xi32>
      %or3A_3099 = arith.ori %or3A_3086, %select_n3A_3098 : vector<16xi32>
      %add3A_3100 = arith.constant 3098 : i32
      %add3A_3101 = vector.broadcast %add3A_3100 : i32 to vector<16xi32>
      %add3A_3102 = arith.addi %mul3A_131, %add3A_3101 : vector<16xi32>
      %gather3A_3103 = tpu.vector_load_idx %arg12[%add3A_3102] : memref<4096xf32, #tpu.memory_space<vmem>>[vector<16xi32>], vector<16xf32>,
      %gt3A_3104 = arith.constant 0.000000e+00 : f32
      %gt3A_3105 = vector.broadcast %gt3A_3104 : f32 to vector<16xf32>
      %gt3A_3106 = arith.cmpf ogt, %gather3A_3103, %gt3A_3105 : vector<16xf32>
      %jit3A_3107 = arith.constant 67108864 : i32
      %jit3A_3108 = arith.constant 0 : i32
      %broadcast_in_dim3A_3109 = vector.broadcast %jit3A_3107 : i32 to vector<16xi32>
      %broadcast_in_dim3A_3110 = vector.broadcast %jit3A_3108 : i32 to vector<16xi32>
      %select_n3A_3111 = arith.select %gt3A_3106, %broadcast_in_dim3A_3109, %broadcast_in_dim3A_3110 : vector<16xi1>, vector<16xi32>
      %or3A_3112 = arith.ori %or3A_3099, %select_n3A_3111 : vector<16xi32>
      %add3A_3113 = arith.constant 3099 : i32
      %add3A_3114 = vector.broadcast %add3A_3113 : i32 to vector<16xi32>
      %add3A_3115 = arith.addi %mul3A_131, %add3A_3114 : vector<16xi32>
      %gather3A_3116 = tpu.vector_load_idx %arg12[%add3A_3115] : memref<4096xf32, #tpu.memory_space<vmem>>[vector<16xi32>], vector<16xf32>,
      %gt3A_3117 = arith.constant 0.000000e+00 : f32
      %gt3A_3118 = vector.broadcast %gt3A_3117 : f32 to vector<16xf32>
      %gt3A_3119 = arith.cmpf ogt, %gather3A_3116, %gt3A_3118 : vector<16xf32>
      %jit3A_3120 = arith.constant 134217728 : i32
      %jit3A_3121 = arith.constant 0 : i32
      %broadcast_in_dim3A_3122 = vector.broadcast %jit3A_3120 : i32 to vector<16xi32>
      %broadcast_in_dim3A_3123 = vector.broadcast %jit3A_3121 : i32 to vector<16xi32>
      %select_n3A_3124 = arith.select %gt3A_3119, %broadcast_in_dim3A_3122, %broadcast_in_dim3A_3123 : vector<16xi1>, vector<16xi32>
      %or3A_3125 = arith.ori %or3A_3112, %select_n3A_3124 : vector<16xi32>
      %add3A_3126 = arith.constant 3100 : i32
      %add3A_3127 = vector.broadcast %add3A_3126 : i32 to vector<16xi32>
      %add3A_3128 = arith.addi %mul3A_131, %add3A_3127 : vector<16xi32>
      %gather3A_3129 = tpu.vector_load_idx %arg12[%add3A_3128] : memref<4096xf32, #tpu.memory_space<vmem>>[vector<16xi32>], vector<16xf32>,
      %gt3A_3130 = arith.constant 0.000000e+00 : f32
      %gt3A_3131 = vector.broadcast %gt3A_3130 : f32 to vector<16xf32>
      %gt3A_3132 = arith.cmpf ogt, %gather3A_3129, %gt3A_3131 : vector<16xf32>
      %jit3A_3133 = arith.constant 268435456 : i32
      %jit3A_3134 = arith.constant 0 : i32
      %broadcast_in_dim3A_3135 = vector.broadcast %jit3A_3133 : i32 to vector<16xi32>
      %broadcast_in_dim3A_3136 = vector.broadcast %jit3A_3134 : i32 to vector<16xi32>
      %select_n3A_3137 = arith.select %gt3A_3132, %broadcast_in_dim3A_3135, %broadcast_in_dim3A_3136 : vector<16xi1>, vector<16xi32>
      %or3A_3138 = arith.ori %or3A_3125, %select_n3A_3137 : vector<16xi32>
      %add3A_3139 = arith.constant 3101 : i32
      %add3A_3140 = vector.broadcast %add3A_3139 : i32 to vector<16xi32>
      %add3A_3141 = arith.addi %mul3A_131, %add3A_3140 : vector<16xi32>
      %gather3A_3142 = tpu.vector_load_idx %arg12[%add3A_3141] : memref<4096xf32, #tpu.memory_space<vmem>>[vector<16xi32>], vector<16xf32>,
      %gt3A_3143 = arith.constant 0.000000e+00 : f32
      %gt3A_3144 = vector.broadcast %gt3A_3143 : f32 to vector<16xf32>
      %gt3A_3145 = arith.cmpf ogt, %gather3A_3142, %gt3A_3144 : vector<16xf32>
      %jit3A_3146 = arith.constant 536870912 : i32
      %jit3A_3147 = arith.constant 0 : i32
      %broadcast_in_dim3A_3148 = vector.broadcast %jit3A_3146 : i32 to vector<16xi32>
      %broadcast_in_dim3A_3149 = vector.broadcast %jit3A_3147 : i32 to vector<16xi32>
      %select_n3A_3150 = arith.select %gt3A_3145, %broadcast_in_dim3A_3148, %broadcast_in_dim3A_3149 : vector<16xi1>, vector<16xi32>
      %or3A_3151 = arith.ori %or3A_3138, %select_n3A_3150 : vector<16xi32>
      %add3A_3152 = arith.constant 3102 : i32
      %add3A_3153 = vector.broadcast %add3A_3152 : i32 to vector<16xi32>
      %add3A_3154 = arith.addi %mul3A_131, %add3A_3153 : vector<16xi32>
      %gather3A_3155 = tpu.vector_load_idx %arg12[%add3A_3154] : memref<4096xf32, #tpu.memory_space<vmem>>[vector<16xi32>], vector<16xf32>,
      %gt3A_3156 = arith.constant 0.000000e+00 : f32
      %gt3A_3157 = vector.broadcast %gt3A_3156 : f32 to vector<16xf32>
      %gt3A_3158 = arith.cmpf ogt, %gather3A_3155, %gt3A_3157 : vector<16xf32>
      %jit3A_3159 = arith.constant 1073741824 : i32
      %jit3A_3160 = arith.constant 0 : i32
      %broadcast_in_dim3A_3161 = vector.broadcast %jit3A_3159 : i32 to vector<16xi32>
      %broadcast_in_dim3A_3162 = vector.broadcast %jit3A_3160 : i32 to vector<16xi32>
      %select_n3A_3163 = arith.select %gt3A_3158, %broadcast_in_dim3A_3161, %broadcast_in_dim3A_3162 : vector<16xi1>, vector<16xi32>
      %or3A_3164 = arith.ori %or3A_3151, %select_n3A_3163 : vector<16xi32>
      %add3A_3165 = arith.constant 3103 : i32
      %add3A_3166 = vector.broadcast %add3A_3165 : i32 to vector<16xi32>
      %add3A_3167 = arith.addi %mul3A_131, %add3A_3166 : vector<16xi32>
      %gather3A_3168 = tpu.vector_load_idx %arg12[%add3A_3167] : memref<4096xf32, #tpu.memory_space<vmem>>[vector<16xi32>], vector<16xf32>,
      %gt3A_3169 = arith.constant 0.000000e+00 : f32
      %gt3A_3170 = vector.broadcast %gt3A_3169 : f32 to vector<16xf32>
      %gt3A_3171 = arith.cmpf ogt, %gather3A_3168, %gt3A_3170 : vector<16xf32>
      %jit3A_3172 = arith.constant -2147483648 : i32
      %jit3A_3173 = arith.constant 0 : i32
      %broadcast_in_dim3A_3174 = vector.broadcast %jit3A_3172 : i32 to vector<16xi32>
      %broadcast_in_dim3A_3175 = vector.broadcast %jit3A_3173 : i32 to vector<16xi32>
      %select_n3A_3176 = arith.select %gt3A_3171, %broadcast_in_dim3A_3174, %broadcast_in_dim3A_3175 : vector<16xi1>, vector<16xi32>
      %or3A_3177 = arith.ori %or3A_3164, %select_n3A_3176 : vector<16xi32>
      %swap3A_3178 = arith.constant 96 : index
      %swap3A_3179 = tpu.vector_load %arg13[%swap3A_3178] {strides = array<i32>} : memref<128xi32, #tpu.memory_space<vmem>>, vector<16xi32>,
      tpu.vector_store %arg13[%swap3A_3178], %or3A_3177 {strides = array<i32>} : memref<128xi32, #tpu.memory_space<vmem>>, vector<16xi32>,
      %broadcast_in_dim3A_3180 = arith.constant 0 : i32
      %broadcast_in_dim3A_3181 = vector.broadcast %broadcast_in_dim3A_3180 : i32 to vector<16xi32>
      %add3A_3182 = arith.constant 3584 : i32
      %add3A_3183 = vector.broadcast %add3A_3182 : i32 to vector<16xi32>
      %add3A_3184 = arith.addi %mul3A_131, %add3A_3183 : vector<16xi32>
      %gather3A_3185 = tpu.vector_load_idx %arg12[%add3A_3184] : memref<4096xf32, #tpu.memory_space<vmem>>[vector<16xi32>], vector<16xf32>,
      %gt3A_3186 = arith.constant 0.000000e+00 : f32
      %gt3A_3187 = vector.broadcast %gt3A_3186 : f32 to vector<16xf32>
      %gt3A_3188 = arith.cmpf ogt, %gather3A_3185, %gt3A_3187 : vector<16xf32>
      %jit3A_3189 = arith.constant 1 : i32
      %jit3A_3190 = arith.constant 0 : i32
      %broadcast_in_dim3A_3191 = vector.broadcast %jit3A_3189 : i32 to vector<16xi32>
      %broadcast_in_dim3A_3192 = vector.broadcast %jit3A_3190 : i32 to vector<16xi32>
      %select_n3A_3193 = arith.select %gt3A_3188, %broadcast_in_dim3A_3191, %broadcast_in_dim3A_3192 : vector<16xi1>, vector<16xi32>
      %or3A_3194 = arith.ori %broadcast_in_dim3A_3181, %select_n3A_3193 : vector<16xi32>
      %add3A_3195 = arith.constant 3585 : i32
      %add3A_3196 = vector.broadcast %add3A_3195 : i32 to vector<16xi32>
      %add3A_3197 = arith.addi %mul3A_131, %add3A_3196 : vector<16xi32>
      %gather3A_3198 = tpu.vector_load_idx %arg12[%add3A_3197] : memref<4096xf32, #tpu.memory_space<vmem>>[vector<16xi32>], vector<16xf32>,
      %gt3A_3199 = arith.constant 0.000000e+00 : f32
      %gt3A_3200 = vector.broadcast %gt3A_3199 : f32 to vector<16xf32>
      %gt3A_3201 = arith.cmpf ogt, %gather3A_3198, %gt3A_3200 : vector<16xf32>
      %jit3A_3202 = arith.constant 2 : i32
      %jit3A_3203 = arith.constant 0 : i32
      %broadcast_in_dim3A_3204 = vector.broadcast %jit3A_3202 : i32 to vector<16xi32>
      %broadcast_in_dim3A_3205 = vector.broadcast %jit3A_3203 : i32 to vector<16xi32>
      %select_n3A_3206 = arith.select %gt3A_3201, %broadcast_in_dim3A_3204, %broadcast_in_dim3A_3205 : vector<16xi1>, vector<16xi32>
      %or3A_3207 = arith.ori %or3A_3194, %select_n3A_3206 : vector<16xi32>
      %add3A_3208 = arith.constant 3586 : i32
      %add3A_3209 = vector.broadcast %add3A_3208 : i32 to vector<16xi32>
      %add3A_3210 = arith.addi %mul3A_131, %add3A_3209 : vector<16xi32>
      %gather3A_3211 = tpu.vector_load_idx %arg12[%add3A_3210] : memref<4096xf32, #tpu.memory_space<vmem>>[vector<16xi32>], vector<16xf32>,
      %gt3A_3212 = arith.constant 0.000000e+00 : f32
      %gt3A_3213 = vector.broadcast %gt3A_3212 : f32 to vector<16xf32>
      %gt3A_3214 = arith.cmpf ogt, %gather3A_3211, %gt3A_3213 : vector<16xf32>
      %jit3A_3215 = arith.constant 4 : i32
      %jit3A_3216 = arith.constant 0 : i32
      %broadcast_in_dim3A_3217 = vector.broadcast %jit3A_3215 : i32 to vector<16xi32>
      %broadcast_in_dim3A_3218 = vector.broadcast %jit3A_3216 : i32 to vector<16xi32>
      %select_n3A_3219 = arith.select %gt3A_3214, %broadcast_in_dim3A_3217, %broadcast_in_dim3A_3218 : vector<16xi1>, vector<16xi32>
      %or3A_3220 = arith.ori %or3A_3207, %select_n3A_3219 : vector<16xi32>
      %add3A_3221 = arith.constant 3587 : i32
      %add3A_3222 = vector.broadcast %add3A_3221 : i32 to vector<16xi32>
      %add3A_3223 = arith.addi %mul3A_131, %add3A_3222 : vector<16xi32>
      %gather3A_3224 = tpu.vector_load_idx %arg12[%add3A_3223] : memref<4096xf32, #tpu.memory_space<vmem>>[vector<16xi32>], vector<16xf32>,
      %gt3A_3225 = arith.constant 0.000000e+00 : f32
      %gt3A_3226 = vector.broadcast %gt3A_3225 : f32 to vector<16xf32>
      %gt3A_3227 = arith.cmpf ogt, %gather3A_3224, %gt3A_3226 : vector<16xf32>
      %jit3A_3228 = arith.constant 8 : i32
      %jit3A_3229 = arith.constant 0 : i32
      %broadcast_in_dim3A_3230 = vector.broadcast %jit3A_3228 : i32 to vector<16xi32>
      %broadcast_in_dim3A_3231 = vector.broadcast %jit3A_3229 : i32 to vector<16xi32>
      %select_n3A_3232 = arith.select %gt3A_3227, %broadcast_in_dim3A_3230, %broadcast_in_dim3A_3231 : vector<16xi1>, vector<16xi32>
      %or3A_3233 = arith.ori %or3A_3220, %select_n3A_3232 : vector<16xi32>
      %add3A_3234 = arith.constant 3588 : i32
      %add3A_3235 = vector.broadcast %add3A_3234 : i32 to vector<16xi32>
      %add3A_3236 = arith.addi %mul3A_131, %add3A_3235 : vector<16xi32>
      %gather3A_3237 = tpu.vector_load_idx %arg12[%add3A_3236] : memref<4096xf32, #tpu.memory_space<vmem>>[vector<16xi32>], vector<16xf32>,
      %gt3A_3238 = arith.constant 0.000000e+00 : f32
      %gt3A_3239 = vector.broadcast %gt3A_3238 : f32 to vector<16xf32>
      %gt3A_3240 = arith.cmpf ogt, %gather3A_3237, %gt3A_3239 : vector<16xf32>
      %jit3A_3241 = arith.constant 16 : i32
      %jit3A_3242 = arith.constant 0 : i32
      %broadcast_in_dim3A_3243 = vector.broadcast %jit3A_3241 : i32 to vector<16xi32>
      %broadcast_in_dim3A_3244 = vector.broadcast %jit3A_3242 : i32 to vector<16xi32>
      %select_n3A_3245 = arith.select %gt3A_3240, %broadcast_in_dim3A_3243, %broadcast_in_dim3A_3244 : vector<16xi1>, vector<16xi32>
      %or3A_3246 = arith.ori %or3A_3233, %select_n3A_3245 : vector<16xi32>
      %add3A_3247 = arith.constant 3589 : i32
      %add3A_3248 = vector.broadcast %add3A_3247 : i32 to vector<16xi32>
      %add3A_3249 = arith.addi %mul3A_131, %add3A_3248 : vector<16xi32>
      %gather3A_3250 = tpu.vector_load_idx %arg12[%add3A_3249] : memref<4096xf32, #tpu.memory_space<vmem>>[vector<16xi32>], vector<16xf32>,
      %gt3A_3251 = arith.constant 0.000000e+00 : f32
      %gt3A_3252 = vector.broadcast %gt3A_3251 : f32 to vector<16xf32>
      %gt3A_3253 = arith.cmpf ogt, %gather3A_3250, %gt3A_3252 : vector<16xf32>
      %jit3A_3254 = arith.constant 32 : i32
      %jit3A_3255 = arith.constant 0 : i32
      %broadcast_in_dim3A_3256 = vector.broadcast %jit3A_3254 : i32 to vector<16xi32>
      %broadcast_in_dim3A_3257 = vector.broadcast %jit3A_3255 : i32 to vector<16xi32>
      %select_n3A_3258 = arith.select %gt3A_3253, %broadcast_in_dim3A_3256, %broadcast_in_dim3A_3257 : vector<16xi1>, vector<16xi32>
      %or3A_3259 = arith.ori %or3A_3246, %select_n3A_3258 : vector<16xi32>
      %add3A_3260 = arith.constant 3590 : i32
      %add3A_3261 = vector.broadcast %add3A_3260 : i32 to vector<16xi32>
      %add3A_3262 = arith.addi %mul3A_131, %add3A_3261 : vector<16xi32>
      %gather3A_3263 = tpu.vector_load_idx %arg12[%add3A_3262] : memref<4096xf32, #tpu.memory_space<vmem>>[vector<16xi32>], vector<16xf32>,
      %gt3A_3264 = arith.constant 0.000000e+00 : f32
      %gt3A_3265 = vector.broadcast %gt3A_3264 : f32 to vector<16xf32>
      %gt3A_3266 = arith.cmpf ogt, %gather3A_3263, %gt3A_3265 : vector<16xf32>
      %jit3A_3267 = arith.constant 64 : i32
      %jit3A_3268 = arith.constant 0 : i32
      %broadcast_in_dim3A_3269 = vector.broadcast %jit3A_3267 : i32 to vector<16xi32>
      %broadcast_in_dim3A_3270 = vector.broadcast %jit3A_3268 : i32 to vector<16xi32>
      %select_n3A_3271 = arith.select %gt3A_3266, %broadcast_in_dim3A_3269, %broadcast_in_dim3A_3270 : vector<16xi1>, vector<16xi32>
      %or3A_3272 = arith.ori %or3A_3259, %select_n3A_3271 : vector<16xi32>
      %add3A_3273 = arith.constant 3591 : i32
      %add3A_3274 = vector.broadcast %add3A_3273 : i32 to vector<16xi32>
      %add3A_3275 = arith.addi %mul3A_131, %add3A_3274 : vector<16xi32>
      %gather3A_3276 = tpu.vector_load_idx %arg12[%add3A_3275] : memref<4096xf32, #tpu.memory_space<vmem>>[vector<16xi32>], vector<16xf32>,
      %gt3A_3277 = arith.constant 0.000000e+00 : f32
      %gt3A_3278 = vector.broadcast %gt3A_3277 : f32 to vector<16xf32>
      %gt3A_3279 = arith.cmpf ogt, %gather3A_3276, %gt3A_3278 : vector<16xf32>
      %jit3A_3280 = arith.constant 128 : i32
      %jit3A_3281 = arith.constant 0 : i32
      %broadcast_in_dim3A_3282 = vector.broadcast %jit3A_3280 : i32 to vector<16xi32>
      %broadcast_in_dim3A_3283 = vector.broadcast %jit3A_3281 : i32 to vector<16xi32>
      %select_n3A_3284 = arith.select %gt3A_3279, %broadcast_in_dim3A_3282, %broadcast_in_dim3A_3283 : vector<16xi1>, vector<16xi32>
      %or3A_3285 = arith.ori %or3A_3272, %select_n3A_3284 : vector<16xi32>
      %add3A_3286 = arith.constant 3592 : i32
      %add3A_3287 = vector.broadcast %add3A_3286 : i32 to vector<16xi32>
      %add3A_3288 = arith.addi %mul3A_131, %add3A_3287 : vector<16xi32>
      %gather3A_3289 = tpu.vector_load_idx %arg12[%add3A_3288] : memref<4096xf32, #tpu.memory_space<vmem>>[vector<16xi32>], vector<16xf32>,
      %gt3A_3290 = arith.constant 0.000000e+00 : f32
      %gt3A_3291 = vector.broadcast %gt3A_3290 : f32 to vector<16xf32>
      %gt3A_3292 = arith.cmpf ogt, %gather3A_3289, %gt3A_3291 : vector<16xf32>
      %jit3A_3293 = arith.constant 256 : i32
      %jit3A_3294 = arith.constant 0 : i32
      %broadcast_in_dim3A_3295 = vector.broadcast %jit3A_3293 : i32 to vector<16xi32>
      %broadcast_in_dim3A_3296 = vector.broadcast %jit3A_3294 : i32 to vector<16xi32>
      %select_n3A_3297 = arith.select %gt3A_3292, %broadcast_in_dim3A_3295, %broadcast_in_dim3A_3296 : vector<16xi1>, vector<16xi32>
      %or3A_3298 = arith.ori %or3A_3285, %select_n3A_3297 : vector<16xi32>
      %add3A_3299 = arith.constant 3593 : i32
      %add3A_3300 = vector.broadcast %add3A_3299 : i32 to vector<16xi32>
      %add3A_3301 = arith.addi %mul3A_131, %add3A_3300 : vector<16xi32>
      %gather3A_3302 = tpu.vector_load_idx %arg12[%add3A_3301] : memref<4096xf32, #tpu.memory_space<vmem>>[vector<16xi32>], vector<16xf32>,
      %gt3A_3303 = arith.constant 0.000000e+00 : f32
      %gt3A_3304 = vector.broadcast %gt3A_3303 : f32 to vector<16xf32>
      %gt3A_3305 = arith.cmpf ogt, %gather3A_3302, %gt3A_3304 : vector<16xf32>
      %jit3A_3306 = arith.constant 512 : i32
      %jit3A_3307 = arith.constant 0 : i32
      %broadcast_in_dim3A_3308 = vector.broadcast %jit3A_3306 : i32 to vector<16xi32>
      %broadcast_in_dim3A_3309 = vector.broadcast %jit3A_3307 : i32 to vector<16xi32>
      %select_n3A_3310 = arith.select %gt3A_3305, %broadcast_in_dim3A_3308, %broadcast_in_dim3A_3309 : vector<16xi1>, vector<16xi32>
      %or3A_3311 = arith.ori %or3A_3298, %select_n3A_3310 : vector<16xi32>
      %add3A_3312 = arith.constant 3594 : i32
      %add3A_3313 = vector.broadcast %add3A_3312 : i32 to vector<16xi32>
      %add3A_3314 = arith.addi %mul3A_131, %add3A_3313 : vector<16xi32>
      %gather3A_3315 = tpu.vector_load_idx %arg12[%add3A_3314] : memref<4096xf32, #tpu.memory_space<vmem>>[vector<16xi32>], vector<16xf32>,
      %gt3A_3316 = arith.constant 0.000000e+00 : f32
      %gt3A_3317 = vector.broadcast %gt3A_3316 : f32 to vector<16xf32>
      %gt3A_3318 = arith.cmpf ogt, %gather3A_3315, %gt3A_3317 : vector<16xf32>
      %jit3A_3319 = arith.constant 1024 : i32
      %jit3A_3320 = arith.constant 0 : i32
      %broadcast_in_dim3A_3321 = vector.broadcast %jit3A_3319 : i32 to vector<16xi32>
      %broadcast_in_dim3A_3322 = vector.broadcast %jit3A_3320 : i32 to vector<16xi32>
      %select_n3A_3323 = arith.select %gt3A_3318, %broadcast_in_dim3A_3321, %broadcast_in_dim3A_3322 : vector<16xi1>, vector<16xi32>
      %or3A_3324 = arith.ori %or3A_3311, %select_n3A_3323 : vector<16xi32>
      %add3A_3325 = arith.constant 3595 : i32
      %add3A_3326 = vector.broadcast %add3A_3325 : i32 to vector<16xi32>
      %add3A_3327 = arith.addi %mul3A_131, %add3A_3326 : vector<16xi32>
      %gather3A_3328 = tpu.vector_load_idx %arg12[%add3A_3327] : memref<4096xf32, #tpu.memory_space<vmem>>[vector<16xi32>], vector<16xf32>,
      %gt3A_3329 = arith.constant 0.000000e+00 : f32
      %gt3A_3330 = vector.broadcast %gt3A_3329 : f32 to vector<16xf32>
      %gt3A_3331 = arith.cmpf ogt, %gather3A_3328, %gt3A_3330 : vector<16xf32>
      %jit3A_3332 = arith.constant 2048 : i32
      %jit3A_3333 = arith.constant 0 : i32
      %broadcast_in_dim3A_3334 = vector.broadcast %jit3A_3332 : i32 to vector<16xi32>
      %broadcast_in_dim3A_3335 = vector.broadcast %jit3A_3333 : i32 to vector<16xi32>
      %select_n3A_3336 = arith.select %gt3A_3331, %broadcast_in_dim3A_3334, %broadcast_in_dim3A_3335 : vector<16xi1>, vector<16xi32>
      %or3A_3337 = arith.ori %or3A_3324, %select_n3A_3336 : vector<16xi32>
      %add3A_3338 = arith.constant 3596 : i32
      %add3A_3339 = vector.broadcast %add3A_3338 : i32 to vector<16xi32>
      %add3A_3340 = arith.addi %mul3A_131, %add3A_3339 : vector<16xi32>
      %gather3A_3341 = tpu.vector_load_idx %arg12[%add3A_3340] : memref<4096xf32, #tpu.memory_space<vmem>>[vector<16xi32>], vector<16xf32>,
      %gt3A_3342 = arith.constant 0.000000e+00 : f32
      %gt3A_3343 = vector.broadcast %gt3A_3342 : f32 to vector<16xf32>
      %gt3A_3344 = arith.cmpf ogt, %gather3A_3341, %gt3A_3343 : vector<16xf32>
      %jit3A_3345 = arith.constant 4096 : i32
      %jit3A_3346 = arith.constant 0 : i32
      %broadcast_in_dim3A_3347 = vector.broadcast %jit3A_3345 : i32 to vector<16xi32>
      %broadcast_in_dim3A_3348 = vector.broadcast %jit3A_3346 : i32 to vector<16xi32>
      %select_n3A_3349 = arith.select %gt3A_3344, %broadcast_in_dim3A_3347, %broadcast_in_dim3A_3348 : vector<16xi1>, vector<16xi32>
      %or3A_3350 = arith.ori %or3A_3337, %select_n3A_3349 : vector<16xi32>
      %add3A_3351 = arith.constant 3597 : i32
      %add3A_3352 = vector.broadcast %add3A_3351 : i32 to vector<16xi32>
      %add3A_3353 = arith.addi %mul3A_131, %add3A_3352 : vector<16xi32>
      %gather3A_3354 = tpu.vector_load_idx %arg12[%add3A_3353] : memref<4096xf32, #tpu.memory_space<vmem>>[vector<16xi32>], vector<16xf32>,
      %gt3A_3355 = arith.constant 0.000000e+00 : f32
      %gt3A_3356 = vector.broadcast %gt3A_3355 : f32 to vector<16xf32>
      %gt3A_3357 = arith.cmpf ogt, %gather3A_3354, %gt3A_3356 : vector<16xf32>
      %jit3A_3358 = arith.constant 8192 : i32
      %jit3A_3359 = arith.constant 0 : i32
      %broadcast_in_dim3A_3360 = vector.broadcast %jit3A_3358 : i32 to vector<16xi32>
      %broadcast_in_dim3A_3361 = vector.broadcast %jit3A_3359 : i32 to vector<16xi32>
      %select_n3A_3362 = arith.select %gt3A_3357, %broadcast_in_dim3A_3360, %broadcast_in_dim3A_3361 : vector<16xi1>, vector<16xi32>
      %or3A_3363 = arith.ori %or3A_3350, %select_n3A_3362 : vector<16xi32>
      %add3A_3364 = arith.constant 3598 : i32
      %add3A_3365 = vector.broadcast %add3A_3364 : i32 to vector<16xi32>
      %add3A_3366 = arith.addi %mul3A_131, %add3A_3365 : vector<16xi32>
      %gather3A_3367 = tpu.vector_load_idx %arg12[%add3A_3366] : memref<4096xf32, #tpu.memory_space<vmem>>[vector<16xi32>], vector<16xf32>,
      %gt3A_3368 = arith.constant 0.000000e+00 : f32
      %gt3A_3369 = vector.broadcast %gt3A_3368 : f32 to vector<16xf32>
      %gt3A_3370 = arith.cmpf ogt, %gather3A_3367, %gt3A_3369 : vector<16xf32>
      %jit3A_3371 = arith.constant 16384 : i32
      %jit3A_3372 = arith.constant 0 : i32
      %broadcast_in_dim3A_3373 = vector.broadcast %jit3A_3371 : i32 to vector<16xi32>
      %broadcast_in_dim3A_3374 = vector.broadcast %jit3A_3372 : i32 to vector<16xi32>
      %select_n3A_3375 = arith.select %gt3A_3370, %broadcast_in_dim3A_3373, %broadcast_in_dim3A_3374 : vector<16xi1>, vector<16xi32>
      %or3A_3376 = arith.ori %or3A_3363, %select_n3A_3375 : vector<16xi32>
      %add3A_3377 = arith.constant 3599 : i32
      %add3A_3378 = vector.broadcast %add3A_3377 : i32 to vector<16xi32>
      %add3A_3379 = arith.addi %mul3A_131, %add3A_3378 : vector<16xi32>
      %gather3A_3380 = tpu.vector_load_idx %arg12[%add3A_3379] : memref<4096xf32, #tpu.memory_space<vmem>>[vector<16xi32>], vector<16xf32>,
      %gt3A_3381 = arith.constant 0.000000e+00 : f32
      %gt3A_3382 = vector.broadcast %gt3A_3381 : f32 to vector<16xf32>
      %gt3A_3383 = arith.cmpf ogt, %gather3A_3380, %gt3A_3382 : vector<16xf32>
      %jit3A_3384 = arith.constant 32768 : i32
      %jit3A_3385 = arith.constant 0 : i32
      %broadcast_in_dim3A_3386 = vector.broadcast %jit3A_3384 : i32 to vector<16xi32>
      %broadcast_in_dim3A_3387 = vector.broadcast %jit3A_3385 : i32 to vector<16xi32>
      %select_n3A_3388 = arith.select %gt3A_3383, %broadcast_in_dim3A_3386, %broadcast_in_dim3A_3387 : vector<16xi1>, vector<16xi32>
      %or3A_3389 = arith.ori %or3A_3376, %select_n3A_3388 : vector<16xi32>
      %add3A_3390 = arith.constant 3600 : i32
      %add3A_3391 = vector.broadcast %add3A_3390 : i32 to vector<16xi32>
      %add3A_3392 = arith.addi %mul3A_131, %add3A_3391 : vector<16xi32>
      %gather3A_3393 = tpu.vector_load_idx %arg12[%add3A_3392] : memref<4096xf32, #tpu.memory_space<vmem>>[vector<16xi32>], vector<16xf32>,
      %gt3A_3394 = arith.constant 0.000000e+00 : f32
      %gt3A_3395 = vector.broadcast %gt3A_3394 : f32 to vector<16xf32>
      %gt3A_3396 = arith.cmpf ogt, %gather3A_3393, %gt3A_3395 : vector<16xf32>
      %jit3A_3397 = arith.constant 65536 : i32
      %jit3A_3398 = arith.constant 0 : i32
      %broadcast_in_dim3A_3399 = vector.broadcast %jit3A_3397 : i32 to vector<16xi32>
      %broadcast_in_dim3A_3400 = vector.broadcast %jit3A_3398 : i32 to vector<16xi32>
      %select_n3A_3401 = arith.select %gt3A_3396, %broadcast_in_dim3A_3399, %broadcast_in_dim3A_3400 : vector<16xi1>, vector<16xi32>
      %or3A_3402 = arith.ori %or3A_3389, %select_n3A_3401 : vector<16xi32>
      %add3A_3403 = arith.constant 3601 : i32
      %add3A_3404 = vector.broadcast %add3A_3403 : i32 to vector<16xi32>
      %add3A_3405 = arith.addi %mul3A_131, %add3A_3404 : vector<16xi32>
      %gather3A_3406 = tpu.vector_load_idx %arg12[%add3A_3405] : memref<4096xf32, #tpu.memory_space<vmem>>[vector<16xi32>], vector<16xf32>,
      %gt3A_3407 = arith.constant 0.000000e+00 : f32
      %gt3A_3408 = vector.broadcast %gt3A_3407 : f32 to vector<16xf32>
      %gt3A_3409 = arith.cmpf ogt, %gather3A_3406, %gt3A_3408 : vector<16xf32>
      %jit3A_3410 = arith.constant 131072 : i32
      %jit3A_3411 = arith.constant 0 : i32
      %broadcast_in_dim3A_3412 = vector.broadcast %jit3A_3410 : i32 to vector<16xi32>
      %broadcast_in_dim3A_3413 = vector.broadcast %jit3A_3411 : i32 to vector<16xi32>
      %select_n3A_3414 = arith.select %gt3A_3409, %broadcast_in_dim3A_3412, %broadcast_in_dim3A_3413 : vector<16xi1>, vector<16xi32>
      %or3A_3415 = arith.ori %or3A_3402, %select_n3A_3414 : vector<16xi32>
      %add3A_3416 = arith.constant 3602 : i32
      %add3A_3417 = vector.broadcast %add3A_3416 : i32 to vector<16xi32>
      %add3A_3418 = arith.addi %mul3A_131, %add3A_3417 : vector<16xi32>
      %gather3A_3419 = tpu.vector_load_idx %arg12[%add3A_3418] : memref<4096xf32, #tpu.memory_space<vmem>>[vector<16xi32>], vector<16xf32>,
      %gt3A_3420 = arith.constant 0.000000e+00 : f32
      %gt3A_3421 = vector.broadcast %gt3A_3420 : f32 to vector<16xf32>
      %gt3A_3422 = arith.cmpf ogt, %gather3A_3419, %gt3A_3421 : vector<16xf32>
      %jit3A_3423 = arith.constant 262144 : i32
      %jit3A_3424 = arith.constant 0 : i32
      %broadcast_in_dim3A_3425 = vector.broadcast %jit3A_3423 : i32 to vector<16xi32>
      %broadcast_in_dim3A_3426 = vector.broadcast %jit3A_3424 : i32 to vector<16xi32>
      %select_n3A_3427 = arith.select %gt3A_3422, %broadcast_in_dim3A_3425, %broadcast_in_dim3A_3426 : vector<16xi1>, vector<16xi32>
      %or3A_3428 = arith.ori %or3A_3415, %select_n3A_3427 : vector<16xi32>
      %add3A_3429 = arith.constant 3603 : i32
      %add3A_3430 = vector.broadcast %add3A_3429 : i32 to vector<16xi32>
      %add3A_3431 = arith.addi %mul3A_131, %add3A_3430 : vector<16xi32>
      %gather3A_3432 = tpu.vector_load_idx %arg12[%add3A_3431] : memref<4096xf32, #tpu.memory_space<vmem>>[vector<16xi32>], vector<16xf32>,
      %gt3A_3433 = arith.constant 0.000000e+00 : f32
      %gt3A_3434 = vector.broadcast %gt3A_3433 : f32 to vector<16xf32>
      %gt3A_3435 = arith.cmpf ogt, %gather3A_3432, %gt3A_3434 : vector<16xf32>
      %jit3A_3436 = arith.constant 524288 : i32
      %jit3A_3437 = arith.constant 0 : i32
      %broadcast_in_dim3A_3438 = vector.broadcast %jit3A_3436 : i32 to vector<16xi32>
      %broadcast_in_dim3A_3439 = vector.broadcast %jit3A_3437 : i32 to vector<16xi32>
      %select_n3A_3440 = arith.select %gt3A_3435, %broadcast_in_dim3A_3438, %broadcast_in_dim3A_3439 : vector<16xi1>, vector<16xi32>
      %or3A_3441 = arith.ori %or3A_3428, %select_n3A_3440 : vector<16xi32>
      %add3A_3442 = arith.constant 3604 : i32
      %add3A_3443 = vector.broadcast %add3A_3442 : i32 to vector<16xi32>
      %add3A_3444 = arith.addi %mul3A_131, %add3A_3443 : vector<16xi32>
      %gather3A_3445 = tpu.vector_load_idx %arg12[%add3A_3444] : memref<4096xf32, #tpu.memory_space<vmem>>[vector<16xi32>], vector<16xf32>,
      %gt3A_3446 = arith.constant 0.000000e+00 : f32
      %gt3A_3447 = vector.broadcast %gt3A_3446 : f32 to vector<16xf32>
      %gt3A_3448 = arith.cmpf ogt, %gather3A_3445, %gt3A_3447 : vector<16xf32>
      %jit3A_3449 = arith.constant 1048576 : i32
      %jit3A_3450 = arith.constant 0 : i32
      %broadcast_in_dim3A_3451 = vector.broadcast %jit3A_3449 : i32 to vector<16xi32>
      %broadcast_in_dim3A_3452 = vector.broadcast %jit3A_3450 : i32 to vector<16xi32>
      %select_n3A_3453 = arith.select %gt3A_3448, %broadcast_in_dim3A_3451, %broadcast_in_dim3A_3452 : vector<16xi1>, vector<16xi32>
      %or3A_3454 = arith.ori %or3A_3441, %select_n3A_3453 : vector<16xi32>
      %add3A_3455 = arith.constant 3605 : i32
      %add3A_3456 = vector.broadcast %add3A_3455 : i32 to vector<16xi32>
      %add3A_3457 = arith.addi %mul3A_131, %add3A_3456 : vector<16xi32>
      %gather3A_3458 = tpu.vector_load_idx %arg12[%add3A_3457] : memref<4096xf32, #tpu.memory_space<vmem>>[vector<16xi32>], vector<16xf32>,
      %gt3A_3459 = arith.constant 0.000000e+00 : f32
      %gt3A_3460 = vector.broadcast %gt3A_3459 : f32 to vector<16xf32>
      %gt3A_3461 = arith.cmpf ogt, %gather3A_3458, %gt3A_3460 : vector<16xf32>
      %jit3A_3462 = arith.constant 2097152 : i32
      %jit3A_3463 = arith.constant 0 : i32
      %broadcast_in_dim3A_3464 = vector.broadcast %jit3A_3462 : i32 to vector<16xi32>
      %broadcast_in_dim3A_3465 = vector.broadcast %jit3A_3463 : i32 to vector<16xi32>
      %select_n3A_3466 = arith.select %gt3A_3461, %broadcast_in_dim3A_3464, %broadcast_in_dim3A_3465 : vector<16xi1>, vector<16xi32>
      %or3A_3467 = arith.ori %or3A_3454, %select_n3A_3466 : vector<16xi32>
      %add3A_3468 = arith.constant 3606 : i32
      %add3A_3469 = vector.broadcast %add3A_3468 : i32 to vector<16xi32>
      %add3A_3470 = arith.addi %mul3A_131, %add3A_3469 : vector<16xi32>
      %gather3A_3471 = tpu.vector_load_idx %arg12[%add3A_3470] : memref<4096xf32, #tpu.memory_space<vmem>>[vector<16xi32>], vector<16xf32>,
      %gt3A_3472 = arith.constant 0.000000e+00 : f32
      %gt3A_3473 = vector.broadcast %gt3A_3472 : f32 to vector<16xf32>
      %gt3A_3474 = arith.cmpf ogt, %gather3A_3471, %gt3A_3473 : vector<16xf32>
      %jit3A_3475 = arith.constant 4194304 : i32
      %jit3A_3476 = arith.constant 0 : i32
      %broadcast_in_dim3A_3477 = vector.broadcast %jit3A_3475 : i32 to vector<16xi32>
      %broadcast_in_dim3A_3478 = vector.broadcast %jit3A_3476 : i32 to vector<16xi32>
      %select_n3A_3479 = arith.select %gt3A_3474, %broadcast_in_dim3A_3477, %broadcast_in_dim3A_3478 : vector<16xi1>, vector<16xi32>
      %or3A_3480 = arith.ori %or3A_3467, %select_n3A_3479 : vector<16xi32>
      %add3A_3481 = arith.constant 3607 : i32
      %add3A_3482 = vector.broadcast %add3A_3481 : i32 to vector<16xi32>
      %add3A_3483 = arith.addi %mul3A_131, %add3A_3482 : vector<16xi32>
      %gather3A_3484 = tpu.vector_load_idx %arg12[%add3A_3483] : memref<4096xf32, #tpu.memory_space<vmem>>[vector<16xi32>], vector<16xf32>,
      %gt3A_3485 = arith.constant 0.000000e+00 : f32
      %gt3A_3486 = vector.broadcast %gt3A_3485 : f32 to vector<16xf32>
      %gt3A_3487 = arith.cmpf ogt, %gather3A_3484, %gt3A_3486 : vector<16xf32>
      %jit3A_3488 = arith.constant 8388608 : i32
      %jit3A_3489 = arith.constant 0 : i32
      %broadcast_in_dim3A_3490 = vector.broadcast %jit3A_3488 : i32 to vector<16xi32>
      %broadcast_in_dim3A_3491 = vector.broadcast %jit3A_3489 : i32 to vector<16xi32>
      %select_n3A_3492 = arith.select %gt3A_3487, %broadcast_in_dim3A_3490, %broadcast_in_dim3A_3491 : vector<16xi1>, vector<16xi32>
      %or3A_3493 = arith.ori %or3A_3480, %select_n3A_3492 : vector<16xi32>
      %add3A_3494 = arith.constant 3608 : i32
      %add3A_3495 = vector.broadcast %add3A_3494 : i32 to vector<16xi32>
      %add3A_3496 = arith.addi %mul3A_131, %add3A_3495 : vector<16xi32>
      %gather3A_3497 = tpu.vector_load_idx %arg12[%add3A_3496] : memref<4096xf32, #tpu.memory_space<vmem>>[vector<16xi32>], vector<16xf32>,
      %gt3A_3498 = arith.constant 0.000000e+00 : f32
      %gt3A_3499 = vector.broadcast %gt3A_3498 : f32 to vector<16xf32>
      %gt3A_3500 = arith.cmpf ogt, %gather3A_3497, %gt3A_3499 : vector<16xf32>
      %jit3A_3501 = arith.constant 16777216 : i32
      %jit3A_3502 = arith.constant 0 : i32
      %broadcast_in_dim3A_3503 = vector.broadcast %jit3A_3501 : i32 to vector<16xi32>
      %broadcast_in_dim3A_3504 = vector.broadcast %jit3A_3502 : i32 to vector<16xi32>
      %select_n3A_3505 = arith.select %gt3A_3500, %broadcast_in_dim3A_3503, %broadcast_in_dim3A_3504 : vector<16xi1>, vector<16xi32>
      %or3A_3506 = arith.ori %or3A_3493, %select_n3A_3505 : vector<16xi32>
      %add3A_3507 = arith.constant 3609 : i32
      %add3A_3508 = vector.broadcast %add3A_3507 : i32 to vector<16xi32>
      %add3A_3509 = arith.addi %mul3A_131, %add3A_3508 : vector<16xi32>
      %gather3A_3510 = tpu.vector_load_idx %arg12[%add3A_3509] : memref<4096xf32, #tpu.memory_space<vmem>>[vector<16xi32>], vector<16xf32>,
      %gt3A_3511 = arith.constant 0.000000e+00 : f32
      %gt3A_3512 = vector.broadcast %gt3A_3511 : f32 to vector<16xf32>
      %gt3A_3513 = arith.cmpf ogt, %gather3A_3510, %gt3A_3512 : vector<16xf32>
      %jit3A_3514 = arith.constant 33554432 : i32
      %jit3A_3515 = arith.constant 0 : i32
      %broadcast_in_dim3A_3516 = vector.broadcast %jit3A_3514 : i32 to vector<16xi32>
      %broadcast_in_dim3A_3517 = vector.broadcast %jit3A_3515 : i32 to vector<16xi32>
      %select_n3A_3518 = arith.select %gt3A_3513, %broadcast_in_dim3A_3516, %broadcast_in_dim3A_3517 : vector<16xi1>, vector<16xi32>
      %or3A_3519 = arith.ori %or3A_3506, %select_n3A_3518 : vector<16xi32>
      %add3A_3520 = arith.constant 3610 : i32
      %add3A_3521 = vector.broadcast %add3A_3520 : i32 to vector<16xi32>
      %add3A_3522 = arith.addi %mul3A_131, %add3A_3521 : vector<16xi32>
      %gather3A_3523 = tpu.vector_load_idx %arg12[%add3A_3522] : memref<4096xf32, #tpu.memory_space<vmem>>[vector<16xi32>], vector<16xf32>,
      %gt3A_3524 = arith.constant 0.000000e+00 : f32
      %gt3A_3525 = vector.broadcast %gt3A_3524 : f32 to vector<16xf32>
      %gt3A_3526 = arith.cmpf ogt, %gather3A_3523, %gt3A_3525 : vector<16xf32>
      %jit3A_3527 = arith.constant 67108864 : i32
      %jit3A_3528 = arith.constant 0 : i32
      %broadcast_in_dim3A_3529 = vector.broadcast %jit3A_3527 : i32 to vector<16xi32>
      %broadcast_in_dim3A_3530 = vector.broadcast %jit3A_3528 : i32 to vector<16xi32>
      %select_n3A_3531 = arith.select %gt3A_3526, %broadcast_in_dim3A_3529, %broadcast_in_dim3A_3530 : vector<16xi1>, vector<16xi32>
      %or3A_3532 = arith.ori %or3A_3519, %select_n3A_3531 : vector<16xi32>
      %add3A_3533 = arith.constant 3611 : i32
      %add3A_3534 = vector.broadcast %add3A_3533 : i32 to vector<16xi32>
      %add3A_3535 = arith.addi %mul3A_131, %add3A_3534 : vector<16xi32>
      %gather3A_3536 = tpu.vector_load_idx %arg12[%add3A_3535] : memref<4096xf32, #tpu.memory_space<vmem>>[vector<16xi32>], vector<16xf32>,
      %gt3A_3537 = arith.constant 0.000000e+00 : f32
      %gt3A_3538 = vector.broadcast %gt3A_3537 : f32 to vector<16xf32>
      %gt3A_3539 = arith.cmpf ogt, %gather3A_3536, %gt3A_3538 : vector<16xf32>
      %jit3A_3540 = arith.constant 134217728 : i32
      %jit3A_3541 = arith.constant 0 : i32
      %broadcast_in_dim3A_3542 = vector.broadcast %jit3A_3540 : i32 to vector<16xi32>
      %broadcast_in_dim3A_3543 = vector.broadcast %jit3A_3541 : i32 to vector<16xi32>
      %select_n3A_3544 = arith.select %gt3A_3539, %broadcast_in_dim3A_3542, %broadcast_in_dim3A_3543 : vector<16xi1>, vector<16xi32>
      %or3A_3545 = arith.ori %or3A_3532, %select_n3A_3544 : vector<16xi32>
      %add3A_3546 = arith.constant 3612 : i32
      %add3A_3547 = vector.broadcast %add3A_3546 : i32 to vector<16xi32>
      %add3A_3548 = arith.addi %mul3A_131, %add3A_3547 : vector<16xi32>
      %gather3A_3549 = tpu.vector_load_idx %arg12[%add3A_3548] : memref<4096xf32, #tpu.memory_space<vmem>>[vector<16xi32>], vector<16xf32>,
      %gt3A_3550 = arith.constant 0.000000e+00 : f32
      %gt3A_3551 = vector.broadcast %gt3A_3550 : f32 to vector<16xf32>
      %gt3A_3552 = arith.cmpf ogt, %gather3A_3549, %gt3A_3551 : vector<16xf32>
      %jit3A_3553 = arith.constant 268435456 : i32
      %jit3A_3554 = arith.constant 0 : i32
      %broadcast_in_dim3A_3555 = vector.broadcast %jit3A_3553 : i32 to vector<16xi32>
      %broadcast_in_dim3A_3556 = vector.broadcast %jit3A_3554 : i32 to vector<16xi32>
      %select_n3A_3557 = arith.select %gt3A_3552, %broadcast_in_dim3A_3555, %broadcast_in_dim3A_3556 : vector<16xi1>, vector<16xi32>
      %or3A_3558 = arith.ori %or3A_3545, %select_n3A_3557 : vector<16xi32>
      %add3A_3559 = arith.constant 3613 : i32
      %add3A_3560 = vector.broadcast %add3A_3559 : i32 to vector<16xi32>
      %add3A_3561 = arith.addi %mul3A_131, %add3A_3560 : vector<16xi32>
      %gather3A_3562 = tpu.vector_load_idx %arg12[%add3A_3561] : memref<4096xf32, #tpu.memory_space<vmem>>[vector<16xi32>], vector<16xf32>,
      %gt3A_3563 = arith.constant 0.000000e+00 : f32
      %gt3A_3564 = vector.broadcast %gt3A_3563 : f32 to vector<16xf32>
      %gt3A_3565 = arith.cmpf ogt, %gather3A_3562, %gt3A_3564 : vector<16xf32>
      %jit3A_3566 = arith.constant 536870912 : i32
      %jit3A_3567 = arith.constant 0 : i32
      %broadcast_in_dim3A_3568 = vector.broadcast %jit3A_3566 : i32 to vector<16xi32>
      %broadcast_in_dim3A_3569 = vector.broadcast %jit3A_3567 : i32 to vector<16xi32>
      %select_n3A_3570 = arith.select %gt3A_3565, %broadcast_in_dim3A_3568, %broadcast_in_dim3A_3569 : vector<16xi1>, vector<16xi32>
      %or3A_3571 = arith.ori %or3A_3558, %select_n3A_3570 : vector<16xi32>
      %add3A_3572 = arith.constant 3614 : i32
      %add3A_3573 = vector.broadcast %add3A_3572 : i32 to vector<16xi32>
      %add3A_3574 = arith.addi %mul3A_131, %add3A_3573 : vector<16xi32>
      %gather3A_3575 = tpu.vector_load_idx %arg12[%add3A_3574] : memref<4096xf32, #tpu.memory_space<vmem>>[vector<16xi32>], vector<16xf32>,
      %gt3A_3576 = arith.constant 0.000000e+00 : f32
      %gt3A_3577 = vector.broadcast %gt3A_3576 : f32 to vector<16xf32>
      %gt3A_3578 = arith.cmpf ogt, %gather3A_3575, %gt3A_3577 : vector<16xf32>
      %jit3A_3579 = arith.constant 1073741824 : i32
      %jit3A_3580 = arith.constant 0 : i32
      %broadcast_in_dim3A_3581 = vector.broadcast %jit3A_3579 : i32 to vector<16xi32>
      %broadcast_in_dim3A_3582 = vector.broadcast %jit3A_3580 : i32 to vector<16xi32>
      %select_n3A_3583 = arith.select %gt3A_3578, %broadcast_in_dim3A_3581, %broadcast_in_dim3A_3582 : vector<16xi1>, vector<16xi32>
      %or3A_3584 = arith.ori %or3A_3571, %select_n3A_3583 : vector<16xi32>
      %add3A_3585 = arith.constant 3615 : i32
      %add3A_3586 = vector.broadcast %add3A_3585 : i32 to vector<16xi32>
      %add3A_3587 = arith.addi %mul3A_131, %add3A_3586 : vector<16xi32>
      %gather3A_3588 = tpu.vector_load_idx %arg12[%add3A_3587] : memref<4096xf32, #tpu.memory_space<vmem>>[vector<16xi32>], vector<16xf32>,
      %gt3A_3589 = arith.constant 0.000000e+00 : f32
      %gt3A_3590 = vector.broadcast %gt3A_3589 : f32 to vector<16xf32>
      %gt3A_3591 = arith.cmpf ogt, %gather3A_3588, %gt3A_3590 : vector<16xf32>
      %jit3A_3592 = arith.constant -2147483648 : i32
      %jit3A_3593 = arith.constant 0 : i32
      %broadcast_in_dim3A_3594 = vector.broadcast %jit3A_3592 : i32 to vector<16xi32>
      %broadcast_in_dim3A_3595 = vector.broadcast %jit3A_3593 : i32 to vector<16xi32>
      %select_n3A_3596 = arith.select %gt3A_3591, %broadcast_in_dim3A_3594, %broadcast_in_dim3A_3595 : vector<16xi1>, vector<16xi32>
      %or3A_3597 = arith.ori %or3A_3584, %select_n3A_3596 : vector<16xi32>
      %swap3A_3598 = arith.constant 112 : index
      %swap3A_3599 = tpu.vector_load %arg13[%swap3A_3598] {strides = array<i32>} : memref<128xi32, #tpu.memory_space<vmem>>, vector<16xi32>,
      tpu.vector_store %arg13[%swap3A_3598], %or3A_3597 {strides = array<i32>} : memref<128xi32, #tpu.memory_space<vmem>>, vector<16xi32>,
      %mul3A_3600 = arith.constant 1024 : i32
      %mul3A_3601 = arith.muli %arg1, %mul3A_3600 : i32
      %mul3A_3602 = arith.constant 128 : i32
      %mul3A_3603 = arith.muli %scan3A_237, %mul3A_3602 : i32
      %add3A_3604 = arith.addi %mul3A_3601, %mul3A_3603 : i32
      "tpu.region"() ({
        %run_scoped3A = tpu.sem_alloc : memref<!tpu.dma_semaphore, #tpu.memory_space<semaphore_mem>>
        %dma_start3A = tpu.memref_slice %arg20[%add3A_3604] : memref<16384xi32, #tpu.memory_space<vmem_shared>> -> memref<128xi32, #tpu.memory_space<vmem_shared>>
        %dma_start3A_3606 = tpu.memref_slice %arg20[%add3A_3604] : memref<16384xi32, #tpu.memory_space<vmem_shared>> -> memref<128xi32, #tpu.memory_space<vmem_shared>>
        tpu.enqueue_dma source(%arg13 : memref<128xi32, #tpu.memory_space<vmem>>) target(%dma_start3A_3606 : memref<128xi32, #tpu.memory_space<vmem_shared>>) target_semaphore(%run_scoped3A : memref<!tpu.dma_semaphore, #tpu.memory_space<semaphore_mem>>)
        %dma_wait3A = tpu.memref_slice %arg20[%add3A_3604] : memref<16384xi32, #tpu.memory_space<vmem_shared>> -> memref<128xi32, #tpu.memory_space<vmem_shared>>
        %dma_wait3A_3607 = tpu.memref_slice %arg20[%add3A_3604] : memref<16384xi32, #tpu.memory_space<vmem_shared>> -> memref<128xi32, #tpu.memory_space<vmem_shared>>
        tpu.wait_dma2 semaphore(%run_scoped3A : memref<!tpu.dma_semaphore, #tpu.memory_space<semaphore_mem>>) src(%arg13 : memref<128xi32, #tpu.memory_space<vmem>>) dst(%dma_wait3A_3607 : memref<128xi32, #tpu.memory_space<vmem_shared>>)
        tpu.yield
      }) : () -> ()
      %scan3A_3605 = arith.constant 0 : i32
      scf.yield %scan3A_3605 : i32
    }
    %scan3A_138 = arith.constant 8 : i32
    %barrier3A_139 = arith.constant 0 : index
    tpu.barrier barrier_id(%barrier3A_139)
    "tpu.region"() ({
      %run_scoped3A = tpu.sem_alloc : memref<!tpu.dma_semaphore, #tpu.memory_space<semaphore_mem>>
      tpu.enqueue_dma source(%arg20 : memref<16384xi32, #tpu.memory_space<vmem_shared>>) target(%arg14 : memref<16384xi32, #tpu.memory_space<vmem>>) target_semaphore(%run_scoped3A : memref<!tpu.dma_semaphore, #tpu.memory_space<semaphore_mem>>)
      tpu.wait_dma2 semaphore(%run_scoped3A : memref<!tpu.dma_semaphore, #tpu.memory_space<semaphore_mem>>) src(%arg20 : memref<16384xi32, #tpu.memory_space<vmem_shared>>) dst(%arg14 : memref<16384xi32, #tpu.memory_space<vmem>>)
      tpu.yield
    }) : () -> ()
    %jit3A = arith.constant 8 : i32
    %div3A = arith.divsi %arg1, %jit3A : i32
    %sign3A = arith.constant 0 : i32
    %sign3A_140 = arith.cmpi sgt, %arg1, %sign3A : i32
    %sign3A_141 = arith.extui %sign3A_140 : i1 to i32
    %sign3A_142 = arith.constant 0 : i32
    %sign3A_143 = arith.cmpi slt, %arg1, %sign3A_142 : i32
    %sign3A_144 = arith.extui %sign3A_143 : i1 to i32
    %sign3A_145 = arith.subi %sign3A_141, %sign3A_144 : i32
    %sign3A_146 = arith.constant 0 : i32
    %sign3A_147 = arith.cmpi sgt, %jit3A, %sign3A_146 : i32
    %sign3A_148 = arith.extui %sign3A_147 : i1 to i32
    %sign3A_149 = arith.constant 0 : i32
    %sign3A_150 = arith.cmpi slt, %jit3A, %sign3A_149 : i32
    %sign3A_151 = arith.extui %sign3A_150 : i1 to i32
    %sign3A_152 = arith.subi %sign3A_148, %sign3A_151 : i32
    %ne3A = arith.cmpi ne, %sign3A_145, %sign3A_152 : i32
    %rem3A = arith.remsi %arg1, %jit3A : i32
    %ne3A_153 = arith.constant 0 : i32
    %ne3A_154 = arith.cmpi ne, %rem3A, %ne3A_153 : i32
    %and3A = arith.andi %ne3A, %ne3A_154 : i1
    %sub3A = arith.constant 1 : i32
    %sub3A_155 = arith.subi %div3A, %sub3A : i32
    %select_n3A = arith.select %and3A, %sub3A_155, %div3A : i32
    %mul3A_156 = arith.constant 2 : i32
    %mul3A_157 = arith.muli %arg0, %mul3A_156 : i32
    %add3A_158 = arith.addi %mul3A_157, %select_n3A : i32
    %jit3A_159 = arith.constant 8 : i32
    %eq3A = arith.constant 0 : i32
    %eq3A_160 = arith.cmpi eq, %jit3A_159, %eq3A : i32
    %jit3A_161 = arith.constant 1 : i32
    %select_n3A_162 = arith.select %eq3A_160, %jit3A_161, %jit3A_159 : i32
    %rem3A_163 = arith.remsi %arg1, %select_n3A_162 : i32
    %ne3A_164 = arith.constant 0 : i32
    %ne3A_165 = arith.cmpi ne, %rem3A_163, %ne3A_164 : i32
    %lt3A = arith.constant 0 : i32
    %lt3A_166 = arith.cmpi slt, %rem3A_163, %lt3A : i32
    %lt3A_167 = arith.constant 0 : i32
    %lt3A_168 = arith.cmpi slt, %select_n3A_162, %lt3A_167 : i32
    %ne3A_169 = arith.xori %lt3A_166, %lt3A_168 : i1
    %and3A_170 = arith.andi %ne3A_169, %ne3A_165 : i1
    %add3A_171 = arith.addi %rem3A_163, %select_n3A_162 : i32
    %select_n3A_172 = arith.select %and3A_170, %add3A_171, %rem3A_163 : i32
    %mul3A_173 = arith.constant 192 : i32
    %mul3A_174 = arith.muli %add3A_158, %mul3A_173 : i32
    %add3A_175 = arith.constant 48 : i32
    %add3A_176 = arith.addi %mul3A_174, %add3A_175 : i32
    %get3A_177 = arith.index_cast %add3A_176 : i32 to index
    %get3A_178 = tpu.vector_load %arg11[%get3A_177] {strides = array<i32>} : memref<768xf32, #tpu.memory_space<vmem>>, vector<16xf32>,
    %add3A_179 = arith.constant 64 : i32
    %add3A_180 = arith.addi %mul3A_174, %add3A_179 : i32
    %get3A_181 = arith.index_cast %add3A_180 : i32 to index
    %get3A_182 = tpu.vector_load %arg11[%get3A_181] {strides = array<i32>} : memref<768xf32, #tpu.memory_space<vmem>>, vector<16xf32>,
    %add3A_183 = arith.constant 80 : i32
    %add3A_184 = arith.addi %mul3A_174, %add3A_183 : i32
    %get3A_185 = arith.index_cast %add3A_184 : i32 to index
    %get3A_186 = tpu.vector_load %arg11[%get3A_185] {strides = array<i32>} : memref<768xf32, #tpu.memory_space<vmem>>, vector<16xf32>,
    %add3A_187 = arith.constant 96 : i32
    %add3A_188 = arith.addi %mul3A_174, %add3A_187 : i32
    %get3A_189 = arith.index_cast %add3A_188 : i32 to index
    %get3A_190 = tpu.vector_load %arg11[%get3A_189] {strides = array<i32>} : memref<768xf32, #tpu.memory_space<vmem>>, vector<16xf32>,
    %add3A_191 = arith.constant 112 : i32
    %add3A_192 = arith.addi %mul3A_174, %add3A_191 : i32
    %get3A_193 = arith.index_cast %add3A_192 : i32 to index
    %get3A_194 = tpu.vector_load %arg11[%get3A_193] {strides = array<i32>} : memref<768xf32, #tpu.memory_space<vmem>>, vector<16xf32>,
    %add3A_195 = arith.constant 128 : i32
    %add3A_196 = arith.addi %mul3A_174, %add3A_195 : i32
    %get3A_197 = arith.index_cast %add3A_196 : i32 to index
    %get3A_198 = tpu.vector_load %arg11[%get3A_197] {strides = array<i32>} : memref<768xf32, #tpu.memory_space<vmem>>, vector<16xf32>,
    %add3A_199 = arith.constant 144 : i32
    %add3A_200 = arith.addi %mul3A_174, %add3A_199 : i32
    %get3A_201 = arith.index_cast %add3A_200 : i32 to index
    %get3A_202 = tpu.vector_load %arg11[%get3A_201] {strides = array<i32>} : memref<768xf32, #tpu.memory_space<vmem>>, vector<16xf32>,
    %add3A_203 = arith.constant 160 : i32
    %add3A_204 = arith.addi %mul3A_174, %add3A_203 : i32
    %get3A_205 = arith.index_cast %add3A_204 : i32 to index
    %get3A_206 = tpu.vector_load %arg11[%get3A_205] {strides = array<i32>} : memref<768xf32, #tpu.memory_space<vmem>>, vector<16xf32>,
    %add3A_207 = arith.constant 176 : i32
    %add3A_208 = arith.addi %mul3A_174, %add3A_207 : i32
    %get3A_209 = arith.index_cast %add3A_208 : i32 to index
    %get3A_210 = tpu.vector_load %arg11[%get3A_209] {strides = array<i32>} : memref<768xf32, #tpu.memory_space<vmem>>, vector<16xf32>,
    %convert_element_type3A = arith.fptosi %get3A_178 : vector<16xf32> to vector<16xi32>
    %sub3A_211 = arith.constant 1 : i32
    %sub3A_212 = vector.broadcast %sub3A_211 : i32 to vector<16xi32>
    %sub3A_213 = arith.subi %convert_element_type3A, %sub3A_212 : vector<16xi32>
    %convert_element_type3A_214 = arith.fptosi %get3A_182 : vector<16xf32> to vector<16xi32>
    %sub3A_215 = arith.constant 1 : i32
    %sub3A_216 = vector.broadcast %sub3A_215 : i32 to vector<16xi32>
    %sub3A_217 = arith.subi %convert_element_type3A_214, %sub3A_216 : vector<16xi32>
    %convert_element_type3A_218 = arith.fptosi %get3A_186 : vector<16xf32> to vector<16xi32>
    %sub3A_219 = arith.constant 1 : i32
    %sub3A_220 = vector.broadcast %sub3A_219 : i32 to vector<16xi32>
    %sub3A_221 = arith.subi %convert_element_type3A_218, %sub3A_220 : vector<16xi32>
    %mul3A_222 = arith.constant 262144 : i32
    %mul3A_223 = arith.muli %add3A_158, %mul3A_222 : i32
    %mul3A_224 = arith.constant 262144 : i32
    %mul3A_225 = arith.muli %select_n3A, %mul3A_224 : i32
    %mul3A_226 = arith.constant 32768 : i32
    %mul3A_227 = arith.muli %select_n3A_172, %mul3A_226 : i32
    %broadcast_in_dim3A_228 = arith.constant 0 : i32
    %broadcast_in_dim3A_229 = vector.broadcast %broadcast_in_dim3A_228 : i32 to vector<16xi32>
    %scan3A_230 = arith.constant 0 : i32
    %scan3A_231 = arith.constant 0 : i32
    %scan3A_232 = arith.constant 16 : i32
    %scan3A_233 = arith.addi %scan3A_231, %scan3A_232 : i32
    %scan3A_234 = arith.constant 1 : i32
    %scan3A_235 = scf.for %scan3A_237 = %scan3A_231 to %scan3A_233 step %scan3A_234 iter_args(%scan3A_238 = %scan3A_230) -> (i32)  : i32 {
      %mul3A_239 = arith.constant 2048 : i32
      %mul3A_240 = arith.muli %scan3A_237, %mul3A_239 : i32
      %add3A_241 = arith.addi %mul3A_227, %mul3A_240 : i32
      %mul3A_242 = arith.constant 3 : i32
      %mul3A_243 = arith.muli %add3A_158, %mul3A_242 : i32
      %add3A_244 = arith.constant 0 : i32
      %add3A_245 = arith.addi %mul3A_243, %add3A_244 : i32
      %mul3A_246 = arith.constant 262144 : i32
      %mul3A_247 = arith.muli %add3A_245, %mul3A_246 : i32
      %add3A_248 = arith.addi %mul3A_247, %add3A_241 : i32
      "tpu.region"() ({
        %run_scoped3A = tpu.sem_alloc : memref<!tpu.dma_semaphore, #tpu.memory_space<semaphore_mem>>
        %dma_start3A = tpu.memref_slice %arg2[%add3A_248] : memref<3145728xf32, #tpu.memory_space<hbm>> -> memref<2048xf32, #tpu.memory_space<hbm>>
        %dma_start3A_272 = tpu.memref_slice %arg2[%add3A_248] : memref<3145728xf32, #tpu.memory_space<hbm>> -> memref<2048xf32, #tpu.memory_space<hbm>>
        tpu.enqueue_dma source(%dma_start3A_272 : memref<2048xf32, #tpu.memory_space<hbm>>) target(%arg15 : memref<2048xf32, #tpu.memory_space<vmem>>) target_semaphore(%run_scoped3A : memref<!tpu.dma_semaphore, #tpu.memory_space<semaphore_mem>>)
        %dma_wait3A = tpu.memref_slice %arg2[%add3A_248] : memref<3145728xf32, #tpu.memory_space<hbm>> -> memref<2048xf32, #tpu.memory_space<hbm>>
        %dma_wait3A_273 = tpu.memref_slice %arg2[%add3A_248] : memref<3145728xf32, #tpu.memory_space<hbm>> -> memref<2048xf32, #tpu.memory_space<hbm>>
        tpu.wait_dma2 semaphore(%run_scoped3A : memref<!tpu.dma_semaphore, #tpu.memory_space<semaphore_mem>>) src(%dma_wait3A_273 : memref<2048xf32, #tpu.memory_space<hbm>>) dst(%arg15 : memref<2048xf32, #tpu.memory_space<vmem>>)
        tpu.yield
      }) : () -> ()
      %mul3A_249 = arith.constant 3 : i32
      %mul3A_250 = arith.muli %add3A_158, %mul3A_249 : i32
      %add3A_251 = arith.constant 1 : i32
      %add3A_252 = arith.addi %mul3A_250, %add3A_251 : i32
      %mul3A_253 = arith.constant 262144 : i32
      %mul3A_254 = arith.muli %add3A_252, %mul3A_253 : i32
      %add3A_255 = arith.addi %mul3A_254, %add3A_241 : i32
      "tpu.region"() ({
        %run_scoped3A = tpu.sem_alloc : memref<!tpu.dma_semaphore, #tpu.memory_space<semaphore_mem>>
        %dma_start3A = tpu.memref_slice %arg2[%add3A_255] : memref<3145728xf32, #tpu.memory_space<hbm>> -> memref<2048xf32, #tpu.memory_space<hbm>>
        %dma_start3A_272 = tpu.memref_slice %arg2[%add3A_255] : memref<3145728xf32, #tpu.memory_space<hbm>> -> memref<2048xf32, #tpu.memory_space<hbm>>
        tpu.enqueue_dma source(%dma_start3A_272 : memref<2048xf32, #tpu.memory_space<hbm>>) target(%arg16 : memref<2048xf32, #tpu.memory_space<vmem>>) target_semaphore(%run_scoped3A : memref<!tpu.dma_semaphore, #tpu.memory_space<semaphore_mem>>)
        %dma_wait3A = tpu.memref_slice %arg2[%add3A_255] : memref<3145728xf32, #tpu.memory_space<hbm>> -> memref<2048xf32, #tpu.memory_space<hbm>>
        %dma_wait3A_273 = tpu.memref_slice %arg2[%add3A_255] : memref<3145728xf32, #tpu.memory_space<hbm>> -> memref<2048xf32, #tpu.memory_space<hbm>>
        tpu.wait_dma2 semaphore(%run_scoped3A : memref<!tpu.dma_semaphore, #tpu.memory_space<semaphore_mem>>) src(%dma_wait3A_273 : memref<2048xf32, #tpu.memory_space<hbm>>) dst(%arg16 : memref<2048xf32, #tpu.memory_space<vmem>>)
        tpu.yield
      }) : () -> ()
      %mul3A_256 = arith.constant 3 : i32
      %mul3A_257 = arith.muli %add3A_158, %mul3A_256 : i32
      %add3A_258 = arith.constant 2 : i32
      %add3A_259 = arith.addi %mul3A_257, %add3A_258 : i32
      %mul3A_260 = arith.constant 262144 : i32
      %mul3A_261 = arith.muli %add3A_259, %mul3A_260 : i32
      %add3A_262 = arith.addi %mul3A_261, %add3A_241 : i32
      "tpu.region"() ({
        %run_scoped3A = tpu.sem_alloc : memref<!tpu.dma_semaphore, #tpu.memory_space<semaphore_mem>>
        %dma_start3A = tpu.memref_slice %arg2[%add3A_262] : memref<3145728xf32, #tpu.memory_space<hbm>> -> memref<2048xf32, #tpu.memory_space<hbm>>
        %dma_start3A_272 = tpu.memref_slice %arg2[%add3A_262] : memref<3145728xf32, #tpu.memory_space<hbm>> -> memref<2048xf32, #tpu.memory_space<hbm>>
        tpu.enqueue_dma source(%dma_start3A_272 : memref<2048xf32, #tpu.memory_space<hbm>>) target(%arg17 : memref<2048xf32, #tpu.memory_space<vmem>>) target_semaphore(%run_scoped3A : memref<!tpu.dma_semaphore, #tpu.memory_space<semaphore_mem>>)
        %dma_wait3A = tpu.memref_slice %arg2[%add3A_262] : memref<3145728xf32, #tpu.memory_space<hbm>> -> memref<2048xf32, #tpu.memory_space<hbm>>
        %dma_wait3A_273 = tpu.memref_slice %arg2[%add3A_262] : memref<3145728xf32, #tpu.memory_space<hbm>> -> memref<2048xf32, #tpu.memory_space<hbm>>
        tpu.wait_dma2 semaphore(%run_scoped3A : memref<!tpu.dma_semaphore, #tpu.memory_space<semaphore_mem>>) src(%dma_wait3A_273 : memref<2048xf32, #tpu.memory_space<hbm>>) dst(%arg17 : memref<2048xf32, #tpu.memory_space<vmem>>)
        tpu.yield
      }) : () -> ()
      %scan3A_263 = arith.constant 0 : i32
      %scan3A_264 = arith.constant 0 : i32
      %scan3A_265 = arith.constant 128 : i32
      %scan3A_266 = arith.addi %scan3A_264, %scan3A_265 : i32
      %scan3A_267 = arith.constant 1 : i32
      %scan3A_268 = scf.for %scan3A_272 = %scan3A_264 to %scan3A_266 step %scan3A_267 iter_args(%scan3A_273 = %scan3A_263) -> (i32)  : i32 {
        %mul3A_274 = arith.constant 16 : i32
        %mul3A_275 = arith.muli %scan3A_272, %mul3A_274 : i32
        %get3A_276 = arith.index_cast %mul3A_275 : i32 to index
        %get3A_277 = tpu.vector_load %arg15[%get3A_276] {strides = array<i32>} : memref<2048xf32, #tpu.memory_space<vmem>>, vector<16xf32>,
        %sub3A_278 = arith.subf %get3A_277, %get3A_190 : vector<16xf32>
        %mul3A_279 = arith.mulf %sub3A_278, %get3A_202 : vector<16xf32>
        %get3A_280 = arith.index_cast %mul3A_275 : i32 to index
        %get3A_281 = tpu.vector_load %arg16[%get3A_280] {strides = array<i32>} : memref<2048xf32, #tpu.memory_space<vmem>>, vector<16xf32>,
        %sub3A_282 = arith.subf %get3A_281, %get3A_194 : vector<16xf32>
        %mul3A_283 = arith.mulf %sub3A_282, %get3A_206 : vector<16xf32>
        %get3A_284 = arith.index_cast %mul3A_275 : i32 to index
        %get3A_285 = tpu.vector_load %arg17[%get3A_284] {strides = array<i32>} : memref<2048xf32, #tpu.memory_space<vmem>>, vector<16xf32>,
        %sub3A_286 = arith.subf %get3A_285, %get3A_198 : vector<16xf32>
        %mul3A_287 = arith.mulf %sub3A_286, %get3A_210 : vector<16xf32>
        %convert_element_type3A_288 = arith.fptosi %mul3A_279 : vector<16xf32> to vector<16xi32>
        %convert_element_type3A_289 = arith.fptosi %mul3A_283 : vector<16xf32> to vector<16xi32>
        %convert_element_type3A_290 = arith.fptosi %mul3A_287 : vector<16xf32> to vector<16xi32>
        %convert_element_type3A_291 = arith.sitofp %convert_element_type3A_288 : vector<16xi32> to vector<16xf32>
        %gt3A = arith.cmpf ogt, %convert_element_type3A_291, %mul3A_279 : vector<16xf32>
        %sub3A_292 = arith.constant 1 : i32
        %sub3A_293 = vector.broadcast %sub3A_292 : i32 to vector<16xi32>
        %sub3A_294 = arith.subi %convert_element_type3A_288, %sub3A_293 : vector<16xi32>
        %select_n3A_295 = arith.select %gt3A, %sub3A_294, %convert_element_type3A_288 : vector<16xi1>, vector<16xi32>
        %convert_element_type3A_296 = arith.sitofp %convert_element_type3A_289 : vector<16xi32> to vector<16xf32>
        %gt3A_297 = arith.cmpf ogt, %convert_element_type3A_296, %mul3A_283 : vector<16xf32>
        %sub3A_298 = arith.constant 1 : i32
        %sub3A_299 = vector.broadcast %sub3A_298 : i32 to vector<16xi32>
        %sub3A_300 = arith.subi %convert_element_type3A_289, %sub3A_299 : vector<16xi32>
        %select_n3A_301 = arith.select %gt3A_297, %sub3A_300, %convert_element_type3A_289 : vector<16xi1>, vector<16xi32>
        %convert_element_type3A_302 = arith.sitofp %convert_element_type3A_290 : vector<16xi32> to vector<16xf32>
        %gt3A_303 = arith.cmpf ogt, %convert_element_type3A_302, %mul3A_287 : vector<16xf32>
        %sub3A_304 = arith.constant 1 : i32
        %sub3A_305 = vector.broadcast %sub3A_304 : i32 to vector<16xi32>
        %sub3A_306 = arith.subi %convert_element_type3A_290, %sub3A_305 : vector<16xi32>
        %select_n3A_307 = arith.select %gt3A_303, %sub3A_306, %convert_element_type3A_290 : vector<16xi1>, vector<16xi32>
        %convert_element_type3A_308 = arith.sitofp %select_n3A_295 : vector<16xi32> to vector<16xf32>
        %sub3A_309 = arith.subf %mul3A_279, %convert_element_type3A_308 : vector<16xf32>
        %convert_element_type3A_310 = arith.sitofp %select_n3A_301 : vector<16xi32> to vector<16xf32>
        %sub3A_311 = arith.subf %mul3A_283, %convert_element_type3A_310 : vector<16xf32>
        %convert_element_type3A_312 = arith.sitofp %select_n3A_307 : vector<16xi32> to vector<16xf32>
        %sub3A_313 = arith.subf %mul3A_287, %convert_element_type3A_312 : vector<16xf32>
        %max3A = arith.maxsi %select_n3A_295, %broadcast_in_dim3A_229 : vector<16xi32>
        %min3A = arith.minsi %max3A, %sub3A_213 : vector<16xi32>
        %add3A_314 = arith.constant 1 : i32
        %add3A_315 = vector.broadcast %add3A_314 : i32 to vector<16xi32>
        %add3A_316 = arith.addi %select_n3A_295, %add3A_315 : vector<16xi32>
        %max3A_317 = arith.maxsi %add3A_316, %broadcast_in_dim3A_229 : vector<16xi32>
        %min3A_318 = arith.minsi %max3A_317, %sub3A_213 : vector<16xi32>
        %max3A_319 = arith.maxsi %select_n3A_301, %broadcast_in_dim3A_229 : vector<16xi32>
        %min3A_320 = arith.minsi %max3A_319, %sub3A_217 : vector<16xi32>
        %add3A_321 = arith.constant 1 : i32
        %add3A_322 = vector.broadcast %add3A_321 : i32 to vector<16xi32>
        %add3A_323 = arith.addi %select_n3A_301, %add3A_322 : vector<16xi32>
        %max3A_324 = arith.maxsi %add3A_323, %broadcast_in_dim3A_229 : vector<16xi32>
        %min3A_325 = arith.minsi %max3A_324, %sub3A_217 : vector<16xi32>
        %max3A_326 = arith.maxsi %select_n3A_307, %broadcast_in_dim3A_229 : vector<16xi32>
        %min3A_327 = arith.minsi %max3A_326, %sub3A_221 : vector<16xi32>
        %add3A_328 = arith.constant 1 : i32
        %add3A_329 = vector.broadcast %add3A_328 : i32 to vector<16xi32>
        %add3A_330 = arith.addi %select_n3A_307, %add3A_329 : vector<16xi32>
        %max3A_331 = arith.maxsi %add3A_330, %broadcast_in_dim3A_229 : vector<16xi32>
        %min3A_332 = arith.minsi %max3A_331, %sub3A_221 : vector<16xi32>
        %shift_left3A = arith.constant 12 : i32
        %shift_left3A_333 = vector.broadcast %shift_left3A : i32 to vector<16xi32>
        %shift_left3A_334 = arith.shli %min3A, %shift_left3A_333 : vector<16xi32>
        %add3A_335 = vector.broadcast %mul3A_225 : i32 to vector<16xi32>
        %add3A_336 = arith.addi %add3A_335, %shift_left3A_334 : vector<16xi32>
        %shift_left3A_337 = arith.constant 6 : i32
        %shift_left3A_338 = vector.broadcast %shift_left3A_337 : i32 to vector<16xi32>
        %shift_left3A_339 = arith.shli %min3A_320, %shift_left3A_338 : vector<16xi32>
        %add3A_340 = arith.addi %add3A_336, %shift_left3A_339 : vector<16xi32>
        %shift_left3A_341 = arith.constant 12 : i32
        %shift_left3A_342 = vector.broadcast %shift_left3A_341 : i32 to vector<16xi32>
        %shift_left3A_343 = arith.shli %min3A, %shift_left3A_342 : vector<16xi32>
        %add3A_344 = vector.broadcast %mul3A_225 : i32 to vector<16xi32>
        %add3A_345 = arith.addi %add3A_344, %shift_left3A_343 : vector<16xi32>
        %shift_left3A_346 = arith.constant 6 : i32
        %shift_left3A_347 = vector.broadcast %shift_left3A_346 : i32 to vector<16xi32>
        %shift_left3A_348 = arith.shli %min3A_325, %shift_left3A_347 : vector<16xi32>
        %add3A_349 = arith.addi %add3A_345, %shift_left3A_348 : vector<16xi32>
        %shift_left3A_350 = arith.constant 12 : i32
        %shift_left3A_351 = vector.broadcast %shift_left3A_350 : i32 to vector<16xi32>
        %shift_left3A_352 = arith.shli %min3A_318, %shift_left3A_351 : vector<16xi32>
        %add3A_353 = vector.broadcast %mul3A_225 : i32 to vector<16xi32>
        %add3A_354 = arith.addi %add3A_353, %shift_left3A_352 : vector<16xi32>
        %shift_left3A_355 = arith.constant 6 : i32
        %shift_left3A_356 = vector.broadcast %shift_left3A_355 : i32 to vector<16xi32>
        %shift_left3A_357 = arith.shli %min3A_320, %shift_left3A_356 : vector<16xi32>
        %add3A_358 = arith.addi %add3A_354, %shift_left3A_357 : vector<16xi32>
        %shift_left3A_359 = arith.constant 12 : i32
        %shift_left3A_360 = vector.broadcast %shift_left3A_359 : i32 to vector<16xi32>
        %shift_left3A_361 = arith.shli %min3A_318, %shift_left3A_360 : vector<16xi32>
        %add3A_362 = vector.broadcast %mul3A_225 : i32 to vector<16xi32>
        %add3A_363 = arith.addi %add3A_362, %shift_left3A_361 : vector<16xi32>
        %shift_left3A_364 = arith.constant 6 : i32
        %shift_left3A_365 = vector.broadcast %shift_left3A_364 : i32 to vector<16xi32>
        %shift_left3A_366 = arith.shli %min3A_325, %shift_left3A_365 : vector<16xi32>
        %add3A_367 = arith.addi %add3A_363, %shift_left3A_366 : vector<16xi32>
        %sub3A_368 = arith.constant 1.000000e+00 : f32
        %sub3A_369 = vector.broadcast %sub3A_368 : f32 to vector<16xf32>
        %sub3A_370 = arith.subf %sub3A_369, %sub3A_309 : vector<16xf32>
        %sub3A_371 = arith.constant 1.000000e+00 : f32
        %sub3A_372 = vector.broadcast %sub3A_371 : f32 to vector<16xf32>
        %sub3A_373 = arith.subf %sub3A_372, %sub3A_311 : vector<16xf32>
        %sub3A_374 = arith.constant 1.000000e+00 : f32
        %sub3A_375 = vector.broadcast %sub3A_374 : f32 to vector<16xf32>
        %sub3A_376 = arith.subf %sub3A_375, %sub3A_313 : vector<16xf32>
        %broadcast_in_dim3A_377 = arith.constant 0.000000e+00 : f32
        %broadcast_in_dim3A_378 = vector.broadcast %broadcast_in_dim3A_377 : f32 to vector<16xf32>
        %mul3A_379 = arith.mulf %sub3A_370, %sub3A_373 : vector<16xf32>
        %mul3A_380 = arith.mulf %sub3A_370, %sub3A_311 : vector<16xf32>
        %mul3A_381 = arith.mulf %sub3A_309, %sub3A_373 : vector<16xf32>
        %mul3A_382 = arith.mulf %sub3A_309, %sub3A_311 : vector<16xf32>
        %add3A_383 = arith.addi %add3A_340, %min3A_327 : vector<16xi32>
        %shift_right_arithmetic3A = arith.constant 5 : i32
        %shift_right_arithmetic3A_384 = vector.broadcast %shift_right_arithmetic3A : i32 to vector<16xi32>
        %shift_right_arithmetic3A_385 = arith.shrsi %add3A_383, %shift_right_arithmetic3A_384 : vector<16xi32>
        %gather3A = tpu.vector_load_idx %arg14[%shift_right_arithmetic3A_385] : memref<16384xi32, #tpu.memory_space<vmem>>[vector<16xi32>], vector<16xi32>,
        %and3A_386 = arith.constant 31 : i32
        %and3A_387 = vector.broadcast %and3A_386 : i32 to vector<16xi32>
        %and3A_388 = arith.andi %add3A_383, %and3A_387 : vector<16xi32>
        %shift_right_arithmetic3A_389 = arith.shrsi %gather3A, %and3A_388 : vector<16xi32>
        %and3A_390 = arith.constant 1 : i32
        %and3A_391 = vector.broadcast %and3A_390 : i32 to vector<16xi32>
        %and3A_392 = arith.andi %shift_right_arithmetic3A_389, %and3A_391 : vector<16xi32>
        %mul3A_393 = arith.mulf %mul3A_379, %sub3A_376 : vector<16xf32>
        %convert_element_type3A_394 = arith.sitofp %and3A_392 : vector<16xi32> to vector<16xf32>
        %mul3A_395 = arith.mulf %mul3A_393, %convert_element_type3A_394 : vector<16xf32>
        %add3A_396 = arith.addf %broadcast_in_dim3A_378, %mul3A_395 : vector<16xf32>
        %add3A_397 = arith.addi %add3A_340, %min3A_332 : vector<16xi32>
        %shift_right_arithmetic3A_398 = arith.constant 5 : i32
        %shift_right_arithmetic3A_399 = vector.broadcast %shift_right_arithmetic3A_398 : i32 to vector<16xi32>
        %shift_right_arithmetic3A_400 = arith.shrsi %add3A_397, %shift_right_arithmetic3A_399 : vector<16xi32>
        %gather3A_401 = tpu.vector_load_idx %arg14[%shift_right_arithmetic3A_400] : memref<16384xi32, #tpu.memory_space<vmem>>[vector<16xi32>], vector<16xi32>,
        %and3A_402 = arith.constant 31 : i32
        %and3A_403 = vector.broadcast %and3A_402 : i32 to vector<16xi32>
        %and3A_404 = arith.andi %add3A_397, %and3A_403 : vector<16xi32>
        %shift_right_arithmetic3A_405 = arith.shrsi %gather3A_401, %and3A_404 : vector<16xi32>
        %and3A_406 = arith.constant 1 : i32
        %and3A_407 = vector.broadcast %and3A_406 : i32 to vector<16xi32>
        %and3A_408 = arith.andi %shift_right_arithmetic3A_405, %and3A_407 : vector<16xi32>
        %mul3A_409 = arith.mulf %mul3A_379, %sub3A_313 : vector<16xf32>
        %convert_element_type3A_410 = arith.sitofp %and3A_408 : vector<16xi32> to vector<16xf32>
        %mul3A_411 = arith.mulf %mul3A_409, %convert_element_type3A_410 : vector<16xf32>
        %add3A_412 = arith.addf %add3A_396, %mul3A_411 : vector<16xf32>
        %add3A_413 = arith.addi %add3A_349, %min3A_327 : vector<16xi32>
        %shift_right_arithmetic3A_414 = arith.constant 5 : i32
        %shift_right_arithmetic3A_415 = vector.broadcast %shift_right_arithmetic3A_414 : i32 to vector<16xi32>
        %shift_right_arithmetic3A_416 = arith.shrsi %add3A_413, %shift_right_arithmetic3A_415 : vector<16xi32>
        %gather3A_417 = tpu.vector_load_idx %arg14[%shift_right_arithmetic3A_416] : memref<16384xi32, #tpu.memory_space<vmem>>[vector<16xi32>], vector<16xi32>,
        %and3A_418 = arith.constant 31 : i32
        %and3A_419 = vector.broadcast %and3A_418 : i32 to vector<16xi32>
        %and3A_420 = arith.andi %add3A_413, %and3A_419 : vector<16xi32>
        %shift_right_arithmetic3A_421 = arith.shrsi %gather3A_417, %and3A_420 : vector<16xi32>
        %and3A_422 = arith.constant 1 : i32
        %and3A_423 = vector.broadcast %and3A_422 : i32 to vector<16xi32>
        %and3A_424 = arith.andi %shift_right_arithmetic3A_421, %and3A_423 : vector<16xi32>
        %mul3A_425 = arith.mulf %mul3A_380, %sub3A_376 : vector<16xf32>
        %convert_element_type3A_426 = arith.sitofp %and3A_424 : vector<16xi32> to vector<16xf32>
        %mul3A_427 = arith.mulf %mul3A_425, %convert_element_type3A_426 : vector<16xf32>
        %add3A_428 = arith.addf %add3A_412, %mul3A_427 : vector<16xf32>
        %add3A_429 = arith.addi %add3A_349, %min3A_332 : vector<16xi32>
        %shift_right_arithmetic3A_430 = arith.constant 5 : i32
        %shift_right_arithmetic3A_431 = vector.broadcast %shift_right_arithmetic3A_430 : i32 to vector<16xi32>
        %shift_right_arithmetic3A_432 = arith.shrsi %add3A_429, %shift_right_arithmetic3A_431 : vector<16xi32>
        %gather3A_433 = tpu.vector_load_idx %arg14[%shift_right_arithmetic3A_432] : memref<16384xi32, #tpu.memory_space<vmem>>[vector<16xi32>], vector<16xi32>,
        %and3A_434 = arith.constant 31 : i32
        %and3A_435 = vector.broadcast %and3A_434 : i32 to vector<16xi32>
        %and3A_436 = arith.andi %add3A_429, %and3A_435 : vector<16xi32>
        %shift_right_arithmetic3A_437 = arith.shrsi %gather3A_433, %and3A_436 : vector<16xi32>
        %and3A_438 = arith.constant 1 : i32
        %and3A_439 = vector.broadcast %and3A_438 : i32 to vector<16xi32>
        %and3A_440 = arith.andi %shift_right_arithmetic3A_437, %and3A_439 : vector<16xi32>
        %mul3A_441 = arith.mulf %mul3A_380, %sub3A_313 : vector<16xf32>
        %convert_element_type3A_442 = arith.sitofp %and3A_440 : vector<16xi32> to vector<16xf32>
        %mul3A_443 = arith.mulf %mul3A_441, %convert_element_type3A_442 : vector<16xf32>
        %add3A_444 = arith.addf %add3A_428, %mul3A_443 : vector<16xf32>
        %add3A_445 = arith.addi %add3A_358, %min3A_327 : vector<16xi32>
        %shift_right_arithmetic3A_446 = arith.constant 5 : i32
        %shift_right_arithmetic3A_447 = vector.broadcast %shift_right_arithmetic3A_446 : i32 to vector<16xi32>
        %shift_right_arithmetic3A_448 = arith.shrsi %add3A_445, %shift_right_arithmetic3A_447 : vector<16xi32>
        %gather3A_449 = tpu.vector_load_idx %arg14[%shift_right_arithmetic3A_448] : memref<16384xi32, #tpu.memory_space<vmem>>[vector<16xi32>], vector<16xi32>,
        %and3A_450 = arith.constant 31 : i32
        %and3A_451 = vector.broadcast %and3A_450 : i32 to vector<16xi32>
        %and3A_452 = arith.andi %add3A_445, %and3A_451 : vector<16xi32>
        %shift_right_arithmetic3A_453 = arith.shrsi %gather3A_449, %and3A_452 : vector<16xi32>
        %and3A_454 = arith.constant 1 : i32
        %and3A_455 = vector.broadcast %and3A_454 : i32 to vector<16xi32>
        %and3A_456 = arith.andi %shift_right_arithmetic3A_453, %and3A_455 : vector<16xi32>
        %mul3A_457 = arith.mulf %mul3A_381, %sub3A_376 : vector<16xf32>
        %convert_element_type3A_458 = arith.sitofp %and3A_456 : vector<16xi32> to vector<16xf32>
        %mul3A_459 = arith.mulf %mul3A_457, %convert_element_type3A_458 : vector<16xf32>
        %add3A_460 = arith.addf %add3A_444, %mul3A_459 : vector<16xf32>
        %add3A_461 = arith.addi %add3A_358, %min3A_332 : vector<16xi32>
        %shift_right_arithmetic3A_462 = arith.constant 5 : i32
        %shift_right_arithmetic3A_463 = vector.broadcast %shift_right_arithmetic3A_462 : i32 to vector<16xi32>
        %shift_right_arithmetic3A_464 = arith.shrsi %add3A_461, %shift_right_arithmetic3A_463 : vector<16xi32>
        %gather3A_465 = tpu.vector_load_idx %arg14[%shift_right_arithmetic3A_464] : memref<16384xi32, #tpu.memory_space<vmem>>[vector<16xi32>], vector<16xi32>,
        %and3A_466 = arith.constant 31 : i32
        %and3A_467 = vector.broadcast %and3A_466 : i32 to vector<16xi32>
        %and3A_468 = arith.andi %add3A_461, %and3A_467 : vector<16xi32>
        %shift_right_arithmetic3A_469 = arith.shrsi %gather3A_465, %and3A_468 : vector<16xi32>
        %and3A_470 = arith.constant 1 : i32
        %and3A_471 = vector.broadcast %and3A_470 : i32 to vector<16xi32>
        %and3A_472 = arith.andi %shift_right_arithmetic3A_469, %and3A_471 : vector<16xi32>
        %mul3A_473 = arith.mulf %mul3A_381, %sub3A_313 : vector<16xf32>
        %convert_element_type3A_474 = arith.sitofp %and3A_472 : vector<16xi32> to vector<16xf32>
        %mul3A_475 = arith.mulf %mul3A_473, %convert_element_type3A_474 : vector<16xf32>
        %add3A_476 = arith.addf %add3A_460, %mul3A_475 : vector<16xf32>
        %add3A_477 = arith.addi %add3A_367, %min3A_327 : vector<16xi32>
        %shift_right_arithmetic3A_478 = arith.constant 5 : i32
        %shift_right_arithmetic3A_479 = vector.broadcast %shift_right_arithmetic3A_478 : i32 to vector<16xi32>
        %shift_right_arithmetic3A_480 = arith.shrsi %add3A_477, %shift_right_arithmetic3A_479 : vector<16xi32>
        %gather3A_481 = tpu.vector_load_idx %arg14[%shift_right_arithmetic3A_480] : memref<16384xi32, #tpu.memory_space<vmem>>[vector<16xi32>], vector<16xi32>,
        %and3A_482 = arith.constant 31 : i32
        %and3A_483 = vector.broadcast %and3A_482 : i32 to vector<16xi32>
        %and3A_484 = arith.andi %add3A_477, %and3A_483 : vector<16xi32>
        %shift_right_arithmetic3A_485 = arith.shrsi %gather3A_481, %and3A_484 : vector<16xi32>
        %and3A_486 = arith.constant 1 : i32
        %and3A_487 = vector.broadcast %and3A_486 : i32 to vector<16xi32>
        %and3A_488 = arith.andi %shift_right_arithmetic3A_485, %and3A_487 : vector<16xi32>
        %mul3A_489 = arith.mulf %mul3A_382, %sub3A_376 : vector<16xf32>
        %convert_element_type3A_490 = arith.sitofp %and3A_488 : vector<16xi32> to vector<16xf32>
        %mul3A_491 = arith.mulf %mul3A_489, %convert_element_type3A_490 : vector<16xf32>
        %add3A_492 = arith.addf %add3A_476, %mul3A_491 : vector<16xf32>
        %add3A_493 = arith.addi %add3A_367, %min3A_332 : vector<16xi32>
        %shift_right_arithmetic3A_494 = arith.constant 5 : i32
        %shift_right_arithmetic3A_495 = vector.broadcast %shift_right_arithmetic3A_494 : i32 to vector<16xi32>
        %shift_right_arithmetic3A_496 = arith.shrsi %add3A_493, %shift_right_arithmetic3A_495 : vector<16xi32>
        %gather3A_497 = tpu.vector_load_idx %arg14[%shift_right_arithmetic3A_496] : memref<16384xi32, #tpu.memory_space<vmem>>[vector<16xi32>], vector<16xi32>,
        %and3A_498 = arith.constant 31 : i32
        %and3A_499 = vector.broadcast %and3A_498 : i32 to vector<16xi32>
        %and3A_500 = arith.andi %add3A_493, %and3A_499 : vector<16xi32>
        %shift_right_arithmetic3A_501 = arith.shrsi %gather3A_497, %and3A_500 : vector<16xi32>
        %and3A_502 = arith.constant 1 : i32
        %and3A_503 = vector.broadcast %and3A_502 : i32 to vector<16xi32>
        %and3A_504 = arith.andi %shift_right_arithmetic3A_501, %and3A_503 : vector<16xi32>
        %mul3A_505 = arith.mulf %mul3A_382, %sub3A_313 : vector<16xf32>
        %convert_element_type3A_506 = arith.sitofp %and3A_504 : vector<16xi32> to vector<16xf32>
        %mul3A_507 = arith.mulf %mul3A_505, %convert_element_type3A_506 : vector<16xf32>
        %add3A_508 = arith.addf %add3A_492, %mul3A_507 : vector<16xf32>
        %gt3A_509 = arith.constant 5.000000e-01 : f32
        %gt3A_510 = vector.broadcast %gt3A_509 : f32 to vector<16xf32>
        %gt3A_511 = arith.cmpf ogt, %add3A_508, %gt3A_510 : vector<16xf32>
        %jit3A_512 = arith.constant 1 : i32
        %jit3A_513 = arith.constant 0 : i32
        %broadcast_in_dim3A_514 = vector.broadcast %jit3A_512 : i32 to vector<16xi32>
        %broadcast_in_dim3A_515 = vector.broadcast %jit3A_513 : i32 to vector<16xi32>
        %select_n3A_516 = arith.select %gt3A_511, %broadcast_in_dim3A_514, %broadcast_in_dim3A_515 : vector<16xi1>, vector<16xi32>
        %swap3A = arith.index_cast %mul3A_275 : i32 to index
        %swap3A_517 = tpu.vector_load %arg18[%swap3A] {strides = array<i32>} : memref<2048xi32, #tpu.memory_space<vmem>>, vector<16xi32>,
        tpu.vector_store %arg18[%swap3A], %select_n3A_516 {strides = array<i32>} : memref<2048xi32, #tpu.memory_space<vmem>>, vector<16xi32>,
        %scan3A_518 = arith.constant 0 : i32
        scf.yield %scan3A_518 : i32
      }
      %scan3A_269 = arith.constant 128 : i32
      %add3A_270 = arith.addi %mul3A_223, %add3A_241 : i32
      "tpu.region"() ({
        %run_scoped3A = tpu.sem_alloc : memref<!tpu.dma_semaphore, #tpu.memory_space<semaphore_mem>>
        %dma_start3A = tpu.memref_slice %arg5[%add3A_270] : memref<1048576xi32, #tpu.memory_space<hbm>> -> memref<2048xi32, #tpu.memory_space<hbm>>
        %dma_start3A_272 = tpu.memref_slice %arg5[%add3A_270] : memref<1048576xi32, #tpu.memory_space<hbm>> -> memref<2048xi32, #tpu.memory_space<hbm>>
        tpu.enqueue_dma source(%arg18 : memref<2048xi32, #tpu.memory_space<vmem>>) target(%dma_start3A_272 : memref<2048xi32, #tpu.memory_space<hbm>>) target_semaphore(%run_scoped3A : memref<!tpu.dma_semaphore, #tpu.memory_space<semaphore_mem>>)
        %dma_wait3A = tpu.memref_slice %arg5[%add3A_270] : memref<1048576xi32, #tpu.memory_space<hbm>> -> memref<2048xi32, #tpu.memory_space<hbm>>
        %dma_wait3A_273 = tpu.memref_slice %arg5[%add3A_270] : memref<1048576xi32, #tpu.memory_space<hbm>> -> memref<2048xi32, #tpu.memory_space<hbm>>
        tpu.wait_dma2 semaphore(%run_scoped3A : memref<!tpu.dma_semaphore, #tpu.memory_space<semaphore_mem>>) src(%arg18 : memref<2048xi32, #tpu.memory_space<vmem>>) dst(%dma_wait3A_273 : memref<2048xi32, #tpu.memory_space<hbm>>)
        tpu.yield
      }) : () -> ()
      %scan3A_271 = arith.constant 0 : i32
      scf.yield %scan3A_271 : i32
    }
    %scan3A_236 = arith.constant 16 : i32
    return
  }
}

module attributes {stable_mosaic.version = 14 : i64} {
  func.func @_mm_body(%arg0: memref<12x2048x128xf32, #tpu.memory_space<vmem>>, %arg1: memref<2x12x128xf32, #tpu.memory_space<vmem>>) attributes {dimension_semantics = [], scalar_prefetch = 0 : i64, scratch_operands = 0 : i64, tpu.core_type = #tpu.core_type<tc>} {
    %get3A = arith.constant 0 : index
    %get3A_0 = arith.constant 0 : index
    %get3A_1 = arith.constant 0 : index
    %get3A_2 = vector.load %arg0[%get3A, %get3A_0, %get3A_1] : memref<12x2048x128xf32, #tpu.memory_space<vmem>>, vector<12x2048x128xf32>
    %reduce_min3A = arith.constant dense<0x7F800000> : vector<12x128xf32>
    %reduce_min3A_3 = vector.multi_reduction <minimumf>, %get3A_2, %reduce_min3A [1] : vector<12x2048x128xf32> to vector<12x128xf32>
    %reduce_max3A = arith.constant dense<0xFF800000> : vector<12x128xf32>
    %reduce_max3A_4 = vector.multi_reduction <maximumf>, %get3A_2, %reduce_max3A [1] : vector<12x2048x128xf32> to vector<12x128xf32>
    %reduce_min3A_5 = arith.constant dense<0x7F800000> : vector<12xf32>
    %reduce_min3A_6 = vector.multi_reduction <minimumf>, %reduce_min3A_3, %reduce_min3A_5 [1] : vector<12x128xf32> to vector<12xf32>
    %broadcast_in_dim3A = vector.shape_cast %reduce_min3A_6 : vector<12xf32> to vector<12x1xf32>
    %broadcast_in_dim3A_7 = vector.shape_cast %broadcast_in_dim3A : vector<12x1xf32> to vector<12x1xf32>
    %broadcast_in_dim3A_8 = vector.broadcast %broadcast_in_dim3A_7 : vector<12x1xf32> to vector<12x128xf32>
    %reduce_max3A_9 = arith.constant dense<0xFF800000> : vector<12xf32>
    %reduce_max3A_10 = vector.multi_reduction <maximumf>, %reduce_max3A_4, %reduce_max3A_9 [1] : vector<12x128xf32> to vector<12xf32>
    %broadcast_in_dim3A_11 = vector.shape_cast %reduce_max3A_10 : vector<12xf32> to vector<12x1xf32>
    %broadcast_in_dim3A_12 = vector.shape_cast %broadcast_in_dim3A_11 : vector<12x1xf32> to vector<12x1xf32>
    %broadcast_in_dim3A_13 = vector.broadcast %broadcast_in_dim3A_12 : vector<12x1xf32> to vector<12x128xf32>
    %swap3A = arith.constant 0 : index
    %swap3A_14 = arith.constant 0 : index
    %swap3A_15 = arith.constant 0 : index
    %swap3A_16 = vector.load %arg1[%swap3A, %swap3A_14, %swap3A_15] : memref<2x12x128xf32, #tpu.memory_space<vmem>>, vector<1x12x128xf32>
    %swap3A_17 = vector.shape_cast %swap3A_16 : vector<1x12x128xf32> to vector<12x128xf32>
    %swap3A_18 = vector.shape_cast %broadcast_in_dim3A_8 : vector<12x128xf32> to vector<1x12x128xf32>
    tpu.vector_store %arg1[%swap3A, %swap3A_14, %swap3A_15], %swap3A_18 {strides = array<i32>} : memref<2x12x128xf32, #tpu.memory_space<vmem>>, vector<1x12x128xf32>,
    %swap3A_19 = arith.constant 1 : index
    %swap3A_20 = arith.constant 0 : index
    %swap3A_21 = arith.constant 0 : index
    %swap3A_22 = vector.load %arg1[%swap3A_19, %swap3A_20, %swap3A_21] : memref<2x12x128xf32, #tpu.memory_space<vmem>>, vector<1x12x128xf32>
    %swap3A_23 = vector.shape_cast %swap3A_22 : vector<1x12x128xf32> to vector<12x128xf32>
    %swap3A_24 = vector.shape_cast %broadcast_in_dim3A_13 : vector<12x128xf32> to vector<1x12x128xf32>
    tpu.vector_store %arg1[%swap3A_19, %swap3A_20, %swap3A_21], %swap3A_24 {strides = array<i32>} : memref<2x12x128xf32, #tpu.memory_space<vmem>>, vector<1x12x128xf32>,
    return
  }
}

</mosaic_0001>

<sc_bundles>
// kernel: kernel.4.cloned.1.call-start
scs
__scs_entry_jumppad:
0x0: {  	(pc) =	sbr.rel $0x88, $3  }
0x1: {  	(tag) =	ssettag $0x0;
	lr =	simm.s32 $0x1  }
0x2: {  	[smem:$0x3F9C] =	sst lr;
	_ =	strace $0xD0000000  }
0x3: {  	_ = 	snop  }
0x4: {  	_ = 	snop  }
0x5: {  	_ = 	snop  }
0x6: {  	_ = 	snop  }
0x7: {  	_ = 	snop  }
__scs_overlays_trampoline_lowered:
0x8: {  	[smem:$0x3FAB] =	sst s0  }
0x9: {  	[smem:$0x3FAC] =	sst s1  }
0xa: {  	[smem:$0x3FAD] =	sst s2  }
0xb: {  	[smem:$0x3FAE] =	sst s3  }
0xc: {  	[smem:$0x3FAF] =	sst s4  }
0xd: {  	[smem:$0x3FB0] =	sst s5  }
0xe: {  	[smem:$0x3FB1] =	sst s6  }
0xf: {  	[smem:$0x3FB2] =	sst s7  }
0x10: {  	[smem:$0x3FB3] =	sst s8  }
0x11: {  	[smem:$0x3FB4] =	sst s9;
	s0 =	simm.s32 @!p0 $0x0  }
0x12: {  	s1 =	sld [smem:$0x3F9A];
	s0 =	simm.s32 @p0 $0x1  }
0x13: {  	[smem:$0x3FB5] =	sst s0;
	s0 =	simm.s32 @!p1 $0x0  }
0x14: {  	s2 =	sld [smem:$0x3F99];
	s0 =	simm.s32 @p1 $0x1  }
0x15: {  	[smem:$0x3FB6] =	sst s0;
	s0 =	simm.s32 @!p2 $0x0  }
0x16: {  	s3 =	sld [smem:$0x3FDB];
	s0 =	simm.s32 @p2 $0x1  }
0x17: {  	s4 =	simm.s32 $0x1BF5;
	[smem:$0x3FB8] =	sst s0  }
0x18: {  	s0 =	sld [smem:$0x3F9B];
	_ =	swait.ge [sflag:s4], $0x0  }
0x19: {  	s7 =	sld [smem:$0x3F9C]  }
0x1a: {  	s8 =	sadd.s32 $0xFFFFE003, lr  }
0x1b: {  	s9 =	sadd.s32 $0xFFFFFEF7, lr;
	s5 =	simm.s32 $0xFFFFFFFF;
	p2 =	slt.u32 s8, $0xFFFFF086  }
0x1c: {  	p1 =	slt.u32 s9, $0xF7A;
	s5 =	simm.s32 @!p2 $0x0  }
0x1d: {  	s5 =	simm.s32 @p1 $0x1;
	p0 =	seq.s32 s7, s2  }
0x1e: {  	s7 =	smul.u32 @!p0 $0xF7A, s2;
	p2 =	seq.s32 @!p0 s5, $0x0  }
0x1f: {  	s9 =	smul.u32 $0xF7A, s1;
	s8 =	simm.s32 @!p0 $0x1BF5;
	p2 =	por !p2, p0  }
0x20: {  	[sflag:s8] =	ssyncset.s32 @!p0 $0xFFFFF086;
	s6 =	sadd.s32 @!p0 s3, s7;
	s7 =	simm.s32 @!p0 $0x108  }
0x21: {  	s3 =	sadd.s32 s3, s9;
	s6 =	sadd.s32 @!p0 $0x88, s6;
	s7 =	simm.s32 @p2 $0x1082  }
0x22: {  	[simem:s7], [sflag:s8] =	dma.local @!p0 [hbm:s6], $0xF7A  }
0x23: {  	s9 =	sor.u32 $0xD0000000, s2;
	s6 =	simm.s32 $0x108;
	_ =	swait.ge @!p0 [sflag:s8], $0x0  }
0x24: {  	s3 =	sadd.s32 $0x88, s3;
	s6 =	simm.s32 @!p1 $0x1082;
	[sflag:s4] =	ssyncset.s32 $0xFFFFF086  }
0x25: {  	[simem:s6], [sflag:s4] =	dma.local [hbm:s3], $0xF7A  }
0x26: {  	[smem:$0x3F9C] =	sst s1;
	(tag) =	ssettag s2;
	_ =	strace s9  }
0x27: {  	s1 =	sld [smem:$0x3FAC]  }
0x28: {  	s2 =	sld [smem:$0x3FAD]  }
0x29: {  	s4 =	sld [smem:$0x3FAF]  }
0x2a: {  	p0 =	seq.s32 s5, $0x0;
	s5 =	sld [smem:$0x3FB0]  }
0x2b: {  	s6 =	sld [smem:$0x3FB1]  }
0x2c: {  	s7 =	sld [smem:$0x3FB2]  }
0x2d: {  	s3 =	simm.s32 $0x108;
	s8 =	sld [smem:$0x3FB3]  }
0x2e: {  	s3 =	simm.s32 @!p0 $0x1082;
	s9 =	sld [smem:$0x3FB4]  }
0x2f: {  	lr =	sadd.s32 s0, s3;
	s0 =	sld [smem:$0x3FAB]  }
0x30: {  	s3 =	sld [smem:$0x3FAE]  }
0x31: {  	[smem:$0x3FB7] =	sst s10  }
0x32: {  	s10 =	sld [smem:$0x3FB5];
	_ =	sdelay $0x3  }
0x33: {  	p0 =	seq.s32 s10, $0x1;
	s10 =	sld [smem:$0x3FB7];
	_ =	sdelay $0x3  }
0x34: {  	[smem:$0x3FB7] =	sst s10  }
0x35: {  	s10 =	sld [smem:$0x3FB6];
	_ =	sdelay $0x3  }
0x36: {  	p1 =	seq.s32 s10, $0x1;
	s10 =	sld [smem:$0x3FB7];
	_ =	sdelay $0x3  }
0x37: {  	[smem:$0x3FB7] =	sst s10  }
0x38: {  	s10 =	sld [smem:$0x3FB8]  }
0x39: {  	_ = 	snop;
	(pc) =	sbr.ind lr, $3  }
0x3a: {  	_ = 	snop  }
0x3b: {  	_ = 	snop  }
0x3c: {  	p2 =	seq.s32 s10, $0x1;
	s10 =	sld [smem:$0x3FB7]  }
0x3d: {  	_ =	shalt  }
0x3e: {  	_ =	shalt  }
0x3f: {  	_ =	shalt  }
0x40: {  	_ =	shalt  }
0x41: {  	_ =	shalt  }
0x42: {  	_ =	shalt  }
0x43: {  	_ =	shalt  }
0x44: {  	_ =	shalt  }
0x45: {  	_ =	shalt  }
0x46: {  	_ =	shalt  }
0x47: {  	_ =	shalt  }
0x48: {  	_ =	shalt  }
0x49: {  	_ =	shalt  }
0x4a: {  	_ =	shalt  }
0x4b: {  	_ =	shalt  }
0x4c: {  	_ =	shalt  }
0x4d: {  	_ =	shalt  }
0x4e: {  	_ =	shalt  }
0x4f: {  	_ =	shalt  }
0x50: {  	_ =	shalt  }
0x51: {  	_ =	shalt  }
0x52: {  	_ =	shalt  }
0x53: {  	_ =	shalt  }
0x54: {  	_ =	shalt  }
0x55: {  	_ =	shalt  }
0x56: {  	_ =	shalt  }
0x57: {  	_ =	shalt  }
0x58: {  	_ =	shalt  }
0x59: {  	_ =	shalt  }
0x5a: {  	_ =	shalt  }
0x5b: {  	_ =	shalt  }
0x5c: {  	_ =	shalt  }
0x5d: {  	_ =	shalt  }
0x5e: {  	_ =	shalt  }
0x5f: {  	_ =	shalt  }
0x60: {  	_ =	shalt  }
0x61: {  	_ =	shalt  }
0x62: {  	_ =	shalt  }
0x63: {  	_ =	shalt  }
0x64: {  	_ =	shalt  }
0x65: {  	_ =	shalt  }
0x66: {  	_ =	shalt  }
0x67: {  	_ =	shalt  }
0x68: {  	_ =	shalt  }
0x69: {  	_ =	shalt  }
0x6a: {  	_ =	shalt  }
0x6b: {  	_ =	shalt  }
0x6c: {  	_ =	shalt  }
0x6d: {  	_ =	shalt  }
0x6e: {  	_ =	shalt  }
0x6f: {  	_ =	shalt  }
0x70: {  	_ =	shalt  }
0x71: {  	_ =	shalt  }
0x72: {  	_ =	shalt  }
0x73: {  	_ =	shalt  }
0x74: {  	_ =	shalt  }
0x75: {  	_ =	shalt  }
0x76: {  	_ =	shalt  }
0x77: {  	_ =	shalt  }
0x78: {  	_ =	shalt  }
0x79: {  	_ =	shalt  }
0x7a: {  	_ =	shalt  }
0x7b: {  	_ =	shalt  }
0x7c: {  	_ =	shalt  }
0x7d: {  	_ =	shalt  }
0x7e: {  	_ =	shalt  }
0x7f: {  	_ =	shalt  }
0x80: {  	_ =	shalt  }
0x81: {  	_ =	shalt  }
0x82: {  	_ =	shalt  }
0x83: {  	_ =	shalt  }
0x84: {  	_ =	shalt  }
0x85: {  	_ =	shalt  }
0x86: {  	_ =	shalt  }
0x87: {  	_ =	shalt  }
.Lfunc_end0:
.L_simem_size_0:
called_computation_lowered:
.L_overlay_start_0:
0x88: {  	s2 =	sld [smem:$0x3FD9]  }
0x89: {  	s3 =	sld [smem:$0x3FFE];
	_ =	sdelay $0x1  }
0x8a: {  	s1 =	srdreg.scid  }
0x8b: {  	s0 =	sand.u32 $0x1, s1  }
0x8c: {  	s14 =	sshll.u32 s0, $0xA;
	s2 =	sadd.s32 s3, s2  }
0x8d: {  	s2 =	sadd.s32 s2, s14  }
0x8e: {  	[smem:$0x3FC3] =	sst s2  }
0x8f: {  	_ = 	snop  }
0x90: {  	s2 =	sld [smem:$0x3FD0];
	_ =	sdelay $0x2  }
0x91: {  	s15 =	simm.s32 $0xA;
	s4 =	simm.s32 $0x10  }
0x92: {  	[smem:s4], [sflag:s15] =	dma.local [hbm:s2], $0x1  }
0x93: {  	_ =	swait.eq [sflag:s15], $0x1  }
0x94: {  	s16 =	sld [smem:$0x10];
	[sflag:s15] =	ssyncset.done $0x0  }
0x95: {  	s17 =	sld [smem:$0x11];
	[sflag:s15] =	ssyncadd.s32 $0xFFFFFFFF  }
0x96: {  	s18 =	sld [smem:$0x12];
	(tm) =	ssettm $0x1  }
0x97: {  	s5 =	sld [smem:$0x3FFB];
	_ =	sdelay $0x3  }
0x98: {  	_ =	strace s5  }
0x99: {  	s5 =	sld [smem:$0x3FFC];
	_ =	sdelay $0x3  }
0x9a: {  	_ =	strace s5  }
0x9b: {  	s5 =	sld [smem:$0x3FFD];
	_ =	sdelay $0x3  }
0x9c: {  	_ =	strace s5  }
0x9d: {  	_ =	strace $0x8FFFFFFF  }
0x9e: {  	s19 =	sld [smem:$0x3FDB];
	_ =	sdelay $0x1  }
0x9f: {  	s6 =	simm.s32 $_scs_section_size  }
0xa0: {  	s7 =	simm.s32 $_size__tile_overlayer_lowered;
	s8 =	simm.s32 $_tile_overlayer_lowered  }
0xa1: {  	s22 =	simm.s32 $0x1BFF;
	s21 =	sshll.u32 s8, $0x1;
	s5 =	sadd.s32 s6, s19  }
0xa2: {  	s9 =	simm.s32 $0x0;
	s20 =	sshll.u32 s7, $0x1;
	s7 =	sadd.s32 s21, s5  }
0xa3: {  	[timem:s9], [sflag:s22] =	dma.local [hbm:s7], s20  }
0xa4: {  	_ =	swait.ge [sflag:s22], s20  }
0xa5: {  	s6 =	ssub.s32 $0x0, s20;
	[sflag:s22] =	ssyncset.done $0x0  }
0xa6: {  	[sflag:s22] =	ssyncadd.s32 s6;
	_ =	sdelay $0x1  }
0xa7: {  	s23 =	simm.s32 $0x1B8B  }
0xa8: {  	_ =	swait.ge [sflag:s23], $0x1  }
0xa9: {  	[sflag:s23] =	ssyncset.done $0x0  }
0xaa: {  	s25 =	simm.s32 $0x1B8E;
	s24 =	sld [smem:$0x3FFE];
	[sflag:s23] =	ssyncadd.s32 $0xFFFFFFFF  }
0xab: {  	s26 =	simm.s32 $execute0_lowered;
	[smem:$0x3FD2] =	sst s25  }
0xac: {  	s7 =	sshll.u32 s26, $0x1;
	_ =	strace $0x80000046;
	[dreg:$0x1] =	wrdreg $0xFFFFFFFF  }
0xad: {  	s28 =	simm.s32 $_size_execute0_lowered;
	s5 =	sadd.s32 s5, s7;
	[dreg:$0x0] =	wrdreg $0x0  }
0xae: {  	s7 =	sshll.u32 s28, $0x1;
	[dreg:$0x2] =	wrdreg s5  }
0xaf: {  	[dreg:$0x3] =	wrdreg s7  }
0xb0: {  	[dreg:$0x4] =	wrdreg $0xC0  }
0xb1: {  	_ =	task [dreg:s9], $0x5FFFF  }
0xb2: {  	[dreg:$0x1] =	wrdreg $0xFFFFFFFF  }
0xb3: {  	[dreg:$0x0] =	wrdreg $0x60  }
0xb4: {  	[dreg:$0x2] =	wrdreg s18  }
0xb5: {  	[dreg:$0x3] =	wrdreg s16  }
0xb6: {  	[dreg:$0x4] =	wrdreg s17  }
0xb7: {  	[dreg:$0x5] =	wrdreg s24  }
0xb8: {  	[dreg:$0x6] =	wrdreg $0xBE000  }
0xb9: {  	[dreg:$0x7] =	wrdreg $0x13E080  }
0xba: {  	[dreg:$0x8] =	wrdreg $0x9  }
0xbb: {  	_ =	task.clear_ibuf [dreg:s9], $0x9FFFF;
	_ =	strace $0x90000046  }
0xbc: {  	s29 =	simm.s32 $0x9;
	_ =	strace $0x80000048  }
0xbd: {  	_ =	swait.ge [sflag:s29], $0x1  }
0xbe: {  	[sflag:s29] =	ssyncadd.s32 $0xFFFFFFFF  }
0xbf: {  	_ =	strace $0x90000048  }
0xc0: {  	_ =	sfence  }
0xc1: {  	s30 =	sld [smem:$0x0];
	_ =	sdelay $0x2  }
0xc2: {  	s31 =	sshll.u32 s1, $0xD;
	s1 =	sshrl.u32 s1, $0x2  }
0xc3: {  	s3 =	sand.u32 $0x4000, s31;
	s1 =	sadd.s32 s1, s30  }
0xc4: {  	s0 =	sor.u32 s3, s0;
	s1 =	sshll.u32 s1, $0x11  }
0xc5: {  	s0 =	sor.u32 s1, s0  }
0xc6: {  	s0 =	sadd.s32 $0x8F2B, s0  }
0xc7: {  	[sflag:s0] =	ssyncadd.remote.s32 $0x1  }
0xc8: {  	_ =	sfence.sel $0xFFFF  }
0xc9: {  	[dreg:$0x0] =	wrdreg $0xFFFFFFFF;
	(pc) =	sbr.abs _section_cstart, $3  }
0xca: {  	[dreg:$0x1] =	wrdreg $0xFFFFFFFF  }
0xcb: {  	_ =	task.clear_ibuf [dreg:s9], $0x2FFFF;
	_ =	strace $0x9FFFFFFF  }
0xcc: {  	(tm) =	ssettm $0x7FFFFFFF  }
0xcd: {  	_ =	shalt  }
tec
execute0_lowered:
.L_overlay_start_1:
0x0: {  	(tag) =	ssettag $0x1  }
0x1: {  	s0 =	rddreg [dreg:$0x0]  }
0x2: {  	s1 =	rddreg [dreg:$0x1]  }
0x3: {  	s3 =	rddreg [dreg:$0x3]  }
0x4: {  	s5 =	rddreg [dreg:$0x4]  }
0x5: {  	s14 =	rddreg [dreg:$0x5]  }
0x6: {  	s2 =	srdreg.scid;
	s13 =	stileid.u32  }
0x7: {  	s7 =	simm.s32 $0x0;
	s29 =	simm.s32 $0xAE00;
	s30 =	simm.s32 $0xB600  }
0x8: {  	s31 =	simm.s32 $0x0;
	s2 =	sand.u32 $0x1, s2;
	s6 =	smul.u32 $0x1880, s13  }
0x9: {  	[smem:$0x7FF] =	sst s7;
	s17 =	sshll.u32 s13, $0xF;
	s24 =	sshrl.u32 s13, $0x3  }
0xa: {  	s25 =	sshll.u32 s13, $0xA;
	s4 =	ssub.s32 $0x2, s2;
	s9 =	smul.u32 $0x31000, s2  }
0xb: {  	_ =	strace $0x80000047;
	s10 =	smul.u32 $0x600, s2;
	s11 =	sshllo.u32 s2, $0x1  }
0xc: {  	s15 =	sadd.s32 s17, s5;
	s8 =	sshrl.u32 s4, $0x1;
	s18 =	smul.u32 $0x18800, s11  }
0xd: {  	s13 =	sadd.s32 $0x1000, s15;
	[dreg:$0x7] =	wrdreg s15;
	s9 =	sadd.s32 s6, s9  }
0xe: {  	s4 =	ssub.s32 s4, s8;
	[dreg:$0x12] =	wrdreg s13;
	s12 =	sshrl.u32 s9, $0x3  }
0xf: {  	s9 =	smul.u32 $0xC0, s11;
	s11 =	sshrl.u32 s10, $0x2;
	s10 =	smax.u32 s4, $0x1  }
0x10: {  	s6 =	sadd.s32 s6, s18;
	s18 =	sadd.s32 $0x5000, s15;
	[dreg:$0x10] =	wrdreg s10  }
0x11: {  	s2 =	sshll.u32 s2, $0x1;
	s16 =	sadd.s32 s1, s12;
	[dreg:$0x16] =	wrdreg s18  }
0x12: {  	s2 =	sor.u32 s24, s2;
	s19 =	sadd.s32 $0xC400, s16;
	[dreg:$0x8] =	wrdreg s16  }
0x13: {  	s13 =	simm.s32 $0x4D80;
	s20 =	sadd.s32 $0x18800, s16;
	[dreg:$0x9] =	wrdreg s19  }
0x14: {  	s4 =	simm.s32 $0x1880;
	s21 =	sor.u32 $0x50, s9;
	[dreg:$0xa] =	wrdreg s20  }
0x15: {  	s6 =	sshrl.u32 s6, $0x3;
	s22 =	sor.u32 $0x60, s9;
	[dreg:$0xb] =	wrdreg s21  }
0x16: {  	s18 =	simm.s32 $0x5E00;
	s23 =	sor.u32 $0x70, s9;
	[dreg:$0xc] =	wrdreg s22  }
0x17: {  	s1 =	sadd.s32 s1, s6;
	s26 =	sadd.s32 $0xF500, s16;
	[dreg:$0xd] =	wrdreg s23  }
0x18: {  	s12 =	sadd.s32 $0x1B900, s16;
	s16 =	sadd.s32 $0x3000, s15;
	[dreg:$0xe] =	wrdreg s1  }
0x19: {  	s6 =	simm.s32 $0x3100;
	[dreg:$0xf] =	wrdreg s26;
	s19 =	sadd.s32 s25, s14  }
0x1a: {  	s20 =	smul.u32 $0xC0, s2;
	s21 =	sshll.u32 s2, $0x12;
	[dreg:$0x11] =	wrdreg s12  }
0x1b: {  	s1 =	sshll.u32 s24, $0x12;
	s14 =	sadd.s32 $0x2000, s15;
	[dreg:$0x14] =	wrdreg s16  }
0x1c: {  	s23 =	sand.u32 $0x38000, s17;
	s17 =	sadd.s32 $0x4000, s15;
	[dreg:$0x13] =	wrdreg s14  }
0x1d: {  	s22 =	smul.u32 $0xC0000, s2;
	s24 =	sadd.s32 $0x6000, s15;
	[dreg:$0x15] =	wrdreg s17  }
0x1e: {  	s25 =	sadd.s32 $0x7000, s15;
	s12 =	simm.s32 $0x1;
	[dreg:$0x17] =	wrdreg s24  }
0x1f: {  	v3 =	vlaneseq.u32;
	s15 =	simm.s32 $0x4980;
	s16 =	simm.s32 $0x4A00;
	[dreg:$0x18] =	wrdreg s25  }
0x20: {  	v1 =	vimm.f32 $0.0e+00;
	v3 =	vmul.u32 $0x20, v3;
	s14 =	simm.s32 $0x80;
	s17 =	simm.s32 $0x5D80;
	s24 =	simm.s32 $0x9E00  }
0x21: {  	v2 =	vimm.f32 $1.000000000e+00;
	v4 =	vimm.s32 $0x0;
	v0 =	vmov s1;
	s25 =	simm.s32 $0xA600;
	s26 =	sadd.s32 $0x40000, s22;
	s28 =	sadd.s32 $0x80000, s22  }
.LBB2_1:
0x22: {  	s1 =	rddreg [dreg:$0x2];
	s2 =	simm.s32 $0x4A80  }
0x23: {  	[tilespmem:s2], [sflag:$0x1] =	stream.linear.gather [hbm4b:s1+s7], $0x300, $0x38;
	[tilespmem:$0x14208] =	vst v63  }
0x24: {  	_ =	swait.ge [sflag:s12], $0x300  }
0x25: {  	[sflag:s12] =	ssyncset.done $0x0  }
0x26: {  	s1 =	simm.s32 $0x40;
	s2 =	simm.s32 $0x0;
	[sflag:s12] =	ssyncadd.s32 $0xFFFFFD00  }
.LBB2_2:
0x27: {  	p0 =	sne.s32 s1, $0x3FC0;
	[tilespmem:s2+$0x4D80] =	vst v1;
	s2 =	smov.u32 s1;
	s1 =	sadd.s32 $0x40, s1  }
.Ltmp0:
0x28: {  	(pc) =	sbr.rel @p0 .LBB2_2-.Ltmp0, $2  }
0x29: {  	_ =	sdelay $0x2  }
0x2a: {  	s2 =	sshra.s32 s2, $0x2  }
0x2b: {  	[tilespmem:s2+$0x4D80] =	vst v1  }
0x2c: {  	[tilespmem:$0x4A00] =	vst v2  }
0x2d: {  	[tilespmem:$0x4A10] =	vst v2  }
0x2e: {  	[tilespmem:$0x4A20] =	vst v2  }
0x2f: {  	[tilespmem:$0x4A30] =	vst v2  }
0x30: {  	[tilespmem:$0x4A40] =	vst v2  }
0x31: {  	[tilespmem:$0x4A50] =	vst v2  }
0x32: {  	[tilespmem:$0x4A60] =	vst v2  }
0x33: {  	s1 =	rddreg [dreg:$0x7];
	[tilespmem:$0x4A70] =	vst v2  }
0x34: {  	[spmem:s1] =	stream.linear.scatter [tilespmem:s13], [sflag:$0x1], $0x1000, $0x38;
	[tilespmem:$0x14208] =	vst v63  }
0x35: {  	_ =	swait.ge [sflag:s12], $0x1000  }
0x36: {  	[sflag:s12] =	ssyncset.done $0x0  }
0x37: {  	s8 =	rddreg [dreg:$0x12];
	[sflag:s12] =	ssyncadd.s32 $0xFFFFF000  }
0x38: {  	[spmem:s8] =	stream.linear.scatter [tilespmem:s13], [sflag:$0x1], $0x1000, $0x38;
	[tilespmem:$0x14208] =	vst v63  }
0x39: {  	_ =	swait.ge [sflag:s12], $0x1000  }
0x3a: {  	[sflag:s12] =	ssyncset.done $0x0  }
0x3b: {  	s10 =	rddreg [dreg:$0x13];
	[sflag:s12] =	ssyncadd.s32 $0xFFFFF000  }
0x3c: {  	[spmem:s10] =	stream.linear.scatter [tilespmem:s13], [sflag:$0x1], $0x1000, $0x38;
	[tilespmem:$0x14208] =	vst v63  }
0x3d: {  	_ =	swait.ge [sflag:s12], $0x1000  }
0x3e: {  	[sflag:s12] =	ssyncset.done $0x0  }
0x3f: {  	s2 =	rddreg [dreg:$0x14];
	[sflag:s12] =	ssyncadd.s32 $0xFFFFF000  }
0x40: {  	[spmem:s2] =	stream.linear.scatter [tilespmem:s13], [sflag:$0x1], $0x1000, $0x38;
	[tilespmem:$0x14208] =	vst v63  }
0x41: {  	_ =	swait.ge [sflag:s12], $0x1000  }
0x42: {  	[sflag:s12] =	ssyncset.done $0x0  }
0x43: {  	s8 =	rddreg [dreg:$0x15];
	[sflag:s12] =	ssyncadd.s32 $0xFFFFF000  }
0x44: {  	[spmem:s8] =	stream.linear.scatter [tilespmem:s13], [sflag:$0x1], $0x1000, $0x38;
	[tilespmem:$0x14208] =	vst v63  }
0x45: {  	_ =	swait.ge [sflag:s12], $0x1000  }
0x46: {  	[sflag:s12] =	ssyncset.done $0x0  }
0x47: {  	s10 =	rddreg [dreg:$0x16];
	[sflag:s12] =	ssyncadd.s32 $0xFFFFF000  }
0x48: {  	[spmem:s10] =	stream.linear.scatter [tilespmem:s13], [sflag:$0x1], $0x1000, $0x38;
	[tilespmem:$0x14208] =	vst v63  }
0x49: {  	_ =	swait.ge [sflag:s12], $0x1000  }
0x4a: {  	[sflag:s12] =	ssyncset.done $0x0  }
0x4b: {  	s2 =	rddreg [dreg:$0x17];
	[sflag:s12] =	ssyncadd.s32 $0xFFFFF000  }
0x4c: {  	[spmem:s2] =	stream.linear.scatter [tilespmem:s13], [sflag:$0x1], $0x1000, $0x38;
	[tilespmem:$0x14208] =	vst v63  }
0x4d: {  	_ =	swait.ge [sflag:s12], $0x1000  }
0x4e: {  	[sflag:s12] =	ssyncset.done $0x0  }
0x4f: {  	s8 =	rddreg [dreg:$0x18];
	[sflag:s12] =	ssyncadd.s32 $0xFFFFF000  }
0x50: {  	[spmem:s8] =	stream.linear.scatter [tilespmem:s13], [sflag:$0x1], $0x1000, $0x38;
	[tilespmem:$0x14208] =	vst v63  }
0x51: {  	_ =	swait.ge [sflag:s12], $0x1000  }
0x52: {  	[sflag:s12] =	ssyncset.done $0x0  }
0x53: {  	[sflag:s12] =	ssyncadd.s32 $0xFFFFF000  }
0x54: {  	[bflag:$0x0] =	sbarrier.arrive $0xFFFF  }
0x55: {  	v5 =	vld [tilespmem:s11+$0x4A80]  }
0x56: {  	v6 =	vld [tilespmem:s11+$0x4A90]  }
0x57: {  	v7 =	vld [tilespmem:s11+$0x4AA0]  }
0x58: {  	v8 =	vld [tilespmem:s11+$0x4AB0]  }
0x59: {  	s1 =	simm.s32 $0x0;
	v9 =	vld [tilespmem:s11+$0x4AC0];
	s10 =	rddreg [dreg:$0x8]  }
0x5a: {  	v10 =	vld [tilespmem:s11+$0x4AD0];
	[tilespmem:s1], [sflag:$0x1] =	stream.linear.gather [hbm4b:s10+s1], $0x1880, $0x38  }
0x5b: {  	_ =	swait.ge [sflag:s12], $0x1880  }
0x5c: {  	[sflag:s12] =	ssyncset.done $0x0  }
0x5d: {  	s8 =	rddreg [dreg:$0x9];
	[sflag:s12] =	ssyncadd.s32 $0xFFFFE780  }
0x5e: {  	[tilespmem:s4], [sflag:$0x1] =	stream.linear.gather [hbm4b:s8+s1], $0x1880, $0x38;
	[tilespmem:$0x14208] =	vst v63  }
0x5f: {  	_ =	swait.ge [sflag:s12], $0x1880  }
0x60: {  	[sflag:s12] =	ssyncset.done $0x0  }
0x61: {  	s10 =	rddreg [dreg:$0xa];
	[sflag:s12] =	ssyncadd.s32 $0xFFFFE780  }
0x62: {  	[tilespmem:s6], [sflag:$0x1] =	stream.linear.gather [hbm4b:s10+s1], $0x1880, $0x38;
	[tilespmem:$0x14208] =	vst v63  }
0x63: {  	_ =	swait.ge [sflag:s12], $0x1880  }
0x64: {  	[sflag:s12] =	ssyncset.done $0x0  }
0x65: {  	[sflag:s12] =	ssyncadd.s32 $0xFFFFE780  }
.LBB2_4:
0x66: {  	s2 =	sshra.s32 s1, $0x2  }
0x67: {  	v11 =	vld [tilespmem:s2+$0x0]  }
0x68: {  	v12 =	vld [tilespmem:s2+$0x1880]  }
0x69: {  	v13 =	vld [tilespmem:s2+$0x3100];
	_ =	sdelay $0x2  }
0x6a: {  	v11 =	vsub.f32 v11, v5  }
0x6b: {  	v12 =	vsub.f32 v12, v6  }
0x6c: {  	v13 =	vsub.f32 v13, v7;
	vm0 =	vge.f32 v11, $0.0e+00  }
0x6d: {  	vm1 =	vge.f32 v12, $0.0e+00;
	vm2 =	vlt.f32 v11, v8;
	v11 =	vtrunc.f32 v11  }
0x6e: {  	v14 =	vtrunc.f32 v12;
	vm7 =	vlt.f32 v12, v9;
	v28 =	vtrunc.f32 v13  }
0x6f: {  	vm0 =	vmand vm0, vm1;
	v11 =	vcvt.f32.s32 v11;
	v27 =	vcvt.f32.s32 v14  }
0x70: {  	vm8 =	vge.f32 v13, $0.0e+00;
	v14 =	vcvt.f32.s32 v28;
	vm0 =	vmand vm0, vm2  }
0x71: {  	vm0 =	vmand vm7, vm0;
	v11 =	vshll.u32 v11, $0xC;
	v12 =	vshll.u32 v27, $0x6  }
0x72: {  	vm9 =	vlt.f32 v13, v10;
	vm0 =	vmand vm8, vm0;
	v11 =	vadd.s32 v11, v12  }
0x73: {  	vm0 =	vmand vm9, vm0;
	v11 =	vadd.s32 v14, v11  }
0x74: {  	v11 =	vnsel vm0, $0x80000, v11  }
0x75: {  	[tilespmem:$0x4980] =	vst v11  }
0x76: {  	v11 =	vld [tilespmem:s2+$0x10]  }
0x77: {  	v29 =	vld [tilespmem:s2+$0x1890]  }
0x78: {  	v30 =	vld [tilespmem:s2+$0x3110];
	_ =	sdelay $0x2  }
0x79: {  	v11 =	vsub.f32 v11, v5  }
0x7a: {  	v12 =	vsub.f32 v29, v6  }
0x7b: {  	v13 =	vsub.f32 v30, v7;
	vm10 =	vge.f32 v11, $0.0e+00  }
0x7c: {  	vm11 =	vge.f32 v12, $0.0e+00;
	vm12 =	vlt.f32 v11, v8;
	v11 =	vtrunc.f32 v11  }
0x7d: {  	v31 =	vtrunc.f32 v12;
	vm13 =	vlt.f32 v12, v9;
	v33 =	vtrunc.f32 v13  }
0x7e: {  	vm0 =	vmand vm10, vm11;
	v11 =	vcvt.f32.s32 v11;
	v32 =	vcvt.f32.s32 v31  }
0x7f: {  	vm14 =	vge.f32 v13, $0.0e+00;
	v14 =	vcvt.f32.s32 v33;
	vm0 =	vmand vm0, vm12  }
0x80: {  	vm0 =	vmand vm13, vm0;
	v11 =	vshll.u32 v11, $0xC;
	v12 =	vshll.u32 v32, $0x6  }
0x81: {  	vm15 =	vlt.f32 v13, v10;
	vm0 =	vmand vm14, vm0;
	v11 =	vadd.s32 v11, v12  }
0x82: {  	vm0 =	vmand vm15, vm0;
	v11 =	vadd.s32 v14, v11  }
0x83: {  	v11 =	vnsel vm0, $0x80000, v11  }
0x84: {  	[tilespmem:$0x4990] =	vst v11  }
0x85: {  	v11 =	vld [tilespmem:s2+$0x20]  }
0x86: {  	v34 =	vld [tilespmem:s2+$0x18A0]  }
0x87: {  	v35 =	vld [tilespmem:s2+$0x3120];
	_ =	sdelay $0x2  }
0x88: {  	v11 =	vsub.f32 v11, v5  }
0x89: {  	v12 =	vsub.f32 v34, v6  }
0x8a: {  	v13 =	vsub.f32 v35, v7;
	vm4 =	vge.f32 v11, $0.0e+00  }
0x8b: {  	vm5 =	vge.f32 v12, $0.0e+00;
	vm6 =	vlt.f32 v11, v8;
	v11 =	vtrunc.f32 v11  }
0x8c: {  	v36 =	vtrunc.f32 v12;
	vm7 =	vlt.f32 v12, v9;
	v38 =	vtrunc.f32 v13  }
0x8d: {  	vm0 =	vmand vm4, vm5;
	v11 =	vcvt.f32.s32 v11;
	v37 =	vcvt.f32.s32 v36  }
0x8e: {  	vm8 =	vge.f32 v13, $0.0e+00;
	v14 =	vcvt.f32.s32 v38;
	vm0 =	vmand vm0, vm6  }
0x8f: {  	vm0 =	vmand vm7, vm0;
	v11 =	vshll.u32 v11, $0xC;
	v12 =	vshll.u32 v37, $0x6  }
0x90: {  	vm9 =	vlt.f32 v13, v10;
	vm0 =	vmand vm8, vm0;
	v11 =	vadd.s32 v11, v12  }
0x91: {  	vm0 =	vmand vm9, vm0;
	v11 =	vadd.s32 v14, v11  }
0x92: {  	v11 =	vnsel vm0, $0x80000, v11  }
0x93: {  	[tilespmem:$0x49A0] =	vst v11  }
0x94: {  	v11 =	vld [tilespmem:s2+$0x30]  }
0x95: {  	v39 =	vld [tilespmem:s2+$0x18B0]  }
0x96: {  	v40 =	vld [tilespmem:s2+$0x3130];
	_ =	sdelay $0x2  }
0x97: {  	v11 =	vsub.f32 v11, v5  }
0x98: {  	v12 =	vsub.f32 v39, v6  }
0x99: {  	v13 =	vsub.f32 v40, v7;
	vm10 =	vge.f32 v11, $0.0e+00  }
0x9a: {  	vm11 =	vge.f32 v12, $0.0e+00;
	vm12 =	vlt.f32 v11, v8;
	v11 =	vtrunc.f32 v11  }
0x9b: {  	v41 =	vtrunc.f32 v12;
	vm13 =	vlt.f32 v12, v9;
	v43 =	vtrunc.f32 v13  }
0x9c: {  	vm0 =	vmand vm10, vm11;
	v11 =	vcvt.f32.s32 v11;
	v42 =	vcvt.f32.s32 v41  }
0x9d: {  	vm14 =	vge.f32 v13, $0.0e+00;
	v14 =	vcvt.f32.s32 v43;
	vm0 =	vmand vm0, vm12  }
0x9e: {  	vm0 =	vmand vm13, vm0;
	v11 =	vshll.u32 v11, $0xC;
	v12 =	vshll.u32 v42, $0x6  }
0x9f: {  	vm15 =	vlt.f32 v13, v10;
	vm0 =	vmand vm14, vm0;
	v11 =	vadd.s32 v11, v12  }
0xa0: {  	vm0 =	vmand vm15, vm0;
	v11 =	vadd.s32 v14, v11  }
0xa1: {  	v11 =	vnsel vm0, $0x80000, v11  }
0xa2: {  	[tilespmem:$0x49B0] =	vst v11  }
0xa3: {  	v11 =	vld [tilespmem:s2+$0x40]  }
0xa4: {  	v44 =	vld [tilespmem:s2+$0x18C0]  }
0xa5: {  	v45 =	vld [tilespmem:s2+$0x3140];
	_ =	sdelay $0x2  }
0xa6: {  	v11 =	vsub.f32 v11, v5  }
0xa7: {  	v12 =	vsub.f32 v44, v6  }
0xa8: {  	v13 =	vsub.f32 v45, v7;
	vm4 =	vge.f32 v11, $0.0e+00  }
0xa9: {  	vm5 =	vge.f32 v12, $0.0e+00;
	vm6 =	vlt.f32 v11, v8;
	v11 =	vtrunc.f32 v11  }
0xaa: {  	v46 =	vtrunc.f32 v12;
	vm7 =	vlt.f32 v12, v9;
	v48 =	vtrunc.f32 v13  }
0xab: {  	vm0 =	vmand vm4, vm5;
	v11 =	vcvt.f32.s32 v11;
	v47 =	vcvt.f32.s32 v46  }
0xac: {  	vm8 =	vge.f32 v13, $0.0e+00;
	v14 =	vcvt.f32.s32 v48;
	vm0 =	vmand vm0, vm6  }
0xad: {  	vm0 =	vmand vm7, vm0;
	v11 =	vshll.u32 v11, $0xC;
	v12 =	vshll.u32 v47, $0x6  }
0xae: {  	vm9 =	vlt.f32 v13, v10;
	vm0 =	vmand vm8, vm0;
	v11 =	vadd.s32 v11, v12  }
0xaf: {  	vm0 =	vmand vm9, vm0;
	v11 =	vadd.s32 v14, v11  }
0xb0: {  	v11 =	vnsel vm0, $0x80000, v11  }
0xb1: {  	[tilespmem:$0x49C0] =	vst v11  }
0xb2: {  	v11 =	vld [tilespmem:s2+$0x50]  }
0xb3: {  	v49 =	vld [tilespmem:s2+$0x18D0]  }
0xb4: {  	v50 =	vld [tilespmem:s2+$0x3150];
	_ =	sdelay $0x2  }
0xb5: {  	v11 =	vsub.f32 v11, v5  }
0xb6: {  	v12 =	vsub.f32 v49, v6  }
0xb7: {  	v13 =	vsub.f32 v50, v7;
	vm10 =	vge.f32 v11, $0.0e+00  }
0xb8: {  	vm11 =	vge.f32 v12, $0.0e+00;
	vm12 =	vlt.f32 v11, v8;
	v11 =	vtrunc.f32 v11  }
0xb9: {  	v51 =	vtrunc.f32 v12;
	vm13 =	vlt.f32 v12, v9;
	v53 =	vtrunc.f32 v13  }
0xba: {  	vm0 =	vmand vm10, vm11;
	v11 =	vcvt.f32.s32 v11;
	v52 =	vcvt.f32.s32 v51  }
0xbb: {  	vm14 =	vge.f32 v13, $0.0e+00;
	v14 =	vcvt.f32.s32 v53;
	vm0 =	vmand vm0, vm12  }
0xbc: {  	vm0 =	vmand vm13, vm0;
	v11 =	vshll.u32 v11, $0xC;
	v12 =	vshll.u32 v52, $0x6  }
0xbd: {  	vm15 =	vlt.f32 v13, v10;
	vm0 =	vmand vm14, vm0;
	v11 =	vadd.s32 v11, v12  }
0xbe: {  	vm0 =	vmand vm15, vm0;
	v11 =	vadd.s32 v14, v11  }
0xbf: {  	v11 =	vnsel vm0, $0x80000, v11  }
0xc0: {  	[tilespmem:$0x49D0] =	vst v11  }
0xc1: {  	v11 =	vld [tilespmem:s2+$0x60]  }
0xc2: {  	v54 =	vld [tilespmem:s2+$0x18E0]  }
0xc3: {  	v55 =	vld [tilespmem:s2+$0x3160];
	_ =	sdelay $0x2  }
0xc4: {  	v11 =	vsub.f32 v11, v5  }
0xc5: {  	v12 =	vsub.f32 v54, v6  }
0xc6: {  	v13 =	vsub.f32 v55, v7;
	vm4 =	vge.f32 v11, $0.0e+00  }
0xc7: {  	vm5 =	vge.f32 v12, $0.0e+00;
	vm6 =	vlt.f32 v11, v8;
	v11 =	vtrunc.f32 v11  }
0xc8: {  	v56 =	vtrunc.f32 v12;
	vm7 =	vlt.f32 v12, v9;
	v58 =	vtrunc.f32 v13  }
0xc9: {  	vm0 =	vmand vm4, vm5;
	v11 =	vcvt.f32.s32 v11;
	v57 =	vcvt.f32.s32 v56  }
0xca: {  	vm8 =	vge.f32 v13, $0.0e+00;
	v14 =	vcvt.f32.s32 v58;
	vm0 =	vmand vm0, vm6  }
0xcb: {  	vm0 =	vmand vm7, vm0;
	v11 =	vshll.u32 v11, $0xC;
	v12 =	vshll.u32 v57, $0x6  }
0xcc: {  	vm9 =	vlt.f32 v13, v10;
	vm0 =	vmand vm8, vm0;
	v11 =	vadd.s32 v11, v12  }
0xcd: {  	vm0 =	vmand vm9, vm0;
	v11 =	vadd.s32 v14, v11  }
0xce: {  	v11 =	vnsel vm0, $0x80000, v11  }
0xcf: {  	[tilespmem:$0x49E0] =	vst v11  }
0xd0: {  	v11 =	vld [tilespmem:s2+$0x70]  }
0xd1: {  	v59 =	vld [tilespmem:s2+$0x18F0]  }
0xd2: {  	v60 =	vld [tilespmem:s2+$0x3170];
	_ =	sdelay $0x2  }
0xd3: {  	v11 =	vsub.f32 v11, v5  }
0xd4: {  	v12 =	vsub.f32 v59, v6  }
0xd5: {  	v13 =	vsub.f32 v60, v7;
	vm10 =	vge.f32 v11, $0.0e+00  }
0xd6: {  	vm11 =	vge.f32 v12, $0.0e+00;
	vm12 =	vlt.f32 v11, v8;
	v11 =	vtrunc.f32 v11  }
0xd7: {  	v61 =	vtrunc.f32 v12;
	vm13 =	vlt.f32 v12, v9;
	v63 =	vtrunc.f32 v13  }
0xd8: {  	vm0 =	vmand vm10, vm11;
	v11 =	vcvt.f32.s32 v11;
	v62 =	vcvt.f32.s32 v61  }
0xd9: {  	vm14 =	vge.f32 v13, $0.0e+00;
	v14 =	vcvt.f32.s32 v63;
	vm0 =	vmand vm0, vm12  }
0xda: {  	vm0 =	vmand vm13, vm0;
	v11 =	vshll.u32 v11, $0xC;
	v12 =	vshll.u32 v62, $0x6  }
0xdb: {  	vm15 =	vlt.f32 v13, v10;
	vm0 =	vmand vm14, vm0;
	v11 =	vadd.s32 v11, v12  }
0xdc: {  	vm0 =	vmand vm15, vm0;
	v11 =	vadd.s32 v14, v11  }
0xdd: {  	p0 =	sne.s32 s1, $0x6000;
	v11 =	vnsel vm0, $0x80000, v11  }
.Ltmp1:
0xde: {  	[tilespmem:$0x49F0] =	vst v11;
	(pc) =	sbr.rel @p0 .LBB2_4-.Ltmp1, $4  }
0xdf: {  	[spmem:s5] =	stream.indirect.scatter.add.f32 [tilespmem:s16], [sflag:$0x1], $0x1, s15, s14, $0xb8;
	[tilespmem:$0x14208] =	vst v63  }
0xe0: {  	_ =	swait.ge [sflag:s12], $0x80  }
0xe1: {  	[sflag:s12] =	ssyncset.done $0x0  }
0xe2: {  	s1 =	sadd.s32 $0x200, s1;
	[sflag:s12] =	ssyncadd.s32 $0xFFFFFF80  }
0xe3: {  	v10 =	vld [tilespmem:s9+$0x4A80]  }
0xe4: {  	s1 =	rddreg [dreg:$0xb];
	v7 =	vld [tilespmem:s9+$0x4AC0]  }
0xe5: {  	s2 =	rddreg [dreg:$0xc];
	v5 =	vld [tilespmem:s9+$0x4AD0]  }
0xe6: {  	s8 =	rddreg [dreg:$0xd];
	v8 =	vld [tilespmem:s1+$0x4A80]  }
0xe7: {  	v9 =	vld [tilespmem:s2+$0x4A80];
	s1 =	simm.s32 $0x0;
	s2 =	rddreg [dreg:$0xe]  }
0xe8: {  	v6 =	vld [tilespmem:s8+$0x4A80];
	[tilespmem:s1], [sflag:$0x1] =	stream.linear.gather [hbm4b:s2+s1], $0x1880, $0x38  }
0xe9: {  	_ =	swait.ge [sflag:s12], $0x1880  }
0xea: {  	[sflag:s12] =	ssyncset.done $0x0  }
0xeb: {  	s10 =	rddreg [dreg:$0xf];
	[sflag:s12] =	ssyncadd.s32 $0xFFFFE780  }
0xec: {  	[tilespmem:s4], [sflag:$0x1] =	stream.linear.gather [hbm4b:s10+s1], $0x1880, $0x38;
	[tilespmem:$0x14208] =	vst v63  }
0xed: {  	_ =	swait.ge [sflag:s12], $0x1880  }
0xee: {  	[sflag:s12] =	ssyncset.done $0x0  }
0xef: {  	s8 =	rddreg [dreg:$0x11];
	[sflag:s12] =	ssyncadd.s32 $0xFFFFE780  }
0xf0: {  	[tilespmem:s6], [sflag:$0x1] =	stream.linear.gather [hbm4b:s8+s1], $0x1880, $0x38;
	[tilespmem:$0x14208] =	vst v63  }
0xf1: {  	_ =	swait.ge [sflag:s12], $0x1880  }
0xf2: {  	[sflag:s12] =	ssyncset.done $0x0  }
0xf3: {  	s10 =	simm.s32 $0x0;
	[sflag:s12] =	ssyncadd.s32 $0xFFFFE780  }
0xf4: {  	v11 =	vld [tilespmem:s10+$0x0]  }
0xf5: {  	v12 =	vld [tilespmem:s10+$0x1880]  }
0xf6: {  	v13 =	vld [tilespmem:s10+$0x3100];
	_ =	sdelay $0x2  }
0xf7: {  	v11 =	vsub.f32 v11, v10  }
0xf8: {  	v12 =	vsub.f32 v12, v8  }
0xf9: {  	v13 =	vsub.f32 v13, v9;
	vm0 =	vge.f32 v11, $0.0e+00  }
0xfa: {  	vm1 =	vlt.f32 v11, v6;
	v11 =	vtrunc.f32 v11;
	vm2 =	vge.f32 v12, $0.0e+00  }
0xfb: {  	v14 =	vtrunc.f32 v12;
	vm10 =	vlt.f32 v12, v7;
	v12 =	vtrunc.f32 v13  }
0xfc: {  	v11 =	vcvt.f32.s32 v11;
	v14 =	vcvt.f32.s32 v14  }
0xfd: {  	vm0 =	vmand vm0, vm2;
	v12 =	vcvt.f32.s32 v12  }
0xfe: {  	vm0 =	vmand vm0, vm1;
	v11 =	vshll.u32 v11, $0xC;
	v14 =	vshll.u32 v14, $0x6  }
0xff: {  	vm11 =	vge.f32 v13, $0.0e+00;
	vm0 =	vmand vm10, vm0;
	v11 =	vadd.s32 v14, v11  }
0x100: {  	vm12 =	vlt.f32 v13, v5;
	vm0 =	vmand vm11, vm0;
	v11 =	vadd.s32 v12, v11  }
0x101: {  	vm0 =	vmand vm12, vm0;
	v11 =	vadd.s32 $0x40000, v11  }
0x102: {  	v11 =	vnsel vm0, $0x80000, v11  }
0x103: {  	[tilespmem:$0x4980] =	vst v11  }
0x104: {  	v11 =	vld [tilespmem:s10+$0x1890]  }
0x105: {  	v12 =	vld [tilespmem:s10+$0x10]  }
0x106: {  	v13 =	vld [tilespmem:s10+$0x3110];
	_ =	sdelay $0x2  }
0x107: {  	v11 =	vsub.f32 v11, v8  }
0x108: {  	v12 =	vsub.f32 v12, v10  }
0x109: {  	v13 =	vsub.f32 v13, v9;
	vm13 =	vge.f32 v11, $0.0e+00;
	v14 =	vtrunc.f32 v11  }
0x10a: {  	v15 =	vtrunc.f32 v12;
	vm14 =	vlt.f32 v11, v7;
	v11 =	vcvt.f32.s32 v14  }
0x10b: {  	vm15 =	vge.f32 v12, $0.0e+00;
	v14 =	vtrunc.f32 v13;
	v15 =	vcvt.f32.s32 v15  }
0x10c: {  	vm3 =	vlt.f32 v12, v6;
	vm0 =	vmand vm15, vm13;
	v14 =	vcvt.f32.s32 v14  }
0x10d: {  	vm0 =	vmand vm0, vm3;
	v11 =	vshll.u32 v11, $0x6;
	v12 =	vshll.u32 v15, $0xC  }
0x10e: {  	vm6 =	vge.f32 v13, $0.0e+00;
	vm0 =	vmand vm14, vm0;
	v11 =	vadd.s32 v11, v12  }
0x10f: {  	vm7 =	vlt.f32 v13, v5;
	vm0 =	vmand vm6, vm0;
	v11 =	vadd.s32 v14, v11  }
0x110: {  	vm0 =	vmand vm7, vm0;
	v11 =	vadd.s32 $0x40000, v11  }
0x111: {  	v11 =	vnsel vm0, $0x80000, v11  }
0x112: {  	[tilespmem:$0x4990] =	vst v11  }
0x113: {  	v11 =	vld [tilespmem:s10+$0x20]  }
0x114: {  	v12 =	vld [tilespmem:s10+$0x18A0]  }
0x115: {  	v13 =	vld [tilespmem:s10+$0x3120];
	_ =	sdelay $0x2  }
0x116: {  	v11 =	vsub.f32 v11, v10  }
0x117: {  	v12 =	vsub.f32 v12, v8  }
0x118: {  	v13 =	vsub.f32 v13, v9;
	vm8 =	vge.f32 v11, $0.0e+00  }
0x119: {  	vm9 =	vlt.f32 v11, v6;
	v11 =	vtrunc.f32 v11;
	vm10 =	vge.f32 v12, $0.0e+00  }
0x11a: {  	v14 =	vtrunc.f32 v12;
	vm11 =	vlt.f32 v12, v7;
	v12 =	vtrunc.f32 v13  }
0x11b: {  	v11 =	vcvt.f32.s32 v11;
	v14 =	vcvt.f32.s32 v14  }
0x11c: {  	vm0 =	vmand vm8, vm10;
	v12 =	vcvt.f32.s32 v12  }
0x11d: {  	vm0 =	vmand vm0, vm9;
	v11 =	vshll.u32 v11, $0xC;
	v14 =	vshll.u32 v14, $0x6  }
0x11e: {  	vm12 =	vge.f32 v13, $0.0e+00;
	vm0 =	vmand vm11, vm0;
	v11 =	vadd.s32 v14, v11  }
0x11f: {  	vm13 =	vlt.f32 v13, v5;
	vm0 =	vmand vm12, vm0;
	v11 =	vadd.s32 v12, v11  }
0x120: {  	vm0 =	vmand vm13, vm0;
	v11 =	vadd.s32 $0x40000, v11  }
0x121: {  	v11 =	vnsel vm0, $0x80000, v11  }
0x122: {  	[tilespmem:$0x49A0] =	vst v11  }
0x123: {  	v11 =	vld [tilespmem:s10+$0x30]  }
0x124: {  	v12 =	vld [tilespmem:s10+$0x18B0]  }
0x125: {  	v13 =	vld [tilespmem:s10+$0x3130];
	_ =	sdelay $0x3  }
0x126: {  	v11 =	vsub.f32 v11, v10  }
0x127: {  	v12 =	vsub.f32 v12, v8;
	v13 =	vsub.f32 v13, v9  }
0x128: {  	vm14 =	vge.f32 v11, $0.0e+00;
	v14 =	vtrunc.f32 v11;
	vm15 =	vlt.f32 v11, v6  }
0x129: {  	vm6 =	vge.f32 v12, $0.0e+00;
	v11 =	vcvt.f32.s32 v14;
	v14 =	vtrunc.f32 v12  }
0x12a: {  	vm7 =	vlt.f32 v12, v7;
	vm0 =	vmand vm14, vm6;
	v12 =	vcvt.f32.s32 v14  }
0x12b: {  	v14 =	vtrunc.f32 v13;
	vm0 =	vmand vm0, vm15  }
0x12c: {  	v11 =	vshll.u32 v11, $0xC;
	v14 =	vcvt.f32.s32 v14;
	v12 =	vshll.u32 v12, $0x6  }
0x12d: {  	vm8 =	vge.f32 v13, $0.0e+00;
	vm0 =	vmand vm7, vm0;
	v11 =	vadd.s32 v12, v11  }
0x12e: {  	vm9 =	vlt.f32 v13, v5;
	vm0 =	vmand vm8, vm0;
	v11 =	vadd.s32 v14, v11  }
0x12f: {  	vm0 =	vmand vm9, vm0;
	v11 =	vadd.s32 $0x40000, v11  }
0x130: {  	v11 =	vnsel vm0, $0x80000, v11  }
0x131: {  	[tilespmem:$0x49B0] =	vst v11  }
0x132: {  	v11 =	vld [tilespmem:s10+$0x40]  }
0x133: {  	v12 =	vld [tilespmem:s10+$0x18C0]  }
0x134: {  	v13 =	vld [tilespmem:s10+$0x3140];
	_ =	sdelay $0x3  }
0x135: {  	v11 =	vsub.f32 v11, v10  }
0x136: {  	v12 =	vsub.f32 v12, v8;
	v13 =	vsub.f32 v13, v9  }
0x137: {  	vm10 =	vge.f32 v11, $0.0e+00;
	v14 =	vtrunc.f32 v11  }
0x138: {  	vm11 =	vge.f32 v12, $0.0e+00;
	v15 =	vtrunc.f32 v12;
	v16 =	vtrunc.f32 v13  }
0x139: {  	vm12 =	vlt.f32 v11, v6;
	v14 =	vcvt.f32.s32 v14;
	v15 =	vcvt.f32.s32 v15  }
0x13a: {  	vm13 =	vlt.f32 v12, v7;
	vm0 =	vmand vm10, vm11;
	v12 =	vcvt.f32.s32 v16  }
0x13b: {  	vm0 =	vmand vm0, vm12;
	v11 =	vshll.u32 v14, $0xC;
	v14 =	vshll.u32 v15, $0x6  }
0x13c: {  	vm14 =	vge.f32 v13, $0.0e+00;
	vm0 =	vmand vm13, vm0;
	v11 =	vadd.s32 v14, v11  }
0x13d: {  	vm15 =	vlt.f32 v13, v5;
	vm0 =	vmand vm14, vm0;
	v11 =	vadd.s32 v12, v11  }
0x13e: {  	vm0 =	vmand vm15, vm0;
	v11 =	vadd.s32 $0x40000, v11  }
0x13f: {  	v11 =	vnsel vm0, $0x80000, v11  }
0x140: {  	[tilespmem:$0x49C0] =	vst v11  }
0x141: {  	v11 =	vld [tilespmem:s10+$0x50]  }
0x142: {  	v12 =	vld [tilespmem:s10+$0x18D0]  }
0x143: {  	v13 =	vld [tilespmem:s10+$0x3150];
	_ =	sdelay $0x2  }
0x144: {  	v11 =	vsub.f32 v11, v10  }
0x145: {  	v12 =	vsub.f32 v12, v8  }
0x146: {  	v13 =	vsub.f32 v13, v9;
	vm4 =	vge.f32 v11, $0.0e+00  }
0x147: {  	vm5 =	vlt.f32 v11, v6;
	v11 =	vtrunc.f32 v11;
	v14 =	vtrunc.f32 v12  }
0x148: {  	vm6 =	vge.f32 v12, $0.0e+00;
	vm7 =	vlt.f32 v12, v7;
	v12 =	vtrunc.f32 v13  }
0x149: {  	v11 =	vcvt.f32.s32 v11;
	v14 =	vcvt.f32.s32 v14  }
0x14a: {  	vm0 =	vmand vm4, vm6;
	v12 =	vcvt.f32.s32 v12  }
0x14b: {  	vm0 =	vmand vm0, vm5;
	v11 =	vshll.u32 v11, $0xC;
	v14 =	vshll.u32 v14, $0x6  }
0x14c: {  	vm8 =	vge.f32 v13, $0.0e+00;
	vm0 =	vmand vm7, vm0;
	v11 =	vadd.s32 v14, v11  }
0x14d: {  	vm9 =	vlt.f32 v13, v5;
	vm0 =	vmand vm8, vm0;
	v11 =	vadd.s32 v12, v11  }
0x14e: {  	vm0 =	vmand vm9, vm0;
	v11 =	vadd.s32 $0x40000, v11  }
0x14f: {  	v11 =	vnsel vm0, $0x80000, v11  }
0x150: {  	[tilespmem:$0x49D0] =	vst v11  }
0x151: {  	v11 =	vld [tilespmem:s10+$0x60]  }
0x152: {  	v12 =	vld [tilespmem:s10+$0x18E0]  }
0x153: {  	v13 =	vld [tilespmem:s10+$0x3160];
	_ =	sdelay $0x3  }
0x154: {  	v11 =	vsub.f32 v11, v10;
	v12 =	vsub.f32 v12, v8  }
0x155: {  	v13 =	vsub.f32 v13, v9  }
0x156: {  	vm10 =	vge.f32 v11, $0.0e+00;
	v14 =	vtrunc.f32 v11;
	vm11 =	vlt.f32 v12, v7  }
0x157: {  	v15 =	vtrunc.f32 v12;
	vm13 =	vge.f32 v12, $0.0e+00;
	v12 =	vtrunc.f32 v13  }
0x158: {  	vm12 =	vlt.f32 v11, v6;
	v14 =	vcvt.f32.s32 v14;
	v11 =	vcvt.f32.s32 v15  }
0x159: {  	vm0 =	vmand vm10, vm13;
	v12 =	vcvt.f32.s32 v12  }
0x15a: {  	vm0 =	vmand vm0, vm12;
	v14 =	vshll.u32 v14, $0xC;
	v11 =	vshll.u32 v11, $0x6  }
0x15b: {  	vm14 =	vge.f32 v13, $0.0e+00;
	vm0 =	vmand vm11, vm0;
	v11 =	vadd.s32 v11, v14  }
0x15c: {  	vm15 =	vlt.f32 v13, v5;
	vm0 =	vmand vm14, vm0;
	v11 =	vadd.s32 v12, v11  }
0x15d: {  	vm0 =	vmand vm15, vm0;
	v11 =	vadd.s32 $0x40000, v11  }
0x15e: {  	v11 =	vnsel vm0, $0x80000, v11  }
0x15f: {  	[tilespmem:$0x49E0] =	vst v11  }
0x160: {  	v11 =	vld [tilespmem:s10+$0x70]  }
0x161: {  	v13 =	vld [tilespmem:s10+$0x18F0]  }
0x162: {  	v12 =	vld [tilespmem:s10+$0x3170];
	_ =	sdelay $0x2  }
0x163: {  	s1 =	simm.s32 $0x200;
	v11 =	vsub.f32 v11, v10  }
.LBB2_6:
0x164: {  	p0 =	sne.s32 s1, $0x6000;
	v13 =	vsub.f32 v13, v8;
	s2 =	smov.u32 s1;
	s1 =	sadd.s32 $0x200, s1  }
0x165: {  	v12 =	vsub.f32 v12, v9;
	vm0 =	vge.f32 v11, $0.0e+00;
	v14 =	vtrunc.f32 v11  }
0x166: {  	vm1 =	vge.f32 v13, $0.0e+00;
	v14 =	vcvt.f32.s32 v14;
	v15 =	vtrunc.f32 v13  }
0x167: {  	vm0 =	vmand vm0, vm1;
	v15 =	vcvt.f32.s32 v15;
	v16 =	vtrunc.f32 v12  }
0x168: {  	vm1 =	vlt.f32 v13, v7;
	v13 =	vshll.u32 v14, $0xC  }
0x169: {  	vm2 =	vlt.f32 v11, v6;
	v11 =	vcvt.f32.s32 v16;
	v14 =	vshll.u32 v15, $0x6  }
0x16a: {  	vm0 =	vmand vm0, vm2;
	v13 =	vadd.s32 v14, v13  }
0x16b: {  	vm0 =	vmand vm1, vm0;
	vm1 =	vge.f32 v12, $0.0e+00;
	v11 =	vadd.s32 v11, v13  }
0x16c: {  	vm0 =	vmand vm1, vm0;
	vm1 =	vlt.f32 v12, v5;
	v11 =	vadd.s32 $0x40000, v11  }
0x16d: {  	vm0 =	vmand vm1, vm0  }
0x16e: {  	v11 =	vnsel vm0, $0x80000, v11  }
0x16f: {  	[tilespmem:$0x49F0] =	vst v11  }
0x170: {  	[spmem:s5] =	stream.indirect.scatter.add.f32 [tilespmem:s16], [sflag:$0x1], $0x1, s15, s14, $0xb8;
	[tilespmem:$0x14208] =	vst v63  }
0x171: {  	_ =	swait.ge [sflag:s12], $0x80  }
0x172: {  	s2 =	sshra.s32 s2, $0x2;
	[sflag:s12] =	ssyncset.done $0x0  }
0x173: {  	[sflag:s12] =	ssyncadd.s32 $0xFFFFFF80  }
0x174: {  	v11 =	vld [tilespmem:s2+$0x0]  }
0x175: {  	v12 =	vld [tilespmem:s2+$0x1880];
	_ =	sdelay $0x1  }
0x176: {  	v13 =	vld [tilespmem:s2+$0x3100];
	_ =	sdelay $0x1  }
0x177: {  	v11 =	vsub.f32 v11, v10  }
0x178: {  	v12 =	vsub.f32 v12, v8  }
0x179: {  	vm0 =	vge.f32 v11, $0.0e+00;
	vm1 =	vlt.f32 v11, v6;
	v11 =	vtrunc.f32 v11  }
0x17a: {  	vm2 =	vge.f32 v12, $0.0e+00;
	v11 =	vcvt.f32.s32 v11;
	v14 =	vtrunc.f32 v12  }
0x17b: {  	v13 =	vsub.f32 v13, v9;
	vm0 =	vmand vm0, vm2;
	v14 =	vcvt.f32.s32 v14  }
0x17c: {  	vm0 =	vmand vm0, vm1;
	vm1 =	vlt.f32 v12, v7  }
0x17d: {  	v11 =	vshll.u32 v11, $0xC;
	vm0 =	vmand vm1, vm0;
	v12 =	vshll.u32 v14, $0x6  }
0x17e: {  	vm1 =	vge.f32 v13, $0.0e+00;
	v14 =	vtrunc.f32 v13;
	v11 =	vadd.s32 v12, v11  }
0x17f: {  	vm0 =	vmand vm1, vm0;
	v12 =	vcvt.f32.s32 v14;
	_ =	sdelay $0x1  }
0x180: {  	vm1 =	vlt.f32 v13, v5;
	v11 =	vadd.s32 v12, v11  }
0x181: {  	vm0 =	vmand vm1, vm0;
	v11 =	vadd.s32 $0x40000, v11  }
0x182: {  	v11 =	vnsel vm0, $0x80000, v11  }
0x183: {  	[tilespmem:$0x4980] =	vst v11  }
0x184: {  	v11 =	vld [tilespmem:s2+$0x1890]  }
0x185: {  	v12 =	vld [tilespmem:s2+$0x10]  }
0x186: {  	v13 =	vld [tilespmem:s2+$0x3110];
	_ =	sdelay $0x3  }
0x187: {  	v11 =	vsub.f32 v11, v8;
	v12 =	vsub.f32 v12, v10  }
0x188: {  	v13 =	vsub.f32 v13, v9  }
0x189: {  	vm0 =	vge.f32 v11, $0.0e+00;
	v15 =	vtrunc.f32 v11;
	v14 =	vtrunc.f32 v12  }
0x18a: {  	vm1 =	vlt.f32 v11, v7;
	v11 =	vcvt.f32.s32 v15;
	v15 =	vtrunc.f32 v13  }
0x18b: {  	vm2 =	vge.f32 v12, $0.0e+00;
	v14 =	vcvt.f32.s32 v14;
	v15 =	vcvt.f32.s32 v15  }
0x18c: {  	vm3 =	vlt.f32 v12, v6;
	vm0 =	vmand vm2, vm0;
	v11 =	vshll.u32 v11, $0x6  }
0x18d: {  	vm0 =	vmand vm0, vm3;
	v12 =	vshll.u32 v14, $0xC  }
0x18e: {  	vm0 =	vmand vm1, vm0;
	vm1 =	vge.f32 v13, $0.0e+00;
	v11 =	vadd.s32 v11, v12  }
0x18f: {  	vm0 =	vmand vm1, vm0;
	vm1 =	vlt.f32 v13, v5;
	v11 =	vadd.s32 v15, v11  }
0x190: {  	vm0 =	vmand vm1, vm0;
	v11 =	vadd.s32 $0x40000, v11  }
0x191: {  	v11 =	vnsel vm0, $0x80000, v11  }
0x192: {  	[tilespmem:$0x4990] =	vst v11  }
0x193: {  	v11 =	vld [tilespmem:s2+$0x20]  }
0x194: {  	v12 =	vld [tilespmem:s2+$0x18A0]  }
0x195: {  	v13 =	vld [tilespmem:s2+$0x3120];
	_ =	sdelay $0x2  }
0x196: {  	v11 =	vsub.f32 v11, v10  }
0x197: {  	v12 =	vsub.f32 v12, v8  }
0x198: {  	vm0 =	vge.f32 v11, $0.0e+00;
	vm1 =	vlt.f32 v11, v6;
	v11 =	vtrunc.f32 v11  }
0x199: {  	vm2 =	vge.f32 v12, $0.0e+00;
	v11 =	vcvt.f32.s32 v11;
	v14 =	vtrunc.f32 v12  }
0x19a: {  	v13 =	vsub.f32 v13, v9;
	vm0 =	vmand vm0, vm2;
	v14 =	vcvt.f32.s32 v14  }
0x19b: {  	vm0 =	vmand vm0, vm1;
	vm1 =	vlt.f32 v12, v7;
	v11 =	vshll.u32 v11, $0xC  }
0x19c: {  	v12 =	vtrunc.f32 v13;
	vm0 =	vmand vm1, vm0;
	v14 =	vshll.u32 v14, $0x6  }
0x19d: {  	vm1 =	vge.f32 v13, $0.0e+00;
	v12 =	vcvt.f32.s32 v12;
	v11 =	vadd.s32 v14, v11  }
0x19e: {  	vm0 =	vmand vm1, vm0  }
0x19f: {  	vm1 =	vlt.f32 v13, v5;
	v11 =	vadd.s32 v12, v11  }
0x1a0: {  	vm0 =	vmand vm1, vm0;
	v11 =	vadd.s32 $0x40000, v11  }
0x1a1: {  	v11 =	vnsel vm0, $0x80000, v11  }
0x1a2: {  	[tilespmem:$0x49A0] =	vst v11  }
0x1a3: {  	v11 =	vld [tilespmem:s2+$0x30]  }
0x1a4: {  	v12 =	vld [tilespmem:s2+$0x18B0]  }
0x1a5: {  	v13 =	vld [tilespmem:s2+$0x3130];
	_ =	sdelay $0x2  }
0x1a6: {  	v11 =	vsub.f32 v11, v10  }
0x1a7: {  	v12 =	vsub.f32 v12, v8  }
0x1a8: {  	v13 =	vsub.f32 v13, v9;
	vm0 =	vge.f32 v11, $0.0e+00;
	v14 =	vtrunc.f32 v11  }
0x1a9: {  	vm1 =	vlt.f32 v11, v6;
	v11 =	vcvt.f32.s32 v14;
	v14 =	vtrunc.f32 v12  }
0x1aa: {  	vm2 =	vge.f32 v12, $0.0e+00;
	vm3 =	vlt.f32 v12, v7;
	v12 =	vcvt.f32.s32 v14  }
0x1ab: {  	vm0 =	vmand vm0, vm2;
	v14 =	vtrunc.f32 v13;
	v11 =	vshll.u32 v11, $0xC  }
0x1ac: {  	vm0 =	vmand vm0, vm1;
	v14 =	vcvt.f32.s32 v14;
	v12 =	vshll.u32 v12, $0x6  }
0x1ad: {  	vm1 =	vge.f32 v13, $0.0e+00;
	vm0 =	vmand vm3, vm0;
	v11 =	vadd.s32 v12, v11  }
0x1ae: {  	vm0 =	vmand vm1, vm0;
	vm1 =	vlt.f32 v13, v5;
	v11 =	vadd.s32 v14, v11  }
0x1af: {  	vm0 =	vmand vm1, vm0;
	v11 =	vadd.s32 $0x40000, v11  }
0x1b0: {  	v11 =	vnsel vm0, $0x80000, v11  }
0x1b1: {  	[tilespmem:$0x49B0] =	vst v11  }
0x1b2: {  	v11 =	vld [tilespmem:s2+$0x40]  }
0x1b3: {  	v12 =	vld [tilespmem:s2+$0x18C0]  }
0x1b4: {  	v13 =	vld [tilespmem:s2+$0x3140];
	_ =	sdelay $0x2  }
0x1b5: {  	v11 =	vsub.f32 v11, v10  }
0x1b6: {  	v12 =	vsub.f32 v12, v8  }
0x1b7: {  	v13 =	vsub.f32 v13, v9;
	vm0 =	vge.f32 v11, $0.0e+00;
	v14 =	vtrunc.f32 v11  }
0x1b8: {  	vm1 =	vge.f32 v12, $0.0e+00;
	v14 =	vcvt.f32.s32 v14;
	v15 =	vtrunc.f32 v12  }
0x1b9: {  	vm0 =	vmand vm0, vm1;
	v15 =	vcvt.f32.s32 v15;
	v16 =	vtrunc.f32 v13  }
0x1ba: {  	vm2 =	vlt.f32 v12, v7;
	vm1 =	vlt.f32 v11, v6;
	v11 =	vshll.u32 v14, $0xC  }
0x1bb: {  	vm0 =	vmand vm0, vm1;
	v12 =	vcvt.f32.s32 v16;
	v14 =	vshll.u32 v15, $0x6  }
0x1bc: {  	vm1 =	vge.f32 v13, $0.0e+00;
	vm0 =	vmand vm2, vm0;
	v11 =	vadd.s32 v14, v11  }
0x1bd: {  	vm0 =	vmand vm1, vm0;
	vm1 =	vlt.f32 v13, v5;
	v11 =	vadd.s32 v12, v11  }
0x1be: {  	vm0 =	vmand vm1, vm0;
	v11 =	vadd.s32 $0x40000, v11  }
0x1bf: {  	v11 =	vnsel vm0, $0x80000, v11  }
0x1c0: {  	[tilespmem:$0x49C0] =	vst v11  }
0x1c1: {  	v11 =	vld [tilespmem:s2+$0x50]  }
0x1c2: {  	v12 =	vld [tilespmem:s2+$0x18D0]  }
0x1c3: {  	v13 =	vld [tilespmem:s2+$0x3150];
	_ =	sdelay $0x2  }
0x1c4: {  	v11 =	vsub.f32 v11, v10  }
0x1c5: {  	v12 =	vsub.f32 v12, v8  }
0x1c6: {  	vm0 =	vge.f32 v11, $0.0e+00;
	vm1 =	vlt.f32 v11, v6;
	v11 =	vtrunc.f32 v11  }
0x1c7: {  	v13 =	vsub.f32 v13, v9;
	v11 =	vcvt.f32.s32 v11;
	v14 =	vtrunc.f32 v12  }
0x1c8: {  	vm2 =	vge.f32 v12, $0.0e+00;
	v14 =	vcvt.f32.s32 v14  }
0x1c9: {  	vm0 =	vmand vm0, vm2;
	vm2 =	vlt.f32 v12, v7;
	v12 =	vtrunc.f32 v13  }
0x1ca: {  	vm0 =	vmand vm0, vm1;
	v11 =	vshll.u32 v11, $0xC;
	v14 =	vshll.u32 v14, $0x6  }
0x1cb: {  	v12 =	vcvt.f32.s32 v12;
	vm0 =	vmand vm2, vm0;
	v11 =	vadd.s32 v14, v11  }
0x1cc: {  	vm1 =	vge.f32 v13, $0.0e+00  }
0x1cd: {  	vm0 =	vmand vm1, vm0;
	vm1 =	vlt.f32 v13, v5;
	v11 =	vadd.s32 v12, v11  }
0x1ce: {  	vm0 =	vmand vm1, vm0;
	v11 =	vadd.s32 $0x40000, v11  }
0x1cf: {  	v11 =	vnsel vm0, $0x80000, v11  }
0x1d0: {  	[tilespmem:$0x49D0] =	vst v11  }
0x1d1: {  	v11 =	vld [tilespmem:s2+$0x60]  }
0x1d2: {  	v12 =	vld [tilespmem:s2+$0x18E0]  }
0x1d3: {  	v13 =	vld [tilespmem:s2+$0x3160];
	_ =	sdelay $0x2  }
0x1d4: {  	v11 =	vsub.f32 v11, v10  }
0x1d5: {  	v12 =	vsub.f32 v12, v8  }
0x1d6: {  	v13 =	vsub.f32 v13, v9;
	vm0 =	vge.f32 v11, $0.0e+00;
	v14 =	vtrunc.f32 v11  }
0x1d7: {  	vm1 =	vlt.f32 v12, v7;
	v14 =	vcvt.f32.s32 v14;
	v15 =	vtrunc.f32 v12  }
0x1d8: {  	vm2 =	vlt.f32 v11, v6;
	vm3 =	vge.f32 v12, $0.0e+00;
	v11 =	vcvt.f32.s32 v15  }
0x1d9: {  	vm0 =	vmand vm0, vm3;
	v12 =	vtrunc.f32 v13;
	v14 =	vshll.u32 v14, $0xC  }
0x1da: {  	vm0 =	vmand vm0, vm2;
	v12 =	vcvt.f32.s32 v12;
	v11 =	vshll.u32 v11, $0x6  }
0x1db: {  	vm0 =	vmand vm1, vm0;
	vm1 =	vge.f32 v13, $0.0e+00;
	v11 =	vadd.s32 v11, v14  }
0x1dc: {  	vm0 =	vmand vm1, vm0;
	vm1 =	vlt.f32 v13, v5;
	v11 =	vadd.s32 v12, v11  }
0x1dd: {  	vm0 =	vmand vm1, vm0;
	v11 =	vadd.s32 $0x40000, v11  }
0x1de: {  	v11 =	vnsel vm0, $0x80000, v11  }
0x1df: {  	[tilespmem:$0x49E0] =	vst v11  }
0x1e0: {  	v11 =	vld [tilespmem:s2+$0x70]  }
.Ltmp2:
0x1e1: {  	v13 =	vld [tilespmem:s2+$0x18F0];
	(pc) =	sbr.rel @p0 .LBB2_6-.Ltmp2, $2  }
0x1e2: {  	v12 =	vld [tilespmem:s2+$0x3170];
	_ =	sdelay $0x2  }
0x1e3: {  	v11 =	vsub.f32 v11, v10  }
0x1e4: {  	v8 =	vsub.f32 v13, v8  }
0x1e5: {  	v9 =	vsub.f32 v12, v9;
	vm0 =	vge.f32 v11, $0.0e+00;
	v10 =	vtrunc.f32 v11  }
0x1e6: {  	vm2 =	vlt.f32 v11, v6;
	v10 =	vcvt.f32.s32 v10;
	v61 =	vtrunc.f32 v8  }
0x1e7: {  	vm1 =	vge.f32 v8, $0.0e+00;
	vm13 =	vlt.f32 v8, v7;
	v12 =	vcvt.f32.s32 v61  }
0x1e8: {  	vm0 =	vmand vm0, vm1;
	v62 =	vtrunc.f32 v9;
	v7 =	vshll.u32 v10, $0xC  }
0x1e9: {  	v6 =	vcvt.f32.s32 v62;
	vm0 =	vmand vm0, vm2;
	v63 =	vshll.u32 v12, $0x6  }
0x1ea: {  	vm14 =	vge.f32 v9, $0.0e+00;
	vm0 =	vmand vm13, vm0;
	v7 =	vadd.s32 v63, v7  }
0x1eb: {  	vm15 =	vlt.f32 v9, v5;
	vm0 =	vmand vm14, vm0;
	v6 =	vadd.s32 v6, v7  }
0x1ec: {  	vm0 =	vmand vm15, vm0;
	v5 =	vadd.s32 $0x40000, v6  }
0x1ed: {  	v5 =	vnsel vm0, $0x80000, v5  }
0x1ee: {  	[tilespmem:$0x49F0] =	vst v5  }
0x1ef: {  	[spmem:s5] =	stream.indirect.scatter.add.f32 [tilespmem:s16], [sflag:$0x1], $0x1, s15, s14, $0xb8;
	[tilespmem:$0x14208] =	vst v63  }
0x1f0: {  	_ =	swait.ge [sflag:s12], $0x80  }
0x1f1: {  	[sflag:s12] =	ssyncset.done $0x0  }
0x1f2: {  	[sflag:s12] =	ssyncadd.s32 $0xFFFFFF80  }
0x1f3: {  	[bflag:$0x0] =	sbarrier.arrive $0xFFFF  }
0x1f4: {  	s1 =	simm.s32 $0x0;
	s8 =	rddreg [dreg:$0x7]  }
.LBB2_8:
0x1f5: {  	v5 =	vor.u32 $0x1, v3  }
0x1f6: {  	[tilespmem:s13], [sflag:$0x1] =	stream.linear.gather [spmem:s8], $0x1000, $0x38;
	v6 =	vor.u32 $0x2, v3;
	[tilespmem:$0x14208] =	vst v63  }
0x1f7: {  	_ =	swait.ge [sflag:s12], $0x1000  }
0x1f8: {  	v7 =	vor.u32 $0x3, v3;
	[sflag:s12] =	ssyncset.done $0x0  }
0x1f9: {  	[sflag:s12] =	ssyncadd.s32 $0xFFFFF000  }
0x1fa: {  	v10 =	vor.u32 $0x5, v3;
	v5 =	vld.idx.msk [tilespmem:v5+s13+$0x0], $0xffff  }
0x1fb: {  	v6 =	vld.idx.msk [tilespmem:v6+s13+$0x0], $0xffff;
	_ =	sdelay $0x1  }
0x1fc: {  	v12 =	vor.u32 $0x7, v3;
	v7 =	vld.idx.msk [tilespmem:v7+s13+$0x0], $0xffff;
	_ =	sdelay $0x1  }
0x1fd: {  	v60 =	vor.u32 $0x8, v3;
	vm14 =	vgt.f32 v5, $0.0e+00;
	v5 =	vld.idx.msk [tilespmem:v10+s13+$0x0], $0xffff  }
0x1fe: {  	vm15 =	vgt.f32 v6, $0.0e+00;
	v6 =	vor.u32 $0x9, v3  }
0x1ff: {  	v9 =	vor.u32 $0x4, v3;
	v11 =	vor.u32 $0x6, v3;
	v62 =	vor.u32 $0xA, v3;
	v8 =	vld.idx.msk [tilespmem:v3+s13+$0x0], $0xffff  }
0x200: {  	v16 =	vor.u32 $0xB, v3;
	v19 =	vor.u32 $0xC, v3;
	vm4 =	vgt.f32 v7, $0.0e+00;
	v7 =	vld.idx.msk [tilespmem:v12+s13+$0x0], $0xffff  }
0x201: {  	v20 =	vor.u32 $0xD, v3;
	v21 =	vor.u32 $0xE, v3;
	v24 =	vor.u32 $0x10, v3  }
0x202: {  	v26 =	vor.u32 $0x11, v3;
	v28 =	vor.u32 $0x12, v3;
	vm6 =	vgt.f32 v5, $0.0e+00;
	v5 =	vld.idx.msk [tilespmem:v60+s13+$0x0], $0xffff  }
0x203: {  	v30 =	vor.u32 $0x13, v3;
	v32 =	vor.u32 $0x14, v3;
	v35 =	vor.u32 $0x15, v3;
	v6 =	vld.idx.msk [tilespmem:v6+s13+$0x0], $0xffff  }
0x204: {  	v37 =	vor.u32 $0x17, v3;
	v14 =	vor.u32 $0x18, v3;
	v41 =	vor.u32 $0x1A, v3;
	v58 =	vld.idx.msk [tilespmem:v9+s13+$0x0], $0xffff  }
0x205: {  	v15 =	vor.u32 $0x1B, v3;
	vm0 =	vgt.f32 v8, $0.0e+00;
	vm8 =	vgt.f32 v7, $0.0e+00;
	v7 =	vld.idx.msk [tilespmem:v62+s13+$0x0], $0xffff  }
0x206: {  	v43 =	vor.u32 $0x1C, v3;
	v46 =	vor.u32 $0x1D, v3;
	v11 =	vld.idx.msk [tilespmem:v11+s13+$0x0], $0xffff;
	v59 =	vsel vm0, $0x1, v4  }
0x207: {  	v8 =	vld.idx.msk [tilespmem:v16+s13+$0x0], $0xffff;
	v13 =	vsel vm14, $0x2, v4;
	vm9 =	vgt.f32 v5, $0.0e+00;
	v5 =	vor.u32 $0xF, v3  }
0x208: {  	v61 =	vsel vm15, $0x4, v4;
	v9 =	vor.u32 v59, v13;
	vm10 =	vgt.f32 v6, $0.0e+00;
	v6 =	vld.idx.msk [tilespmem:v19+s13+$0x0], $0xffff  }
0x209: {  	vm5 =	vgt.f32 v58, $0.0e+00;
	v63 =	vsel vm4, $0x8, v4;
	v9 =	vor.u32 v61, v9  }
0x20a: {  	v17 =	vsel vm5, $0x10, v4;
	v9 =	vor.u32 v63, v9;
	vm11 =	vgt.f32 v7, $0.0e+00;
	v7 =	vld.idx.msk [tilespmem:v21+s13+$0x0], $0xffff  }
0x20b: {  	vm7 =	vgt.f32 v11, $0.0e+00;
	v10 =	vld.idx.msk [tilespmem:v20+s13+$0x0], $0xffff;
	v9 =	vor.u32 v17, v9;
	v18 =	vsel vm6, $0x20, v4  }
0x20c: {  	v11 =	vsel vm7, $0x40, v4;
	vm12 =	vgt.f32 v8, $0.0e+00;
	v9 =	vor.u32 v18, v9;
	v5 =	vld.idx.msk [tilespmem:v5+s13+$0x0], $0xffff  }
0x20d: {  	v22 =	vsel vm8, $0x80, v4;
	v9 =	vor.u32 v11, v9;
	vm13 =	vgt.f32 v6, $0.0e+00;
	v6 =	vld.idx.msk [tilespmem:v24+s13+$0x0], $0xffff  }
0x20e: {  	v29 =	vsel vm12, $0x800, v4;
	v9 =	vor.u32 v22, v9;
	v23 =	vsel vm9, $0x100, v4  }
0x20f: {  	v25 =	vsel vm10, $0x200, v4;
	v9 =	vor.u32 v23, v9;
	vm15 =	vgt.f32 v7, $0.0e+00;
	v7 =	vld.idx.msk [tilespmem:v26+s13+$0x0], $0xffff  }
0x210: {  	vm14 =	vgt.f32 v10, $0.0e+00;
	v27 =	vsel vm11, $0x400, v4;
	v9 =	vor.u32 v25, v9  }
0x211: {  	v8 =	vld.idx.msk [tilespmem:v28+s13+$0x0], $0xffff;
	v9 =	vor.u32 v27, v9;
	vm4 =	vgt.f32 v5, $0.0e+00;
	v5 =	vor.u32 $0x16, v3  }
0x212: {  	v9 =	vor.u32 v29, v9;
	v31 =	vsel vm13, $0x1000, v4;
	vm5 =	vgt.f32 v6, $0.0e+00;
	v6 =	vld.idx.msk [tilespmem:v30+s13+$0x0], $0xffff  }
0x213: {  	v33 =	vsel vm14, $0x2000, v4;
	v34 =	vsel vm15, $0x4000, v4;
	v9 =	vor.u32 v31, v9  }
0x214: {  	v10 =	vld.idx.msk [tilespmem:v32+s13+$0x0], $0xffff;
	v9 =	vor.u32 v33, v9;
	vm6 =	vgt.f32 v7, $0.0e+00;
	v7 =	vor.u32 $0x19, v3  }
0x215: {  	v49 =	vor.u32 $0x1E, v3;
	v40 =	vld.idx.msk [tilespmem:v35+s13+$0x0], $0xffff;
	v9 =	vor.u32 v34, v9;
	v36 =	vsel vm4, $0x8000, v4  }
0x216: {  	vm7 =	vgt.f32 v8, $0.0e+00;
	v38 =	vsel vm5, $0x10000, v4;
	v9 =	vor.u32 v36, v9;
	v5 =	vld.idx.msk [tilespmem:v5+s13+$0x0], $0xffff  }
0x217: {  	v39 =	vsel vm6, $0x20000, v4;
	v9 =	vor.u32 v38, v9;
	vm8 =	vgt.f32 v6, $0.0e+00;
	v6 =	vld.idx.msk [tilespmem:v37+s13+$0x0], $0xffff  }
0x218: {  	v51 =	vor.u32 $0x1F, v3;
	v45 =	vld.idx.msk [tilespmem:v14+s13+$0x0], $0xffff;
	v42 =	vsel vm7, $0x40000, v4;
	v9 =	vor.u32 v39, v9  }
0x219: {  	vm9 =	vgt.f32 v10, $0.0e+00;
	v9 =	vor.u32 v42, v9;
	v7 =	vld.idx.msk [tilespmem:v7+s13+$0x0], $0xffff;
	v44 =	vsel vm8, $0x80000, v4  }
0x21a: {  	v48 =	vld.idx.msk [tilespmem:v41+s13+$0x0], $0xffff;
	vm10 =	vgt.f32 v40, $0.0e+00;
	v47 =	vsel vm9, $0x100000, v4;
	v9 =	vor.u32 v44, v9  }
0x21b: {  	v50 =	vsel vm10, $0x200000, v4;
	v9 =	vor.u32 v47, v9;
	vm11 =	vgt.f32 v5, $0.0e+00;
	v5 =	vld.idx.msk [tilespmem:v15+s13+$0x0], $0xffff  }
0x21c: {  	v9 =	vor.u32 v50, v9;
	vm12 =	vgt.f32 v6, $0.0e+00;
	v6 =	vld.idx.msk [tilespmem:v43+s13+$0x0], $0xffff;
	v52 =	vsel vm11, $0x400000, v4  }
0x21d: {  	v54 =	vld.idx.msk [tilespmem:v46+s13+$0x0], $0xffff;
	vm13 =	vgt.f32 v45, $0.0e+00;
	v53 =	vsel vm12, $0x800000, v4;
	v9 =	vor.u32 v52, v9  }
0x21e: {  	v55 =	vsel vm13, $0x1000000, v4;
	vm14 =	vgt.f32 v7, $0.0e+00;
	v9 =	vor.u32 v53, v9  }
0x21f: {  	v57 =	vld.idx.msk [tilespmem:v49+s13+$0x0], $0xffff;
	vm15 =	vgt.f32 v48, $0.0e+00;
	v56 =	vsel vm14, $0x2000000, v4;
	v7 =	vor.u32 v55, v9  }
0x220: {  	v58 =	vsel vm15, $0x4000000, v4;
	v7 =	vor.u32 v56, v7;
	vm4 =	vgt.f32 v5, $0.0e+00;
	v5 =	vld.idx.msk [tilespmem:v51+s13+$0x0], $0xffff  }
0x221: {  	vm5 =	vgt.f32 v6, $0.0e+00;
	v7 =	vor.u32 v58, v7;
	v59 =	vsel vm4, $0x8000000, v4  }
0x222: {  	vm6 =	vgt.f32 v54, $0.0e+00;
	v6 =	vor.u32 v59, v7;
	v7 =	vsel vm5, $0x10000000, v4  }
0x223: {  	v6 =	vor.u32 v7, v6;
	v7 =	vsel vm6, $0x20000000, v4  }
0x224: {  	vm7 =	vgt.f32 v57, $0.0e+00;
	v6 =	vor.u32 v7, v6;
	v7 =	vor.u32 $0x200, v3  }
0x225: {  	v8 =	vsel vm7, $0x40000000, v4;
	vm8 =	vgt.f32 v5, $0.0e+00;
	v5 =	vor.u32 $0x201, v3  }
0x226: {  	v6 =	vor.u32 v8, v6;
	v60 =	vsel vm8, $0x80000000, v4  }
0x227: {  	v6 =	vor.u32 v60, v6  }
0x228: {  	[tilespmem:$0x5D80] =	vst v6;
	v6 =	vor.u32 $0x203, v3  }
0x229: {  	v62 =	vor.u32 $0x204, v3;
	v7 =	vld.idx.msk [tilespmem:v7+s13+$0x0], $0xffff  }
0x22a: {  	v63 =	vor.u32 $0x205, v3;
	v5 =	vld.idx.msk [tilespmem:v5+s13+$0x0], $0xffff;
	_ =	sdelay $0x1  }
0x22b: {  	v61 =	vor.u32 $0x202, v3  }
0x22c: {  	v17 =	vor.u32 $0x207, v3;
	v6 =	vld.idx.msk [tilespmem:v6+s13+$0x0], $0xffff  }
0x22d: {  	vm9 =	vgt.f32 v7, $0.0e+00;
	v7 =	vld.idx.msk [tilespmem:v62+s13+$0x0], $0xffff  }
0x22e: {  	v19 =	vor.u32 $0x208, v3;
	vm10 =	vgt.f32 v5, $0.0e+00;
	v5 =	vld.idx.msk [tilespmem:v63+s13+$0x0], $0xffff  }
0x22f: {  	v16 =	vor.u32 $0x206, v3  }
0x230: {  	v35 =	vor.u32 $0x211, v3;
	v41 =	vor.u32 $0x214, v3;
	v9 =	vld.idx.msk [tilespmem:v61+s13+$0x0], $0xffff  }
0x231: {  	v49 =	vor.u32 $0x218, v3;
	v23 =	vor.u32 $0x20A, v3;
	vm12 =	vgt.f32 v6, $0.0e+00;
	v6 =	vld.idx.msk [tilespmem:v17+s13+$0x0], $0xffff  }
0x232: {  	v28 =	vor.u32 $0x20D, v3;
	vm13 =	vgt.f32 v7, $0.0e+00;
	v7 =	vor.u32 $0x20B, v3  }
0x233: {  	v21 =	vor.u32 $0x209, v3;
	v27 =	vor.u32 $0x20C, v3;
	vm14 =	vgt.f32 v5, $0.0e+00;
	v5 =	vld.idx.msk [tilespmem:v19+s13+$0x0], $0xffff  }
0x234: {  	v29 =	vor.u32 $0x20E, v3;
	v33 =	vor.u32 $0x210, v3;
	v39 =	vor.u32 $0x213, v3;
	v11 =	vld.idx.msk [tilespmem:v16+s13+$0x0], $0xffff  }
0x235: {  	v44 =	vor.u32 $0x215, v3;
	v47 =	vor.u32 $0x217, v3;
	v53 =	vor.u32 $0x21B, v3  }
0x236: {  	v55 =	vor.u32 $0x21C, v3;
	vm11 =	vgt.f32 v9, $0.0e+00;
	vm4 =	vgt.f32 v6, $0.0e+00;
	v6 =	vld.idx.msk [tilespmem:v23+s13+$0x0], $0xffff  }
0x237: {  	v18 =	vsel vm9, $0x1, v4;
	v22 =	vsel vm11, $0x4, v4;
	v20 =	vsel vm10, $0x2, v4;
	v7 =	vld.idx.msk [tilespmem:v7+s13+$0x0], $0xffff  }
0x238: {  	v32 =	vld.idx.msk [tilespmem:v27+s13+$0x0], $0xffff;
	v8 =	vor.u32 v18, v20;
	vm5 =	vgt.f32 v5, $0.0e+00;
	v5 =	vor.u32 $0x20F, v3  }
0x239: {  	v9 =	vld.idx.msk [tilespmem:v21+s13+$0x0], $0xffff;
	vm15 =	vgt.f32 v11, $0.0e+00;
	v8 =	vor.u32 v22, v8;
	v24 =	vsel vm12, $0x8, v4  }
0x23a: {  	v11 =	vsel vm15, $0x40, v4;
	v8 =	vor.u32 v24, v8;
	v25 =	vsel vm13, $0x10, v4  }
0x23b: {  	v8 =	vor.u32 v25, v8;
	v26 =	vsel vm14, $0x20, v4;
	vm7 =	vgt.f32 v6, $0.0e+00;
	v6 =	vld.idx.msk [tilespmem:v29+s13+$0x0], $0xffff  }
0x23c: {  	v10 =	vld.idx.msk [tilespmem:v28+s13+$0x0], $0xffff;
	v8 =	vor.u32 v26, v8;
	vm8 =	vgt.f32 v7, $0.0e+00;
	v7 =	vor.u32 $0x212, v3  }
0x23d: {  	vm9 =	vgt.f32 v32, $0.0e+00;
	v8 =	vor.u32 v11, v8;
	v30 =	vsel vm4, $0x80, v4;
	v5 =	vld.idx.msk [tilespmem:v5+s13+$0x0], $0xffff  }
0x23e: {  	vm6 =	vgt.f32 v9, $0.0e+00;
	v8 =	vor.u32 v30, v8;
	v31 =	vsel vm5, $0x100, v4  }
0x23f: {  	v38 =	vld.idx.msk [tilespmem:v33+s13+$0x0], $0xffff;
	v40 =	vsel vm9, $0x1000, v4;
	v34 =	vsel vm6, $0x200, v4;
	v8 =	vor.u32 v31, v8  }
0x240: {  	v8 =	vor.u32 v34, v8;
	v36 =	vsel vm7, $0x400, v4;
	vm11 =	vgt.f32 v6, $0.0e+00;
	v6 =	vld.idx.msk [tilespmem:v35+s13+$0x0], $0xffff  }
0x241: {  	vm10 =	vgt.f32 v10, $0.0e+00;
	v8 =	vor.u32 v36, v8;
	v37 =	vsel vm8, $0x800, v4;
	v7 =	vld.idx.msk [tilespmem:v7+s13+$0x0], $0xffff  }
0x242: {  	v8 =	vor.u32 v37, v8;
	vm12 =	vgt.f32 v5, $0.0e+00;
	v5 =	vor.u32 $0x216, v3  }
0x243: {  	v51 =	vor.u32 $0x21A, v3;
	v42 =	vsel vm10, $0x2000, v4;
	v8 =	vor.u32 v40, v8  }
0x244: {  	v58 =	vor.u32 $0x21D, v3;
	v46 =	vld.idx.msk [tilespmem:v39+s13+$0x0], $0xffff;
	vm13 =	vgt.f32 v38, $0.0e+00;
	v8 =	vor.u32 v42, v8  }
0x245: {  	v10 =	vld.idx.msk [tilespmem:v41+s13+$0x0], $0xffff;
	v43 =	vsel vm11, $0x4000, v4;
	vm14 =	vgt.f32 v6, $0.0e+00;
	v6 =	vor.u32 $0x219, v3  }
0x246: {  	v8 =	vor.u32 v43, v8;
	v45 =	vsel vm12, $0x8000, v4;
	vm15 =	vgt.f32 v7, $0.0e+00;
	v7 =	vld.idx.msk [tilespmem:v44+s13+$0x0], $0xffff  }
0x247: {  	v60 =	vor.u32 $0x21E, v3;
	v48 =	vsel vm13, $0x10000, v4;
	v8 =	vor.u32 v45, v8;
	v5 =	vld.idx.msk [tilespmem:v5+s13+$0x0], $0xffff  }
0x248: {  	v54 =	vld.idx.msk [tilespmem:v47+s13+$0x0], $0xffff;
	v62 =	vor.u32 $0x21F, v3;
	v8 =	vor.u32 v48, v8;
	v50 =	vsel vm14, $0x20000, v4  }
0x249: {  	v57 =	vld.idx.msk [tilespmem:v49+s13+$0x0], $0xffff;
	vm4 =	vgt.f32 v46, $0.0e+00;
	v8 =	vor.u32 v50, v8;
	v52 =	vsel vm15, $0x40000, v4  }
0x24a: {  	v56 =	vsel vm4, $0x80000, v4;
	vm5 =	vgt.f32 v10, $0.0e+00;
	v8 =	vor.u32 v52, v8;
	v6 =	vld.idx.msk [tilespmem:v6+s13+$0x0], $0xffff  }
0x24b: {  	v59 =	vsel vm5, $0x100000, v4;
	v8 =	vor.u32 v56, v8;
	vm6 =	vgt.f32 v7, $0.0e+00;
	v7 =	vld.idx.msk [tilespmem:v51+s13+$0x0], $0xffff  }
0x24c: {  	v8 =	vor.u32 v59, v8;
	v61 =	vsel vm6, $0x200000, v4;
	vm7 =	vgt.f32 v5, $0.0e+00;
	v5 =	vld.idx.msk [tilespmem:v53+s13+$0x0], $0xffff  }
0x24d: {  	v16 =	vld.idx.msk [tilespmem:v55+s13+$0x0], $0xffff;
	vm8 =	vgt.f32 v54, $0.0e+00;
	v8 =	vor.u32 v61, v8;
	v63 =	vsel vm7, $0x400000, v4  }
0x24e: {  	vm9 =	vgt.f32 v57, $0.0e+00;
	v18 =	vld.idx.msk [tilespmem:v58+s13+$0x0], $0xffff;
	v17 =	vsel vm8, $0x800000, v4;
	v8 =	vor.u32 v63, v8  }
0x24f: {  	v19 =	vsel vm9, $0x1000000, v4;
	v8 =	vor.u32 v17, v8;
	vm10 =	vgt.f32 v6, $0.0e+00  }
0x250: {  	v6 =	vor.u32 v19, v8;
	v20 =	vsel vm10, $0x2000000, v4;
	vm11 =	vgt.f32 v7, $0.0e+00;
	v7 =	vld.idx.msk [tilespmem:v60+s13+$0x0], $0xffff  }
0x251: {  	v6 =	vor.u32 v20, v6;
	v21 =	vsel vm11, $0x4000000, v4;
	vm12 =	vgt.f32 v5, $0.0e+00;
	v5 =	vld.idx.msk [tilespmem:v62+s13+$0x0], $0xffff  }
0x252: {  	vm13 =	vgt.f32 v16, $0.0e+00;
	v6 =	vor.u32 v21, v6;
	v22 =	vsel vm12, $0x8000000, v4  }
0x253: {  	v23 =	vsel vm13, $0x10000000, v4;
	vm14 =	vgt.f32 v18, $0.0e+00;
	v6 =	vor.u32 v22, v6  }
0x254: {  	v24 =	vsel vm14, $0x20000000, v4;
	v6 =	vor.u32 v23, v6  }
0x255: {  	v6 =	vor.u32 v24, v6;
	vm15 =	vgt.f32 v7, $0.0e+00;
	v7 =	vor.u32 $0x400, v3  }
0x256: {  	v25 =	vsel vm15, $0x40000000, v4;
	vm4 =	vgt.f32 v5, $0.0e+00;
	v5 =	vor.u32 $0x401, v3  }
0x257: {  	v6 =	vor.u32 v25, v6;
	v26 =	vsel vm4, $0x80000000, v4  }
0x258: {  	v6 =	vor.u32 v26, v6  }
0x259: {  	[tilespmem:$0x5D90] =	vst v6;
	v6 =	vor.u32 $0x403, v3  }
0x25a: {  	v28 =	vor.u32 $0x404, v3;
	v7 =	vld.idx.msk [tilespmem:v7+s13+$0x0], $0xffff  }
0x25b: {  	v29 =	vor.u32 $0x405, v3;
	v5 =	vld.idx.msk [tilespmem:v5+s13+$0x0], $0xffff;
	_ =	sdelay $0x1  }
0x25c: {  	v27 =	vor.u32 $0x402, v3  }
0x25d: {  	v31 =	vor.u32 $0x407, v3;
	v6 =	vld.idx.msk [tilespmem:v6+s13+$0x0], $0xffff  }
0x25e: {  	vm5 =	vgt.f32 v7, $0.0e+00;
	v7 =	vld.idx.msk [tilespmem:v28+s13+$0x0], $0xffff  }
0x25f: {  	v33 =	vor.u32 $0x408, v3;
	vm6 =	vgt.f32 v5, $0.0e+00;
	v5 =	vld.idx.msk [tilespmem:v29+s13+$0x0], $0xffff  }
0x260: {  	v30 =	vor.u32 $0x406, v3  }
0x261: {  	v47 =	vor.u32 $0x410, v3;
	v49 =	vor.u32 $0x411, v3;
	v9 =	vld.idx.msk [tilespmem:v27+s13+$0x0], $0xffff  }
0x262: {  	v55 =	vor.u32 $0x414, v3;
	v37 =	vor.u32 $0x40A, v3;
	vm8 =	vgt.f32 v6, $0.0e+00;
	v6 =	vld.idx.msk [tilespmem:v31+s13+$0x0], $0xffff  }
0x263: {  	v41 =	vor.u32 $0x40C, v3;
	vm9 =	vgt.f32 v7, $0.0e+00;
	v7 =	vor.u32 $0x40B, v3  }
0x264: {  	v58 =	vor.u32 $0x415, v3;
	v35 =	vor.u32 $0x409, v3;
	vm10 =	vgt.f32 v5, $0.0e+00;
	v5 =	vld.idx.msk [tilespmem:v33+s13+$0x0], $0xffff  }
0x265: {  	v42 =	vor.u32 $0x40D, v3;
	v43 =	vor.u32 $0x40E, v3;
	v53 =	vor.u32 $0x413, v3;
	v11 =	vld.idx.msk [tilespmem:v30+s13+$0x0], $0xffff  }
0x266: {  	v61 =	vor.u32 $0x417, v3;
	v63 =	vor.u32 $0x418, v3;
	v19 =	vor.u32 $0x41A, v3  }
0x267: {  	v21 =	vor.u32 $0x41B, v3;
	vm7 =	vgt.f32 v9, $0.0e+00;
	vm12 =	vgt.f32 v6, $0.0e+00;
	v6 =	vld.idx.msk [tilespmem:v37+s13+$0x0], $0xffff  }
0x268: {  	v32 =	vsel vm5, $0x1, v4;
	v36 =	vsel vm7, $0x4, v4;
	v34 =	vsel vm6, $0x2, v4;
	v7 =	vld.idx.msk [tilespmem:v7+s13+$0x0], $0xffff  }
0x269: {  	v46 =	vld.idx.msk [tilespmem:v41+s13+$0x0], $0xffff;
	v8 =	vor.u32 v32, v34;
	vm13 =	vgt.f32 v5, $0.0e+00;
	v5 =	vor.u32 $0x40F, v3  }
0x26a: {  	v9 =	vld.idx.msk [tilespmem:v35+s13+$0x0], $0xffff;
	vm11 =	vgt.f32 v11, $0.0e+00;
	v8 =	vor.u32 v36, v8;
	v38 =	vsel vm8, $0x8, v4  }
0x26b: {  	v11 =	vsel vm11, $0x40, v4;
	v8 =	vor.u32 v38, v8;
	v39 =	vsel vm9, $0x10, v4  }
0x26c: {  	v8 =	vor.u32 v39, v8;
	v40 =	vsel vm10, $0x20, v4;
	vm15 =	vgt.f32 v6, $0.0e+00;
	v6 =	vld.idx.msk [tilespmem:v43+s13+$0x0], $0xffff  }
0x26d: {  	v10 =	vld.idx.msk [tilespmem:v42+s13+$0x0], $0xffff;
	v8 =	vor.u32 v40, v8;
	vm4 =	vgt.f32 v7, $0.0e+00;
	v7 =	vor.u32 $0x412, v3  }
0x26e: {  	vm5 =	vgt.f32 v46, $0.0e+00;
	v8 =	vor.u32 v11, v8;
	v44 =	vsel vm12, $0x80, v4;
	v5 =	vld.idx.msk [tilespmem:v5+s13+$0x0], $0xffff  }
0x26f: {  	vm14 =	vgt.f32 v9, $0.0e+00;
	v8 =	vor.u32 v44, v8;
	v45 =	vsel vm13, $0x100, v4  }
0x270: {  	v52 =	vld.idx.msk [tilespmem:v47+s13+$0x0], $0xffff;
	v54 =	vsel vm5, $0x1000, v4;
	v48 =	vsel vm14, $0x200, v4;
	v8 =	vor.u32 v45, v8  }
0x271: {  	v8 =	vor.u32 v48, v8;
	v50 =	vsel vm15, $0x400, v4;
	vm7 =	vgt.f32 v6, $0.0e+00;
	v6 =	vld.idx.msk [tilespmem:v49+s13+$0x0], $0xffff  }
0x272: {  	vm6 =	vgt.f32 v10, $0.0e+00;
	v8 =	vor.u32 v50, v8;
	v51 =	vsel vm4, $0x800, v4;
	v7 =	vld.idx.msk [tilespmem:v7+s13+$0x0], $0xffff  }
0x273: {  	v8 =	vor.u32 v51, v8;
	vm8 =	vgt.f32 v5, $0.0e+00;
	v5 =	vor.u32 $0x416, v3  }
0x274: {  	v23 =	vor.u32 $0x41C, v3;
	v56 =	vsel vm6, $0x2000, v4;
	v8 =	vor.u32 v54, v8  }
0x275: {  	v26 =	vor.u32 $0x41D, v3;
	v60 =	vld.idx.msk [tilespmem:v53+s13+$0x0], $0xffff;
	vm9 =	vgt.f32 v52, $0.0e+00;
	v8 =	vor.u32 v56, v8  }
0x276: {  	v10 =	vld.idx.msk [tilespmem:v55+s13+$0x0], $0xffff;
	v57 =	vsel vm7, $0x4000, v4;
	vm10 =	vgt.f32 v6, $0.0e+00;
	v6 =	vor.u32 $0x419, v3  }
0x277: {  	v8 =	vor.u32 v57, v8;
	v59 =	vsel vm8, $0x8000, v4;
	vm11 =	vgt.f32 v7, $0.0e+00;
	v7 =	vld.idx.msk [tilespmem:v58+s13+$0x0], $0xffff  }
0x278: {  	v30 =	vor.u32 $0x41F, v3;
	v62 =	vsel vm9, $0x10000, v4;
	v8 =	vor.u32 v59, v8;
	v5 =	vld.idx.msk [tilespmem:v5+s13+$0x0], $0xffff  }
0x279: {  	v22 =	vld.idx.msk [tilespmem:v61+s13+$0x0], $0xffff;
	v28 =	vor.u32 $0x41E, v3;
	v8 =	vor.u32 v62, v8;
	v18 =	vsel vm10, $0x20000, v4  }
0x27a: {  	v25 =	vld.idx.msk [tilespmem:v63+s13+$0x0], $0xffff;
	vm12 =	vgt.f32 v60, $0.0e+00;
	v8 =	vor.u32 v18, v8;
	v20 =	vsel vm11, $0x40000, v4  }
0x27b: {  	v24 =	vsel vm12, $0x80000, v4;
	vm13 =	vgt.f32 v10, $0.0e+00;
	v8 =	vor.u32 v20, v8;
	v6 =	vld.idx.msk [tilespmem:v6+s13+$0x0], $0xffff  }
0x27c: {  	v27 =	vsel vm13, $0x100000, v4;
	v8 =	vor.u32 v24, v8;
	vm14 =	vgt.f32 v7, $0.0e+00;
	v7 =	vld.idx.msk [tilespmem:v19+s13+$0x0], $0xffff  }
0x27d: {  	v8 =	vor.u32 v27, v8;
	v29 =	vsel vm14, $0x200000, v4;
	vm15 =	vgt.f32 v5, $0.0e+00;
	v5 =	vld.idx.msk [tilespmem:v21+s13+$0x0], $0xffff  }
0x27e: {  	v32 =	vld.idx.msk [tilespmem:v23+s13+$0x0], $0xffff;
	vm4 =	vgt.f32 v22, $0.0e+00;
	v8 =	vor.u32 v29, v8;
	v31 =	vsel vm15, $0x400000, v4  }
0x27f: {  	vm5 =	vgt.f32 v25, $0.0e+00;
	v34 =	vld.idx.msk [tilespmem:v26+s13+$0x0], $0xffff;
	v33 =	vsel vm4, $0x800000, v4;
	v8 =	vor.u32 v31, v8  }
0x280: {  	v35 =	vsel vm5, $0x1000000, v4;
	v8 =	vor.u32 v33, v8;
	vm6 =	vgt.f32 v6, $0.0e+00  }
0x281: {  	v6 =	vor.u32 v35, v8;
	v36 =	vsel vm6, $0x2000000, v4;
	vm7 =	vgt.f32 v7, $0.0e+00;
	v7 =	vld.idx.msk [tilespmem:v28+s13+$0x0], $0xffff  }
0x282: {  	v6 =	vor.u32 v36, v6;
	v37 =	vsel vm7, $0x4000000, v4;
	vm8 =	vgt.f32 v5, $0.0e+00;
	v5 =	vld.idx.msk [tilespmem:v30+s13+$0x0], $0xffff  }
0x283: {  	vm9 =	vgt.f32 v32, $0.0e+00;
	v6 =	vor.u32 v37, v6;
	v38 =	vsel vm8, $0x8000000, v4  }
0x284: {  	v39 =	vsel vm9, $0x10000000, v4;
	vm10 =	vgt.f32 v34, $0.0e+00;
	v6 =	vor.u32 v38, v6  }
0x285: {  	v40 =	vsel vm10, $0x20000000, v4;
	v6 =	vor.u32 v39, v6  }
0x286: {  	v6 =	vor.u32 v40, v6;
	vm11 =	vgt.f32 v7, $0.0e+00;
	v7 =	vor.u32 $0x600, v3  }
0x287: {  	v41 =	vsel vm11, $0x40000000, v4;
	vm12 =	vgt.f32 v5, $0.0e+00;
	v5 =	vor.u32 $0x601, v3  }
0x288: {  	v6 =	vor.u32 v41, v6;
	v42 =	vsel vm12, $0x80000000, v4  }
0x289: {  	v6 =	vor.u32 v42, v6  }
0x28a: {  	[tilespmem:$0x5DA0] =	vst v6;
	v6 =	vor.u32 $0x603, v3  }
0x28b: {  	v44 =	vor.u32 $0x604, v3;
	v7 =	vld.idx.msk [tilespmem:v7+s13+$0x0], $0xffff  }
0x28c: {  	v45 =	vor.u32 $0x605, v3;
	v5 =	vld.idx.msk [tilespmem:v5+s13+$0x0], $0xffff;
	_ =	sdelay $0x1  }
0x28d: {  	v43 =	vor.u32 $0x602, v3  }
0x28e: {  	v47 =	vor.u32 $0x607, v3;
	v6 =	vld.idx.msk [tilespmem:v6+s13+$0x0], $0xffff  }
0x28f: {  	vm13 =	vgt.f32 v7, $0.0e+00;
	v7 =	vld.idx.msk [tilespmem:v44+s13+$0x0], $0xffff  }
0x290: {  	v49 =	vor.u32 $0x608, v3;
	vm14 =	vgt.f32 v5, $0.0e+00;
	v5 =	vld.idx.msk [tilespmem:v45+s13+$0x0], $0xffff  }
0x291: {  	v46 =	vor.u32 $0x606, v3  }
0x292: {  	v17 =	vor.u32 $0x611, v3;
	v53 =	vor.u32 $0x60A, v3;
	v9 =	vld.idx.msk [tilespmem:v43+s13+$0x0], $0xffff  }
0x293: {  	v63 =	vor.u32 $0x610, v3;
	v23 =	vor.u32 $0x614, v3;
	vm4 =	vgt.f32 v6, $0.0e+00;
	v6 =	vld.idx.msk [tilespmem:v47+s13+$0x0], $0xffff  }
0x294: {  	v26 =	vor.u32 $0x615, v3;
	vm5 =	vgt.f32 v7, $0.0e+00;
	v7 =	vor.u32 $0x60B, v3  }
0x295: {  	v51 =	vor.u32 $0x609, v3;
	v57 =	vor.u32 $0x60C, v3;
	vm6 =	vgt.f32 v5, $0.0e+00;
	v5 =	vld.idx.msk [tilespmem:v49+s13+$0x0], $0xffff  }
0x296: {  	v59 =	vor.u32 $0x60E, v3;
	v58 =	vor.u32 $0x60D, v3;
	v21 =	vor.u32 $0x613, v3;
	v11 =	vld.idx.msk [tilespmem:v46+s13+$0x0], $0xffff  }
0x297: {  	v29 =	vor.u32 $0x617, v3;
	v31 =	vor.u32 $0x618, v3;
	v33 =	vor.u32 $0x61A, v3  }
0x298: {  	v35 =	vor.u32 $0x61B, v3;
	vm15 =	vgt.f32 v9, $0.0e+00;
	vm8 =	vgt.f32 v6, $0.0e+00;
	v6 =	vld.idx.msk [tilespmem:v53+s13+$0x0], $0xffff  }
0x299: {  	v48 =	vsel vm13, $0x1, v4;
	v52 =	vsel vm15, $0x4, v4;
	v50 =	vsel vm14, $0x2, v4;
	v7 =	vld.idx.msk [tilespmem:v7+s13+$0x0], $0xffff  }
0x29a: {  	v62 =	vld.idx.msk [tilespmem:v57+s13+$0x0], $0xffff;
	v8 =	vor.u32 v48, v50;
	vm9 =	vgt.f32 v5, $0.0e+00;
	v5 =	vor.u32 $0x60F, v3  }
0x29b: {  	v9 =	vld.idx.msk [tilespmem:v51+s13+$0x0], $0xffff;
	vm7 =	vgt.f32 v11, $0.0e+00;
	v8 =	vor.u32 v52, v8;
	v54 =	vsel vm4, $0x8, v4  }
0x29c: {  	v11 =	vsel vm7, $0x40, v4;
	v8 =	vor.u32 v54, v8;
	v55 =	vsel vm5, $0x10, v4  }
0x29d: {  	v8 =	vor.u32 v55, v8;
	v56 =	vsel vm6, $0x20, v4;
	vm11 =	vgt.f32 v6, $0.0e+00;
	v6 =	vld.idx.msk [tilespmem:v59+s13+$0x0], $0xffff  }
0x29e: {  	v10 =	vld.idx.msk [tilespmem:v58+s13+$0x0], $0xffff;
	v8 =	vor.u32 v56, v8;
	vm12 =	vgt.f32 v7, $0.0e+00;
	v7 =	vor.u32 $0x612, v3  }
0x29f: {  	vm13 =	vgt.f32 v62, $0.0e+00;
	v8 =	vor.u32 v11, v8;
	v60 =	vsel vm8, $0x80, v4;
	v5 =	vld.idx.msk [tilespmem:v5+s13+$0x0], $0xffff  }
0x2a0: {  	vm10 =	vgt.f32 v9, $0.0e+00;
	v8 =	vor.u32 v60, v8;
	v61 =	vsel vm9, $0x100, v4  }
0x2a1: {  	v20 =	vld.idx.msk [tilespmem:v63+s13+$0x0], $0xffff;
	v22 =	vsel vm13, $0x1000, v4;
	v16 =	vsel vm10, $0x200, v4;
	v8 =	vor.u32 v61, v8  }
0x2a2: {  	v8 =	vor.u32 v16, v8;
	v18 =	vsel vm11, $0x400, v4;
	vm15 =	vgt.f32 v6, $0.0e+00;
	v6 =	vld.idx.msk [tilespmem:v17+s13+$0x0], $0xffff  }
0x2a3: {  	vm14 =	vgt.f32 v10, $0.0e+00;
	v8 =	vor.u32 v18, v8;
	v19 =	vsel vm12, $0x800, v4;
	v7 =	vld.idx.msk [tilespmem:v7+s13+$0x0], $0xffff  }
0x2a4: {  	v8 =	vor.u32 v19, v8;
	vm4 =	vgt.f32 v5, $0.0e+00;
	v5 =	vor.u32 $0x616, v3  }
0x2a5: {  	v37 =	vor.u32 $0x61C, v3;
	v24 =	vsel vm14, $0x2000, v4;
	v8 =	vor.u32 v22, v8  }
0x2a6: {  	v40 =	vor.u32 $0x61D, v3;
	v28 =	vld.idx.msk [tilespmem:v21+s13+$0x0], $0xffff;
	vm5 =	vgt.f32 v20, $0.0e+00;
	v8 =	vor.u32 v24, v8  }
0x2a7: {  	v10 =	vld.idx.msk [tilespmem:v23+s13+$0x0], $0xffff;
	v25 =	vsel vm15, $0x4000, v4;
	vm6 =	vgt.f32 v6, $0.0e+00;
	v6 =	vor.u32 $0x619, v3  }
0x2a8: {  	v8 =	vor.u32 v25, v8;
	v27 =	vsel vm4, $0x8000, v4;
	vm7 =	vgt.f32 v7, $0.0e+00;
	v7 =	vld.idx.msk [tilespmem:v26+s13+$0x0], $0xffff  }
0x2a9: {  	v42 =	vor.u32 $0x61E, v3;
	v30 =	vsel vm5, $0x10000, v4;
	v8 =	vor.u32 v27, v8;
	v5 =	vld.idx.msk [tilespmem:v5+s13+$0x0], $0xffff  }
0x2aa: {  	v36 =	vld.idx.msk [tilespmem:v29+s13+$0x0], $0xffff;
	v44 =	vor.u32 $0x61F, v3;
	v8 =	vor.u32 v30, v8;
	v32 =	vsel vm6, $0x20000, v4  }
0x2ab: {  	v39 =	vld.idx.msk [tilespmem:v31+s13+$0x0], $0xffff;
	vm8 =	vgt.f32 v28, $0.0e+00;
	v8 =	vor.u32 v32, v8;
	v34 =	vsel vm7, $0x40000, v4  }
0x2ac: {  	v38 =	vsel vm8, $0x80000, v4;
	vm9 =	vgt.f32 v10, $0.0e+00;
	v8 =	vor.u32 v34, v8;
	v6 =	vld.idx.msk [tilespmem:v6+s13+$0x0], $0xffff  }
0x2ad: {  	v41 =	vsel vm9, $0x100000, v4;
	v8 =	vor.u32 v38, v8;
	vm10 =	vgt.f32 v7, $0.0e+00;
	v7 =	vld.idx.msk [tilespmem:v33+s13+$0x0], $0xffff  }
0x2ae: {  	v8 =	vor.u32 v41, v8;
	v43 =	vsel vm10, $0x200000, v4;
	vm11 =	vgt.f32 v5, $0.0e+00;
	v5 =	vld.idx.msk [tilespmem:v35+s13+$0x0], $0xffff  }
0x2af: {  	v46 =	vld.idx.msk [tilespmem:v37+s13+$0x0], $0xffff;
	vm12 =	vgt.f32 v36, $0.0e+00;
	v8 =	vor.u32 v43, v8;
	v45 =	vsel vm11, $0x400000, v4  }
0x2b0: {  	vm13 =	vgt.f32 v39, $0.0e+00;
	v48 =	vld.idx.msk [tilespmem:v40+s13+$0x0], $0xffff;
	v47 =	vsel vm12, $0x800000, v4;
	v8 =	vor.u32 v45, v8  }
0x2b1: {  	v49 =	vsel vm13, $0x1000000, v4;
	v8 =	vor.u32 v47, v8;
	vm14 =	vgt.f32 v6, $0.0e+00  }
0x2b2: {  	v6 =	vor.u32 v49, v8;
	v50 =	vsel vm14, $0x2000000, v4;
	vm15 =	vgt.f32 v7, $0.0e+00;
	v7 =	vld.idx.msk [tilespmem:v42+s13+$0x0], $0xffff  }
0x2b3: {  	v6 =	vor.u32 v50, v6;
	v51 =	vsel vm15, $0x4000000, v4;
	vm4 =	vgt.f32 v5, $0.0e+00;
	v5 =	vld.idx.msk [tilespmem:v44+s13+$0x0], $0xffff  }
0x2b4: {  	vm5 =	vgt.f32 v46, $0.0e+00;
	v6 =	vor.u32 v51, v6;
	v52 =	vsel vm4, $0x8000000, v4  }
0x2b5: {  	v53 =	vsel vm5, $0x10000000, v4;
	vm6 =	vgt.f32 v48, $0.0e+00;
	v6 =	vor.u32 v52, v6  }
0x2b6: {  	v54 =	vsel vm6, $0x20000000, v4;
	v6 =	vor.u32 v53, v6  }
0x2b7: {  	v6 =	vor.u32 v54, v6;
	vm7 =	vgt.f32 v7, $0.0e+00;
	v7 =	vor.u32 $0x800, v3  }
0x2b8: {  	v55 =	vsel vm7, $0x40000000, v4;
	vm8 =	vgt.f32 v5, $0.0e+00;
	v5 =	vor.u32 $0x801, v3  }
0x2b9: {  	v6 =	vor.u32 v55, v6;
	v56 =	vsel vm8, $0x80000000, v4  }
0x2ba: {  	v6 =	vor.u32 v56, v6  }
0x2bb: {  	[tilespmem:$0x5DB0] =	vst v6;
	v6 =	vor.u32 $0x803, v3  }
0x2bc: {  	v58 =	vor.u32 $0x804, v3;
	v7 =	vld.idx.msk [tilespmem:v7+s13+$0x0], $0xffff  }
0x2bd: {  	v59 =	vor.u32 $0x805, v3;
	v5 =	vld.idx.msk [tilespmem:v5+s13+$0x0], $0xffff;
	_ =	sdelay $0x1  }
0x2be: {  	v57 =	vor.u32 $0x802, v3  }
0x2bf: {  	v61 =	vor.u32 $0x807, v3;
	v6 =	vld.idx.msk [tilespmem:v6+s13+$0x0], $0xffff  }
0x2c0: {  	vm9 =	vgt.f32 v7, $0.0e+00;
	v7 =	vld.idx.msk [tilespmem:v58+s13+$0x0], $0xffff  }
0x2c1: {  	v63 =	vor.u32 $0x808, v3;
	vm10 =	vgt.f32 v5, $0.0e+00;
	v5 =	vld.idx.msk [tilespmem:v59+s13+$0x0], $0xffff  }
0x2c2: {  	v60 =	vor.u32 $0x806, v3  }
0x2c3: {  	v29 =	vor.u32 $0x810, v3;
	v31 =	vor.u32 $0x811, v3;
	v9 =	vld.idx.msk [tilespmem:v57+s13+$0x0], $0xffff  }
0x2c4: {  	v37 =	vor.u32 $0x814, v3;
	v19 =	vor.u32 $0x80A, v3;
	vm12 =	vgt.f32 v6, $0.0e+00;
	v6 =	vld.idx.msk [tilespmem:v61+s13+$0x0], $0xffff  }
0x2c5: {  	v23 =	vor.u32 $0x80C, v3;
	vm13 =	vgt.f32 v7, $0.0e+00;
	v7 =	vor.u32 $0x80B, v3  }
0x2c6: {  	v40 =	vor.u32 $0x815, v3;
	v17 =	vor.u32 $0x809, v3;
	vm14 =	vgt.f32 v5, $0.0e+00;
	v5 =	vld.idx.msk [tilespmem:v63+s13+$0x0], $0xffff  }
0x2c7: {  	v24 =	vor.u32 $0x80D, v3;
	v25 =	vor.u32 $0x80E, v3;
	v35 =	vor.u32 $0x813, v3;
	v11 =	vld.idx.msk [tilespmem:v60+s13+$0x0], $0xffff  }
0x2c8: {  	v43 =	vor.u32 $0x817, v3;
	v45 =	vor.u32 $0x818, v3;
	v47 =	vor.u32 $0x81A, v3  }
0x2c9: {  	v49 =	vor.u32 $0x81B, v3;
	vm11 =	vgt.f32 v9, $0.0e+00;
	vm4 =	vgt.f32 v6, $0.0e+00;
	v6 =	vld.idx.msk [tilespmem:v19+s13+$0x0], $0xffff  }
0x2ca: {  	v62 =	vsel vm9, $0x1, v4;
	v18 =	vsel vm11, $0x4, v4;
	v16 =	vsel vm10, $0x2, v4;
	v7 =	vld.idx.msk [tilespmem:v7+s13+$0x0], $0xffff  }
0x2cb: {  	v28 =	vld.idx.msk [tilespmem:v23+s13+$0x0], $0xffff;
	v8 =	vor.u32 v62, v16;
	vm5 =	vgt.f32 v5, $0.0e+00;
	v5 =	vor.u32 $0x80F, v3  }
0x2cc: {  	v9 =	vld.idx.msk [tilespmem:v17+s13+$0x0], $0xffff;
	vm15 =	vgt.f32 v11, $0.0e+00;
	v8 =	vor.u32 v18, v8;
	v20 =	vsel vm12, $0x8, v4  }
0x2cd: {  	v11 =	vsel vm15, $0x40, v4;
	v8 =	vor.u32 v20, v8;
	v21 =	vsel vm13, $0x10, v4  }
0x2ce: {  	v8 =	vor.u32 v21, v8;
	v22 =	vsel vm14, $0x20, v4;
	vm7 =	vgt.f32 v6, $0.0e+00;
	v6 =	vld.idx.msk [tilespmem:v25+s13+$0x0], $0xffff  }
0x2cf: {  	v10 =	vld.idx.msk [tilespmem:v24+s13+$0x0], $0xffff;
	v8 =	vor.u32 v22, v8;
	vm8 =	vgt.f32 v7, $0.0e+00;
	v7 =	vor.u32 $0x812, v3  }
0x2d0: {  	vm9 =	vgt.f32 v28, $0.0e+00;
	v8 =	vor.u32 v11, v8;
	v26 =	vsel vm4, $0x80, v4;
	v5 =	vld.idx.msk [tilespmem:v5+s13+$0x0], $0xffff  }
0x2d1: {  	vm6 =	vgt.f32 v9, $0.0e+00;
	v8 =	vor.u32 v26, v8;
	v27 =	vsel vm5, $0x100, v4  }
0x2d2: {  	v34 =	vld.idx.msk [tilespmem:v29+s13+$0x0], $0xffff;
	v36 =	vsel vm9, $0x1000, v4;
	v30 =	vsel vm6, $0x200, v4;
	v8 =	vor.u32 v27, v8  }
0x2d3: {  	v8 =	vor.u32 v30, v8;
	v32 =	vsel vm7, $0x400, v4;
	vm11 =	vgt.f32 v6, $0.0e+00;
	v6 =	vld.idx.msk [tilespmem:v31+s13+$0x0], $0xffff  }
0x2d4: {  	vm10 =	vgt.f32 v10, $0.0e+00;
	v8 =	vor.u32 v32, v8;
	v33 =	vsel vm8, $0x800, v4;
	v7 =	vld.idx.msk [tilespmem:v7+s13+$0x0], $0xffff  }
0x2d5: {  	v8 =	vor.u32 v33, v8;
	vm12 =	vgt.f32 v5, $0.0e+00;
	v5 =	vor.u32 $0x816, v3  }
0x2d6: {  	v51 =	vor.u32 $0x81C, v3;
	v38 =	vsel vm10, $0x2000, v4;
	v8 =	vor.u32 v36, v8  }
0x2d7: {  	v54 =	vor.u32 $0x81D, v3;
	v42 =	vld.idx.msk [tilespmem:v35+s13+$0x0], $0xffff;
	vm13 =	vgt.f32 v34, $0.0e+00;
	v8 =	vor.u32 v38, v8  }
0x2d8: {  	v10 =	vld.idx.msk [tilespmem:v37+s13+$0x0], $0xffff;
	v39 =	vsel vm11, $0x4000, v4;
	vm14 =	vgt.f32 v6, $0.0e+00;
	v6 =	vor.u32 $0x819, v3  }
0x2d9: {  	v8 =	vor.u32 v39, v8;
	v41 =	vsel vm12, $0x8000, v4;
	vm15 =	vgt.f32 v7, $0.0e+00;
	v7 =	vld.idx.msk [tilespmem:v40+s13+$0x0], $0xffff  }
0x2da: {  	v56 =	vor.u32 $0x81E, v3;
	v44 =	vsel vm13, $0x10000, v4;
	v8 =	vor.u32 v41, v8;
	v5 =	vld.idx.msk [tilespmem:v5+s13+$0x0], $0xffff  }
0x2db: {  	v50 =	vld.idx.msk [tilespmem:v43+s13+$0x0], $0xffff;
	v58 =	vor.u32 $0x81F, v3;
	v8 =	vor.u32 v44, v8;
	v46 =	vsel vm14, $0x20000, v4  }
0x2dc: {  	v53 =	vld.idx.msk [tilespmem:v45+s13+$0x0], $0xffff;
	vm4 =	vgt.f32 v42, $0.0e+00;
	v8 =	vor.u32 v46, v8;
	v48 =	vsel vm15, $0x40000, v4  }
0x2dd: {  	v52 =	vsel vm4, $0x80000, v4;
	vm5 =	vgt.f32 v10, $0.0e+00;
	v8 =	vor.u32 v48, v8;
	v6 =	vld.idx.msk [tilespmem:v6+s13+$0x0], $0xffff  }
0x2de: {  	v55 =	vsel vm5, $0x100000, v4;
	v8 =	vor.u32 v52, v8;
	vm6 =	vgt.f32 v7, $0.0e+00;
	v7 =	vld.idx.msk [tilespmem:v47+s13+$0x0], $0xffff  }
0x2df: {  	v8 =	vor.u32 v55, v8;
	v57 =	vsel vm6, $0x200000, v4;
	vm7 =	vgt.f32 v5, $0.0e+00;
	v5 =	vld.idx.msk [tilespmem:v49+s13+$0x0], $0xffff  }
0x2e0: {  	v60 =	vld.idx.msk [tilespmem:v51+s13+$0x0], $0xffff;
	vm8 =	vgt.f32 v50, $0.0e+00;
	v8 =	vor.u32 v57, v8;
	v59 =	vsel vm7, $0x400000, v4  }
0x2e1: {  	vm9 =	vgt.f32 v53, $0.0e+00;
	v62 =	vld.idx.msk [tilespmem:v54+s13+$0x0], $0xffff;
	v61 =	vsel vm8, $0x800000, v4;
	v8 =	vor.u32 v59, v8  }
0x2e2: {  	v63 =	vsel vm9, $0x1000000, v4;
	v8 =	vor.u32 v61, v8;
	vm10 =	vgt.f32 v6, $0.0e+00  }
0x2e3: {  	v6 =	vor.u32 v63, v8;
	v13 =	vsel vm10, $0x2000000, v4;
	vm11 =	vgt.f32 v7, $0.0e+00;
	v7 =	vld.idx.msk [tilespmem:v56+s13+$0x0], $0xffff  }
0x2e4: {  	v6 =	vor.u32 v13, v6;
	v14 =	vsel vm11, $0x4000000, v4;
	vm12 =	vgt.f32 v5, $0.0e+00;
	v5 =	vld.idx.msk [tilespmem:v58+s13+$0x0], $0xffff  }
0x2e5: {  	vm13 =	vgt.f32 v60, $0.0e+00;
	v6 =	vor.u32 v14, v6;
	v16 =	vsel vm12, $0x8000000, v4  }
0x2e6: {  	v17 =	vsel vm13, $0x10000000, v4;
	vm14 =	vgt.f32 v62, $0.0e+00;
	v6 =	vor.u32 v16, v6  }
0x2e7: {  	v18 =	vsel vm14, $0x20000000, v4;
	v6 =	vor.u32 v17, v6  }
0x2e8: {  	v6 =	vor.u32 v18, v6;
	vm15 =	vgt.f32 v7, $0.0e+00;
	v7 =	vor.u32 $0xA00, v3  }
0x2e9: {  	v19 =	vsel vm15, $0x40000000, v4;
	vm4 =	vgt.f32 v5, $0.0e+00;
	v5 =	vor.u32 $0xA01, v3  }
0x2ea: {  	v6 =	vor.u32 v19, v6;
	v20 =	vsel vm4, $0x80000000, v4  }
0x2eb: {  	v6 =	vor.u32 v20, v6  }
0x2ec: {  	[tilespmem:$0x5DC0] =	vst v6;
	v6 =	vor.u32 $0xA03, v3  }
0x2ed: {  	v22 =	vor.u32 $0xA04, v3;
	v7 =	vld.idx.msk [tilespmem:v7+s13+$0x0], $0xffff  }
0x2ee: {  	v23 =	vor.u32 $0xA05, v3;
	v5 =	vld.idx.msk [tilespmem:v5+s13+$0x0], $0xffff;
	_ =	sdelay $0x1  }
0x2ef: {  	v21 =	vor.u32 $0xA02, v3  }
0x2f0: {  	v25 =	vor.u32 $0xA07, v3;
	v6 =	vld.idx.msk [tilespmem:v6+s13+$0x0], $0xffff  }
0x2f1: {  	vm5 =	vgt.f32 v7, $0.0e+00;
	v7 =	vld.idx.msk [tilespmem:v22+s13+$0x0], $0xffff  }
0x2f2: {  	v27 =	vor.u32 $0xA08, v3;
	vm6 =	vgt.f32 v5, $0.0e+00;
	v5 =	vld.idx.msk [tilespmem:v23+s13+$0x0], $0xffff  }
0x2f3: {  	v24 =	vor.u32 $0xA06, v3  }
0x2f4: {  	v29 =	vor.u32 $0xA09, v3;
	v35 =	vor.u32 $0xA0C, v3;
	v9 =	vld.idx.msk [tilespmem:v21+s13+$0x0], $0xffff  }
0x2f5: {  	v43 =	vor.u32 $0xA11, v3;
	v31 =	vor.u32 $0xA0A, v3;
	vm8 =	vgt.f32 v6, $0.0e+00;
	v6 =	vld.idx.msk [tilespmem:v25+s13+$0x0], $0xffff  }
0x2f6: {  	v37 =	vor.u32 $0xA0E, v3;
	vm9 =	vgt.f32 v7, $0.0e+00;
	v7 =	vor.u32 $0xA0B, v3  }
0x2f7: {  	v36 =	vor.u32 $0xA0D, v3;
	v41 =	vor.u32 $0xA10, v3;
	vm10 =	vgt.f32 v5, $0.0e+00;
	v5 =	vld.idx.msk [tilespmem:v27+s13+$0x0], $0xffff  }
0x2f8: {  	v52 =	vor.u32 $0xA15, v3;
	v55 =	vor.u32 $0xA17, v3;
	v47 =	vor.u32 $0xA13, v3;
	v11 =	vld.idx.msk [tilespmem:v24+s13+$0x0], $0xffff  }
0x2f9: {  	v49 =	vor.u32 $0xA14, v3;
	v57 =	vor.u32 $0xA18, v3;
	v59 =	vor.u32 $0xA1A, v3  }
0x2fa: {  	v61 =	vor.u32 $0xA1B, v3;
	vm7 =	vgt.f32 v9, $0.0e+00;
	vm12 =	vgt.f32 v6, $0.0e+00;
	v6 =	vld.idx.msk [tilespmem:v31+s13+$0x0], $0xffff  }
0x2fb: {  	v26 =	vsel vm5, $0x1, v4;
	v30 =	vsel vm7, $0x4, v4;
	v28 =	vsel vm6, $0x2, v4;
	v7 =	vld.idx.msk [tilespmem:v7+s13+$0x0], $0xffff  }
0x2fc: {  	v40 =	vld.idx.msk [tilespmem:v35+s13+$0x0], $0xffff;
	v8 =	vor.u32 v26, v28;
	vm13 =	vgt.f32 v5, $0.0e+00;
	v5 =	vor.u32 $0xA0F, v3  }
0x2fd: {  	v9 =	vld.idx.msk [tilespmem:v29+s13+$0x0], $0xffff;
	vm11 =	vgt.f32 v11, $0.0e+00;
	v8 =	vor.u32 v30, v8;
	v32 =	vsel vm8, $0x8, v4  }
0x2fe: {  	v11 =	vsel vm11, $0x40, v4;
	v8 =	vor.u32 v32, v8;
	v33 =	vsel vm9, $0x10, v4  }
0x2ff: {  	v8 =	vor.u32 v33, v8;
	v34 =	vsel vm10, $0x20, v4;
	vm15 =	vgt.f32 v6, $0.0e+00;
	v6 =	vld.idx.msk [tilespmem:v37+s13+$0x0], $0xffff  }
0x300: {  	v10 =	vld.idx.msk [tilespmem:v36+s13+$0x0], $0xffff;
	v8 =	vor.u32 v34, v8;
	vm4 =	vgt.f32 v7, $0.0e+00;
	v7 =	vor.u32 $0xA12, v3  }
0x301: {  	vm5 =	vgt.f32 v40, $0.0e+00;
	v8 =	vor.u32 v11, v8;
	v38 =	vsel vm12, $0x80, v4;
	v5 =	vld.idx.msk [tilespmem:v5+s13+$0x0], $0xffff  }
0x302: {  	vm14 =	vgt.f32 v9, $0.0e+00;
	v8 =	vor.u32 v38, v8;
	v39 =	vsel vm13, $0x100, v4  }
0x303: {  	v46 =	vld.idx.msk [tilespmem:v41+s13+$0x0], $0xffff;
	v48 =	vsel vm5, $0x1000, v4;
	v42 =	vsel vm14, $0x200, v4;
	v8 =	vor.u32 v39, v8  }
0x304: {  	v8 =	vor.u32 v42, v8;
	v44 =	vsel vm15, $0x400, v4;
	vm7 =	vgt.f32 v6, $0.0e+00;
	v6 =	vld.idx.msk [tilespmem:v43+s13+$0x0], $0xffff  }
0x305: {  	vm6 =	vgt.f32 v10, $0.0e+00;
	v8 =	vor.u32 v44, v8;
	v45 =	vsel vm4, $0x800, v4;
	v7 =	vld.idx.msk [tilespmem:v7+s13+$0x0], $0xffff  }
0x306: {  	v8 =	vor.u32 v45, v8;
	vm8 =	vgt.f32 v5, $0.0e+00;
	v5 =	vor.u32 $0xA16, v3  }
0x307: {  	v63 =	vor.u32 $0xA1C, v3;
	v50 =	vsel vm6, $0x2000, v4;
	v8 =	vor.u32 v48, v8  }
0x308: {  	v20 =	vor.u32 $0xA1D, v3;
	v54 =	vld.idx.msk [tilespmem:v47+s13+$0x0], $0xffff;
	vm9 =	vgt.f32 v46, $0.0e+00;
	v8 =	vor.u32 v50, v8  }
0x309: {  	v10 =	vld.idx.msk [tilespmem:v49+s13+$0x0], $0xffff;
	v51 =	vsel vm7, $0x4000, v4;
	vm10 =	vgt.f32 v6, $0.0e+00;
	v6 =	vor.u32 $0xA19, v3  }
0x30a: {  	v8 =	vor.u32 v51, v8;
	v53 =	vsel vm8, $0x8000, v4;
	vm11 =	vgt.f32 v7, $0.0e+00;
	v7 =	vld.idx.msk [tilespmem:v52+s13+$0x0], $0xffff  }
0x30b: {  	v24 =	vor.u32 $0xA1F, v3;
	v56 =	vsel vm9, $0x10000, v4;
	v8 =	vor.u32 v53, v8;
	v5 =	vld.idx.msk [tilespmem:v5+s13+$0x0], $0xffff  }
0x30c: {  	v62 =	vld.idx.msk [tilespmem:v55+s13+$0x0], $0xffff;
	v22 =	vor.u32 $0xA1E, v3;
	v8 =	vor.u32 v56, v8;
	v58 =	vsel vm10, $0x20000, v4  }
0x30d: {  	v19 =	vld.idx.msk [tilespmem:v57+s13+$0x0], $0xffff;
	vm12 =	vgt.f32 v54, $0.0e+00;
	v8 =	vor.u32 v58, v8;
	v60 =	vsel vm11, $0x40000, v4  }
0x30e: {  	v18 =	vsel vm12, $0x80000, v4;
	vm13 =	vgt.f32 v10, $0.0e+00;
	v8 =	vor.u32 v60, v8;
	v6 =	vld.idx.msk [tilespmem:v6+s13+$0x0], $0xffff  }
0x30f: {  	v21 =	vsel vm13, $0x100000, v4;
	v8 =	vor.u32 v18, v8;
	vm14 =	vgt.f32 v7, $0.0e+00;
	v7 =	vld.idx.msk [tilespmem:v59+s13+$0x0], $0xffff  }
0x310: {  	v8 =	vor.u32 v21, v8;
	v23 =	vsel vm14, $0x200000, v4;
	vm15 =	vgt.f32 v5, $0.0e+00;
	v5 =	vld.idx.msk [tilespmem:v61+s13+$0x0], $0xffff  }
0x311: {  	v26 =	vld.idx.msk [tilespmem:v63+s13+$0x0], $0xffff;
	vm4 =	vgt.f32 v62, $0.0e+00;
	v8 =	vor.u32 v23, v8;
	v25 =	vsel vm15, $0x400000, v4  }
0x312: {  	vm5 =	vgt.f32 v19, $0.0e+00;
	v28 =	vld.idx.msk [tilespmem:v20+s13+$0x0], $0xffff;
	v27 =	vsel vm4, $0x800000, v4;
	v8 =	vor.u32 v25, v8  }
0x313: {  	v29 =	vsel vm5, $0x1000000, v4;
	v8 =	vor.u32 v27, v8;
	vm6 =	vgt.f32 v6, $0.0e+00  }
0x314: {  	v6 =	vor.u32 v29, v8;
	v30 =	vsel vm6, $0x2000000, v4;
	vm7 =	vgt.f32 v7, $0.0e+00;
	v7 =	vld.idx.msk [tilespmem:v22+s13+$0x0], $0xffff  }
0x315: {  	v6 =	vor.u32 v30, v6;
	v31 =	vsel vm7, $0x4000000, v4;
	vm8 =	vgt.f32 v5, $0.0e+00;
	v5 =	vld.idx.msk [tilespmem:v24+s13+$0x0], $0xffff  }
0x316: {  	vm9 =	vgt.f32 v26, $0.0e+00;
	v6 =	vor.u32 v31, v6;
	v32 =	vsel vm8, $0x8000000, v4  }
0x317: {  	v33 =	vsel vm9, $0x10000000, v4;
	vm10 =	vgt.f32 v28, $0.0e+00;
	v6 =	vor.u32 v32, v6  }
0x318: {  	v34 =	vsel vm10, $0x20000000, v4;
	v6 =	vor.u32 v33, v6  }
0x319: {  	v6 =	vor.u32 v34, v6;
	vm11 =	vgt.f32 v7, $0.0e+00;
	v7 =	vor.u32 $0xC00, v3  }
0x31a: {  	v35 =	vsel vm11, $0x40000000, v4;
	vm12 =	vgt.f32 v5, $0.0e+00;
	v5 =	vor.u32 $0xC01, v3  }
0x31b: {  	v6 =	vor.u32 v35, v6;
	v36 =	vsel vm12, $0x80000000, v4  }
0x31c: {  	v6 =	vor.u32 v36, v6  }
0x31d: {  	[tilespmem:$0x5DD0] =	vst v6;
	v6 =	vor.u32 $0xC03, v3  }
0x31e: {  	v38 =	vor.u32 $0xC04, v3;
	v7 =	vld.idx.msk [tilespmem:v7+s13+$0x0], $0xffff  }
0x31f: {  	v39 =	vor.u32 $0xC05, v3;
	v5 =	vld.idx.msk [tilespmem:v5+s13+$0x0], $0xffff;
	_ =	sdelay $0x1  }
0x320: {  	v37 =	vor.u32 $0xC02, v3  }
0x321: {  	v41 =	vor.u32 $0xC07, v3;
	v6 =	vld.idx.msk [tilespmem:v6+s13+$0x0], $0xffff  }
0x322: {  	vm13 =	vgt.f32 v7, $0.0e+00;
	v7 =	vld.idx.msk [tilespmem:v38+s13+$0x0], $0xffff  }
0x323: {  	v43 =	vor.u32 $0xC08, v3;
	vm14 =	vgt.f32 v5, $0.0e+00;
	v5 =	vld.idx.msk [tilespmem:v39+s13+$0x0], $0xffff  }
0x324: {  	v40 =	vor.u32 $0xC06, v3  }
0x325: {  	v17 =	vor.u32 $0xC14, v3;
	v47 =	vor.u32 $0xC0A, v3;
	v9 =	vld.idx.msk [tilespmem:v37+s13+$0x0], $0xffff  }
0x326: {  	v57 =	vor.u32 $0xC10, v3;
	v63 =	vor.u32 $0xC13, v3;
	vm4 =	vgt.f32 v6, $0.0e+00;
	v6 =	vld.idx.msk [tilespmem:v41+s13+$0x0], $0xffff  }
0x327: {  	v20 =	vor.u32 $0xC15, v3;
	vm5 =	vgt.f32 v7, $0.0e+00;
	v7 =	vor.u32 $0xC0B, v3  }
0x328: {  	v45 =	vor.u32 $0xC09, v3;
	v51 =	vor.u32 $0xC0C, v3;
	vm6 =	vgt.f32 v5, $0.0e+00;
	v5 =	vld.idx.msk [tilespmem:v43+s13+$0x0], $0xffff  }
0x329: {  	v53 =	vor.u32 $0xC0E, v3;
	v52 =	vor.u32 $0xC0D, v3;
	v59 =	vor.u32 $0xC11, v3;
	v11 =	vld.idx.msk [tilespmem:v40+s13+$0x0], $0xffff  }
0x32a: {  	v23 =	vor.u32 $0xC17, v3;
	v25 =	vor.u32 $0xC18, v3;
	v27 =	vor.u32 $0xC1A, v3  }
0x32b: {  	v29 =	vor.u32 $0xC1B, v3;
	vm15 =	vgt.f32 v9, $0.0e+00;
	vm8 =	vgt.f32 v6, $0.0e+00;
	v6 =	vld.idx.msk [tilespmem:v47+s13+$0x0], $0xffff  }
0x32c: {  	v42 =	vsel vm13, $0x1, v4;
	v46 =	vsel vm15, $0x4, v4;
	v44 =	vsel vm14, $0x2, v4;
	v7 =	vld.idx.msk [tilespmem:v7+s13+$0x0], $0xffff  }
0x32d: {  	v56 =	vld.idx.msk [tilespmem:v51+s13+$0x0], $0xffff;
	v8 =	vor.u32 v42, v44;
	vm9 =	vgt.f32 v5, $0.0e+00;
	v5 =	vor.u32 $0xC0F, v3  }
0x32e: {  	v9 =	vld.idx.msk [tilespmem:v45+s13+$0x0], $0xffff;
	vm7 =	vgt.f32 v11, $0.0e+00;
	v8 =	vor.u32 v46, v8;
	v48 =	vsel vm4, $0x8, v4  }
0x32f: {  	v11 =	vsel vm7, $0x40, v4;
	v8 =	vor.u32 v48, v8;
	v49 =	vsel vm5, $0x10, v4  }
0x330: {  	v8 =	vor.u32 v49, v8;
	v50 =	vsel vm6, $0x20, v4;
	vm11 =	vgt.f32 v6, $0.0e+00;
	v6 =	vld.idx.msk [tilespmem:v53+s13+$0x0], $0xffff  }
0x331: {  	v10 =	vld.idx.msk [tilespmem:v52+s13+$0x0], $0xffff;
	v8 =	vor.u32 v50, v8;
	vm12 =	vgt.f32 v7, $0.0e+00;
	v7 =	vor.u32 $0xC12, v3  }
0x332: {  	vm13 =	vgt.f32 v56, $0.0e+00;
	v8 =	vor.u32 v11, v8;
	v54 =	vsel vm8, $0x80, v4;
	v5 =	vld.idx.msk [tilespmem:v5+s13+$0x0], $0xffff  }
0x333: {  	vm10 =	vgt.f32 v9, $0.0e+00;
	v8 =	vor.u32 v54, v8;
	v55 =	vsel vm9, $0x100, v4  }
0x334: {  	v62 =	vld.idx.msk [tilespmem:v57+s13+$0x0], $0xffff;
	v16 =	vsel vm13, $0x1000, v4;
	v58 =	vsel vm10, $0x200, v4;
	v8 =	vor.u32 v55, v8  }
0x335: {  	v8 =	vor.u32 v58, v8;
	v60 =	vsel vm11, $0x400, v4;
	vm15 =	vgt.f32 v6, $0.0e+00;
	v6 =	vld.idx.msk [tilespmem:v59+s13+$0x0], $0xffff  }
0x336: {  	vm14 =	vgt.f32 v10, $0.0e+00;
	v8 =	vor.u32 v60, v8;
	v61 =	vsel vm12, $0x800, v4;
	v7 =	vld.idx.msk [tilespmem:v7+s13+$0x0], $0xffff  }
0x337: {  	v8 =	vor.u32 v61, v8;
	vm4 =	vgt.f32 v5, $0.0e+00;
	v5 =	vor.u32 $0xC16, v3  }
0x338: {  	v31 =	vor.u32 $0xC1C, v3;
	v18 =	vsel vm14, $0x2000, v4;
	v8 =	vor.u32 v16, v8  }
0x339: {  	v34 =	vor.u32 $0xC1D, v3;
	v22 =	vld.idx.msk [tilespmem:v63+s13+$0x0], $0xffff;
	vm5 =	vgt.f32 v62, $0.0e+00;
	v8 =	vor.u32 v18, v8  }
0x33a: {  	v10 =	vld.idx.msk [tilespmem:v17+s13+$0x0], $0xffff;
	v19 =	vsel vm15, $0x4000, v4;
	vm6 =	vgt.f32 v6, $0.0e+00;
	v6 =	vor.u32 $0xC19, v3  }
0x33b: {  	v8 =	vor.u32 v19, v8;
	v21 =	vsel vm4, $0x8000, v4;
	vm7 =	vgt.f32 v7, $0.0e+00;
	v7 =	vld.idx.msk [tilespmem:v20+s13+$0x0], $0xffff  }
0x33c: {  	v36 =	vor.u32 $0xC1E, v3;
	v24 =	vsel vm5, $0x10000, v4;
	v8 =	vor.u32 v21, v8;
	v5 =	vld.idx.msk [tilespmem:v5+s13+$0x0], $0xffff  }
0x33d: {  	v30 =	vld.idx.msk [tilespmem:v23+s13+$0x0], $0xffff;
	v38 =	vor.u32 $0xC1F, v3;
	v8 =	vor.u32 v24, v8;
	v26 =	vsel vm6, $0x20000, v4  }
0x33e: {  	v33 =	vld.idx.msk [tilespmem:v25+s13+$0x0], $0xffff;
	vm8 =	vgt.f32 v22, $0.0e+00;
	v8 =	vor.u32 v26, v8;
	v28 =	vsel vm7, $0x40000, v4  }
0x33f: {  	v32 =	vsel vm8, $0x80000, v4;
	vm9 =	vgt.f32 v10, $0.0e+00;
	v8 =	vor.u32 v28, v8;
	v6 =	vld.idx.msk [tilespmem:v6+s13+$0x0], $0xffff  }
0x340: {  	v35 =	vsel vm9, $0x100000, v4;
	v8 =	vor.u32 v32, v8;
	vm10 =	vgt.f32 v7, $0.0e+00;
	v7 =	vld.idx.msk [tilespmem:v27+s13+$0x0], $0xffff  }
0x341: {  	v8 =	vor.u32 v35, v8;
	v37 =	vsel vm10, $0x200000, v4;
	vm11 =	vgt.f32 v5, $0.0e+00;
	v5 =	vld.idx.msk [tilespmem:v29+s13+$0x0], $0xffff  }
0x342: {  	v40 =	vld.idx.msk [tilespmem:v31+s13+$0x0], $0xffff;
	vm12 =	vgt.f32 v30, $0.0e+00;
	v8 =	vor.u32 v37, v8;
	v39 =	vsel vm11, $0x400000, v4  }
0x343: {  	vm13 =	vgt.f32 v33, $0.0e+00;
	v42 =	vld.idx.msk [tilespmem:v34+s13+$0x0], $0xffff;
	v41 =	vsel vm12, $0x800000, v4;
	v8 =	vor.u32 v39, v8  }
0x344: {  	v43 =	vsel vm13, $0x1000000, v4;
	v8 =	vor.u32 v41, v8;
	vm14 =	vgt.f32 v6, $0.0e+00  }
0x345: {  	v6 =	vor.u32 v43, v8;
	v44 =	vsel vm14, $0x2000000, v4;
	vm15 =	vgt.f32 v7, $0.0e+00;
	v7 =	vld.idx.msk [tilespmem:v36+s13+$0x0], $0xffff  }
0x346: {  	v6 =	vor.u32 v44, v6;
	v45 =	vsel vm15, $0x4000000, v4;
	vm4 =	vgt.f32 v5, $0.0e+00;
	v5 =	vld.idx.msk [tilespmem:v38+s13+$0x0], $0xffff  }
0x347: {  	vm5 =	vgt.f32 v40, $0.0e+00;
	v6 =	vor.u32 v45, v6;
	v46 =	vsel vm4, $0x8000000, v4  }
0x348: {  	v47 =	vsel vm5, $0x10000000, v4;
	vm6 =	vgt.f32 v42, $0.0e+00;
	v6 =	vor.u32 v46, v6  }
0x349: {  	v48 =	vsel vm6, $0x20000000, v4;
	v6 =	vor.u32 v47, v6  }
0x34a: {  	v6 =	vor.u32 v48, v6;
	vm7 =	vgt.f32 v7, $0.0e+00  }
0x34b: {  	v49 =	vsel vm7, $0x40000000, v4;
	vm8 =	vgt.f32 v5, $0.0e+00;
	v5 =	vor.u32 $0xE01, v3  }
0x34c: {  	v6 =	vor.u32 v49, v6;
	v50 =	vsel vm8, $0x80000000, v4  }
0x34d: {  	v6 =	vor.u32 v50, v6  }
0x34e: {  	[tilespmem:$0x5DE0] =	vst v6;
	v6 =	vor.u32 $0xE03, v3;
	_ =	sdelay $0x1  }
0x34f: {  	v5 =	vld.idx.msk [tilespmem:v5+s13+$0x0], $0xffff  }
0x350: {  	v7 =	vor.u32 $0xE00, v3  }
0x351: {  	v51 =	vor.u32 $0xE02, v3  }
0x352: {  	v52 =	vor.u32 $0xE04, v3;
	v6 =	vld.idx.msk [tilespmem:v6+s13+$0x0], $0xffff  }
0x353: {  	v53 =	vor.u32 $0xE05, v3  }
0x354: {  	vm1 =	vgt.f32 v5, $0.0e+00;
	v5 =	vor.u32 $0xE08, v3  }
0x355: {  	v63 =	vor.u32 $0xE0B, v3;
	v54 =	vor.u32 $0xE06, v3;
	v7 =	vld.idx.msk [tilespmem:v7+s13+$0x0], $0xffff  }
0x356: {  	v23 =	vor.u32 $0xE0F, v3;
	v31 =	vor.u32 $0xE13, v3;
	v40 =	vor.u32 $0xE17, v3;
	v8 =	vld.idx.msk [tilespmem:v51+s13+$0x0], $0xffff  }
0x357: {  	v55 =	vor.u32 $0xE07, v3;
	v9 =	vld.idx.msk [tilespmem:v52+s13+$0x0], $0xffff;
	vm11 =	vgt.f32 v6, $0.0e+00;
	v6 =	vor.u32 $0xE0A, v3  }
0x358: {  	v58 =	vor.u32 $0xE09, v3;
	v16 =	vor.u32 $0xE0C, v3;
	v19 =	vor.u32 $0xE0D, v3;
	v10 =	vld.idx.msk [tilespmem:v53+s13+$0x0], $0xffff  }
0x359: {  	v21 =	vor.u32 $0xE0E, v3;
	v26 =	vor.u32 $0xE10, v3;
	v35 =	vor.u32 $0xE14, v3;
	v5 =	vld.idx.msk [tilespmem:v5+s13+$0x0], $0xffff  }
0x35a: {  	v29 =	vor.u32 $0xE12, v3;
	v41 =	vor.u32 $0xE18, v3;
	v36 =	vor.u32 $0xE15, v3;
	v57 =	vld.idx.msk [tilespmem:v54+s13+$0x0], $0xffff  }
0x35b: {  	v43 =	vor.u32 $0xE19, v3;
	v38 =	vor.u32 $0xE16, v3;
	v45 =	vor.u32 $0xE1A, v3  }
0x35c: {  	v46 =	vor.u32 $0xE1B, v3;
	v49 =	vor.u32 $0xE1C, v3;
	vm9 =	vgt.f32 v7, $0.0e+00;
	v6 =	vld.idx.msk [tilespmem:v6+s13+$0x0], $0xffff  }
0x35d: {  	v61 =	vld.idx.msk [tilespmem:v55+s13+$0x0], $0xffff;
	vm10 =	vgt.f32 v8, $0.0e+00;
	vm12 =	vgt.f32 v9, $0.0e+00;
	vm13 =	vgt.f32 v10, $0.0e+00  }
0x35e: {  	v7 =	vsel vm9, $0x1, v4;
	v56 =	vsel vm1, $0x2, v4;
	vm4 =	vgt.f32 v5, $0.0e+00;
	v5 =	vld.idx.msk [tilespmem:v63+s13+$0x0], $0xffff  }
0x35f: {  	vm14 =	vgt.f32 v57, $0.0e+00;
	v59 =	vsel vm10, $0x4, v4;
	v7 =	vor.u32 v7, v56  }
0x360: {  	v18 =	vld.idx.msk [tilespmem:v58+s13+$0x0], $0xffff;
	v62 =	vsel vm12, $0x10, v4;
	v7 =	vor.u32 v59, v7;
	v60 =	vsel vm11, $0x8, v4  }
0x361: {  	v7 =	vor.u32 v60, v7;
	vm6 =	vgt.f32 v6, $0.0e+00;
	v6 =	vor.u32 $0xE11, v3  }
0x362: {  	vm15 =	vgt.f32 v61, $0.0e+00;
	v10 =	vld.idx.msk [tilespmem:v16+s13+$0x0], $0xffff;
	v17 =	vsel vm13, $0x20, v4;
	v7 =	vor.u32 v62, v7  }
0x363: {  	v20 =	vsel vm14, $0x40, v4;
	v7 =	vor.u32 v17, v7;
	vm7 =	vgt.f32 v5, $0.0e+00;
	v5 =	vld.idx.msk [tilespmem:v23+s13+$0x0], $0xffff  }
0x364: {  	v25 =	vld.idx.msk [tilespmem:v19+s13+$0x0], $0xffff;
	v51 =	vor.u32 $0xE1E, v3;
	v22 =	vsel vm15, $0x80, v4;
	v7 =	vor.u32 v20, v7  }
0x365: {  	vm5 =	vgt.f32 v18, $0.0e+00;
	v9 =	vld.idx.msk [tilespmem:v21+s13+$0x0], $0xffff;
	v7 =	vor.u32 v22, v7;
	v24 =	vsel vm4, $0x100, v4  }
0x366: {  	v54 =	vor.u32 $0xE1F, v3;
	v27 =	vsel vm5, $0x200, v4;
	v7 =	vor.u32 v24, v7;
	v6 =	vld.idx.msk [tilespmem:v6+s13+$0x0], $0xffff  }
0x367: {  	v33 =	vld.idx.msk [tilespmem:v26+s13+$0x0], $0xffff;
	vm8 =	vgt.f32 v10, $0.0e+00;
	v7 =	vor.u32 v27, v7;
	v28 =	vsel vm6, $0x400, v4  }
0x368: {  	v7 =	vor.u32 v28, v7;
	v30 =	vsel vm7, $0x800, v4;
	vm11 =	vgt.f32 v5, $0.0e+00;
	v5 =	vld.idx.msk [tilespmem:v29+s13+$0x0], $0xffff  }
0x369: {  	vm9 =	vgt.f32 v25, $0.0e+00;
	v32 =	vsel vm8, $0x1000, v4;
	v7 =	vor.u32 v30, v7  }
0x36a: {  	v34 =	vsel vm9, $0x2000, v4;
	vm10 =	vgt.f32 v9, $0.0e+00;
	v10 =	vld.idx.msk [tilespmem:v31+s13+$0x0], $0xffff;
	v7 =	vor.u32 v32, v7  }
0x36b: {  	v37 =	vsel vm10, $0x4000, v4;
	v7 =	vor.u32 v34, v7;
	vm13 =	vgt.f32 v6, $0.0e+00;
	v6 =	vld.idx.msk [tilespmem:v35+s13+$0x0], $0xffff  }
0x36c: {  	vm12 =	vgt.f32 v33, $0.0e+00;
	v9 =	vld.idx.msk [tilespmem:v36+s13+$0x0], $0xffff;
	v7 =	vor.u32 v37, v7;
	v39 =	vsel vm11, $0x8000, v4  }
0x36d: {  	v42 =	vsel vm12, $0x10000, v4;
	v7 =	vor.u32 v39, v7;
	vm14 =	vgt.f32 v5, $0.0e+00;
	v5 =	vld.idx.msk [tilespmem:v38+s13+$0x0], $0xffff  }
0x36e: {  	v48 =	vld.idx.msk [tilespmem:v40+s13+$0x0], $0xffff;
	v16 =	vor.u32 $0xE1D, v3;
	v7 =	vor.u32 v42, v7;
	v44 =	vsel vm13, $0x20000, v4  }
0x36f: {  	v8 =	vld.idx.msk [tilespmem:v41+s13+$0x0], $0xffff;
	vm15 =	vgt.f32 v10, $0.0e+00;
	v7 =	vor.u32 v44, v7;
	v47 =	vsel vm14, $0x40000, v4  }
0x370: {  	v50 =	vsel vm15, $0x80000, v4;
	v7 =	vor.u32 v47, v7;
	vm4 =	vgt.f32 v6, $0.0e+00;
	v6 =	vld.idx.msk [tilespmem:v43+s13+$0x0], $0xffff  }
0x371: {  	v53 =	vld.idx.msk [tilespmem:v45+s13+$0x0], $0xffff;
	vm5 =	vgt.f32 v9, $0.0e+00;
	v7 =	vor.u32 v50, v7;
	v52 =	vsel vm4, $0x100000, v4  }
0x372: {  	v55 =	vsel vm5, $0x200000, v4;
	v7 =	vor.u32 v52, v7;
	vm6 =	vgt.f32 v5, $0.0e+00;
	v5 =	vld.idx.msk [tilespmem:v46+s13+$0x0], $0xffff  }
0x373: {  	v57 =	vld.idx.msk [tilespmem:v49+s13+$0x0], $0xffff;
	vm7 =	vgt.f32 v48, $0.0e+00;
	v7 =	vor.u32 v55, v7;
	v56 =	vsel vm6, $0x400000, v4  }
0x374: {  	v59 =	vld.idx.msk [tilespmem:v16+s13+$0x0], $0xffff;
	vm8 =	vgt.f32 v8, $0.0e+00;
	v58 =	vsel vm7, $0x800000, v4;
	v7 =	vor.u32 v56, v7  }
0x375: {  	v60 =	vsel vm8, $0x1000000, v4;
	v7 =	vor.u32 v58, v7;
	vm9 =	vgt.f32 v6, $0.0e+00;
	v6 =	vld.idx.msk [tilespmem:v51+s13+$0x0], $0xffff  }
0x376: {  	vm10 =	vgt.f32 v53, $0.0e+00;
	v62 =	vld.idx.msk [tilespmem:v54+s13+$0x0], $0xffff;
	v7 =	vor.u32 v60, v7;
	v61 =	vsel vm9, $0x2000000, v4  }
0x377: {  	v63 =	vsel vm10, $0x4000000, v4;
	v7 =	vor.u32 v61, v7;
	vm11 =	vgt.f32 v5, $0.0e+00  }
0x378: {  	vm12 =	vgt.f32 v57, $0.0e+00;
	v5 =	vor.u32 v63, v7;
	v7 =	vsel vm11, $0x8000000, v4  }
0x379: {  	vm13 =	vgt.f32 v59, $0.0e+00;
	v5 =	vor.u32 v7, v5;
	v7 =	vsel vm12, $0x10000000, v4  }
0x37a: {  	v5 =	vor.u32 v7, v5;
	v7 =	vsel vm13, $0x20000000, v4;
	vm14 =	vgt.f32 v6, $0.0e+00  }
0x37b: {  	vm15 =	vgt.f32 v62, $0.0e+00;
	v5 =	vor.u32 v7, v5;
	v6 =	vsel vm14, $0x40000000, v4  }
0x37c: {  	v5 =	vor.u32 v6, v5;
	v6 =	vsel vm15, $0x80000000, v4  }
0x37d: {  	s2 =	sshra.s32 s1, $0x2;
	p0 =	sne.s32 s1, $0xE00;
	v5 =	vor.u32 v6, v5  }
.Ltmp3:
0x37e: {  	s2 =	sadd.s32 s2, s19;
	[tilespmem:$0x5DF0] =	vst v5;
	(pc) =	sbr.rel @p0 .LBB2_8-.Ltmp3, $4  }
0x37f: {  	[spmem:s2] =	stream.linear.scatter [tilespmem:s17], [sflag:$0x1], $0x80, $0x38;
	[tilespmem:$0x14208] =	vst v63  }
0x380: {  	_ =	swait.ge [sflag:s12], $0x80  }
0x381: {  	[sflag:s12] =	ssyncset.done $0x0  }
0x382: {  	s8 =	sadd.s32 $0x1000, s8;
	s1 =	sadd.s32 $0x200, s1;
	[sflag:s12] =	ssyncadd.s32 $0xFFFFFF80  }
0x383: {  	[bflag:$0x0] =	sbarrier.arrive $0xFFFF  }
0x384: {  	s1 =	rddreg [dreg:$0x5]  }
0x385: {  	[tilespmem:s18], [sflag:$0x1] =	stream.linear.gather [spmem:s1], $0x4000, $0x38;
	[tilespmem:$0x14208] =	vst v63  }
0x386: {  	_ =	swait.ge [sflag:s12], $0x4000  }
0x387: {  	[sflag:s12] =	ssyncset.done $0x0  }
0x388: {  	[sflag:s12] =	ssyncadd.s32 $0xFFFFC000  }
0x389: {  	v6 =	vld [tilespmem:s20+$0x4AB0]  }
0x38a: {  	v9 =	vld [tilespmem:s20+$0x4AD0]  }
0x38b: {  	v8 =	vld [tilespmem:s20+$0x4AC0];
	_ =	sdelay $0x2  }
0x38c: {  	v5 =	vld [tilespmem:s20+$0x4AE0]  }
0x38d: {  	v7 =	vtrunc.f32 v6;
	v6 =	vld [tilespmem:s20+$0x4AF0];
	v9 =	vtrunc.f32 v9  }
0x38e: {  	v10 =	vtrunc.f32 v8;
	v13 =	vcvt.f32.s32 v9;
	v9 =	vld [tilespmem:s20+$0x4B20]  }
0x38f: {  	v11 =	vcvt.f32.s32 v7;
	v12 =	vcvt.f32.s32 v10;
	v10 =	vld [tilespmem:s20+$0x4B30]  }
0x390: {  	v8 =	vld [tilespmem:s20+$0x4B10]  }
0x391: {  	s8 =	simm.s32 $0x0;
	s1 =	simm.s32 $0x0;
	v7 =	vld [tilespmem:s20+$0x4B00];
	v11 =	vadd.s32 $0xFFFFFFFF, v11;
	v12 =	vadd.s32 $0xFFFFFFFF, v12;
	v13 =	vadd.s32 $0xFFFFFFFF, v13  }
.LBB2_10:
0x392: {  	s2 =	sshll.u32 s8, $0xB  }
0x393: {  	s2 =	sadd.s32 s23, s2  }
0x394: {  	s4 =	sor.u32 s22, s2  }
0x395: {  	s4 =	sshrl.u32 s4, $0x3  }
0x396: {  	s4 =	sadd.s32 s0, s4  }
0x397: {  	[tilespmem:s24], [sflag:$0x1] =	stream.linear.gather [hbm4b:s4+s1], $0x800, $0x38;
	[tilespmem:$0x14208] =	vst v63  }
0x398: {  	s6 =	sadd.s32 s26, s2;
	_ =	swait.ge [sflag:s12], $0x800  }
0x399: {  	s4 =	sshrl.u32 s6, $0x3;
	[sflag:s12] =	ssyncset.done $0x0  }
0x39a: {  	s4 =	sadd.s32 s0, s4;
	[sflag:s12] =	ssyncadd.s32 $0xFFFFF800  }
0x39b: {  	[tilespmem:s25], [sflag:$0x1] =	stream.linear.gather [hbm4b:s4+s1], $0x800, $0x38;
	[tilespmem:$0x14208] =	vst v63  }
0x39c: {  	s10 =	sadd.s32 s28, s2;
	_ =	swait.ge [sflag:s12], $0x800  }
0x39d: {  	s4 =	sshrl.u32 s10, $0x3;
	[sflag:s12] =	ssyncset.done $0x0  }
0x39e: {  	s4 =	sadd.s32 s0, s4;
	[sflag:s12] =	ssyncadd.s32 $0xFFFFF800  }
0x39f: {  	[tilespmem:s29], [sflag:$0x1] =	stream.linear.gather [hbm4b:s4+s1], $0x800, $0x38;
	[tilespmem:$0x14208] =	vst v63  }
0x3a0: {  	_ =	swait.ge [sflag:s12], $0x800  }
0x3a1: {  	[sflag:s12] =	ssyncset.done $0x0  }
0x3a2: {  	s6 =	simm.s32 $0x0;
	[sflag:s12] =	ssyncadd.s32 $0xFFFFF800  }
0x3a3: {  	v14 =	vld [tilespmem:s6+$0xAE00]  }
0x3a4: {  	v15 =	vld [tilespmem:s6+$0xA600]  }
0x3a5: {  	v16 =	vld [tilespmem:s6+$0x9E00];
	_ =	sdelay $0x3  }
0x3a6: {  	v15 =	vsub.f32 v15, v6;
	v14 =	vsub.f32 v14, v7  }
0x3a7: {  	v16 =	vsub.f32 v16, v5  }
0x3a8: {  	v15 =	vmul.f32 v15, v9;
	v14 =	vmul.f32 v14, v10  }
0x3a9: {  	v16 =	vmul.f32 v16, v8  }
0x3aa: {  	v17 =	vtrunc.f32 v15;
	v18 =	vtrunc.f32 v14  }
0x3ab: {  	v19 =	vtrunc.f32 v16;
	v20 =	vcvt.f32.s32 v18  }
0x3ac: {  	vm0 =	vlt.f32 v14, v18;
	v18 =	vcvt.f32.s32 v19;
	vm1 =	vlt.f32 v16, v19  }
0x3ad: {  	v21 =	vcvt.f32.s32 v17;
	vm2 =	vlt.f32 v15, v17;
	v17 =	vsel vm1, $0xFFFFFFFF, v4  }
0x3ae: {  	v19 =	vsel vm0, $0xFFFFFFFF, v4;
	v17 =	vadd.s32 v18, v17;
	v18 =	vsel vm2, $0xFFFFFFFF, v4  }
0x3af: {  	v19 =	vadd.s32 v20, v19;
	v18 =	vadd.s32 v21, v18  }
0x3b0: {  	v20 =	vcvt.s32.f32 v17;
	v21 =	vcvt.s32.f32 v19;
	v23 =	vadd.s32 $0x1, v17  }
0x3b1: {  	vm10 =	vgt.s32 v19, $0x0;
	v25 =	vadd.s32 $0x1, v19;
	vm11 =	vgt.s32 v17, $0x0  }
0x3b2: {  	v22 =	vcvt.s32.f32 v18;
	v24 =	vadd.s32 $0x1, v18;
	vm9 =	vgt.s32 v18, $0x0  }
0x3b3: {  	vm3 =	vgt.s32 v23, $0x0;
	v17 =	vnsel vm11, $0x0, v17;
	v19 =	vnsel vm10, $0x0, v19  }
0x3b4: {  	vm12 =	vgt.s32 v25, $0x0;
	vm4 =	vgt.s32 v24, $0x0;
	v14 =	vsub.f32 v14, v21  }
0x3b5: {  	vm2 =	vlt.s32 v17, v11;
	v18 =	vnsel vm9, $0x0, v18;
	v21 =	vnsel vm3, $0x0, v23  }
0x3b6: {  	vm13 =	vlt.s32 v19, v13;
	v50 =	vnsel vm12, $0x0, v25;
	v20 =	vsub.f32 v16, v20  }
0x3b7: {  	v17 =	vsel vm2, v17, v11;
	vm0 =	vlt.s32 v18, v12;
	v23 =	vnsel vm4, $0x0, v24  }
0x3b8: {  	v19 =	vsel vm13, v19, v13;
	v18 =	vsel vm0, v18, v12;
	v17 =	vshll.u32 v17, $0xC  }
0x3b9: {  	vm1 =	vlt.s32 v50, v13;
	v17 =	vadd.s32 v0, v17;
	v18 =	vshll.u32 v18, $0x6  }
0x3ba: {  	vm15 =	vlt.s32 v21, v11;
	vm14 =	vlt.s32 v23, v12;
	v51 =	vadd.s32 v18, v17  }
0x3bb: {  	s10 =	simm.s32 $0x10;
	v24 =	vsel vm1, v50, v13;
	v23 =	vsel vm14, v23, v12;
	v26 =	vadd.s32 v19, v51  }
0x3bc: {  	v27 =	vld [tilespmem:s10+$0xAE00];
	v21 =	vsel vm15, v21, v11;
	v23 =	vshll.u32 v23, $0x6;
	v26 =	vshra.s32 v26, $0x5  }
0x3bd: {  	v16 =	vshll.u32 v21, $0xC;
	v25 =	vadd.s32 v24, v51;
	v17 =	vadd.s32 v17, v23  }
0x3be: {  	v29 =	vadd.s32 v0, v16;
	v25 =	vshra.s32 v25, $0x5;
	v21 =	vadd.s32 v19, v17  }
0x3bf: {  	v18 =	vadd.s32 v18, v29;
	v16 =	vadd.s32 v24, v17;
	v21 =	vshra.s32 v21, $0x5  }
0x3c0: {  	v22 =	vsub.f32 v15, v22;
	v52 =	vadd.s32 v19, v18;
	v30 =	vshra.s32 v16, $0x5  }
0x3c1: {  	v53 =	vsub.f32 $1.000000000e+00, v14;
	v16 =	vsub.f32 v27, v7;
	v27 =	vshra.s32 v52, $0x5;
	v26 =	vld.idx.msk [tilespmem:v26+s18+$0x0], $0xffff  }
0x3c2: {  	v31 =	vsub.f32 $1.000000000e+00, v20;
	v32 =	vsub.f32 $1.000000000e+00, v22;
	v18 =	vadd.s32 v24, v18  }
0x3c3: {  	v54 =	vand.u32 $0x1F, v19;
	v34 =	vand.u32 $0x1F, v24;
	v18 =	vshra.s32 v18, $0x5;
	v25 =	vld.idx.msk [tilespmem:v25+s18+$0x0], $0xffff  }
0x3c4: {  	v23 =	vadd.s32 v23, v29;
	v33 =	vmul.f32 v32, v31;
	v17 =	vmul.f32 v22, v20;
	v21 =	vld.idx.msk [tilespmem:v21+s18+$0x0], $0xffff  }
0x3c5: {  	v19 =	vadd.s32 v19, v23;
	v20 =	vmul.f32 v32, v20;
	v23 =	vadd.s32 v24, v23;
	v30 =	vld.idx.msk [tilespmem:v30+s18+$0x0], $0xffff  }
0x3c6: {  	v22 =	vmul.f32 v22, v31;
	v19 =	vshra.s32 v19, $0x5;
	v56 =	vld.idx.msk [tilespmem:v27+s18+$0x0], $0xffff;
	v26 =	vshrl.u32 v26, v54  }
0x3c7: {  	v55 =	vmul.f32 v53, v33;
	v23 =	vshra.s32 v23, $0x5;
	v26 =	vand.u32 $0x1, v26  }
0x3c8: {  	v57 =	vmul.f32 v33, v14;
	v18 =	vld.idx.msk [tilespmem:v18+s18+$0x0], $0xffff;
	v25 =	vshrl.u32 v25, v34;
	v26 =	vcvt.s32.f32 v26  }
0x3c9: {  	v31 =	vmul.f32 v53, v22;
	v22 =	vmul.f32 v14, v22;
	v25 =	vand.u32 $0x1, v25  }
0x3ca: {  	v21 =	vshrl.u32 v21, v54;
	v25 =	vcvt.s32.f32 v25;
	v26 =	vmul.f32 v26, v55  }
0x3cb: {  	v30 =	vshrl.u32 v30, v34;
	v24 =	vshrl.u32 v56, v54;
	v21 =	vand.u32 $0x1, v21  }
0x3cc: {  	v28 =	vld [tilespmem:s10+$0xA600];
	v21 =	vcvt.s32.f32 v21;
	v25 =	vmul.f32 v25, v57;
	v26 =	vadd.f32 $0.0e+00, v26  }
0x3cd: {  	v19 =	vld.idx.msk [tilespmem:v19+s18+$0x0], $0xffff;
	v18 =	vshrl.u32 v18, v34;
	v58 =	vand.u32 $0x1, v30;
	v24 =	vand.u32 $0x1, v24  }
0x3ce: {  	v23 =	vld.idx.msk [tilespmem:v23+s18+$0x0], $0xffff;
	v59 =	vcvt.s32.f32 v58;
	v21 =	vmul.f32 v21, v31;
	v25 =	vadd.f32 v25, v26  }
0x3cf: {  	v60 =	vmul.f32 v53, v20;
	v18 =	vand.u32 $0x1, v18;
	v24 =	vcvt.s32.f32 v24  }
0x3d0: {  	v62 =	vcvt.s32.f32 v18;
	v18 =	vld [tilespmem:s10+$0x9E00];
	v22 =	vmul.f32 v59, v22;
	v21 =	vadd.f32 v25, v21  }
0x3d1: {  	v15 =	vsub.f32 v28, v6;
	v61 =	vmul.f32 v20, v14  }
0x3d2: {  	v19 =	vshrl.u32 v19, v54;
	v20 =	vadd.f32 v21, v22;
	v22 =	vmul.f32 v24, v60  }
0x3d3: {  	v63 =	vand.u32 $0x1, v19;
	v19 =	vmul.f32 v53, v17;
	v21 =	vshrl.u32 v23, v34  }
0x3d4: {  	s4 =	simm.s32 $0x80;
	v23 =	vcvt.s32.f32 v63;
	v20 =	vadd.f32 v20, v22;
	v22 =	vmul.f32 v62, v61  }
.LBB2_11:
0x3d5: {  	p0 =	sne.s32 s4, $0x1FC0;
	v18 =	vsub.f32 v18, v5;
	v21 =	vand.u32 $0x1, v21;
	v14 =	vmul.f32 v14, v17  }
0x3d6: {  	v17 =	vadd.f32 v20, v22;
	v19 =	vmul.f32 v23, v19;
	v20 =	vcvt.s32.f32 v21  }
0x3d7: {  	v15 =	vmul.f32 v15, v9;
	v16 =	vmul.f32 v16, v10  }
0x3d8: {  	v18 =	vmul.f32 v18, v8;
	v17 =	vadd.f32 v17, v19;
	v14 =	vmul.f32 v20, v14  }
0x3d9: {  	v19 =	vtrunc.f32 v15;
	v20 =	vtrunc.f32 v16  }
0x3da: {  	v21 =	vtrunc.f32 v18;
	v22 =	vcvt.f32.s32 v20;
	v14 =	vadd.f32 v17, v14  }
0x3db: {  	vm0 =	vlt.f32 v15, v19;
	vm1 =	vlt.f32 v16, v20;
	v17 =	vcvt.f32.s32 v19  }
0x3dc: {  	v19 =	vcvt.f32.s32 v21;
	vm2 =	vlt.f32 v18, v21;
	vm3 =	vgt.f32 v14, $5.000000000e-01  }
0x3dd: {  	v20 =	vsel vm1, $0xFFFFFFFF, v4;
	v14 =	vsel vm2, $0xFFFFFFFF, v4;
	v21 =	vsel vm3, $0x1, v4  }
0x3de: {  	v20 =	vadd.s32 v22, v20;
	v14 =	vadd.s32 v19, v14;
	v19 =	vsel vm0, $0xFFFFFFFF, v4;
	[tilespmem:s6+$0xB600] =	vst v21;
	s6 =	smov.u32 s10  }
0x3df: {  	v17 =	vadd.s32 v17, v19;
	v19 =	vcvt.s32.f32 v14;
	v21 =	vcvt.s32.f32 v20  }
0x3e0: {  	v23 =	vadd.s32 $0x1, v14;
	v22 =	vcvt.s32.f32 v17;
	v24 =	vadd.s32 $0x1, v17  }
0x3e1: {  	vm1 =	vgt.s32 v20, $0x0;
	v25 =	vadd.s32 $0x1, v20;
	vm0 =	vgt.s32 v17, $0x0  }
0x3e2: {  	vm2 =	vgt.s32 v14, $0x0;
	vm3 =	vgt.s32 v23, $0x0;
	vm4 =	vgt.s32 v24, $0x0  }
0x3e3: {  	v20 =	vnsel vm1, $0x0, v20;
	vm1 =	vgt.s32 v25, $0x0;
	v26 =	vnsel vm2, $0x0, v14  }
0x3e4: {  	v14 =	vsub.f32 v16, v21;
	vm2 =	vlt.s32 v26, v11;
	v16 =	vnsel vm0, $0x0, v17  }
0x3e5: {  	v21 =	vnsel vm3, $0x0, v23;
	v17 =	vsel vm2, v26, v11;
	vm0 =	vlt.s32 v16, v12  }
0x3e6: {  	v23 =	vnsel vm4, $0x0, v24;
	v16 =	vsel vm0, v16, v12;
	v17 =	vshll.u32 v17, $0xC  }
0x3e7: {  	vm0 =	vlt.s32 v20, v13;
	v17 =	vadd.s32 v0, v17;
	v16 =	vshll.u32 v16, $0x6  }
0x3e8: {  	v24 =	vnsel vm1, $0x0, v25;
	v20 =	vsel vm0, v20, v13;
	v25 =	vadd.s32 v16, v17  }
0x3e9: {  	s10 =	sshra.s32 s4, $0x2;
	vm1 =	vlt.s32 v24, v13;
	vm0 =	vlt.s32 v23, v12;
	v26 =	vadd.s32 v20, v25  }
0x3ea: {  	v24 =	vsel vm1, v24, v13;
	v23 =	vsel vm0, v23, v12;
	v26 =	vshra.s32 v26, $0x5;
	v27 =	vld [tilespmem:s10+$0xAE00]  }
0x3eb: {  	vm0 =	vlt.s32 v21, v11;
	v23 =	vshll.u32 v23, $0x6;
	v25 =	vadd.s32 v24, v25;
	v28 =	vld [tilespmem:s10+$0xA600]  }
0x3ec: {  	v21 =	vsel vm0, v21, v11;
	v17 =	vadd.s32 v17, v23;
	v25 =	vshra.s32 v25, $0x5  }
0x3ed: {  	v18 =	vsub.f32 v18, v19;
	v19 =	vshll.u32 v21, $0xC;
	v21 =	vadd.s32 v20, v17  }
0x3ee: {  	v19 =	vadd.s32 v0, v19;
	v17 =	vadd.s32 v24, v17;
	v21 =	vshra.s32 v21, $0x5  }
0x3ef: {  	v22 =	vsub.f32 v15, v22;
	v29 =	vadd.s32 v16, v19;
	v30 =	vshra.s32 v17, $0x5;
	v26 =	vld.idx.msk [tilespmem:v26+s18+$0x0], $0xffff  }
0x3f0: {  	v16 =	vsub.f32 v27, v7;
	v27 =	vadd.s32 v20, v29;
	v15 =	vsub.f32 v28, v6  }
0x3f1: {  	v17 =	vmul.f32 v22, v18;
	v28 =	vsub.f32 $1.000000000e+00, v14;
	v27 =	vshra.s32 v27, $0x5;
	v25 =	vld.idx.msk [tilespmem:v25+s18+$0x0], $0xffff  }
0x3f2: {  	v31 =	vsub.f32 $1.000000000e+00, v18;
	v32 =	vsub.f32 $1.000000000e+00, v22;
	v29 =	vadd.s32 v24, v29  }
0x3f3: {  	v19 =	vadd.s32 v23, v19;
	v23 =	vand.u32 $0x1F, v20;
	v29 =	vshra.s32 v29, $0x5;
	v21 =	vld.idx.msk [tilespmem:v21+s18+$0x0], $0xffff  }
0x3f4: {  	v34 =	vand.u32 $0x1F, v24;
	v33 =	vmul.f32 v32, v31;
	v20 =	vadd.s32 v20, v19;
	v30 =	vld.idx.msk [tilespmem:v30+s18+$0x0], $0xffff  }
0x3f5: {  	v32 =	vmul.f32 v32, v18;
	v20 =	vshra.s32 v20, $0x5;
	v18 =	vshrl.u32 v26, v23  }
0x3f6: {  	v19 =	vadd.s32 v24, v19;
	v26 =	vmul.f32 v28, v33;
	v18 =	vand.u32 $0x1, v18;
	v27 =	vld.idx.msk [tilespmem:v27+s18+$0x0], $0xffff  }
0x3f7: {  	v19 =	vshra.s32 v19, $0x5;
	v18 =	vcvt.s32.f32 v18;
	v24 =	vshrl.u32 v25, v34  }
0x3f8: {  	v22 =	vmul.f32 v22, v31;
	v25 =	vmul.f32 v33, v14;
	v24 =	vand.u32 $0x1, v24;
	v29 =	vld.idx.msk [tilespmem:v29+s18+$0x0], $0xffff  }
0x3f9: {  	v18 =	vmul.f32 v18, v26;
	v24 =	vcvt.s32.f32 v24;
	v21 =	vshrl.u32 v21, v23  }
0x3fa: {  	v26 =	vmul.f32 v28, v22;
	v21 =	vand.u32 $0x1, v21;
	v30 =	vshrl.u32 v30, v34;
	v20 =	vld.idx.msk [tilespmem:v20+s18+$0x0], $0xffff  }
0x3fb: {  	v18 =	vadd.f32 $0.0e+00, v18;
	v24 =	vmul.f32 v24, v25;
	v21 =	vcvt.s32.f32 v21  }
0x3fc: {  	v22 =	vmul.f32 v14, v22;
	v25 =	vand.u32 $0x1, v30;
	v27 =	vshrl.u32 v27, v23;
	v30 =	vld.idx.msk [tilespmem:v19+s18+$0x0], $0xffff  }
0x3fd: {  	v19 =	vadd.f32 v24, v18;
	v21 =	vmul.f32 v21, v26;
	v24 =	vcvt.s32.f32 v25  }
0x3fe: {  	v25 =	vand.u32 $0x1, v27;
	v26 =	vmul.f32 v28, v32;
	v27 =	vshrl.u32 v29, v34  }
.Ltmp4:
0x3ff: {  	v19 =	vadd.f32 v19, v21;
	v21 =	vmul.f32 v24, v22;
	v22 =	vcvt.s32.f32 v25;
	v18 =	vld [tilespmem:s10+$0x9E00];
	(pc) =	sbr.rel @p0 .LBB2_11-.Ltmp4, $4  }
0x400: {  	v24 =	vand.u32 $0x1, v27;
	v25 =	vmul.f32 v32, v14;
	v20 =	vshrl.u32 v20, v23  }
0x401: {  	v24 =	vcvt.s32.f32 v24;
	v23 =	vadd.f32 v19, v21;
	v22 =	vmul.f32 v22, v26  }
0x402: {  	v26 =	vand.u32 $0x1, v20;
	v19 =	vmul.f32 v28, v17;
	v21 =	vshrl.u32 v30, v34  }
0x403: {  	s4 =	sadd.s32 $0x40, s4;
	v20 =	vadd.f32 v23, v22;
	v22 =	vmul.f32 v24, v25;
	v23 =	vcvt.s32.f32 v26  }
0x404: {  	v14 =	vmul.f32 v14, v17;
	v33 =	vsub.f32 v18, v5;
	v15 =	vmul.f32 v15, v9  }
0x405: {  	v21 =	vand.u32 $0x1, v21;
	v16 =	vmul.f32 v16, v10;
	v34 =	vmul.f32 v23, v19  }
0x406: {  	v35 =	vcvt.s32.f32 v21;
	v20 =	vadd.f32 v20, v22;
	v17 =	vmul.f32 v33, v8  }
0x407: {  	v36 =	vtrunc.f32 v15;
	v37 =	vtrunc.f32 v16  }
0x408: {  	v14 =	vmul.f32 v35, v14;
	v18 =	vadd.f32 v20, v34;
	v39 =	vcvt.f32.s32 v37  }
0x409: {  	v40 =	vcvt.f32.s32 v36;
	vm0 =	vlt.f32 v15, v36;
	vm1 =	vlt.f32 v16, v37  }
0x40a: {  	v38 =	vtrunc.f32 v17;
	v20 =	vsel vm1, $0xFFFFFFFF, v4;
	v43 =	vsel vm0, $0xFFFFFFFF, v4  }
0x40b: {  	v14 =	vadd.f32 v18, v14;
	v41 =	vcvt.f32.s32 v38;
	v20 =	vadd.s32 v39, v20  }
0x40c: {  	vm2 =	vlt.f32 v17, v38;
	v18 =	vadd.s32 v40, v43;
	v22 =	vcvt.s32.f32 v20  }
0x40d: {  	v45 =	vcvt.s32.f32 v18;
	v25 =	vadd.s32 $0x1, v18;
	vm15 =	vgt.s32 v18, $0x0  }
0x40e: {  	vm8 =	vgt.s32 v20, $0x0;
	v26 =	vadd.s32 $0x1, v20;
	vm3 =	vgt.f32 v14, $5.000000000e-01  }
0x40f: {  	v14 =	vsel vm2, $0xFFFFFFFF, v4;
	vm4 =	vgt.s32 v25, $0x0;
	v20 =	vnsel vm8, $0x0, v20  }
0x410: {  	vm11 =	vgt.s32 v26, $0x0;
	v18 =	vnsel vm15, $0x0, v18;
	v14 =	vadd.s32 v41, v14  }
0x411: {  	v42 =	vsel vm3, $0x1, v4;
	v16 =	vsub.f32 v16, v22;
	vm9 =	vgt.s32 v14, $0x0  }
0x412: {  	v44 =	vcvt.s32.f32 v14;
	v24 =	vadd.s32 $0x1, v14;
	v14 =	vnsel vm9, $0x0, v14  }
0x413: {  	vm0 =	vlt.s32 v18, v12;
	v47 =	vnsel vm4, $0x0, v25;
	vm2 =	vlt.s32 v14, v11  }
0x414: {  	vm12 =	vlt.s32 v20, v13;
	v48 =	vnsel vm11, $0x0, v26;
	v14 =	vsel vm2, v14, v11  }
0x415: {  	v15 =	vsub.f32 v15, v45;
	v18 =	vsel vm0, v18, v12;
	v14 =	vshll.u32 v14, $0xC  }
0x416: {  	v20 =	vsel vm12, v20, v13;
	v18 =	vshll.u32 v18, $0x6;
	v14 =	vadd.s32 v0, v14  }
0x417: {  	vm13 =	vlt.s32 v47, v12;
	vm1 =	vlt.s32 v48, v13;
	v49 =	vadd.s32 v18, v14  }
0x418: {  	vm10 =	vgt.s32 v24, $0x0;
	v25 =	vsel vm1, v48, v13;
	v27 =	vadd.s32 v20, v49  }
0x419: {  	v46 =	vnsel vm10, $0x0, v24;
	v24 =	vsel vm13, v47, v12;
	v27 =	vshra.s32 v27, $0x5  }
0x41a: {  	vm14 =	vlt.s32 v46, v11;
	v24 =	vshll.u32 v24, $0x6;
	v26 =	vadd.s32 v25, v49  }
0x41b: {  	v22 =	vsel vm14, v46, v11;
	v14 =	vadd.s32 v14, v24;
	v26 =	vshra.s32 v26, $0x5  }
0x41c: {  	v53 =	vsub.f32 $1.000000000e+00, v16;
	v22 =	vshll.u32 v22, $0xC;
	v28 =	vadd.s32 v20, v14  }
0x41d: {  	[tilespmem:s6+$0xB600] =	vst v42;
	v50 =	vadd.s32 v0, v22;
	v14 =	vadd.s32 v25, v14;
	v51 =	vshra.s32 v28, $0x5  }
0x41e: {  	v17 =	vsub.f32 v17, v44;
	v18 =	vadd.s32 v18, v50;
	v14 =	vshra.s32 v14, $0x5;
	v21 =	vld.idx.msk [tilespmem:v27+s18+$0x0], $0xffff  }
0x41f: {  	v30 =	vsub.f32 $1.000000000e+00, v15;
	v55 =	vand.u32 $0x1F, v20;
	v52 =	vadd.s32 v20, v18  }
0x420: {  	v32 =	vand.u32 $0x1F, v25;
	v29 =	vsub.f32 $1.000000000e+00, v17;
	v23 =	vshra.s32 v52, $0x5;
	v26 =	vld.idx.msk [tilespmem:v26+s18+$0x0], $0xffff  }
0x421: {  	v54 =	vmul.f32 v15, v17;
	v17 =	vmul.f32 v30, v17;
	v18 =	vadd.s32 v25, v18  }
0x422: {  	v31 =	vmul.f32 v30, v29;
	v19 =	vadd.s32 v24, v50;
	v18 =	vshra.s32 v18, $0x5;
	v22 =	vld.idx.msk [tilespmem:v51+s18+$0x0], $0xffff  }
0x423: {  	v15 =	vmul.f32 v15, v29;
	v20 =	vadd.s32 v20, v19;
	v14 =	vld.idx.msk [tilespmem:v14+s18+$0x0], $0xffff;
	v21 =	vshrl.u32 v21, v55  }
0x424: {  	v56 =	vmul.f32 v53, v31;
	v20 =	vshra.s32 v20, $0x5;
	v21 =	vand.u32 $0x1, v21  }
0x425: {  	v19 =	vadd.s32 v25, v19;
	v23 =	vld.idx.msk [tilespmem:v23+s18+$0x0], $0xffff;
	v57 =	vshrl.u32 v26, v32;
	v21 =	vcvt.s32.f32 v21  }
0x426: {  	v58 =	vmul.f32 v31, v16;
	v19 =	vshra.s32 v19, $0x5;
	v25 =	vand.u32 $0x1, v57  }
0x427: {  	v18 =	vld.idx.msk [tilespmem:v18+s18+$0x0], $0xffff;
	v22 =	vshrl.u32 v22, v55;
	v25 =	vcvt.s32.f32 v25;
	v21 =	vmul.f32 v21, v56  }
0x428: {  	v29 =	vmul.f32 v53, v15;
	v14 =	vshrl.u32 v14, v32;
	v22 =	vand.u32 $0x1, v22  }
0x429: {  	v20 =	vld.idx.msk [tilespmem:v20+s18+$0x0], $0xffff;
	v22 =	vcvt.s32.f32 v22;
	v25 =	vmul.f32 v25, v58;
	v21 =	vadd.f32 $0.0e+00, v21  }
0x42a: {  	v15 =	vmul.f32 v16, v15;
	v14 =	vand.u32 $0x1, v14;
	v23 =	vshrl.u32 v23, v55  }
0x42b: {  	v19 =	vld.idx.msk [tilespmem:v19+s18+$0x0], $0xffff;
	v14 =	vcvt.s32.f32 v14;
	v22 =	vmul.f32 v22, v29;
	v21 =	vadd.f32 v25, v21  }
0x42c: {  	v59 =	vmul.f32 v53, v17;
	v18 =	vshrl.u32 v18, v32;
	v23 =	vand.u32 $0x1, v23  }
0x42d: {  	v14 =	vmul.f32 v14, v15;
	v15 =	vcvt.s32.f32 v23;
	v21 =	vadd.f32 v21, v22  }
0x42e: {  	v17 =	vmul.f32 v17, v16;
	v20 =	vshrl.u32 v20, v55;
	v18 =	vand.u32 $0x1, v18  }
0x42f: {  	v18 =	vcvt.s32.f32 v18;
	v15 =	vmul.f32 v15, v59;
	v14 =	vadd.f32 v21, v14  }
0x430: {  	v60 =	vmul.f32 v53, v54;
	v19 =	vshrl.u32 v19, v32;
	v20 =	vand.u32 $0x1, v20  }
0x431: {  	v61 =	vcvt.s32.f32 v20;
	v14 =	vadd.f32 v14, v15;
	v15 =	vmul.f32 v18, v17  }
0x432: {  	v16 =	vmul.f32 v16, v54;
	v62 =	vand.u32 $0x1, v19  }
0x433: {  	v63 =	vcvt.s32.f32 v62;
	v14 =	vadd.f32 v14, v15;
	v15 =	vmul.f32 v61, v60;
	_ =	sdelay $0x1  }
0x434: {  	v14 =	vadd.f32 v14, v15;
	v15 =	vmul.f32 v63, v16;
	_ =	sdelay $0x1  }
0x435: {  	v14 =	vadd.f32 v14, v15;
	_ =	sdelay $0x1  }
0x436: {  	s2 =	sadd.s32 s21, s2;
	s8 =	sadd.s32 $0x1, s8;
	vm15 =	vgt.f32 v14, $5.000000000e-01  }
0x437: {  	s2 =	sshrl.u32 s2, $0x3;
	p0 =	sne.s32 s8, $0x10;
	v14 =	vsel vm15, $0x1, v4  }
.Ltmp5:
0x438: {  	s2 =	sadd.s32 s3, s2;
	[tilespmem:s10+$0xB600] =	vst v14;
	(pc) =	sbr.rel @p0 .LBB2_10-.Ltmp5, $4  }
0x439: {  	[hbm4b:s2+s7] =	stream.linear.scatter [tilespmem:s30], [sflag:$0x1], $0x800, $0x38;
	[tilespmem:$0x14208] =	vst v63  }
0x43a: {  	_ =	swait.ge [sflag:s12], $0x800  }
0x43b: {  	[sflag:s12] =	ssyncset.done $0x0  }
0x43c: {  	[sflag:s12] =	ssyncadd.s32 $0xFFFFF800  }
0x43d: {  	s31 =	sadd.s32 $0x1, s31;
	s1 =	rddreg [dreg:$0x10]  }
0x43e: {  	p0 =	sne.s32 s31, s1  }
.Ltmp6:
0x43f: {  	_ = 	snop;
	(pc) =	sbr.rel @p0 .LBB2_1-.Ltmp6, $2  }
0x440: {  	_ =	sdelay $0x2  }
0x441: {  	s4 =	simm.s32 $0x1880;
	s6 =	simm.s32 $0x3100  }
0x442: {  	_ =	sfence.sel $0x180000  }
0x443: {  	[bflag:$0x0] =	sbarrier.arrive $0xFFFF  }
0x444: {  	_ =	strace $0x90000047  }
0x445: {  	s0 =	stileid.u32;
	[bflag:$0x2] =	sbarrier.arrive $0xFFFF  }
0x446: {  	p0 =	sne.s32 s0, $0x0;
	s0 =	rddreg [dreg:$0x6]  }
0x447: {  	s0 =	sadd.s32 @!p0 $0x100000, s0  }
0x448: {  	[sflag:s0] =	ssyncadd.tile.s32 @!p0 $0x1;
	_ =	shalt  }
.Lfunc_end2:
_tile_overlayer_lowered:
.L_overlay_start_2:
0x449: {  	(tag) =	ssettag $0x2  }
0x44a: {  	s0 =	rddreg [dreg:$0x0];
	s2 =	stileid.u32  }
0x44b: {  	s1 =	rddreg [dreg:$0x1];
	p0 =	sne.s32 s2, $0x0  }
0x44c: {  	s3 =	rddreg [dreg:$0x2];
	[bflag:$0x3] =	sbarrier.arrive $0xFFFF;
	s2 =	simm.s32 @!p0 $0x1C01  }
0x44d: {  	[timem:s3], [sflag:s2] =	dma.local @!p0 [hbm:s0], s1  }
0x44e: {  	s0 =	simm.s32 @!p0 $0x1  }
0x44f: {  	_ =	swait.ge @!p0 [sflag:s0], s1  }
0x450: {  	s1 =	ssub.s32 @!p0 $0x0, s1;
	[sflag:s0] =	ssyncset.done @!p0 $0x0  }
0x451: {  	[sflag:s0] =	ssyncadd.s32 @!p0 s1  }
0x452: {  	[bflag:$0x3] =	sbarrier.arrive $0xFFFF  }
0x453: {  	_ =	shalt  }

</sc_bundles>
